<compile_context>
chip_gen: v7x
topology: tpu7x:2x2x1
jax: 0.10.2.dev20260603
libtpu: 0.0.44.dev20260713+nightly
codegen_flags: <defaults>
</compile_context>

<pallas_src>
import functools

import jax
import jax.numpy as jnp
import numpy as np
from jax import lax
from jax.experimental import pallas as pl
from jax.experimental.pallas import tpu as pltpu
from jax.experimental.pallas import tpu_sc as plsc

N = 10000
D = 128
NC, NS = 2, 16
NW = NC * NS
N_ACC = 10016
ROWS_Z = N_ACC // NS
ROWS_O = 624
DUMMY = N
NBUF = 4
GOFF = 2
SOFF = 3

CH = 88
P1 = (132, 96)
P2 = (56, 16)


def _make_seg(npt0, npt1, ch, nt, swap=False):
    mesh = plsc.VectorSubcoreMesh(
        core_axis_name="c", subcore_axis_name="s", num_cores=NC, num_subcores=NS
    )

    @functools.partial(
        pl.kernel,
        out_type=jax.ShapeDtypeStruct((NC, N, D), jnp.float32),
        mesh=mesh,
        scratch_types=[
            pltpu.VMEM_SHARED((N_ACC, D), jnp.float32)
        ]
        + [pltpu.VMEM((ch, D), jnp.float32)] * NBUF
        + [pltpu.VMEM((ch,), jnp.int32)] * NBUF
        + [pltpu.VMEM((ch,), jnp.int32)] * NBUF
        + [pltpu.SemaphoreType.DMA] * (3 * NBUF),
    )
    def seg(table, edges, out, acc, *bufs):
        rb = bufs[0 * NBUF:1 * NBUF]
        gib = bufs[1 * NBUF:2 * NBUF]
        sib = bufs[2 * NBUF:3 * NBUF]
        isem = bufs[3 * NBUF:4 * NBUF]
        gsem = bufs[4 * NBUF:5 * NBUF]
        ssem = bufs[5 * NBUF:6 * NBUF]
        c = lax.axis_index("c")
        s = lax.axis_index("s")

        def scatter_issue(b):
            pltpu.make_async_copy(table.at[gib[b]], rb[b], gsem[b]).wait()
            pltpu.async_copy(rb[b], acc.at[sib[b]], ssem[b], add=True)

        def scatter_drain(b):
            pltpu.make_async_copy(rb[b], acc.at[sib[b]], ssem[b]).wait()

        z = jnp.zeros((16,), jnp.float32)

        def zb(i, carry):
            for j in range(D // 16):
                rb[0][i, pl.ds(j * 16, 16)] = z
            return carry

        lax.fori_loop(0, ch, zb, 0)
        zbase = s * ROWS_Z
        rem = ROWS_Z % ch

        def zero_descs():
            for k in range(ROWS_Z // ch):
                yield rb[0], acc.at[pl.ds(zbase + k * ch, ch)]
            if rem:
                yield rb[0].at[pl.ds(0, rem)], acc.at[
                    pl.ds(zbase + (ROWS_Z // ch) * ch, rem)
                ]

        for src, dst in zero_descs():
            pltpu.async_copy(src, dst, isem[0])
        for src, dst in zero_descs():
            pltpu.make_async_copy(src, dst, isem[0]).wait()
        plsc.subcore_barrier()

        cap = NS * (npt0 + npt1) * ch
        gbase, sbase = (cap, 0) if swap else (0, cap)
        npt = jnp.where(c == 0, npt0, npt1)
        base = jnp.where(c == 0, s * npt0, NS * npt0 + s * npt1)

        def idx_issue(t, b):
            off = (base + t) * ch
            pltpu.async_copy(edges.at[pl.ds(gbase + off, ch)], gib[b], isem[b])
            pltpu.async_copy(edges.at[pl.ds(sbase + off, ch)], sib[b], isem[b])

        def gather_issue(t, b):
            off = (base + t) * ch
            pltpu.make_async_copy(edges.at[pl.ds(gbase + off, ch)], gib[b], isem[b]).wait()
            pltpu.make_async_copy(edges.at[pl.ds(sbase + off, ch)], sib[b], isem[b]).wait()
            pltpu.async_copy(table.at[gib[b]], rb[b], gsem[b])

        def body(j, carry):
            for b in range(NBUF):
                i = j * NBUF + b

                @pl.when(j > 0)
                def _free():
                    scatter_drain(b)

                idx_issue(i, b)

                @pl.when(i >= GOFF)
                def _g():
                    gather_issue(i - GOFF, (b - GOFF) % NBUF)

                @pl.when(i >= SOFF)
                def _s():
                    scatter_issue((b - SOFF) % NBUF)

            return carry

        lax.fori_loop(0, npt // NBUF, body, 0)
        for k in range(GOFF):
            gather_issue(npt - GOFF + k, (NBUF - GOFF + k) % NBUF)
        for k in range(SOFF):
            scatter_drain((NBUF - SOFF + k - 1) % NBUF)
            scatter_issue((NBUF - SOFF + k) % NBUF)
        scatter_drain(NBUF - 1)

        plsc.subcore_barrier()

        obase = s * ROWS_O
        pltpu.sync_copy(acc.at[pl.ds(obase, ROWS_O)], out.at[c, pl.ds(obase, ROWS_O)])

        @pl.when(s == NS - 1)
        def _tail():
            tb = NS * ROWS_O
            pltpu.sync_copy(acc.at[pl.ds(tb, N - tb)], out.at[c, pl.ds(tb, N - tb)])

    return seg


N_T = N + NS
_seg_neighbor = _make_seg(P1[0], P1[1], CH, N)
_seg_sub_f = _make_seg(P2[0], P2[1], CH, N_T)
_seg_sub_r = _make_seg(P2[0], P2[1], CH, N_T, swap=True)


BM = 2000
BMT = 2504


def _mm_a_body(x_ref, p_ref, wr_ref, wn_ref, b_ref, o_ref):
    agg = p_ref[0] + p_ref[1]
    o_ref[...] = (
        jnp.dot(x_ref[...], wr_ref[...], preferred_element_type=jnp.float32)
        + jnp.dot(agg, wn_ref[...], preferred_element_type=jnp.float32)
        + b_ref[...]
    )


def _mm_b_body(p_ref, w1_ref, b1_ref, w2_ref, o_ref):
    t = (
        jnp.dot(p_ref[0] + p_ref[1], w1_ref[...], preferred_element_type=jnp.float32)
        + b1_ref[...]
    )
    o_ref[...] = jnp.dot(t, w2_ref[...], preferred_element_type=jnp.float32)


def _mm_c_body(h_ref, q_ref, b2_ref, o_ref):
    o_ref[...] = h_ref[...] + q_ref[0] + q_ref[1] + b2_ref[...]


_ROW = pl.BlockSpec((BM, D), lambda i: (i, 0))
_PART = pl.BlockSpec((NC, BM, D), lambda i: (0, i, 0))
_ROWT = pl.BlockSpec((BMT, D), lambda i: (i, 0))
_PARTT = pl.BlockSpec((NC, BMT, D), lambda i: (0, i, 0))
_WMAT = pl.BlockSpec((D, D), lambda i: (0, 0))
_BVEC = pl.BlockSpec((1, D), lambda i: (0, 0))
_OUTF = jax.ShapeDtypeStruct((N, D), jnp.float32)
_OUTT = jax.ShapeDtypeStruct((N_T, D), jnp.float32)


def _mm_a(x, p, wr, wn, b):
    return pl.pallas_call(
        _mm_a_body,
        grid=(N_T // BMT,),
        in_specs=[_ROWT, _PARTT, _WMAT, _WMAT, _BVEC],
        out_specs=_ROWT,
        out_shape=_OUTT,
    )(x, p, wr, wn, b)


def _mm_b(p, w1, b1, w2):
    return pl.pallas_call(
        _mm_b_body,
        grid=(N_T // BMT,),
        in_specs=[_PARTT, _WMAT, _BVEC, _WMAT],
        out_specs=_ROWT,
        out_shape=_OUTT,
    )(p, w1, b1, w2)


def _mm_c(h, q, b2):
    return pl.pallas_call(
        _mm_c_body,
        grid=(N // BM,),
        in_specs=[_ROW, _PART, _BVEC],
        out_specs=_ROW,
        out_shape=_OUTF,
    )(h, q, b2)


def _pad_const(npts, n_edges, both_dummy):
    pad = NS * (npts[0] + npts[1]) * CH - n_edges
    dummies = (DUMMY + np.arange(pad, dtype=np.int32) % NS).astype(np.int32)
    g = dummies if both_dummy else np.zeros((pad,), np.int32)
    return np.stack([g, dummies])


_PADN = _pad_const(P1, 320000, False)
_PADS = _pad_const(P2, 100000, True)


def kernel(x, neighbor_edge_index, substructures_edge_index, W_root, W_nb, b_mn, W_n2s, b_n2s, W_s2n, b_s2n):
    sei = substructures_edge_index[0]
    e1 = jnp.concatenate([neighbor_edge_index, _PADN], axis=1).reshape(-1)
    e2 = jnp.concatenate([sei, _PADS], axis=1).reshape(-1)

    b_mn2 = b_mn.reshape(1, D)
    b_n2s2 = b_n2s.reshape(1, D)
    b_s2n2 = b_s2n.reshape(1, D)
    agg = _seg_neighbor(x, e1)
    h = _mm_a(x, agg, W_root, W_nb, b_mn2)
    sub = _seg_sub_f(h, e2)
    t2 = _mm_b(sub, W_n2s, b_n2s2, W_s2n)
    q = _seg_sub_r(t2, e2)
    return _mm_c(h, q, b_s2n2)

# --- scband reference (transcript-rebuilt; emitter-appended) ---
"""Pipeline reference for scband-substructure-layer-44744969290501 (READ-ONLY COPY).

The authoritative reference and input builder live on the scoring server;
editing this copy changes nothing except your own understanding.
"""

import jax, jax.numpy as jnp
import numpy as np

N_NODES = 10000
N_SUB = 10000
D = 128
N_EDGES = 320000
N_SUB_EDGES = 100000


def setup_inputs(seed: int = 0) -> dict:
    key = jax.random.key(seed)
    ks = jax.random.split(key, 10)
    x = jax.random.normal(ks[0], (N_NODES, D), dtype=jnp.float32)
    neighbor_edge_index = jax.random.randint(ks[1], (2, N_EDGES), 0, N_NODES, dtype=jnp.int32)
    substructures_edge_index = jax.random.randint(ks[2], (1, 2, N_SUB_EDGES), 0, N_SUB, dtype=jnp.int32)
    s = 1.0 / np.sqrt(D)
    W_root = jax.random.normal(ks[3], (D, D), dtype=jnp.float32) * s
    W_nb = jax.random.normal(ks[4], (D, D), dtype=jnp.float32) * s
    b_mn = jnp.zeros((D,), dtype=jnp.float32)
    W_n2s = jax.random.normal(ks[5], (D, D), dtype=jnp.float32) * s
    b_n2s = jnp.zeros((D,), dtype=jnp.float32)
    W_s2n = jax.random.normal(ks[6], (D, D), dtype=jnp.float32) * s
    b_s2n = jnp.zeros((D,), dtype=jnp.float32)
    return {
        "x": x,
        "neighbor_edge_index": neighbor_edge_index,
        "substructures_edge_index": substructures_edge_index,
        "W_root": W_root,
        "W_nb": W_nb,
        "b_mn": b_mn,
        "W_n2s": W_n2s,
        "b_n2s": b_n2s,
        "W_s2n": W_s2n,
        "b_s2n": b_s2n,
    }


def reference(x, neighbor_edge_index, substructures_edge_index, W_root, W_nb, b_mn, W_n2s, b_n2s, W_s2n, b_s2n):
    # message_neighbor: GraphConv-style layer
    src = neighbor_edge_index[0]
    dst = neighbor_edge_index[1]
    agg = jax.ops.segment_sum(x[src], dst, num_segments=N_NODES)
    h = x @ W_root + agg @ W_nb + b_mn
    # loop over substructure levels (one level here)
    for i in range(substructures_edge_index.shape[0]):
        sei = substructures_edge_index[i]
        row = sei[0]
        col = sei[1]
        # substructure_x = scatter(x[row], col, reduce='sum')
        sub_x = jax.ops.segment_sum(h[row], col, num_segments=N_SUB)
        # node2substructure (Linear)
        sub_x = sub_x @ W_n2s + b_n2s
        # scatter(substructure_x[col], row, dim_size=N, reduce='sum') then substructure2node (Linear)
        msg = jax.ops.segment_sum(sub_x[col], row, num_segments=N_NODES)
        msg = msg @ W_s2n + b_s2n
        h = h + msg
    return h

if __name__ == "__main__":
    import jax
    _d = setup_inputs()
    print(jax.jit(kernel)(*tuple(_d.values())))

</pallas_src>

<mosaic_0001>
#map = affine_map<(d0, d1) -> (0, 0)>
#map1 = affine_map<(d0, d1) -> (0)>
#map2 = affine_map<(d0, d1) -> (0, 0, 0)>
module attributes {stable_mosaic.version = 14 : i64} {
  func.func @seg(%arg0: i32, %arg1: i32, %arg2: memref<10000x128xf32, #tpu.memory_space<hbm>>, %arg3: memref<642048xi32, #tpu.memory_space<hbm>>, %arg4: memref<2x10000x128xf32, #tpu.memory_space<hbm>>, %arg5: memref<10016x128xf32, #tpu.memory_space<vmem_shared>>, %arg6: memref<88x128xf32, #tpu.memory_space<vmem>>, %arg7: memref<88x128xf32, #tpu.memory_space<vmem>>, %arg8: memref<88x128xf32, #tpu.memory_space<vmem>>, %arg9: memref<88x128xf32, #tpu.memory_space<vmem>>, %arg10: memref<88xi32, #tpu.memory_space<vmem>>, %arg11: memref<88xi32, #tpu.memory_space<vmem>>, %arg12: memref<88xi32, #tpu.memory_space<vmem>>, %arg13: memref<88xi32, #tpu.memory_space<vmem>>, %arg14: memref<88xi32, #tpu.memory_space<vmem>>, %arg15: memref<88xi32, #tpu.memory_space<vmem>>, %arg16: memref<88xi32, #tpu.memory_space<vmem>>, %arg17: memref<88xi32, #tpu.memory_space<vmem>>, %arg18: memref<!tpu.dma_semaphore, #tpu.memory_space<semaphore_mem>>, %arg19: memref<!tpu.dma_semaphore, #tpu.memory_space<semaphore_mem>>, %arg20: memref<!tpu.dma_semaphore, #tpu.memory_space<semaphore_mem>>, %arg21: memref<!tpu.dma_semaphore, #tpu.memory_space<semaphore_mem>>, %arg22: memref<!tpu.dma_semaphore, #tpu.memory_space<semaphore_mem>>, %arg23: memref<!tpu.dma_semaphore, #tpu.memory_space<semaphore_mem>>, %arg24: memref<!tpu.dma_semaphore, #tpu.memory_space<semaphore_mem>>, %arg25: memref<!tpu.dma_semaphore, #tpu.memory_space<semaphore_mem>>, %arg26: memref<!tpu.dma_semaphore, #tpu.memory_space<semaphore_mem>>, %arg27: memref<!tpu.dma_semaphore, #tpu.memory_space<semaphore_mem>>, %arg28: memref<!tpu.dma_semaphore, #tpu.memory_space<semaphore_mem>>, %arg29: memref<!tpu.dma_semaphore, #tpu.memory_space<semaphore_mem>>) attributes {dimension_semantics = [#tpu.dimension_semantics<core_parallel>, #tpu.dimension_semantics<subcore_parallel>], iteration_bounds = array<i64: 2, 16>, scalar_prefetch = 0 : i64, scratch_operands = 25 : i64, tpu.core_type = #tpu.core_type<sc_vector_subcore>, window_params = [{transform_indices = #map}, {transform_indices = #map1}, {transform_indices = #map2}]} {
    %broadcast_in_dim3A = arith.constant 0.000000e+00 : f32
    %broadcast_in_dim3A_0 = vector.broadcast %broadcast_in_dim3A : f32 to vector<16xf32>
    %scan3A = arith.constant 0 : i32
    %scan3A_1 = arith.constant 0 : i32
    %scan3A_2 = arith.constant 88 : i32
    %scan3A_3 = arith.addi %scan3A_1, %scan3A_2 : i32
    %scan3A_4 = arith.constant 1 : i32
    scf.for %scan3A_222 = %scan3A_1 to %scan3A_3 step %scan3A_4  : i32 {
      %swap3A = arith.index_cast %scan3A_222 : i32 to index
      %swap3A_223 = arith.constant 0 : index
      %swap3A_224 = tpu.vector_load %arg6[%swap3A, %swap3A_223] {strides = array<i32>} : memref<88x128xf32, #tpu.memory_space<vmem>>, vector<1x16xf32>,
      %swap3A_225 = vector.shape_cast %swap3A_224 : vector<1x16xf32> to vector<16xf32>
      %swap3A_226 = vector.shape_cast %broadcast_in_dim3A_0 : vector<16xf32> to vector<1x16xf32>
      tpu.vector_store %arg6[%swap3A, %swap3A_223], %swap3A_226 {strides = array<i32>} : memref<88x128xf32, #tpu.memory_space<vmem>>, vector<1x16xf32>,
      %swap3A_227 = arith.index_cast %scan3A_222 : i32 to index
      %swap3A_228 = arith.constant 16 : index
      %swap3A_229 = tpu.vector_load %arg6[%swap3A_227, %swap3A_228] {strides = array<i32>} : memref<88x128xf32, #tpu.memory_space<vmem>>, vector<1x16xf32>,
      %swap3A_230 = vector.shape_cast %swap3A_229 : vector<1x16xf32> to vector<16xf32>
      %swap3A_231 = vector.shape_cast %broadcast_in_dim3A_0 : vector<16xf32> to vector<1x16xf32>
      tpu.vector_store %arg6[%swap3A_227, %swap3A_228], %swap3A_231 {strides = array<i32>} : memref<88x128xf32, #tpu.memory_space<vmem>>, vector<1x16xf32>,
      %swap3A_232 = arith.index_cast %scan3A_222 : i32 to index
      %swap3A_233 = arith.constant 32 : index
      %swap3A_234 = tpu.vector_load %arg6[%swap3A_232, %swap3A_233] {strides = array<i32>} : memref<88x128xf32, #tpu.memory_space<vmem>>, vector<1x16xf32>,
      %swap3A_235 = vector.shape_cast %swap3A_234 : vector<1x16xf32> to vector<16xf32>
      %swap3A_236 = vector.shape_cast %broadcast_in_dim3A_0 : vector<16xf32> to vector<1x16xf32>
      tpu.vector_store %arg6[%swap3A_232, %swap3A_233], %swap3A_236 {strides = array<i32>} : memref<88x128xf32, #tpu.memory_space<vmem>>, vector<1x16xf32>,
      %swap3A_237 = arith.index_cast %scan3A_222 : i32 to index
      %swap3A_238 = arith.constant 48 : index
      %swap3A_239 = tpu.vector_load %arg6[%swap3A_237, %swap3A_238] {strides = array<i32>} : memref<88x128xf32, #tpu.memory_space<vmem>>, vector<1x16xf32>,
      %swap3A_240 = vector.shape_cast %swap3A_239 : vector<1x16xf32> to vector<16xf32>
      %swap3A_241 = vector.shape_cast %broadcast_in_dim3A_0 : vector<16xf32> to vector<1x16xf32>
      tpu.vector_store %arg6[%swap3A_237, %swap3A_238], %swap3A_241 {strides = array<i32>} : memref<88x128xf32, #tpu.memory_space<vmem>>, vector<1x16xf32>,
      %swap3A_242 = arith.index_cast %scan3A_222 : i32 to index
      %swap3A_243 = arith.constant 64 : index
      %swap3A_244 = tpu.vector_load %arg6[%swap3A_242, %swap3A_243] {strides = array<i32>} : memref<88x128xf32, #tpu.memory_space<vmem>>, vector<1x16xf32>,
      %swap3A_245 = vector.shape_cast %swap3A_244 : vector<1x16xf32> to vector<16xf32>
      %swap3A_246 = vector.shape_cast %broadcast_in_dim3A_0 : vector<16xf32> to vector<1x16xf32>
      tpu.vector_store %arg6[%swap3A_242, %swap3A_243], %swap3A_246 {strides = array<i32>} : memref<88x128xf32, #tpu.memory_space<vmem>>, vector<1x16xf32>,
      %swap3A_247 = arith.index_cast %scan3A_222 : i32 to index
      %swap3A_248 = arith.constant 80 : index
      %swap3A_249 = tpu.vector_load %arg6[%swap3A_247, %swap3A_248] {strides = array<i32>} : memref<88x128xf32, #tpu.memory_space<vmem>>, vector<1x16xf32>,
      %swap3A_250 = vector.shape_cast %swap3A_249 : vector<1x16xf32> to vector<16xf32>
      %swap3A_251 = vector.shape_cast %broadcast_in_dim3A_0 : vector<16xf32> to vector<1x16xf32>
      tpu.vector_store %arg6[%swap3A_247, %swap3A_248], %swap3A_251 {strides = array<i32>} : memref<88x128xf32, #tpu.memory_space<vmem>>, vector<1x16xf32>,
      %swap3A_252 = arith.index_cast %scan3A_222 : i32 to index
      %swap3A_253 = arith.constant 96 : index
      %swap3A_254 = tpu.vector_load %arg6[%swap3A_252, %swap3A_253] {strides = array<i32>} : memref<88x128xf32, #tpu.memory_space<vmem>>, vector<1x16xf32>,
      %swap3A_255 = vector.shape_cast %swap3A_254 : vector<1x16xf32> to vector<16xf32>
      %swap3A_256 = vector.shape_cast %broadcast_in_dim3A_0 : vector<16xf32> to vector<1x16xf32>
      tpu.vector_store %arg6[%swap3A_252, %swap3A_253], %swap3A_256 {strides = array<i32>} : memref<88x128xf32, #tpu.memory_space<vmem>>, vector<1x16xf32>,
      %swap3A_257 = arith.index_cast %scan3A_222 : i32 to index
      %swap3A_258 = arith.constant 112 : index
      %swap3A_259 = tpu.vector_load %arg6[%swap3A_257, %swap3A_258] {strides = array<i32>} : memref<88x128xf32, #tpu.memory_space<vmem>>, vector<1x16xf32>,
      %swap3A_260 = vector.shape_cast %swap3A_259 : vector<1x16xf32> to vector<16xf32>
      %swap3A_261 = vector.shape_cast %broadcast_in_dim3A_0 : vector<16xf32> to vector<1x16xf32>
      tpu.vector_store %arg6[%swap3A_257, %swap3A_258], %swap3A_261 {strides = array<i32>} : memref<88x128xf32, #tpu.memory_space<vmem>>, vector<1x16xf32>,
    }
    %scan3A_5 = arith.constant 88 : i32
    %mul3A = arith.constant 626 : i32
    %mul3A_6 = arith.muli %arg1, %mul3A : i32
    %add3A = arith.constant 0 : i32
    %add3A_7 = arith.addi %mul3A_6, %add3A : i32
    %dma_start3A = arith.constant 0 : i32
    %dma_start3A_8 = tpu.memref_slice %arg5[%add3A_7, %dma_start3A] : memref<10016x128xf32, #tpu.memory_space<vmem_shared>> -> memref<88x128xf32, #tpu.memory_space<vmem_shared>>
    %dma_start3A_9 = arith.constant 0 : i32
    %dma_start3A_10 = tpu.memref_slice %arg5[%add3A_7, %dma_start3A_9] : memref<10016x128xf32, #tpu.memory_space<vmem_shared>> -> memref<88x128xf32, #tpu.memory_space<vmem_shared>>
    tpu.enqueue_dma source(%arg6 : memref<88x128xf32, #tpu.memory_space<vmem>>) target(%dma_start3A_10 : memref<88x128xf32, #tpu.memory_space<vmem_shared>>) target_semaphore(%arg18 : memref<!tpu.dma_semaphore, #tpu.memory_space<semaphore_mem>>)
    %add3A_11 = arith.constant 88 : i32
    %add3A_12 = arith.addi %mul3A_6, %add3A_11 : i32
    %dma_start3A_13 = arith.constant 0 : i32
    %dma_start3A_14 = tpu.memref_slice %arg5[%add3A_12, %dma_start3A_13] : memref<10016x128xf32, #tpu.memory_space<vmem_shared>> -> memref<88x128xf32, #tpu.memory_space<vmem_shared>>
    %dma_start3A_15 = arith.constant 0 : i32
    %dma_start3A_16 = tpu.memref_slice %arg5[%add3A_12, %dma_start3A_15] : memref<10016x128xf32, #tpu.memory_space<vmem_shared>> -> memref<88x128xf32, #tpu.memory_space<vmem_shared>>
    tpu.enqueue_dma source(%arg6 : memref<88x128xf32, #tpu.memory_space<vmem>>) target(%dma_start3A_16 : memref<88x128xf32, #tpu.memory_space<vmem_shared>>) target_semaphore(%arg18 : memref<!tpu.dma_semaphore, #tpu.memory_space<semaphore_mem>>)
    %add3A_17 = arith.constant 176 : i32
    %add3A_18 = arith.addi %mul3A_6, %add3A_17 : i32
    %dma_start3A_19 = arith.constant 0 : i32
    %dma_start3A_20 = tpu.memref_slice %arg5[%add3A_18, %dma_start3A_19] : memref<10016x128xf32, #tpu.memory_space<vmem_shared>> -> memref<88x128xf32, #tpu.memory_space<vmem_shared>>
    %dma_start3A_21 = arith.constant 0 : i32
    %dma_start3A_22 = tpu.memref_slice %arg5[%add3A_18, %dma_start3A_21] : memref<10016x128xf32, #tpu.memory_space<vmem_shared>> -> memref<88x128xf32, #tpu.memory_space<vmem_shared>>
    tpu.enqueue_dma source(%arg6 : memref<88x128xf32, #tpu.memory_space<vmem>>) target(%dma_start3A_22 : memref<88x128xf32, #tpu.memory_space<vmem_shared>>) target_semaphore(%arg18 : memref<!tpu.dma_semaphore, #tpu.memory_space<semaphore_mem>>)
    %add3A_23 = arith.constant 264 : i32
    %add3A_24 = arith.addi %mul3A_6, %add3A_23 : i32
    %dma_start3A_25 = arith.constant 0 : i32
    %dma_start3A_26 = tpu.memref_slice %arg5[%add3A_24, %dma_start3A_25] : memref<10016x128xf32, #tpu.memory_space<vmem_shared>> -> memref<88x128xf32, #tpu.memory_space<vmem_shared>>
    %dma_start3A_27 = arith.constant 0 : i32
    %dma_start3A_28 = tpu.memref_slice %arg5[%add3A_24, %dma_start3A_27] : memref<10016x128xf32, #tpu.memory_space<vmem_shared>> -> memref<88x128xf32, #tpu.memory_space<vmem_shared>>
    tpu.enqueue_dma source(%arg6 : memref<88x128xf32, #tpu.memory_space<vmem>>) target(%dma_start3A_28 : memref<88x128xf32, #tpu.memory_space<vmem_shared>>) target_semaphore(%arg18 : memref<!tpu.dma_semaphore, #tpu.memory_space<semaphore_mem>>)
    %add3A_29 = arith.constant 352 : i32
    %add3A_30 = arith.addi %mul3A_6, %add3A_29 : i32
    %dma_start3A_31 = arith.constant 0 : i32
    %dma_start3A_32 = tpu.memref_slice %arg5[%add3A_30, %dma_start3A_31] : memref<10016x128xf32, #tpu.memory_space<vmem_shared>> -> memref<88x128xf32, #tpu.memory_space<vmem_shared>>
    %dma_start3A_33 = arith.constant 0 : i32
    %dma_start3A_34 = tpu.memref_slice %arg5[%add3A_30, %dma_start3A_33] : memref<10016x128xf32, #tpu.memory_space<vmem_shared>> -> memref<88x128xf32, #tpu.memory_space<vmem_shared>>
    tpu.enqueue_dma source(%arg6 : memref<88x128xf32, #tpu.memory_space<vmem>>) target(%dma_start3A_34 : memref<88x128xf32, #tpu.memory_space<vmem_shared>>) target_semaphore(%arg18 : memref<!tpu.dma_semaphore, #tpu.memory_space<semaphore_mem>>)
    %add3A_35 = arith.constant 440 : i32
    %add3A_36 = arith.addi %mul3A_6, %add3A_35 : i32
    %dma_start3A_37 = arith.constant 0 : i32
    %dma_start3A_38 = tpu.memref_slice %arg5[%add3A_36, %dma_start3A_37] : memref<10016x128xf32, #tpu.memory_space<vmem_shared>> -> memref<88x128xf32, #tpu.memory_space<vmem_shared>>
    %dma_start3A_39 = arith.constant 0 : i32
    %dma_start3A_40 = tpu.memref_slice %arg5[%add3A_36, %dma_start3A_39] : memref<10016x128xf32, #tpu.memory_space<vmem_shared>> -> memref<88x128xf32, #tpu.memory_space<vmem_shared>>
    tpu.enqueue_dma source(%arg6 : memref<88x128xf32, #tpu.memory_space<vmem>>) target(%dma_start3A_40 : memref<88x128xf32, #tpu.memory_space<vmem_shared>>) target_semaphore(%arg18 : memref<!tpu.dma_semaphore, #tpu.memory_space<semaphore_mem>>)
    %add3A_41 = arith.constant 528 : i32
    %add3A_42 = arith.addi %mul3A_6, %add3A_41 : i32
    %dma_start3A_43 = arith.constant 0 : i32
    %dma_start3A_44 = tpu.memref_slice %arg5[%add3A_42, %dma_start3A_43] : memref<10016x128xf32, #tpu.memory_space<vmem_shared>> -> memref<88x128xf32, #tpu.memory_space<vmem_shared>>
    %dma_start3A_45 = arith.constant 0 : i32
    %dma_start3A_46 = tpu.memref_slice %arg5[%add3A_42, %dma_start3A_45] : memref<10016x128xf32, #tpu.memory_space<vmem_shared>> -> memref<88x128xf32, #tpu.memory_space<vmem_shared>>
    tpu.enqueue_dma source(%arg6 : memref<88x128xf32, #tpu.memory_space<vmem>>) target(%dma_start3A_46 : memref<88x128xf32, #tpu.memory_space<vmem_shared>>) target_semaphore(%arg18 : memref<!tpu.dma_semaphore, #tpu.memory_space<semaphore_mem>>)
    %add3A_47 = arith.constant 616 : i32
    %add3A_48 = arith.addi %mul3A_6, %add3A_47 : i32
    %dma_start3A_49 = arith.constant 0 : i32
    %dma_start3A_50 = arith.constant 0 : i32
    %dma_start3A_51 = tpu.memref_slice %arg6[%dma_start3A_49, %dma_start3A_50] : memref<88x128xf32, #tpu.memory_space<vmem>> -> memref<10x128xf32, #tpu.memory_space<vmem>>
    %dma_start3A_52 = arith.constant 0 : i32
    %dma_start3A_53 = tpu.memref_slice %arg5[%add3A_48, %dma_start3A_52] : memref<10016x128xf32, #tpu.memory_space<vmem_shared>> -> memref<10x128xf32, #tpu.memory_space<vmem_shared>>
    %dma_start3A_54 = arith.constant 0 : i32
    %dma_start3A_55 = tpu.memref_slice %arg5[%add3A_48, %dma_start3A_54] : memref<10016x128xf32, #tpu.memory_space<vmem_shared>> -> memref<10x128xf32, #tpu.memory_space<vmem_shared>>
    %dma_start3A_56 = arith.constant 0 : i32
    %dma_start3A_57 = arith.constant 0 : i32
    %dma_start3A_58 = tpu.memref_slice %arg6[%dma_start3A_56, %dma_start3A_57] : memref<88x128xf32, #tpu.memory_space<vmem>> -> memref<10x128xf32, #tpu.memory_space<vmem>>
    tpu.enqueue_dma source(%dma_start3A_58 : memref<10x128xf32, #tpu.memory_space<vmem>>) target(%dma_start3A_55 : memref<10x128xf32, #tpu.memory_space<vmem_shared>>) target_semaphore(%arg18 : memref<!tpu.dma_semaphore, #tpu.memory_space<semaphore_mem>>)
    %add3A_59 = arith.constant 0 : i32
    %add3A_60 = arith.addi %mul3A_6, %add3A_59 : i32
    %dma_wait3A = arith.constant 0 : i32
    %dma_wait3A_61 = tpu.memref_slice %arg5[%add3A_60, %dma_wait3A] : memref<10016x128xf32, #tpu.memory_space<vmem_shared>> -> memref<88x128xf32, #tpu.memory_space<vmem_shared>>
    %dma_wait3A_62 = arith.constant 0 : i32
    %dma_wait3A_63 = tpu.memref_slice %arg5[%add3A_60, %dma_wait3A_62] : memref<10016x128xf32, #tpu.memory_space<vmem_shared>> -> memref<88x128xf32, #tpu.memory_space<vmem_shared>>
    tpu.wait_dma2 semaphore(%arg18 : memref<!tpu.dma_semaphore, #tpu.memory_space<semaphore_mem>>) src(%arg6 : memref<88x128xf32, #tpu.memory_space<vmem>>) dst(%dma_wait3A_63 : memref<88x128xf32, #tpu.memory_space<vmem_shared>>)
    %add3A_64 = arith.constant 88 : i32
    %add3A_65 = arith.addi %mul3A_6, %add3A_64 : i32
    %dma_wait3A_66 = arith.constant 0 : i32
    %dma_wait3A_67 = tpu.memref_slice %arg5[%add3A_65, %dma_wait3A_66] : memref<10016x128xf32, #tpu.memory_space<vmem_shared>> -> memref<88x128xf32, #tpu.memory_space<vmem_shared>>
    %dma_wait3A_68 = arith.constant 0 : i32
    %dma_wait3A_69 = tpu.memref_slice %arg5[%add3A_65, %dma_wait3A_68] : memref<10016x128xf32, #tpu.memory_space<vmem_shared>> -> memref<88x128xf32, #tpu.memory_space<vmem_shared>>
    tpu.wait_dma2 semaphore(%arg18 : memref<!tpu.dma_semaphore, #tpu.memory_space<semaphore_mem>>) src(%arg6 : memref<88x128xf32, #tpu.memory_space<vmem>>) dst(%dma_wait3A_69 : memref<88x128xf32, #tpu.memory_space<vmem_shared>>)
    %add3A_70 = arith.constant 176 : i32
    %add3A_71 = arith.addi %mul3A_6, %add3A_70 : i32
    %dma_wait3A_72 = arith.constant 0 : i32
    %dma_wait3A_73 = tpu.memref_slice %arg5[%add3A_71, %dma_wait3A_72] : memref<10016x128xf32, #tpu.memory_space<vmem_shared>> -> memref<88x128xf32, #tpu.memory_space<vmem_shared>>
    %dma_wait3A_74 = arith.constant 0 : i32
    %dma_wait3A_75 = tpu.memref_slice %arg5[%add3A_71, %dma_wait3A_74] : memref<10016x128xf32, #tpu.memory_space<vmem_shared>> -> memref<88x128xf32, #tpu.memory_space<vmem_shared>>
    tpu.wait_dma2 semaphore(%arg18 : memref<!tpu.dma_semaphore, #tpu.memory_space<semaphore_mem>>) src(%arg6 : memref<88x128xf32, #tpu.memory_space<vmem>>) dst(%dma_wait3A_75 : memref<88x128xf32, #tpu.memory_space<vmem_shared>>)
    %add3A_76 = arith.constant 264 : i32
    %add3A_77 = arith.addi %mul3A_6, %add3A_76 : i32
    %dma_wait3A_78 = arith.constant 0 : i32
    %dma_wait3A_79 = tpu.memref_slice %arg5[%add3A_77, %dma_wait3A_78] : memref<10016x128xf32, #tpu.memory_space<vmem_shared>> -> memref<88x128xf32, #tpu.memory_space<vmem_shared>>
    %dma_wait3A_80 = arith.constant 0 : i32
    %dma_wait3A_81 = tpu.memref_slice %arg5[%add3A_77, %dma_wait3A_80] : memref<10016x128xf32, #tpu.memory_space<vmem_shared>> -> memref<88x128xf32, #tpu.memory_space<vmem_shared>>
    tpu.wait_dma2 semaphore(%arg18 : memref<!tpu.dma_semaphore, #tpu.memory_space<semaphore_mem>>) src(%arg6 : memref<88x128xf32, #tpu.memory_space<vmem>>) dst(%dma_wait3A_81 : memref<88x128xf32, #tpu.memory_space<vmem_shared>>)
    %add3A_82 = arith.constant 352 : i32
    %add3A_83 = arith.addi %mul3A_6, %add3A_82 : i32
    %dma_wait3A_84 = arith.constant 0 : i32
    %dma_wait3A_85 = tpu.memref_slice %arg5[%add3A_83, %dma_wait3A_84] : memref<10016x128xf32, #tpu.memory_space<vmem_shared>> -> memref<88x128xf32, #tpu.memory_space<vmem_shared>>
    %dma_wait3A_86 = arith.constant 0 : i32
    %dma_wait3A_87 = tpu.memref_slice %arg5[%add3A_83, %dma_wait3A_86] : memref<10016x128xf32, #tpu.memory_space<vmem_shared>> -> memref<88x128xf32, #tpu.memory_space<vmem_shared>>
    tpu.wait_dma2 semaphore(%arg18 : memref<!tpu.dma_semaphore, #tpu.memory_space<semaphore_mem>>) src(%arg6 : memref<88x128xf32, #tpu.memory_space<vmem>>) dst(%dma_wait3A_87 : memref<88x128xf32, #tpu.memory_space<vmem_shared>>)
    %add3A_88 = arith.constant 440 : i32
    %add3A_89 = arith.addi %mul3A_6, %add3A_88 : i32
    %dma_wait3A_90 = arith.constant 0 : i32
    %dma_wait3A_91 = tpu.memref_slice %arg5[%add3A_89, %dma_wait3A_90] : memref<10016x128xf32, #tpu.memory_space<vmem_shared>> -> memref<88x128xf32, #tpu.memory_space<vmem_shared>>
    %dma_wait3A_92 = arith.constant 0 : i32
    %dma_wait3A_93 = tpu.memref_slice %arg5[%add3A_89, %dma_wait3A_92] : memref<10016x128xf32, #tpu.memory_space<vmem_shared>> -> memref<88x128xf32, #tpu.memory_space<vmem_shared>>
    tpu.wait_dma2 semaphore(%arg18 : memref<!tpu.dma_semaphore, #tpu.memory_space<semaphore_mem>>) src(%arg6 : memref<88x128xf32, #tpu.memory_space<vmem>>) dst(%dma_wait3A_93 : memref<88x128xf32, #tpu.memory_space<vmem_shared>>)
    %add3A_94 = arith.constant 528 : i32
    %add3A_95 = arith.addi %mul3A_6, %add3A_94 : i32
    %dma_wait3A_96 = arith.constant 0 : i32
    %dma_wait3A_97 = tpu.memref_slice %arg5[%add3A_95, %dma_wait3A_96] : memref<10016x128xf32, #tpu.memory_space<vmem_shared>> -> memref<88x128xf32, #tpu.memory_space<vmem_shared>>
    %dma_wait3A_98 = arith.constant 0 : i32
    %dma_wait3A_99 = tpu.memref_slice %arg5[%add3A_95, %dma_wait3A_98] : memref<10016x128xf32, #tpu.memory_space<vmem_shared>> -> memref<88x128xf32, #tpu.memory_space<vmem_shared>>
    tpu.wait_dma2 semaphore(%arg18 : memref<!tpu.dma_semaphore, #tpu.memory_space<semaphore_mem>>) src(%arg6 : memref<88x128xf32, #tpu.memory_space<vmem>>) dst(%dma_wait3A_99 : memref<88x128xf32, #tpu.memory_space<vmem_shared>>)
    %add3A_100 = arith.constant 616 : i32
    %add3A_101 = arith.addi %mul3A_6, %add3A_100 : i32
    %dma_wait3A_102 = arith.constant 0 : i32
    %dma_wait3A_103 = arith.constant 0 : i32
    %dma_wait3A_104 = tpu.memref_slice %arg6[%dma_wait3A_102, %dma_wait3A_103] : memref<88x128xf32, #tpu.memory_space<vmem>> -> memref<10x128xf32, #tpu.memory_space<vmem>>
    %dma_wait3A_105 = arith.constant 0 : i32
    %dma_wait3A_106 = tpu.memref_slice %arg5[%add3A_101, %dma_wait3A_105] : memref<10016x128xf32, #tpu.memory_space<vmem_shared>> -> memref<10x128xf32, #tpu.memory_space<vmem_shared>>
    %dma_wait3A_107 = arith.constant 0 : i32
    %dma_wait3A_108 = tpu.memref_slice %arg5[%add3A_101, %dma_wait3A_107] : memref<10016x128xf32, #tpu.memory_space<vmem_shared>> -> memref<10x128xf32, #tpu.memory_space<vmem_shared>>
    %dma_wait3A_109 = arith.constant 0 : i32
    %dma_wait3A_110 = arith.constant 0 : i32
    %dma_wait3A_111 = tpu.memref_slice %arg6[%dma_wait3A_109, %dma_wait3A_110] : memref<88x128xf32, #tpu.memory_space<vmem>> -> memref<10x128xf32, #tpu.memory_space<vmem>>
    tpu.wait_dma2 semaphore(%arg18 : memref<!tpu.dma_semaphore, #tpu.memory_space<semaphore_mem>>) src(%dma_wait3A_111 : memref<10x128xf32, #tpu.memory_space<vmem>>) dst(%dma_wait3A_108 : memref<10x128xf32, #tpu.memory_space<vmem_shared>>)
    %barrier3A = arith.constant 0 : index
    tpu.barrier barrier_id(%barrier3A)
    %eq3A = arith.constant 0 : i32
    %eq3A_112 = arith.cmpi eq, %arg0, %eq3A : i32
    %jit3A = arith.constant 132 : i32
    %jit3A_113 = arith.constant 96 : i32
    %select_n3A = arith.select %eq3A_112, %jit3A, %jit3A_113 : i32
    %eq3A_114 = arith.constant 0 : i32
    %eq3A_115 = arith.cmpi eq, %arg0, %eq3A_114 : i32
    %mul3A_116 = arith.constant 132 : i32
    %mul3A_117 = arith.muli %arg1, %mul3A_116 : i32
    %mul3A_118 = arith.constant 96 : i32
    %mul3A_119 = arith.muli %arg1, %mul3A_118 : i32
    %add3A_120 = arith.constant 2112 : i32
    %add3A_121 = arith.addi %add3A_120, %mul3A_119 : i32
    %select_n3A_122 = arith.select %eq3A_115, %mul3A_117, %add3A_121 : i32
    %jit3A_123 = arith.constant 4 : i32
    %div3A = arith.divsi %select_n3A, %jit3A_123 : i32
    %sign3A = arith.constant 0 : i32
    %sign3A_124 = arith.cmpi sgt, %select_n3A, %sign3A : i32
    %sign3A_125 = arith.extui %sign3A_124 : i1 to i32
    %sign3A_126 = arith.constant 0 : i32
    %sign3A_127 = arith.cmpi slt, %select_n3A, %sign3A_126 : i32
    %sign3A_128 = arith.extui %sign3A_127 : i1 to i32
    %sign3A_129 = arith.subi %sign3A_125, %sign3A_128 : i32
    %sign3A_130 = arith.constant 0 : i32
    %sign3A_131 = arith.cmpi sgt, %jit3A_123, %sign3A_130 : i32
    %sign3A_132 = arith.extui %sign3A_131 : i1 to i32
    %sign3A_133 = arith.constant 0 : i32
    %sign3A_134 = arith.cmpi slt, %jit3A_123, %sign3A_133 : i32
    %sign3A_135 = arith.extui %sign3A_134 : i1 to i32
    %sign3A_136 = arith.subi %sign3A_132, %sign3A_135 : i32
    %ne3A = arith.cmpi ne, %sign3A_129, %sign3A_136 : i32
    %rem3A = arith.remsi %select_n3A, %jit3A_123 : i32
    %ne3A_137 = arith.constant 0 : i32
    %ne3A_138 = arith.cmpi ne, %rem3A, %ne3A_137 : i32
    %and3A = arith.andi %ne3A, %ne3A_138 : i1
    %sub3A = arith.constant 1 : i32
    %sub3A_139 = arith.subi %div3A, %sub3A : i32
    %select_n3A_140 = arith.select %and3A, %sub3A_139, %div3A : i32
    %while3A = arith.constant 0 : i32
    %while3A_141 = arith.constant 0 : i32
    %while3A_142 = arith.subi %select_n3A_140, %while3A_141 : i32
    %while3A_143 = arith.addi %while3A_141, %while3A_142 : i32
    %while3A_144 = arith.constant 1 : i32
    %while3A_145 = arith.divsi %while3A_142, %while3A_144 : i32
    %while3A_146 = arith.muli %while3A_145, %while3A_144 : i32
    %while3A_147 = arith.addi %while3A_141, %while3A_146 : i32
    %while3A_148 = arith.constant 1 : i32
    scf.for %while3A_222 = %while3A_141 to %while3A_147 step %while3A_148  : i32 {
      %mul3A_223 = arith.constant 4 : i32
      %mul3A_224 = arith.muli %while3A_222, %mul3A_223 : i32
      %add3A_225 = arith.constant 0 : i32
      %add3A_226 = arith.addi %mul3A_224, %add3A_225 : i32
      %gt3A = arith.constant 0 : i32
      %gt3A_227 = arith.cmpi sgt, %while3A_222, %gt3A : i32
      %convert_element_type3A_228 = arith.extui %gt3A_227 : i1 to i32
      %cond3A_229 = arith.constant 0 : i32
      %cond3A_230 = arith.cmpi ne, %convert_element_type3A_228, %cond3A_229 : i32
      scf.if %cond3A_230 {
        %dma_wait3A_341 = arith.constant 0 : i32
        %dma_wait3A_342 = arith.constant 0 : i32
        %dma_wait3A_343 = tpu.memref_slice %arg5[%dma_wait3A_341, %dma_wait3A_342] : memref<10016x128xf32, #tpu.memory_space<vmem_shared>> -> memref<10016x128xf32, #tpu.memory_space<vmem_shared>>
        tpu.wait_indirect_dma semaphore(%arg26 : memref<!tpu.dma_semaphore, #tpu.memory_space<semaphore_mem>>) src(%arg6 : memref<88x128xf32, #tpu.memory_space<vmem>>) dst(%dma_wait3A_343 : memref<10016x128xf32, #tpu.memory_space<vmem_shared>>)
      } else {
      }
      %add3A_231 = arith.addi %select_n3A_122, %add3A_226 : i32
      %mul3A_232 = arith.constant 88 : i32
      %mul3A_233 = arith.muli %add3A_231, %mul3A_232 : i32
      %add3A_234 = arith.constant 0 : i32
      %add3A_235 = arith.addi %add3A_234, %mul3A_233 : i32
      %dma_start3A_236 = tpu.memref_slice %arg3[%add3A_235] : memref<642048xi32, #tpu.memory_space<hbm>> -> memref<88xi32, #tpu.memory_space<hbm>>
      %dma_start3A_237 = tpu.memref_slice %arg3[%add3A_235] : memref<642048xi32, #tpu.memory_space<hbm>> -> memref<88xi32, #tpu.memory_space<hbm>>
      tpu.enqueue_dma source(%dma_start3A_237 : memref<88xi32, #tpu.memory_space<hbm>>) target(%arg10 : memref<88xi32, #tpu.memory_space<vmem>>) target_semaphore(%arg18 : memref<!tpu.dma_semaphore, #tpu.memory_space<semaphore_mem>>)
      %add3A_238 = arith.constant 321024 : i32
      %add3A_239 = arith.addi %add3A_238, %mul3A_233 : i32
      %dma_start3A_240 = tpu.memref_slice %arg3[%add3A_239] : memref<642048xi32, #tpu.memory_space<hbm>> -> memref<88xi32, #tpu.memory_space<hbm>>
      %dma_start3A_241 = tpu.memref_slice %arg3[%add3A_239] : memref<642048xi32, #tpu.memory_space<hbm>> -> memref<88xi32, #tpu.memory_space<hbm>>
      tpu.enqueue_dma source(%dma_start3A_241 : memref<88xi32, #tpu.memory_space<hbm>>) target(%arg14 : memref<88xi32, #tpu.memory_space<vmem>>) target_semaphore(%arg18 : memref<!tpu.dma_semaphore, #tpu.memory_space<semaphore_mem>>)
      %ge3A = arith.constant 2 : i32
      %ge3A_242 = arith.cmpi sge, %add3A_226, %ge3A : i32
      %convert_element_type3A_243 = arith.extui %ge3A_242 : i1 to i32
      %cond3A_244 = arith.constant 0 : i32
      %cond3A_245 = arith.cmpi ne, %convert_element_type3A_243, %cond3A_244 : i32
      scf.if %cond3A_245 {
        %sub3A_341 = arith.constant 2 : i32
        %sub3A_342 = arith.subi %add3A_226, %sub3A_341 : i32
        %add3A_343 = arith.addi %select_n3A_122, %sub3A_342 : i32
        %mul3A_344 = arith.constant 88 : i32
        %mul3A_345 = arith.muli %add3A_343, %mul3A_344 : i32
        %add3A_346 = arith.constant 0 : i32
        %add3A_347 = arith.addi %add3A_346, %mul3A_345 : i32
        %dma_wait3A_348 = tpu.memref_slice %arg3[%add3A_347] : memref<642048xi32, #tpu.memory_space<hbm>> -> memref<88xi32, #tpu.memory_space<hbm>>
        %dma_wait3A_349 = tpu.memref_slice %arg3[%add3A_347] : memref<642048xi32, #tpu.memory_space<hbm>> -> memref<88xi32, #tpu.memory_space<hbm>>
        tpu.wait_dma2 semaphore(%arg20 : memref<!tpu.dma_semaphore, #tpu.memory_space<semaphore_mem>>) src(%dma_wait3A_349 : memref<88xi32, #tpu.memory_space<hbm>>) dst(%arg12 : memref<88xi32, #tpu.memory_space<vmem>>)
        %add3A_350 = arith.constant 321024 : i32
        %add3A_351 = arith.addi %add3A_350, %mul3A_345 : i32
        %dma_wait3A_352 = tpu.memref_slice %arg3[%add3A_351] : memref<642048xi32, #tpu.memory_space<hbm>> -> memref<88xi32, #tpu.memory_space<hbm>>
        %dma_wait3A_353 = tpu.memref_slice %arg3[%add3A_351] : memref<642048xi32, #tpu.memory_space<hbm>> -> memref<88xi32, #tpu.memory_space<hbm>>
        tpu.wait_dma2 semaphore(%arg20 : memref<!tpu.dma_semaphore, #tpu.memory_space<semaphore_mem>>) src(%dma_wait3A_353 : memref<88xi32, #tpu.memory_space<hbm>>) dst(%arg16 : memref<88xi32, #tpu.memory_space<vmem>>)
        %dma_start3A_354 = arith.constant 0 : i32
        %dma_start3A_355 = arith.constant 0 : i32
        %dma_start3A_356 = tpu.memref_slice %arg2[%dma_start3A_354, %dma_start3A_355] : memref<10000x128xf32, #tpu.memory_space<hbm>> -> memref<10000x128xf32, #tpu.memory_space<hbm>>
        tpu.enqueue_indirect_dma source(%dma_start3A_356 : memref<10000x128xf32, #tpu.memory_space<hbm>>) target(%arg8 : memref<88x128xf32, #tpu.memory_space<vmem>>) offsets(%arg12 : memref<88xi32, #tpu.memory_space<vmem>>) semaphore(%arg24 : memref<!tpu.dma_semaphore, #tpu.memory_space<semaphore_mem>>)
      } else {
      }
      %ge3A_246 = arith.constant 3 : i32
      %ge3A_247 = arith.cmpi sge, %add3A_226, %ge3A_246 : i32
      %convert_element_type3A_248 = arith.extui %ge3A_247 : i1 to i32
      %cond3A_249 = arith.constant 0 : i32
      %cond3A_250 = arith.cmpi ne, %convert_element_type3A_248, %cond3A_249 : i32
      scf.if %cond3A_250 {
        %dma_wait3A_341 = arith.constant 0 : i32
        %dma_wait3A_342 = arith.constant 0 : i32
        %dma_wait3A_343 = tpu.memref_slice %arg2[%dma_wait3A_341, %dma_wait3A_342] : memref<10000x128xf32, #tpu.memory_space<hbm>> -> memref<10000x128xf32, #tpu.memory_space<hbm>>
        tpu.wait_indirect_dma semaphore(%arg23 : memref<!tpu.dma_semaphore, #tpu.memory_space<semaphore_mem>>) src(%dma_wait3A_343 : memref<10000x128xf32, #tpu.memory_space<hbm>>) dst(%arg7 : memref<88x128xf32, #tpu.memory_space<vmem>>)
        %dma_start3A_344 = arith.constant 0 : i32
        %dma_start3A_345 = arith.constant 0 : i32
        %dma_start3A_346 = tpu.memref_slice %arg5[%dma_start3A_344, %dma_start3A_345] : memref<10016x128xf32, #tpu.memory_space<vmem_shared>> -> memref<10016x128xf32, #tpu.memory_space<vmem_shared>>
        tpu.enqueue_indirect_dma source(%arg7 : memref<88x128xf32, #tpu.memory_space<vmem>>) target(%dma_start3A_346 : memref<10016x128xf32, #tpu.memory_space<vmem_shared>>) offsets(%arg15 : memref<88xi32, #tpu.memory_space<vmem>>) semaphore(%arg27 : memref<!tpu.dma_semaphore, #tpu.memory_space<semaphore_mem>>) {add = true}
      } else {
      }
      %mul3A_251 = arith.constant 4 : i32
      %mul3A_252 = arith.muli %while3A_222, %mul3A_251 : i32
      %add3A_253 = arith.constant 1 : i32
      %add3A_254 = arith.addi %mul3A_252, %add3A_253 : i32
      %gt3A_255 = arith.constant 0 : i32
      %gt3A_256 = arith.cmpi sgt, %while3A_222, %gt3A_255 : i32
      %convert_element_type3A_257 = arith.extui %gt3A_256 : i1 to i32
      %cond3A_258 = arith.constant 0 : i32
      %cond3A_259 = arith.cmpi ne, %convert_element_type3A_257, %cond3A_258 : i32
      scf.if %cond3A_259 {
        %dma_wait3A_341 = arith.constant 0 : i32
        %dma_wait3A_342 = arith.constant 0 : i32
        %dma_wait3A_343 = tpu.memref_slice %arg5[%dma_wait3A_341, %dma_wait3A_342] : memref<10016x128xf32, #tpu.memory_space<vmem_shared>> -> memref<10016x128xf32, #tpu.memory_space<vmem_shared>>
        tpu.wait_indirect_dma semaphore(%arg27 : memref<!tpu.dma_semaphore, #tpu.memory_space<semaphore_mem>>) src(%arg7 : memref<88x128xf32, #tpu.memory_space<vmem>>) dst(%dma_wait3A_343 : memref<10016x128xf32, #tpu.memory_space<vmem_shared>>)
      } else {
      }
      %add3A_260 = arith.addi %select_n3A_122, %add3A_254 : i32
      %mul3A_261 = arith.constant 88 : i32
      %mul3A_262 = arith.muli %add3A_260, %mul3A_261 : i32
      %add3A_263 = arith.constant 0 : i32
      %add3A_264 = arith.addi %add3A_263, %mul3A_262 : i32
      %dma_start3A_265 = tpu.memref_slice %arg3[%add3A_264] : memref<642048xi32, #tpu.memory_space<hbm>> -> memref<88xi32, #tpu.memory_space<hbm>>
      %dma_start3A_266 = tpu.memref_slice %arg3[%add3A_264] : memref<642048xi32, #tpu.memory_space<hbm>> -> memref<88xi32, #tpu.memory_space<hbm>>
      tpu.enqueue_dma source(%dma_start3A_266 : memref<88xi32, #tpu.memory_space<hbm>>) target(%arg11 : memref<88xi32, #tpu.memory_space<vmem>>) target_semaphore(%arg19 : memref<!tpu.dma_semaphore, #tpu.memory_space<semaphore_mem>>)
      %add3A_267 = arith.constant 321024 : i32
      %add3A_268 = arith.addi %add3A_267, %mul3A_262 : i32
      %dma_start3A_269 = tpu.memref_slice %arg3[%add3A_268] : memref<642048xi32, #tpu.memory_space<hbm>> -> memref<88xi32, #tpu.memory_space<hbm>>
      %dma_start3A_270 = tpu.memref_slice %arg3[%add3A_268] : memref<642048xi32, #tpu.memory_space<hbm>> -> memref<88xi32, #tpu.memory_space<hbm>>
      tpu.enqueue_dma source(%dma_start3A_270 : memref<88xi32, #tpu.memory_space<hbm>>) target(%arg15 : memref<88xi32, #tpu.memory_space<vmem>>) target_semaphore(%arg19 : memref<!tpu.dma_semaphore, #tpu.memory_space<semaphore_mem>>)
      %ge3A_271 = arith.constant 2 : i32
      %ge3A_272 = arith.cmpi sge, %add3A_254, %ge3A_271 : i32
      %convert_element_type3A_273 = arith.extui %ge3A_272 : i1 to i32
      %cond3A_274 = arith.constant 0 : i32
      %cond3A_275 = arith.cmpi ne, %convert_element_type3A_273, %cond3A_274 : i32
      scf.if %cond3A_275 {
        %sub3A_341 = arith.constant 2 : i32
        %sub3A_342 = arith.subi %add3A_254, %sub3A_341 : i32
        %add3A_343 = arith.addi %select_n3A_122, %sub3A_342 : i32
        %mul3A_344 = arith.constant 88 : i32
        %mul3A_345 = arith.muli %add3A_343, %mul3A_344 : i32
        %add3A_346 = arith.constant 0 : i32
        %add3A_347 = arith.addi %add3A_346, %mul3A_345 : i32
        %dma_wait3A_348 = tpu.memref_slice %arg3[%add3A_347] : memref<642048xi32, #tpu.memory_space<hbm>> -> memref<88xi32, #tpu.memory_space<hbm>>
        %dma_wait3A_349 = tpu.memref_slice %arg3[%add3A_347] : memref<642048xi32, #tpu.memory_space<hbm>> -> memref<88xi32, #tpu.memory_space<hbm>>
        tpu.wait_dma2 semaphore(%arg21 : memref<!tpu.dma_semaphore, #tpu.memory_space<semaphore_mem>>) src(%dma_wait3A_349 : memref<88xi32, #tpu.memory_space<hbm>>) dst(%arg13 : memref<88xi32, #tpu.memory_space<vmem>>)
        %add3A_350 = arith.constant 321024 : i32
        %add3A_351 = arith.addi %add3A_350, %mul3A_345 : i32
        %dma_wait3A_352 = tpu.memref_slice %arg3[%add3A_351] : memref<642048xi32, #tpu.memory_space<hbm>> -> memref<88xi32, #tpu.memory_space<hbm>>
        %dma_wait3A_353 = tpu.memref_slice %arg3[%add3A_351] : memref<642048xi32, #tpu.memory_space<hbm>> -> memref<88xi32, #tpu.memory_space<hbm>>
        tpu.wait_dma2 semaphore(%arg21 : memref<!tpu.dma_semaphore, #tpu.memory_space<semaphore_mem>>) src(%dma_wait3A_353 : memref<88xi32, #tpu.memory_space<hbm>>) dst(%arg17 : memref<88xi32, #tpu.memory_space<vmem>>)
        %dma_start3A_354 = arith.constant 0 : i32
        %dma_start3A_355 = arith.constant 0 : i32
        %dma_start3A_356 = tpu.memref_slice %arg2[%dma_start3A_354, %dma_start3A_355] : memref<10000x128xf32, #tpu.memory_space<hbm>> -> memref<10000x128xf32, #tpu.memory_space<hbm>>
        tpu.enqueue_indirect_dma source(%dma_start3A_356 : memref<10000x128xf32, #tpu.memory_space<hbm>>) target(%arg9 : memref<88x128xf32, #tpu.memory_space<vmem>>) offsets(%arg13 : memref<88xi32, #tpu.memory_space<vmem>>) semaphore(%arg25 : memref<!tpu.dma_semaphore, #tpu.memory_space<semaphore_mem>>)
      } else {
      }
      %ge3A_276 = arith.constant 3 : i32
      %ge3A_277 = arith.cmpi sge, %add3A_254, %ge3A_276 : i32
      %convert_element_type3A_278 = arith.extui %ge3A_277 : i1 to i32
      %cond3A_279 = arith.constant 0 : i32
      %cond3A_280 = arith.cmpi ne, %convert_element_type3A_278, %cond3A_279 : i32
      scf.if %cond3A_280 {
        %dma_wait3A_341 = arith.constant 0 : i32
        %dma_wait3A_342 = arith.constant 0 : i32
        %dma_wait3A_343 = tpu.memref_slice %arg2[%dma_wait3A_341, %dma_wait3A_342] : memref<10000x128xf32, #tpu.memory_space<hbm>> -> memref<10000x128xf32, #tpu.memory_space<hbm>>
        tpu.wait_indirect_dma semaphore(%arg24 : memref<!tpu.dma_semaphore, #tpu.memory_space<semaphore_mem>>) src(%dma_wait3A_343 : memref<10000x128xf32, #tpu.memory_space<hbm>>) dst(%arg8 : memref<88x128xf32, #tpu.memory_space<vmem>>)
        %dma_start3A_344 = arith.constant 0 : i32
        %dma_start3A_345 = arith.constant 0 : i32
        %dma_start3A_346 = tpu.memref_slice %arg5[%dma_start3A_344, %dma_start3A_345] : memref<10016x128xf32, #tpu.memory_space<vmem_shared>> -> memref<10016x128xf32, #tpu.memory_space<vmem_shared>>
        tpu.enqueue_indirect_dma source(%arg8 : memref<88x128xf32, #tpu.memory_space<vmem>>) target(%dma_start3A_346 : memref<10016x128xf32, #tpu.memory_space<vmem_shared>>) offsets(%arg16 : memref<88xi32, #tpu.memory_space<vmem>>) semaphore(%arg28 : memref<!tpu.dma_semaphore, #tpu.memory_space<semaphore_mem>>) {add = true}
      } else {
      }
      %mul3A_281 = arith.constant 4 : i32
      %mul3A_282 = arith.muli %while3A_222, %mul3A_281 : i32
      %add3A_283 = arith.constant 2 : i32
      %add3A_284 = arith.addi %mul3A_282, %add3A_283 : i32
      %gt3A_285 = arith.constant 0 : i32
      %gt3A_286 = arith.cmpi sgt, %while3A_222, %gt3A_285 : i32
      %convert_element_type3A_287 = arith.extui %gt3A_286 : i1 to i32
      %cond3A_288 = arith.constant 0 : i32
      %cond3A_289 = arith.cmpi ne, %convert_element_type3A_287, %cond3A_288 : i32
      scf.if %cond3A_289 {
        %dma_wait3A_341 = arith.constant 0 : i32
        %dma_wait3A_342 = arith.constant 0 : i32
        %dma_wait3A_343 = tpu.memref_slice %arg5[%dma_wait3A_341, %dma_wait3A_342] : memref<10016x128xf32, #tpu.memory_space<vmem_shared>> -> memref<10016x128xf32, #tpu.memory_space<vmem_shared>>
        tpu.wait_indirect_dma semaphore(%arg28 : memref<!tpu.dma_semaphore, #tpu.memory_space<semaphore_mem>>) src(%arg8 : memref<88x128xf32, #tpu.memory_space<vmem>>) dst(%dma_wait3A_343 : memref<10016x128xf32, #tpu.memory_space<vmem_shared>>)
      } else {
      }
      %add3A_290 = arith.addi %select_n3A_122, %add3A_284 : i32
      %mul3A_291 = arith.constant 88 : i32
      %mul3A_292 = arith.muli %add3A_290, %mul3A_291 : i32
      %add3A_293 = arith.constant 0 : i32
      %add3A_294 = arith.addi %add3A_293, %mul3A_292 : i32
      %dma_start3A_295 = tpu.memref_slice %arg3[%add3A_294] : memref<642048xi32, #tpu.memory_space<hbm>> -> memref<88xi32, #tpu.memory_space<hbm>>
      %dma_start3A_296 = tpu.memref_slice %arg3[%add3A_294] : memref<642048xi32, #tpu.memory_space<hbm>> -> memref<88xi32, #tpu.memory_space<hbm>>
      tpu.enqueue_dma source(%dma_start3A_296 : memref<88xi32, #tpu.memory_space<hbm>>) target(%arg12 : memref<88xi32, #tpu.memory_space<vmem>>) target_semaphore(%arg20 : memref<!tpu.dma_semaphore, #tpu.memory_space<semaphore_mem>>)
      %add3A_297 = arith.constant 321024 : i32
      %add3A_298 = arith.addi %add3A_297, %mul3A_292 : i32
      %dma_start3A_299 = tpu.memref_slice %arg3[%add3A_298] : memref<642048xi32, #tpu.memory_space<hbm>> -> memref<88xi32, #tpu.memory_space<hbm>>
      %dma_start3A_300 = tpu.memref_slice %arg3[%add3A_298] : memref<642048xi32, #tpu.memory_space<hbm>> -> memref<88xi32, #tpu.memory_space<hbm>>
      tpu.enqueue_dma source(%dma_start3A_300 : memref<88xi32, #tpu.memory_space<hbm>>) target(%arg16 : memref<88xi32, #tpu.memory_space<vmem>>) target_semaphore(%arg20 : memref<!tpu.dma_semaphore, #tpu.memory_space<semaphore_mem>>)
      %ge3A_301 = arith.constant 2 : i32
      %ge3A_302 = arith.cmpi sge, %add3A_284, %ge3A_301 : i32
      %convert_element_type3A_303 = arith.extui %ge3A_302 : i1 to i32
      %cond3A_304 = arith.constant 0 : i32
      %cond3A_305 = arith.cmpi ne, %convert_element_type3A_303, %cond3A_304 : i32
      scf.if %cond3A_305 {
        %sub3A_341 = arith.constant 2 : i32
        %sub3A_342 = arith.subi %add3A_284, %sub3A_341 : i32
        %add3A_343 = arith.addi %select_n3A_122, %sub3A_342 : i32
        %mul3A_344 = arith.constant 88 : i32
        %mul3A_345 = arith.muli %add3A_343, %mul3A_344 : i32
        %add3A_346 = arith.constant 0 : i32
        %add3A_347 = arith.addi %add3A_346, %mul3A_345 : i32
        %dma_wait3A_348 = tpu.memref_slice %arg3[%add3A_347] : memref<642048xi32, #tpu.memory_space<hbm>> -> memref<88xi32, #tpu.memory_space<hbm>>
        %dma_wait3A_349 = tpu.memref_slice %arg3[%add3A_347] : memref<642048xi32, #tpu.memory_space<hbm>> -> memref<88xi32, #tpu.memory_space<hbm>>
        tpu.wait_dma2 semaphore(%arg18 : memref<!tpu.dma_semaphore, #tpu.memory_space<semaphore_mem>>) src(%dma_wait3A_349 : memref<88xi32, #tpu.memory_space<hbm>>) dst(%arg10 : memref<88xi32, #tpu.memory_space<vmem>>)
        %add3A_350 = arith.constant 321024 : i32
        %add3A_351 = arith.addi %add3A_350, %mul3A_345 : i32
        %dma_wait3A_352 = tpu.memref_slice %arg3[%add3A_351] : memref<642048xi32, #tpu.memory_space<hbm>> -> memref<88xi32, #tpu.memory_space<hbm>>
        %dma_wait3A_353 = tpu.memref_slice %arg3[%add3A_351] : memref<642048xi32, #tpu.memory_space<hbm>> -> memref<88xi32, #tpu.memory_space<hbm>>
        tpu.wait_dma2 semaphore(%arg18 : memref<!tpu.dma_semaphore, #tpu.memory_space<semaphore_mem>>) src(%dma_wait3A_353 : memref<88xi32, #tpu.memory_space<hbm>>) dst(%arg14 : memref<88xi32, #tpu.memory_space<vmem>>)
        %dma_start3A_354 = arith.constant 0 : i32
        %dma_start3A_355 = arith.constant 0 : i32
        %dma_start3A_356 = tpu.memref_slice %arg2[%dma_start3A_354, %dma_start3A_355] : memref<10000x128xf32, #tpu.memory_space<hbm>> -> memref<10000x128xf32, #tpu.memory_space<hbm>>
        tpu.enqueue_indirect_dma source(%dma_start3A_356 : memref<10000x128xf32, #tpu.memory_space<hbm>>) target(%arg6 : memref<88x128xf32, #tpu.memory_space<vmem>>) offsets(%arg10 : memref<88xi32, #tpu.memory_space<vmem>>) semaphore(%arg22 : memref<!tpu.dma_semaphore, #tpu.memory_space<semaphore_mem>>)
      } else {
      }
      %ge3A_306 = arith.constant 3 : i32
      %ge3A_307 = arith.cmpi sge, %add3A_284, %ge3A_306 : i32
      %convert_element_type3A_308 = arith.extui %ge3A_307 : i1 to i32
      %cond3A_309 = arith.constant 0 : i32
      %cond3A_310 = arith.cmpi ne, %convert_element_type3A_308, %cond3A_309 : i32
      scf.if %cond3A_310 {
        %dma_wait3A_341 = arith.constant 0 : i32
        %dma_wait3A_342 = arith.constant 0 : i32
        %dma_wait3A_343 = tpu.memref_slice %arg2[%dma_wait3A_341, %dma_wait3A_342] : memref<10000x128xf32, #tpu.memory_space<hbm>> -> memref<10000x128xf32, #tpu.memory_space<hbm>>
        tpu.wait_indirect_dma semaphore(%arg25 : memref<!tpu.dma_semaphore, #tpu.memory_space<semaphore_mem>>) src(%dma_wait3A_343 : memref<10000x128xf32, #tpu.memory_space<hbm>>) dst(%arg9 : memref<88x128xf32, #tpu.memory_space<vmem>>)
        %dma_start3A_344 = arith.constant 0 : i32
        %dma_start3A_345 = arith.constant 0 : i32
        %dma_start3A_346 = tpu.memref_slice %arg5[%dma_start3A_344, %dma_start3A_345] : memref<10016x128xf32, #tpu.memory_space<vmem_shared>> -> memref<10016x128xf32, #tpu.memory_space<vmem_shared>>
        tpu.enqueue_indirect_dma source(%arg9 : memref<88x128xf32, #tpu.memory_space<vmem>>) target(%dma_start3A_346 : memref<10016x128xf32, #tpu.memory_space<vmem_shared>>) offsets(%arg17 : memref<88xi32, #tpu.memory_space<vmem>>) semaphore(%arg29 : memref<!tpu.dma_semaphore, #tpu.memory_space<semaphore_mem>>) {add = true}
      } else {
      }
      %mul3A_311 = arith.constant 4 : i32
      %mul3A_312 = arith.muli %while3A_222, %mul3A_311 : i32
      %add3A_313 = arith.constant 3 : i32
      %add3A_314 = arith.addi %mul3A_312, %add3A_313 : i32
      %gt3A_315 = arith.constant 0 : i32
      %gt3A_316 = arith.cmpi sgt, %while3A_222, %gt3A_315 : i32
      %convert_element_type3A_317 = arith.extui %gt3A_316 : i1 to i32
      %cond3A_318 = arith.constant 0 : i32
      %cond3A_319 = arith.cmpi ne, %convert_element_type3A_317, %cond3A_318 : i32
      scf.if %cond3A_319 {
        %dma_wait3A_341 = arith.constant 0 : i32
        %dma_wait3A_342 = arith.constant 0 : i32
        %dma_wait3A_343 = tpu.memref_slice %arg5[%dma_wait3A_341, %dma_wait3A_342] : memref<10016x128xf32, #tpu.memory_space<vmem_shared>> -> memref<10016x128xf32, #tpu.memory_space<vmem_shared>>
        tpu.wait_indirect_dma semaphore(%arg29 : memref<!tpu.dma_semaphore, #tpu.memory_space<semaphore_mem>>) src(%arg9 : memref<88x128xf32, #tpu.memory_space<vmem>>) dst(%dma_wait3A_343 : memref<10016x128xf32, #tpu.memory_space<vmem_shared>>)
      } else {
      }
      %add3A_320 = arith.addi %select_n3A_122, %add3A_314 : i32
      %mul3A_321 = arith.constant 88 : i32
      %mul3A_322 = arith.muli %add3A_320, %mul3A_321 : i32
      %add3A_323 = arith.constant 0 : i32
      %add3A_324 = arith.addi %add3A_323, %mul3A_322 : i32
      %dma_start3A_325 = tpu.memref_slice %arg3[%add3A_324] : memref<642048xi32, #tpu.memory_space<hbm>> -> memref<88xi32, #tpu.memory_space<hbm>>
      %dma_start3A_326 = tpu.memref_slice %arg3[%add3A_324] : memref<642048xi32, #tpu.memory_space<hbm>> -> memref<88xi32, #tpu.memory_space<hbm>>
      tpu.enqueue_dma source(%dma_start3A_326 : memref<88xi32, #tpu.memory_space<hbm>>) target(%arg13 : memref<88xi32, #tpu.memory_space<vmem>>) target_semaphore(%arg21 : memref<!tpu.dma_semaphore, #tpu.memory_space<semaphore_mem>>)
      %add3A_327 = arith.constant 321024 : i32
      %add3A_328 = arith.addi %add3A_327, %mul3A_322 : i32
      %dma_start3A_329 = tpu.memref_slice %arg3[%add3A_328] : memref<642048xi32, #tpu.memory_space<hbm>> -> memref<88xi32, #tpu.memory_space<hbm>>
      %dma_start3A_330 = tpu.memref_slice %arg3[%add3A_328] : memref<642048xi32, #tpu.memory_space<hbm>> -> memref<88xi32, #tpu.memory_space<hbm>>
      tpu.enqueue_dma source(%dma_start3A_330 : memref<88xi32, #tpu.memory_space<hbm>>) target(%arg17 : memref<88xi32, #tpu.memory_space<vmem>>) target_semaphore(%arg21 : memref<!tpu.dma_semaphore, #tpu.memory_space<semaphore_mem>>)
      %ge3A_331 = arith.constant 2 : i32
      %ge3A_332 = arith.cmpi sge, %add3A_314, %ge3A_331 : i32
      %convert_element_type3A_333 = arith.extui %ge3A_332 : i1 to i32
      %cond3A_334 = arith.constant 0 : i32
      %cond3A_335 = arith.cmpi ne, %convert_element_type3A_333, %cond3A_334 : i32
      scf.if %cond3A_335 {
        %sub3A_341 = arith.constant 2 : i32
        %sub3A_342 = arith.subi %add3A_314, %sub3A_341 : i32
        %add3A_343 = arith.addi %select_n3A_122, %sub3A_342 : i32
        %mul3A_344 = arith.constant 88 : i32
        %mul3A_345 = arith.muli %add3A_343, %mul3A_344 : i32
        %add3A_346 = arith.constant 0 : i32
        %add3A_347 = arith.addi %add3A_346, %mul3A_345 : i32
        %dma_wait3A_348 = tpu.memref_slice %arg3[%add3A_347] : memref<642048xi32, #tpu.memory_space<hbm>> -> memref<88xi32, #tpu.memory_space<hbm>>
        %dma_wait3A_349 = tpu.memref_slice %arg3[%add3A_347] : memref<642048xi32, #tpu.memory_space<hbm>> -> memref<88xi32, #tpu.memory_space<hbm>>
        tpu.wait_dma2 semaphore(%arg19 : memref<!tpu.dma_semaphore, #tpu.memory_space<semaphore_mem>>) src(%dma_wait3A_349 : memref<88xi32, #tpu.memory_space<hbm>>) dst(%arg11 : memref<88xi32, #tpu.memory_space<vmem>>)
        %add3A_350 = arith.constant 321024 : i32
        %add3A_351 = arith.addi %add3A_350, %mul3A_345 : i32
        %dma_wait3A_352 = tpu.memref_slice %arg3[%add3A_351] : memref<642048xi32, #tpu.memory_space<hbm>> -> memref<88xi32, #tpu.memory_space<hbm>>
        %dma_wait3A_353 = tpu.memref_slice %arg3[%add3A_351] : memref<642048xi32, #tpu.memory_space<hbm>> -> memref<88xi32, #tpu.memory_space<hbm>>
        tpu.wait_dma2 semaphore(%arg19 : memref<!tpu.dma_semaphore, #tpu.memory_space<semaphore_mem>>) src(%dma_wait3A_353 : memref<88xi32, #tpu.memory_space<hbm>>) dst(%arg15 : memref<88xi32, #tpu.memory_space<vmem>>)
        %dma_start3A_354 = arith.constant 0 : i32
        %dma_start3A_355 = arith.constant 0 : i32
        %dma_start3A_356 = tpu.memref_slice %arg2[%dma_start3A_354, %dma_start3A_355] : memref<10000x128xf32, #tpu.memory_space<hbm>> -> memref<10000x128xf32, #tpu.memory_space<hbm>>
        tpu.enqueue_indirect_dma source(%dma_start3A_356 : memref<10000x128xf32, #tpu.memory_space<hbm>>) target(%arg7 : memref<88x128xf32, #tpu.memory_space<vmem>>) offsets(%arg11 : memref<88xi32, #tpu.memory_space<vmem>>) semaphore(%arg23 : memref<!tpu.dma_semaphore, #tpu.memory_space<semaphore_mem>>)
      } else {
      }
      %ge3A_336 = arith.constant 3 : i32
      %ge3A_337 = arith.cmpi sge, %add3A_314, %ge3A_336 : i32
      %convert_element_type3A_338 = arith.extui %ge3A_337 : i1 to i32
      %cond3A_339 = arith.constant 0 : i32
      %cond3A_340 = arith.cmpi ne, %convert_element_type3A_338, %cond3A_339 : i32
      scf.if %cond3A_340 {
        %dma_wait3A_341 = arith.constant 0 : i32
        %dma_wait3A_342 = arith.constant 0 : i32
        %dma_wait3A_343 = tpu.memref_slice %arg2[%dma_wait3A_341, %dma_wait3A_342] : memref<10000x128xf32, #tpu.memory_space<hbm>> -> memref<10000x128xf32, #tpu.memory_space<hbm>>
        tpu.wait_indirect_dma semaphore(%arg22 : memref<!tpu.dma_semaphore, #tpu.memory_space<semaphore_mem>>) src(%dma_wait3A_343 : memref<10000x128xf32, #tpu.memory_space<hbm>>) dst(%arg6 : memref<88x128xf32, #tpu.memory_space<vmem>>)
        %dma_start3A_344 = arith.constant 0 : i32
        %dma_start3A_345 = arith.constant 0 : i32
        %dma_start3A_346 = tpu.memref_slice %arg5[%dma_start3A_344, %dma_start3A_345] : memref<10016x128xf32, #tpu.memory_space<vmem_shared>> -> memref<10016x128xf32, #tpu.memory_space<vmem_shared>>
        tpu.enqueue_indirect_dma source(%arg6 : memref<88x128xf32, #tpu.memory_space<vmem>>) target(%dma_start3A_346 : memref<10016x128xf32, #tpu.memory_space<vmem_shared>>) offsets(%arg14 : memref<88xi32, #tpu.memory_space<vmem>>) semaphore(%arg26 : memref<!tpu.dma_semaphore, #tpu.memory_space<semaphore_mem>>) {add = true}
      } else {
      }
    }
    %while3A_149 = arith.constant 1 : i32
    scf.for %while3A_222 = %while3A_147 to %while3A_143 step %while3A_149  : i32 {
      %mul3A_223 = arith.constant 4 : i32
      %mul3A_224 = arith.muli %while3A_222, %mul3A_223 : i32
      %add3A_225 = arith.constant 0 : i32
      %add3A_226 = arith.addi %mul3A_224, %add3A_225 : i32
      %gt3A = arith.constant 0 : i32
      %gt3A_227 = arith.cmpi sgt, %while3A_222, %gt3A : i32
      %convert_element_type3A_228 = arith.extui %gt3A_227 : i1 to i32
      %cond3A_229 = arith.constant 0 : i32
      %cond3A_230 = arith.cmpi ne, %convert_element_type3A_228, %cond3A_229 : i32
      scf.if %cond3A_230 {
        %dma_wait3A_341 = arith.constant 0 : i32
        %dma_wait3A_342 = arith.constant 0 : i32
        %dma_wait3A_343 = tpu.memref_slice %arg5[%dma_wait3A_341, %dma_wait3A_342] : memref<10016x128xf32, #tpu.memory_space<vmem_shared>> -> memref<10016x128xf32, #tpu.memory_space<vmem_shared>>
        tpu.wait_indirect_dma semaphore(%arg26 : memref<!tpu.dma_semaphore, #tpu.memory_space<semaphore_mem>>) src(%arg6 : memref<88x128xf32, #tpu.memory_space<vmem>>) dst(%dma_wait3A_343 : memref<10016x128xf32, #tpu.memory_space<vmem_shared>>)
      } else {
      }
      %add3A_231 = arith.addi %select_n3A_122, %add3A_226 : i32
      %mul3A_232 = arith.constant 88 : i32
      %mul3A_233 = arith.muli %add3A_231, %mul3A_232 : i32
      %add3A_234 = arith.constant 0 : i32
      %add3A_235 = arith.addi %add3A_234, %mul3A_233 : i32
      %dma_start3A_236 = tpu.memref_slice %arg3[%add3A_235] : memref<642048xi32, #tpu.memory_space<hbm>> -> memref<88xi32, #tpu.memory_space<hbm>>
      %dma_start3A_237 = tpu.memref_slice %arg3[%add3A_235] : memref<642048xi32, #tpu.memory_space<hbm>> -> memref<88xi32, #tpu.memory_space<hbm>>
      tpu.enqueue_dma source(%dma_start3A_237 : memref<88xi32, #tpu.memory_space<hbm>>) target(%arg10 : memref<88xi32, #tpu.memory_space<vmem>>) target_semaphore(%arg18 : memref<!tpu.dma_semaphore, #tpu.memory_space<semaphore_mem>>)
      %add3A_238 = arith.constant 321024 : i32
      %add3A_239 = arith.addi %add3A_238, %mul3A_233 : i32
      %dma_start3A_240 = tpu.memref_slice %arg3[%add3A_239] : memref<642048xi32, #tpu.memory_space<hbm>> -> memref<88xi32, #tpu.memory_space<hbm>>
      %dma_start3A_241 = tpu.memref_slice %arg3[%add3A_239] : memref<642048xi32, #tpu.memory_space<hbm>> -> memref<88xi32, #tpu.memory_space<hbm>>
      tpu.enqueue_dma source(%dma_start3A_241 : memref<88xi32, #tpu.memory_space<hbm>>) target(%arg14 : memref<88xi32, #tpu.memory_space<vmem>>) target_semaphore(%arg18 : memref<!tpu.dma_semaphore, #tpu.memory_space<semaphore_mem>>)
      %ge3A = arith.constant 2 : i32
      %ge3A_242 = arith.cmpi sge, %add3A_226, %ge3A : i32
      %convert_element_type3A_243 = arith.extui %ge3A_242 : i1 to i32
      %cond3A_244 = arith.constant 0 : i32
      %cond3A_245 = arith.cmpi ne, %convert_element_type3A_243, %cond3A_244 : i32
      scf.if %cond3A_245 {
        %sub3A_341 = arith.constant 2 : i32
        %sub3A_342 = arith.subi %add3A_226, %sub3A_341 : i32
        %add3A_343 = arith.addi %select_n3A_122, %sub3A_342 : i32
        %mul3A_344 = arith.constant 88 : i32
        %mul3A_345 = arith.muli %add3A_343, %mul3A_344 : i32
        %add3A_346 = arith.constant 0 : i32
        %add3A_347 = arith.addi %add3A_346, %mul3A_345 : i32
        %dma_wait3A_348 = tpu.memref_slice %arg3[%add3A_347] : memref<642048xi32, #tpu.memory_space<hbm>> -> memref<88xi32, #tpu.memory_space<hbm>>
        %dma_wait3A_349 = tpu.memref_slice %arg3[%add3A_347] : memref<642048xi32, #tpu.memory_space<hbm>> -> memref<88xi32, #tpu.memory_space<hbm>>
        tpu.wait_dma2 semaphore(%arg20 : memref<!tpu.dma_semaphore, #tpu.memory_space<semaphore_mem>>) src(%dma_wait3A_349 : memref<88xi32, #tpu.memory_space<hbm>>) dst(%arg12 : memref<88xi32, #tpu.memory_space<vmem>>)
        %add3A_350 = arith.constant 321024 : i32
        %add3A_351 = arith.addi %add3A_350, %mul3A_345 : i32
        %dma_wait3A_352 = tpu.memref_slice %arg3[%add3A_351] : memref<642048xi32, #tpu.memory_space<hbm>> -> memref<88xi32, #tpu.memory_space<hbm>>
        %dma_wait3A_353 = tpu.memref_slice %arg3[%add3A_351] : memref<642048xi32, #tpu.memory_space<hbm>> -> memref<88xi32, #tpu.memory_space<hbm>>
        tpu.wait_dma2 semaphore(%arg20 : memref<!tpu.dma_semaphore, #tpu.memory_space<semaphore_mem>>) src(%dma_wait3A_353 : memref<88xi32, #tpu.memory_space<hbm>>) dst(%arg16 : memref<88xi32, #tpu.memory_space<vmem>>)
        %dma_start3A_354 = arith.constant 0 : i32
        %dma_start3A_355 = arith.constant 0 : i32
        %dma_start3A_356 = tpu.memref_slice %arg2[%dma_start3A_354, %dma_start3A_355] : memref<10000x128xf32, #tpu.memory_space<hbm>> -> memref<10000x128xf32, #tpu.memory_space<hbm>>
        tpu.enqueue_indirect_dma source(%dma_start3A_356 : memref<10000x128xf32, #tpu.memory_space<hbm>>) target(%arg8 : memref<88x128xf32, #tpu.memory_space<vmem>>) offsets(%arg12 : memref<88xi32, #tpu.memory_space<vmem>>) semaphore(%arg24 : memref<!tpu.dma_semaphore, #tpu.memory_space<semaphore_mem>>)
      } else {
      }
      %ge3A_246 = arith.constant 3 : i32
      %ge3A_247 = arith.cmpi sge, %add3A_226, %ge3A_246 : i32
      %convert_element_type3A_248 = arith.extui %ge3A_247 : i1 to i32
      %cond3A_249 = arith.constant 0 : i32
      %cond3A_250 = arith.cmpi ne, %convert_element_type3A_248, %cond3A_249 : i32
      scf.if %cond3A_250 {
        %dma_wait3A_341 = arith.constant 0 : i32
        %dma_wait3A_342 = arith.constant 0 : i32
        %dma_wait3A_343 = tpu.memref_slice %arg2[%dma_wait3A_341, %dma_wait3A_342] : memref<10000x128xf32, #tpu.memory_space<hbm>> -> memref<10000x128xf32, #tpu.memory_space<hbm>>
        tpu.wait_indirect_dma semaphore(%arg23 : memref<!tpu.dma_semaphore, #tpu.memory_space<semaphore_mem>>) src(%dma_wait3A_343 : memref<10000x128xf32, #tpu.memory_space<hbm>>) dst(%arg7 : memref<88x128xf32, #tpu.memory_space<vmem>>)
        %dma_start3A_344 = arith.constant 0 : i32
        %dma_start3A_345 = arith.constant 0 : i32
        %dma_start3A_346 = tpu.memref_slice %arg5[%dma_start3A_344, %dma_start3A_345] : memref<10016x128xf32, #tpu.memory_space<vmem_shared>> -> memref<10016x128xf32, #tpu.memory_space<vmem_shared>>
        tpu.enqueue_indirect_dma source(%arg7 : memref<88x128xf32, #tpu.memory_space<vmem>>) target(%dma_start3A_346 : memref<10016x128xf32, #tpu.memory_space<vmem_shared>>) offsets(%arg15 : memref<88xi32, #tpu.memory_space<vmem>>) semaphore(%arg27 : memref<!tpu.dma_semaphore, #tpu.memory_space<semaphore_mem>>) {add = true}
      } else {
      }
      %mul3A_251 = arith.constant 4 : i32
      %mul3A_252 = arith.muli %while3A_222, %mul3A_251 : i32
      %add3A_253 = arith.constant 1 : i32
      %add3A_254 = arith.addi %mul3A_252, %add3A_253 : i32
      %gt3A_255 = arith.constant 0 : i32
      %gt3A_256 = arith.cmpi sgt, %while3A_222, %gt3A_255 : i32
      %convert_element_type3A_257 = arith.extui %gt3A_256 : i1 to i32
      %cond3A_258 = arith.constant 0 : i32
      %cond3A_259 = arith.cmpi ne, %convert_element_type3A_257, %cond3A_258 : i32
      scf.if %cond3A_259 {
        %dma_wait3A_341 = arith.constant 0 : i32
        %dma_wait3A_342 = arith.constant 0 : i32
        %dma_wait3A_343 = tpu.memref_slice %arg5[%dma_wait3A_341, %dma_wait3A_342] : memref<10016x128xf32, #tpu.memory_space<vmem_shared>> -> memref<10016x128xf32, #tpu.memory_space<vmem_shared>>
        tpu.wait_indirect_dma semaphore(%arg27 : memref<!tpu.dma_semaphore, #tpu.memory_space<semaphore_mem>>) src(%arg7 : memref<88x128xf32, #tpu.memory_space<vmem>>) dst(%dma_wait3A_343 : memref<10016x128xf32, #tpu.memory_space<vmem_shared>>)
      } else {
      }
      %add3A_260 = arith.addi %select_n3A_122, %add3A_254 : i32
      %mul3A_261 = arith.constant 88 : i32
      %mul3A_262 = arith.muli %add3A_260, %mul3A_261 : i32
      %add3A_263 = arith.constant 0 : i32
      %add3A_264 = arith.addi %add3A_263, %mul3A_262 : i32
      %dma_start3A_265 = tpu.memref_slice %arg3[%add3A_264] : memref<642048xi32, #tpu.memory_space<hbm>> -> memref<88xi32, #tpu.memory_space<hbm>>
      %dma_start3A_266 = tpu.memref_slice %arg3[%add3A_264] : memref<642048xi32, #tpu.memory_space<hbm>> -> memref<88xi32, #tpu.memory_space<hbm>>
      tpu.enqueue_dma source(%dma_start3A_266 : memref<88xi32, #tpu.memory_space<hbm>>) target(%arg11 : memref<88xi32, #tpu.memory_space<vmem>>) target_semaphore(%arg19 : memref<!tpu.dma_semaphore, #tpu.memory_space<semaphore_mem>>)
      %add3A_267 = arith.constant 321024 : i32
      %add3A_268 = arith.addi %add3A_267, %mul3A_262 : i32
      %dma_start3A_269 = tpu.memref_slice %arg3[%add3A_268] : memref<642048xi32, #tpu.memory_space<hbm>> -> memref<88xi32, #tpu.memory_space<hbm>>
      %dma_start3A_270 = tpu.memref_slice %arg3[%add3A_268] : memref<642048xi32, #tpu.memory_space<hbm>> -> memref<88xi32, #tpu.memory_space<hbm>>
      tpu.enqueue_dma source(%dma_start3A_270 : memref<88xi32, #tpu.memory_space<hbm>>) target(%arg15 : memref<88xi32, #tpu.memory_space<vmem>>) target_semaphore(%arg19 : memref<!tpu.dma_semaphore, #tpu.memory_space<semaphore_mem>>)
      %ge3A_271 = arith.constant 2 : i32
      %ge3A_272 = arith.cmpi sge, %add3A_254, %ge3A_271 : i32
      %convert_element_type3A_273 = arith.extui %ge3A_272 : i1 to i32
      %cond3A_274 = arith.constant 0 : i32
      %cond3A_275 = arith.cmpi ne, %convert_element_type3A_273, %cond3A_274 : i32
      scf.if %cond3A_275 {
        %sub3A_341 = arith.constant 2 : i32
        %sub3A_342 = arith.subi %add3A_254, %sub3A_341 : i32
        %add3A_343 = arith.addi %select_n3A_122, %sub3A_342 : i32
        %mul3A_344 = arith.constant 88 : i32
        %mul3A_345 = arith.muli %add3A_343, %mul3A_344 : i32
        %add3A_346 = arith.constant 0 : i32
        %add3A_347 = arith.addi %add3A_346, %mul3A_345 : i32
        %dma_wait3A_348 = tpu.memref_slice %arg3[%add3A_347] : memref<642048xi32, #tpu.memory_space<hbm>> -> memref<88xi32, #tpu.memory_space<hbm>>
        %dma_wait3A_349 = tpu.memref_slice %arg3[%add3A_347] : memref<642048xi32, #tpu.memory_space<hbm>> -> memref<88xi32, #tpu.memory_space<hbm>>
        tpu.wait_dma2 semaphore(%arg21 : memref<!tpu.dma_semaphore, #tpu.memory_space<semaphore_mem>>) src(%dma_wait3A_349 : memref<88xi32, #tpu.memory_space<hbm>>) dst(%arg13 : memref<88xi32, #tpu.memory_space<vmem>>)
        %add3A_350 = arith.constant 321024 : i32
        %add3A_351 = arith.addi %add3A_350, %mul3A_345 : i32
        %dma_wait3A_352 = tpu.memref_slice %arg3[%add3A_351] : memref<642048xi32, #tpu.memory_space<hbm>> -> memref<88xi32, #tpu.memory_space<hbm>>
        %dma_wait3A_353 = tpu.memref_slice %arg3[%add3A_351] : memref<642048xi32, #tpu.memory_space<hbm>> -> memref<88xi32, #tpu.memory_space<hbm>>
        tpu.wait_dma2 semaphore(%arg21 : memref<!tpu.dma_semaphore, #tpu.memory_space<semaphore_mem>>) src(%dma_wait3A_353 : memref<88xi32, #tpu.memory_space<hbm>>) dst(%arg17 : memref<88xi32, #tpu.memory_space<vmem>>)
        %dma_start3A_354 = arith.constant 0 : i32
        %dma_start3A_355 = arith.constant 0 : i32
        %dma_start3A_356 = tpu.memref_slice %arg2[%dma_start3A_354, %dma_start3A_355] : memref<10000x128xf32, #tpu.memory_space<hbm>> -> memref<10000x128xf32, #tpu.memory_space<hbm>>
        tpu.enqueue_indirect_dma source(%dma_start3A_356 : memref<10000x128xf32, #tpu.memory_space<hbm>>) target(%arg9 : memref<88x128xf32, #tpu.memory_space<vmem>>) offsets(%arg13 : memref<88xi32, #tpu.memory_space<vmem>>) semaphore(%arg25 : memref<!tpu.dma_semaphore, #tpu.memory_space<semaphore_mem>>)
      } else {
      }
      %ge3A_276 = arith.constant 3 : i32
      %ge3A_277 = arith.cmpi sge, %add3A_254, %ge3A_276 : i32
      %convert_element_type3A_278 = arith.extui %ge3A_277 : i1 to i32
      %cond3A_279 = arith.constant 0 : i32
      %cond3A_280 = arith.cmpi ne, %convert_element_type3A_278, %cond3A_279 : i32
      scf.if %cond3A_280 {
        %dma_wait3A_341 = arith.constant 0 : i32
        %dma_wait3A_342 = arith.constant 0 : i32
        %dma_wait3A_343 = tpu.memref_slice %arg2[%dma_wait3A_341, %dma_wait3A_342] : memref<10000x128xf32, #tpu.memory_space<hbm>> -> memref<10000x128xf32, #tpu.memory_space<hbm>>
        tpu.wait_indirect_dma semaphore(%arg24 : memref<!tpu.dma_semaphore, #tpu.memory_space<semaphore_mem>>) src(%dma_wait3A_343 : memref<10000x128xf32, #tpu.memory_space<hbm>>) dst(%arg8 : memref<88x128xf32, #tpu.memory_space<vmem>>)
        %dma_start3A_344 = arith.constant 0 : i32
        %dma_start3A_345 = arith.constant 0 : i32
        %dma_start3A_346 = tpu.memref_slice %arg5[%dma_start3A_344, %dma_start3A_345] : memref<10016x128xf32, #tpu.memory_space<vmem_shared>> -> memref<10016x128xf32, #tpu.memory_space<vmem_shared>>
        tpu.enqueue_indirect_dma source(%arg8 : memref<88x128xf32, #tpu.memory_space<vmem>>) target(%dma_start3A_346 : memref<10016x128xf32, #tpu.memory_space<vmem_shared>>) offsets(%arg16 : memref<88xi32, #tpu.memory_space<vmem>>) semaphore(%arg28 : memref<!tpu.dma_semaphore, #tpu.memory_space<semaphore_mem>>) {add = true}
      } else {
      }
      %mul3A_281 = arith.constant 4 : i32
      %mul3A_282 = arith.muli %while3A_222, %mul3A_281 : i32
      %add3A_283 = arith.constant 2 : i32
      %add3A_284 = arith.addi %mul3A_282, %add3A_283 : i32
      %gt3A_285 = arith.constant 0 : i32
      %gt3A_286 = arith.cmpi sgt, %while3A_222, %gt3A_285 : i32
      %convert_element_type3A_287 = arith.extui %gt3A_286 : i1 to i32
      %cond3A_288 = arith.constant 0 : i32
      %cond3A_289 = arith.cmpi ne, %convert_element_type3A_287, %cond3A_288 : i32
      scf.if %cond3A_289 {
        %dma_wait3A_341 = arith.constant 0 : i32
        %dma_wait3A_342 = arith.constant 0 : i32
        %dma_wait3A_343 = tpu.memref_slice %arg5[%dma_wait3A_341, %dma_wait3A_342] : memref<10016x128xf32, #tpu.memory_space<vmem_shared>> -> memref<10016x128xf32, #tpu.memory_space<vmem_shared>>
        tpu.wait_indirect_dma semaphore(%arg28 : memref<!tpu.dma_semaphore, #tpu.memory_space<semaphore_mem>>) src(%arg8 : memref<88x128xf32, #tpu.memory_space<vmem>>) dst(%dma_wait3A_343 : memref<10016x128xf32, #tpu.memory_space<vmem_shared>>)
      } else {
      }
      %add3A_290 = arith.addi %select_n3A_122, %add3A_284 : i32
      %mul3A_291 = arith.constant 88 : i32
      %mul3A_292 = arith.muli %add3A_290, %mul3A_291 : i32
      %add3A_293 = arith.constant 0 : i32
      %add3A_294 = arith.addi %add3A_293, %mul3A_292 : i32
      %dma_start3A_295 = tpu.memref_slice %arg3[%add3A_294] : memref<642048xi32, #tpu.memory_space<hbm>> -> memref<88xi32, #tpu.memory_space<hbm>>
      %dma_start3A_296 = tpu.memref_slice %arg3[%add3A_294] : memref<642048xi32, #tpu.memory_space<hbm>> -> memref<88xi32, #tpu.memory_space<hbm>>
      tpu.enqueue_dma source(%dma_start3A_296 : memref<88xi32, #tpu.memory_space<hbm>>) target(%arg12 : memref<88xi32, #tpu.memory_space<vmem>>) target_semaphore(%arg20 : memref<!tpu.dma_semaphore, #tpu.memory_space<semaphore_mem>>)
      %add3A_297 = arith.constant 321024 : i32
      %add3A_298 = arith.addi %add3A_297, %mul3A_292 : i32
      %dma_start3A_299 = tpu.memref_slice %arg3[%add3A_298] : memref<642048xi32, #tpu.memory_space<hbm>> -> memref<88xi32, #tpu.memory_space<hbm>>
      %dma_start3A_300 = tpu.memref_slice %arg3[%add3A_298] : memref<642048xi32, #tpu.memory_space<hbm>> -> memref<88xi32, #tpu.memory_space<hbm>>
      tpu.enqueue_dma source(%dma_start3A_300 : memref<88xi32, #tpu.memory_space<hbm>>) target(%arg16 : memref<88xi32, #tpu.memory_space<vmem>>) target_semaphore(%arg20 : memref<!tpu.dma_semaphore, #tpu.memory_space<semaphore_mem>>)
      %ge3A_301 = arith.constant 2 : i32
      %ge3A_302 = arith.cmpi sge, %add3A_284, %ge3A_301 : i32
      %convert_element_type3A_303 = arith.extui %ge3A_302 : i1 to i32
      %cond3A_304 = arith.constant 0 : i32
      %cond3A_305 = arith.cmpi ne, %convert_element_type3A_303, %cond3A_304 : i32
      scf.if %cond3A_305 {
        %sub3A_341 = arith.constant 2 : i32
        %sub3A_342 = arith.subi %add3A_284, %sub3A_341 : i32
        %add3A_343 = arith.addi %select_n3A_122, %sub3A_342 : i32
        %mul3A_344 = arith.constant 88 : i32
        %mul3A_345 = arith.muli %add3A_343, %mul3A_344 : i32
        %add3A_346 = arith.constant 0 : i32
        %add3A_347 = arith.addi %add3A_346, %mul3A_345 : i32
        %dma_wait3A_348 = tpu.memref_slice %arg3[%add3A_347] : memref<642048xi32, #tpu.memory_space<hbm>> -> memref<88xi32, #tpu.memory_space<hbm>>
        %dma_wait3A_349 = tpu.memref_slice %arg3[%add3A_347] : memref<642048xi32, #tpu.memory_space<hbm>> -> memref<88xi32, #tpu.memory_space<hbm>>
        tpu.wait_dma2 semaphore(%arg18 : memref<!tpu.dma_semaphore, #tpu.memory_space<semaphore_mem>>) src(%dma_wait3A_349 : memref<88xi32, #tpu.memory_space<hbm>>) dst(%arg10 : memref<88xi32, #tpu.memory_space<vmem>>)
        %add3A_350 = arith.constant 321024 : i32
        %add3A_351 = arith.addi %add3A_350, %mul3A_345 : i32
        %dma_wait3A_352 = tpu.memref_slice %arg3[%add3A_351] : memref<642048xi32, #tpu.memory_space<hbm>> -> memref<88xi32, #tpu.memory_space<hbm>>
        %dma_wait3A_353 = tpu.memref_slice %arg3[%add3A_351] : memref<642048xi32, #tpu.memory_space<hbm>> -> memref<88xi32, #tpu.memory_space<hbm>>
        tpu.wait_dma2 semaphore(%arg18 : memref<!tpu.dma_semaphore, #tpu.memory_space<semaphore_mem>>) src(%dma_wait3A_353 : memref<88xi32, #tpu.memory_space<hbm>>) dst(%arg14 : memref<88xi32, #tpu.memory_space<vmem>>)
        %dma_start3A_354 = arith.constant 0 : i32
        %dma_start3A_355 = arith.constant 0 : i32
        %dma_start3A_356 = tpu.memref_slice %arg2[%dma_start3A_354, %dma_start3A_355] : memref<10000x128xf32, #tpu.memory_space<hbm>> -> memref<10000x128xf32, #tpu.memory_space<hbm>>
        tpu.enqueue_indirect_dma source(%dma_start3A_356 : memref<10000x128xf32, #tpu.memory_space<hbm>>) target(%arg6 : memref<88x128xf32, #tpu.memory_space<vmem>>) offsets(%arg10 : memref<88xi32, #tpu.memory_space<vmem>>) semaphore(%arg22 : memref<!tpu.dma_semaphore, #tpu.memory_space<semaphore_mem>>)
      } else {
      }
      %ge3A_306 = arith.constant 3 : i32
      %ge3A_307 = arith.cmpi sge, %add3A_284, %ge3A_306 : i32
      %convert_element_type3A_308 = arith.extui %ge3A_307 : i1 to i32
      %cond3A_309 = arith.constant 0 : i32
      %cond3A_310 = arith.cmpi ne, %convert_element_type3A_308, %cond3A_309 : i32
      scf.if %cond3A_310 {
        %dma_wait3A_341 = arith.constant 0 : i32
        %dma_wait3A_342 = arith.constant 0 : i32
        %dma_wait3A_343 = tpu.memref_slice %arg2[%dma_wait3A_341, %dma_wait3A_342] : memref<10000x128xf32, #tpu.memory_space<hbm>> -> memref<10000x128xf32, #tpu.memory_space<hbm>>
        tpu.wait_indirect_dma semaphore(%arg25 : memref<!tpu.dma_semaphore, #tpu.memory_space<semaphore_mem>>) src(%dma_wait3A_343 : memref<10000x128xf32, #tpu.memory_space<hbm>>) dst(%arg9 : memref<88x128xf32, #tpu.memory_space<vmem>>)
        %dma_start3A_344 = arith.constant 0 : i32
        %dma_start3A_345 = arith.constant 0 : i32
        %dma_start3A_346 = tpu.memref_slice %arg5[%dma_start3A_344, %dma_start3A_345] : memref<10016x128xf32, #tpu.memory_space<vmem_shared>> -> memref<10016x128xf32, #tpu.memory_space<vmem_shared>>
        tpu.enqueue_indirect_dma source(%arg9 : memref<88x128xf32, #tpu.memory_space<vmem>>) target(%dma_start3A_346 : memref<10016x128xf32, #tpu.memory_space<vmem_shared>>) offsets(%arg17 : memref<88xi32, #tpu.memory_space<vmem>>) semaphore(%arg29 : memref<!tpu.dma_semaphore, #tpu.memory_space<semaphore_mem>>) {add = true}
      } else {
      }
      %mul3A_311 = arith.constant 4 : i32
      %mul3A_312 = arith.muli %while3A_222, %mul3A_311 : i32
      %add3A_313 = arith.constant 3 : i32
      %add3A_314 = arith.addi %mul3A_312, %add3A_313 : i32
      %gt3A_315 = arith.constant 0 : i32
      %gt3A_316 = arith.cmpi sgt, %while3A_222, %gt3A_315 : i32
      %convert_element_type3A_317 = arith.extui %gt3A_316 : i1 to i32
      %cond3A_318 = arith.constant 0 : i32
      %cond3A_319 = arith.cmpi ne, %convert_element_type3A_317, %cond3A_318 : i32
      scf.if %cond3A_319 {
        %dma_wait3A_341 = arith.constant 0 : i32
        %dma_wait3A_342 = arith.constant 0 : i32
        %dma_wait3A_343 = tpu.memref_slice %arg5[%dma_wait3A_341, %dma_wait3A_342] : memref<10016x128xf32, #tpu.memory_space<vmem_shared>> -> memref<10016x128xf32, #tpu.memory_space<vmem_shared>>
        tpu.wait_indirect_dma semaphore(%arg29 : memref<!tpu.dma_semaphore, #tpu.memory_space<semaphore_mem>>) src(%arg9 : memref<88x128xf32, #tpu.memory_space<vmem>>) dst(%dma_wait3A_343 : memref<10016x128xf32, #tpu.memory_space<vmem_shared>>)
      } else {
      }
      %add3A_320 = arith.addi %select_n3A_122, %add3A_314 : i32
      %mul3A_321 = arith.constant 88 : i32
      %mul3A_322 = arith.muli %add3A_320, %mul3A_321 : i32
      %add3A_323 = arith.constant 0 : i32
      %add3A_324 = arith.addi %add3A_323, %mul3A_322 : i32
      %dma_start3A_325 = tpu.memref_slice %arg3[%add3A_324] : memref<642048xi32, #tpu.memory_space<hbm>> -> memref<88xi32, #tpu.memory_space<hbm>>
      %dma_start3A_326 = tpu.memref_slice %arg3[%add3A_324] : memref<642048xi32, #tpu.memory_space<hbm>> -> memref<88xi32, #tpu.memory_space<hbm>>
      tpu.enqueue_dma source(%dma_start3A_326 : memref<88xi32, #tpu.memory_space<hbm>>) target(%arg13 : memref<88xi32, #tpu.memory_space<vmem>>) target_semaphore(%arg21 : memref<!tpu.dma_semaphore, #tpu.memory_space<semaphore_mem>>)
      %add3A_327 = arith.constant 321024 : i32
      %add3A_328 = arith.addi %add3A_327, %mul3A_322 : i32
      %dma_start3A_329 = tpu.memref_slice %arg3[%add3A_328] : memref<642048xi32, #tpu.memory_space<hbm>> -> memref<88xi32, #tpu.memory_space<hbm>>
      %dma_start3A_330 = tpu.memref_slice %arg3[%add3A_328] : memref<642048xi32, #tpu.memory_space<hbm>> -> memref<88xi32, #tpu.memory_space<hbm>>
      tpu.enqueue_dma source(%dma_start3A_330 : memref<88xi32, #tpu.memory_space<hbm>>) target(%arg17 : memref<88xi32, #tpu.memory_space<vmem>>) target_semaphore(%arg21 : memref<!tpu.dma_semaphore, #tpu.memory_space<semaphore_mem>>)
      %ge3A_331 = arith.constant 2 : i32
      %ge3A_332 = arith.cmpi sge, %add3A_314, %ge3A_331 : i32
      %convert_element_type3A_333 = arith.extui %ge3A_332 : i1 to i32
      %cond3A_334 = arith.constant 0 : i32
      %cond3A_335 = arith.cmpi ne, %convert_element_type3A_333, %cond3A_334 : i32
      scf.if %cond3A_335 {
        %sub3A_341 = arith.constant 2 : i32
        %sub3A_342 = arith.subi %add3A_314, %sub3A_341 : i32
        %add3A_343 = arith.addi %select_n3A_122, %sub3A_342 : i32
        %mul3A_344 = arith.constant 88 : i32
        %mul3A_345 = arith.muli %add3A_343, %mul3A_344 : i32
        %add3A_346 = arith.constant 0 : i32
        %add3A_347 = arith.addi %add3A_346, %mul3A_345 : i32
        %dma_wait3A_348 = tpu.memref_slice %arg3[%add3A_347] : memref<642048xi32, #tpu.memory_space<hbm>> -> memref<88xi32, #tpu.memory_space<hbm>>
        %dma_wait3A_349 = tpu.memref_slice %arg3[%add3A_347] : memref<642048xi32, #tpu.memory_space<hbm>> -> memref<88xi32, #tpu.memory_space<hbm>>
        tpu.wait_dma2 semaphore(%arg19 : memref<!tpu.dma_semaphore, #tpu.memory_space<semaphore_mem>>) src(%dma_wait3A_349 : memref<88xi32, #tpu.memory_space<hbm>>) dst(%arg11 : memref<88xi32, #tpu.memory_space<vmem>>)
        %add3A_350 = arith.constant 321024 : i32
        %add3A_351 = arith.addi %add3A_350, %mul3A_345 : i32
        %dma_wait3A_352 = tpu.memref_slice %arg3[%add3A_351] : memref<642048xi32, #tpu.memory_space<hbm>> -> memref<88xi32, #tpu.memory_space<hbm>>
        %dma_wait3A_353 = tpu.memref_slice %arg3[%add3A_351] : memref<642048xi32, #tpu.memory_space<hbm>> -> memref<88xi32, #tpu.memory_space<hbm>>
        tpu.wait_dma2 semaphore(%arg19 : memref<!tpu.dma_semaphore, #tpu.memory_space<semaphore_mem>>) src(%dma_wait3A_353 : memref<88xi32, #tpu.memory_space<hbm>>) dst(%arg15 : memref<88xi32, #tpu.memory_space<vmem>>)
        %dma_start3A_354 = arith.constant 0 : i32
        %dma_start3A_355 = arith.constant 0 : i32
        %dma_start3A_356 = tpu.memref_slice %arg2[%dma_start3A_354, %dma_start3A_355] : memref<10000x128xf32, #tpu.memory_space<hbm>> -> memref<10000x128xf32, #tpu.memory_space<hbm>>
        tpu.enqueue_indirect_dma source(%dma_start3A_356 : memref<10000x128xf32, #tpu.memory_space<hbm>>) target(%arg7 : memref<88x128xf32, #tpu.memory_space<vmem>>) offsets(%arg11 : memref<88xi32, #tpu.memory_space<vmem>>) semaphore(%arg23 : memref<!tpu.dma_semaphore, #tpu.memory_space<semaphore_mem>>)
      } else {
      }
      %ge3A_336 = arith.constant 3 : i32
      %ge3A_337 = arith.cmpi sge, %add3A_314, %ge3A_336 : i32
      %convert_element_type3A_338 = arith.extui %ge3A_337 : i1 to i32
      %cond3A_339 = arith.constant 0 : i32
      %cond3A_340 = arith.cmpi ne, %convert_element_type3A_338, %cond3A_339 : i32
      scf.if %cond3A_340 {
        %dma_wait3A_341 = arith.constant 0 : i32
        %dma_wait3A_342 = arith.constant 0 : i32
        %dma_wait3A_343 = tpu.memref_slice %arg2[%dma_wait3A_341, %dma_wait3A_342] : memref<10000x128xf32, #tpu.memory_space<hbm>> -> memref<10000x128xf32, #tpu.memory_space<hbm>>
        tpu.wait_indirect_dma semaphore(%arg22 : memref<!tpu.dma_semaphore, #tpu.memory_space<semaphore_mem>>) src(%dma_wait3A_343 : memref<10000x128xf32, #tpu.memory_space<hbm>>) dst(%arg6 : memref<88x128xf32, #tpu.memory_space<vmem>>)
        %dma_start3A_344 = arith.constant 0 : i32
        %dma_start3A_345 = arith.constant 0 : i32
        %dma_start3A_346 = tpu.memref_slice %arg5[%dma_start3A_344, %dma_start3A_345] : memref<10016x128xf32, #tpu.memory_space<vmem_shared>> -> memref<10016x128xf32, #tpu.memory_space<vmem_shared>>
        tpu.enqueue_indirect_dma source(%arg6 : memref<88x128xf32, #tpu.memory_space<vmem>>) target(%dma_start3A_346 : memref<10016x128xf32, #tpu.memory_space<vmem_shared>>) offsets(%arg14 : memref<88xi32, #tpu.memory_space<vmem>>) semaphore(%arg26 : memref<!tpu.dma_semaphore, #tpu.memory_space<semaphore_mem>>) {add = true}
      } else {
      }
    }
    %sub3A_150 = arith.constant 2 : i32
    %sub3A_151 = arith.subi %select_n3A, %sub3A_150 : i32
    %add3A_152 = arith.constant 0 : i32
    %add3A_153 = arith.addi %sub3A_151, %add3A_152 : i32
    %add3A_154 = arith.addi %select_n3A_122, %add3A_153 : i32
    %mul3A_155 = arith.constant 88 : i32
    %mul3A_156 = arith.muli %add3A_154, %mul3A_155 : i32
    %add3A_157 = arith.constant 0 : i32
    %add3A_158 = arith.addi %add3A_157, %mul3A_156 : i32
    %dma_wait3A_159 = tpu.memref_slice %arg3[%add3A_158] : memref<642048xi32, #tpu.memory_space<hbm>> -> memref<88xi32, #tpu.memory_space<hbm>>
    %dma_wait3A_160 = tpu.memref_slice %arg3[%add3A_158] : memref<642048xi32, #tpu.memory_space<hbm>> -> memref<88xi32, #tpu.memory_space<hbm>>
    tpu.wait_dma2 semaphore(%arg20 : memref<!tpu.dma_semaphore, #tpu.memory_space<semaphore_mem>>) src(%dma_wait3A_160 : memref<88xi32, #tpu.memory_space<hbm>>) dst(%arg12 : memref<88xi32, #tpu.memory_space<vmem>>)
    %add3A_161 = arith.constant 321024 : i32
    %add3A_162 = arith.addi %add3A_161, %mul3A_156 : i32
    %dma_wait3A_163 = tpu.memref_slice %arg3[%add3A_162] : memref<642048xi32, #tpu.memory_space<hbm>> -> memref<88xi32, #tpu.memory_space<hbm>>
    %dma_wait3A_164 = tpu.memref_slice %arg3[%add3A_162] : memref<642048xi32, #tpu.memory_space<hbm>> -> memref<88xi32, #tpu.memory_space<hbm>>
    tpu.wait_dma2 semaphore(%arg20 : memref<!tpu.dma_semaphore, #tpu.memory_space<semaphore_mem>>) src(%dma_wait3A_164 : memref<88xi32, #tpu.memory_space<hbm>>) dst(%arg16 : memref<88xi32, #tpu.memory_space<vmem>>)
    %dma_start3A_165 = arith.constant 0 : i32
    %dma_start3A_166 = arith.constant 0 : i32
    %dma_start3A_167 = tpu.memref_slice %arg2[%dma_start3A_165, %dma_start3A_166] : memref<10000x128xf32, #tpu.memory_space<hbm>> -> memref<10000x128xf32, #tpu.memory_space<hbm>>
    tpu.enqueue_indirect_dma source(%dma_start3A_167 : memref<10000x128xf32, #tpu.memory_space<hbm>>) target(%arg8 : memref<88x128xf32, #tpu.memory_space<vmem>>) offsets(%arg12 : memref<88xi32, #tpu.memory_space<vmem>>) semaphore(%arg24 : memref<!tpu.dma_semaphore, #tpu.memory_space<semaphore_mem>>)
    %sub3A_168 = arith.constant 2 : i32
    %sub3A_169 = arith.subi %select_n3A, %sub3A_168 : i32
    %add3A_170 = arith.constant 1 : i32
    %add3A_171 = arith.addi %sub3A_169, %add3A_170 : i32
    %add3A_172 = arith.addi %select_n3A_122, %add3A_171 : i32
    %mul3A_173 = arith.constant 88 : i32
    %mul3A_174 = arith.muli %add3A_172, %mul3A_173 : i32
    %add3A_175 = arith.constant 0 : i32
    %add3A_176 = arith.addi %add3A_175, %mul3A_174 : i32
    %dma_wait3A_177 = tpu.memref_slice %arg3[%add3A_176] : memref<642048xi32, #tpu.memory_space<hbm>> -> memref<88xi32, #tpu.memory_space<hbm>>
    %dma_wait3A_178 = tpu.memref_slice %arg3[%add3A_176] : memref<642048xi32, #tpu.memory_space<hbm>> -> memref<88xi32, #tpu.memory_space<hbm>>
    tpu.wait_dma2 semaphore(%arg21 : memref<!tpu.dma_semaphore, #tpu.memory_space<semaphore_mem>>) src(%dma_wait3A_178 : memref<88xi32, #tpu.memory_space<hbm>>) dst(%arg13 : memref<88xi32, #tpu.memory_space<vmem>>)
    %add3A_179 = arith.constant 321024 : i32
    %add3A_180 = arith.addi %add3A_179, %mul3A_174 : i32
    %dma_wait3A_181 = tpu.memref_slice %arg3[%add3A_180] : memref<642048xi32, #tpu.memory_space<hbm>> -> memref<88xi32, #tpu.memory_space<hbm>>
    %dma_wait3A_182 = tpu.memref_slice %arg3[%add3A_180] : memref<642048xi32, #tpu.memory_space<hbm>> -> memref<88xi32, #tpu.memory_space<hbm>>
    tpu.wait_dma2 semaphore(%arg21 : memref<!tpu.dma_semaphore, #tpu.memory_space<semaphore_mem>>) src(%dma_wait3A_182 : memref<88xi32, #tpu.memory_space<hbm>>) dst(%arg17 : memref<88xi32, #tpu.memory_space<vmem>>)
    %dma_start3A_183 = arith.constant 0 : i32
    %dma_start3A_184 = arith.constant 0 : i32
    %dma_start3A_185 = tpu.memref_slice %arg2[%dma_start3A_183, %dma_start3A_184] : memref<10000x128xf32, #tpu.memory_space<hbm>> -> memref<10000x128xf32, #tpu.memory_space<hbm>>
    tpu.enqueue_indirect_dma source(%dma_start3A_185 : memref<10000x128xf32, #tpu.memory_space<hbm>>) target(%arg9 : memref<88x128xf32, #tpu.memory_space<vmem>>) offsets(%arg13 : memref<88xi32, #tpu.memory_space<vmem>>) semaphore(%arg25 : memref<!tpu.dma_semaphore, #tpu.memory_space<semaphore_mem>>)
    %dma_wait3A_186 = arith.constant 0 : i32
    %dma_wait3A_187 = arith.constant 0 : i32
    %dma_wait3A_188 = tpu.memref_slice %arg5[%dma_wait3A_186, %dma_wait3A_187] : memref<10016x128xf32, #tpu.memory_space<vmem_shared>> -> memref<10016x128xf32, #tpu.memory_space<vmem_shared>>
    tpu.wait_indirect_dma semaphore(%arg26 : memref<!tpu.dma_semaphore, #tpu.memory_space<semaphore_mem>>) src(%arg6 : memref<88x128xf32, #tpu.memory_space<vmem>>) dst(%dma_wait3A_188 : memref<10016x128xf32, #tpu.memory_space<vmem_shared>>)
    %dma_wait3A_189 = arith.constant 0 : i32
    %dma_wait3A_190 = arith.constant 0 : i32
    %dma_wait3A_191 = tpu.memref_slice %arg2[%dma_wait3A_189, %dma_wait3A_190] : memref<10000x128xf32, #tpu.memory_space<hbm>> -> memref<10000x128xf32, #tpu.memory_space<hbm>>
    tpu.wait_indirect_dma semaphore(%arg23 : memref<!tpu.dma_semaphore, #tpu.memory_space<semaphore_mem>>) src(%dma_wait3A_191 : memref<10000x128xf32, #tpu.memory_space<hbm>>) dst(%arg7 : memref<88x128xf32, #tpu.memory_space<vmem>>)
    %dma_start3A_192 = arith.constant 0 : i32
    %dma_start3A_193 = arith.constant 0 : i32
    %dma_start3A_194 = tpu.memref_slice %arg5[%dma_start3A_192, %dma_start3A_193] : memref<10016x128xf32, #tpu.memory_space<vmem_shared>> -> memref<10016x128xf32, #tpu.memory_space<vmem_shared>>
    tpu.enqueue_indirect_dma source(%arg7 : memref<88x128xf32, #tpu.memory_space<vmem>>) target(%dma_start3A_194 : memref<10016x128xf32, #tpu.memory_space<vmem_shared>>) offsets(%arg15 : memref<88xi32, #tpu.memory_space<vmem>>) semaphore(%arg27 : memref<!tpu.dma_semaphore, #tpu.memory_space<semaphore_mem>>) {add = true}
    %dma_wait3A_195 = arith.constant 0 : i32
    %dma_wait3A_196 = arith.constant 0 : i32
    %dma_wait3A_197 = tpu.memref_slice %arg5[%dma_wait3A_195, %dma_wait3A_196] : memref<10016x128xf32, #tpu.memory_space<vmem_shared>> -> memref<10016x128xf32, #tpu.memory_space<vmem_shared>>
    tpu.wait_indirect_dma semaphore(%arg27 : memref<!tpu.dma_semaphore, #tpu.memory_space<semaphore_mem>>) src(%arg7 : memref<88x128xf32, #tpu.memory_space<vmem>>) dst(%dma_wait3A_197 : memref<10016x128xf32, #tpu.memory_space<vmem_shared>>)
    %dma_wait3A_198 = arith.constant 0 : i32
    %dma_wait3A_199 = arith.constant 0 : i32
    %dma_wait3A_200 = tpu.memref_slice %arg2[%dma_wait3A_198, %dma_wait3A_199] : memref<10000x128xf32, #tpu.memory_space<hbm>> -> memref<10000x128xf32, #tpu.memory_space<hbm>>
    tpu.wait_indirect_dma semaphore(%arg24 : memref<!tpu.dma_semaphore, #tpu.memory_space<semaphore_mem>>) src(%dma_wait3A_200 : memref<10000x128xf32, #tpu.memory_space<hbm>>) dst(%arg8 : memref<88x128xf32, #tpu.memory_space<vmem>>)
    %dma_start3A_201 = arith.constant 0 : i32
    %dma_start3A_202 = arith.constant 0 : i32
    %dma_start3A_203 = tpu.memref_slice %arg5[%dma_start3A_201, %dma_start3A_202] : memref<10016x128xf32, #tpu.memory_space<vmem_shared>> -> memref<10016x128xf32, #tpu.memory_space<vmem_shared>>
    tpu.enqueue_indirect_dma source(%arg8 : memref<88x128xf32, #tpu.memory_space<vmem>>) target(%dma_start3A_203 : memref<10016x128xf32, #tpu.memory_space<vmem_shared>>) offsets(%arg16 : memref<88xi32, #tpu.memory_space<vmem>>) semaphore(%arg28 : memref<!tpu.dma_semaphore, #tpu.memory_space<semaphore_mem>>) {add = true}
    %dma_wait3A_204 = arith.constant 0 : i32
    %dma_wait3A_205 = arith.constant 0 : i32
    %dma_wait3A_206 = tpu.memref_slice %arg5[%dma_wait3A_204, %dma_wait3A_205] : memref<10016x128xf32, #tpu.memory_space<vmem_shared>> -> memref<10016x128xf32, #tpu.memory_space<vmem_shared>>
    tpu.wait_indirect_dma semaphore(%arg28 : memref<!tpu.dma_semaphore, #tpu.memory_space<semaphore_mem>>) src(%arg8 : memref<88x128xf32, #tpu.memory_space<vmem>>) dst(%dma_wait3A_206 : memref<10016x128xf32, #tpu.memory_space<vmem_shared>>)
    %dma_wait3A_207 = arith.constant 0 : i32
    %dma_wait3A_208 = arith.constant 0 : i32
    %dma_wait3A_209 = tpu.memref_slice %arg2[%dma_wait3A_207, %dma_wait3A_208] : memref<10000x128xf32, #tpu.memory_space<hbm>> -> memref<10000x128xf32, #tpu.memory_space<hbm>>
    tpu.wait_indirect_dma semaphore(%arg25 : memref<!tpu.dma_semaphore, #tpu.memory_space<semaphore_mem>>) src(%dma_wait3A_209 : memref<10000x128xf32, #tpu.memory_space<hbm>>) dst(%arg9 : memref<88x128xf32, #tpu.memory_space<vmem>>)
    %dma_start3A_210 = arith.constant 0 : i32
    %dma_start3A_211 = arith.constant 0 : i32
    %dma_start3A_212 = tpu.memref_slice %arg5[%dma_start3A_210, %dma_start3A_211] : memref<10016x128xf32, #tpu.memory_space<vmem_shared>> -> memref<10016x128xf32, #tpu.memory_space<vmem_shared>>
    tpu.enqueue_indirect_dma source(%arg9 : memref<88x128xf32, #tpu.memory_space<vmem>>) target(%dma_start3A_212 : memref<10016x128xf32, #tpu.memory_space<vmem_shared>>) offsets(%arg17 : memref<88xi32, #tpu.memory_space<vmem>>) semaphore(%arg29 : memref<!tpu.dma_semaphore, #tpu.memory_space<semaphore_mem>>) {add = true}
    %dma_wait3A_213 = arith.constant 0 : i32
    %dma_wait3A_214 = arith.constant 0 : i32
    %dma_wait3A_215 = tpu.memref_slice %arg5[%dma_wait3A_213, %dma_wait3A_214] : memref<10016x128xf32, #tpu.memory_space<vmem_shared>> -> memref<10016x128xf32, #tpu.memory_space<vmem_shared>>
    tpu.wait_indirect_dma semaphore(%arg29 : memref<!tpu.dma_semaphore, #tpu.memory_space<semaphore_mem>>) src(%arg9 : memref<88x128xf32, #tpu.memory_space<vmem>>) dst(%dma_wait3A_215 : memref<10016x128xf32, #tpu.memory_space<vmem_shared>>)
    %barrier3A_216 = arith.constant 0 : index
    tpu.barrier barrier_id(%barrier3A_216)
    %mul3A_217 = arith.constant 624 : i32
    %mul3A_218 = arith.muli %arg1, %mul3A_217 : i32
    "tpu.region"() ({
      %run_scoped3A = tpu.sem_alloc : memref<!tpu.dma_semaphore, #tpu.memory_space<semaphore_mem>>
      %dma_start3A_222 = arith.constant 0 : i32
      %dma_start3A_223 = tpu.memref_slice %arg4[%arg0, %mul3A_218, %dma_start3A_222] : memref<2x10000x128xf32, #tpu.memory_space<hbm>> -> memref<1x624x128xf32, #tpu.memory_space<hbm>>
      %dma_start3A_224 = tpu.memref_squeeze %dma_start3A_223 : memref<1x624x128xf32, #tpu.memory_space<hbm>> -> memref<624x128xf32, #tpu.memory_space<hbm>>
      %dma_start3A_225 = arith.constant 0 : i32
      %dma_start3A_226 = tpu.memref_slice %arg5[%mul3A_218, %dma_start3A_225] : memref<10016x128xf32, #tpu.memory_space<vmem_shared>> -> memref<624x128xf32, #tpu.memory_space<vmem_shared>>
      tpu.enqueue_dma source(%dma_start3A_226 : memref<624x128xf32, #tpu.memory_space<vmem_shared>>) target(%dma_start3A_224 : memref<624x128xf32, #tpu.memory_space<hbm>>) target_semaphore(%run_scoped3A : memref<!tpu.dma_semaphore, #tpu.memory_space<semaphore_mem>>)
      %dma_wait3A_227 = arith.constant 0 : i32
      %dma_wait3A_228 = tpu.memref_slice %arg4[%arg0, %mul3A_218, %dma_wait3A_227] : memref<2x10000x128xf32, #tpu.memory_space<hbm>> -> memref<1x624x128xf32, #tpu.memory_space<hbm>>
      %dma_wait3A_229 = tpu.memref_squeeze %dma_wait3A_228 : memref<1x624x128xf32, #tpu.memory_space<hbm>> -> memref<624x128xf32, #tpu.memory_space<hbm>>
      %dma_wait3A_230 = arith.constant 0 : i32
      %dma_wait3A_231 = tpu.memref_slice %arg5[%mul3A_218, %dma_wait3A_230] : memref<10016x128xf32, #tpu.memory_space<vmem_shared>> -> memref<624x128xf32, #tpu.memory_space<vmem_shared>>
      tpu.wait_dma2 semaphore(%run_scoped3A : memref<!tpu.dma_semaphore, #tpu.memory_space<semaphore_mem>>) src(%dma_wait3A_231 : memref<624x128xf32, #tpu.memory_space<vmem_shared>>) dst(%dma_wait3A_229 : memref<624x128xf32, #tpu.memory_space<hbm>>)
      tpu.yield
    }) : () -> ()
    %eq3A_219 = arith.constant 15 : i32
    %eq3A_220 = arith.cmpi eq, %arg1, %eq3A_219 : i32
    %convert_element_type3A = arith.extui %eq3A_220 : i1 to i32
    %cond3A = arith.constant 0 : i32
    %cond3A_221 = arith.cmpi ne, %convert_element_type3A, %cond3A : i32
    scf.if %cond3A_221 {
      "tpu.region"() ({
        %run_scoped3A = tpu.sem_alloc : memref<!tpu.dma_semaphore, #tpu.memory_space<semaphore_mem>>
        %dma_start3A_222 = arith.constant 9984 : i32
        %dma_start3A_223 = arith.constant 0 : i32
        %dma_start3A_224 = tpu.memref_slice %arg4[%arg0, %dma_start3A_222, %dma_start3A_223] : memref<2x10000x128xf32, #tpu.memory_space<hbm>> -> memref<1x16x128xf32, #tpu.memory_space<hbm>>
        %dma_start3A_225 = tpu.memref_squeeze %dma_start3A_224 : memref<1x16x128xf32, #tpu.memory_space<hbm>> -> memref<16x128xf32, #tpu.memory_space<hbm>>
        %dma_start3A_226 = arith.constant 9984 : i32
        %dma_start3A_227 = arith.constant 0 : i32
        %dma_start3A_228 = tpu.memref_slice %arg5[%dma_start3A_226, %dma_start3A_227] : memref<10016x128xf32, #tpu.memory_space<vmem_shared>> -> memref<16x128xf32, #tpu.memory_space<vmem_shared>>
        tpu.enqueue_dma source(%dma_start3A_228 : memref<16x128xf32, #tpu.memory_space<vmem_shared>>) target(%dma_start3A_225 : memref<16x128xf32, #tpu.memory_space<hbm>>) target_semaphore(%run_scoped3A : memref<!tpu.dma_semaphore, #tpu.memory_space<semaphore_mem>>)
        %dma_wait3A_229 = arith.constant 9984 : i32
        %dma_wait3A_230 = arith.constant 0 : i32
        %dma_wait3A_231 = tpu.memref_slice %arg4[%arg0, %dma_wait3A_229, %dma_wait3A_230] : memref<2x10000x128xf32, #tpu.memory_space<hbm>> -> memref<1x16x128xf32, #tpu.memory_space<hbm>>
        %dma_wait3A_232 = tpu.memref_squeeze %dma_wait3A_231 : memref<1x16x128xf32, #tpu.memory_space<hbm>> -> memref<16x128xf32, #tpu.memory_space<hbm>>
        %dma_wait3A_233 = arith.constant 9984 : i32
        %dma_wait3A_234 = arith.constant 0 : i32
        %dma_wait3A_235 = tpu.memref_slice %arg5[%dma_wait3A_233, %dma_wait3A_234] : memref<10016x128xf32, #tpu.memory_space<vmem_shared>> -> memref<16x128xf32, #tpu.memory_space<vmem_shared>>
        tpu.wait_dma2 semaphore(%run_scoped3A : memref<!tpu.dma_semaphore, #tpu.memory_space<semaphore_mem>>) src(%dma_wait3A_235 : memref<16x128xf32, #tpu.memory_space<vmem_shared>>) dst(%dma_wait3A_232 : memref<16x128xf32, #tpu.memory_space<hbm>>)
        tpu.yield
      }) : () -> ()
    } else {
    }
    return
  }
}

#map = affine_map<(d0, d1) -> (0, 0)>
#map1 = affine_map<(d0, d1) -> (0)>
#map2 = affine_map<(d0, d1) -> (0, 0, 0)>
module attributes {stable_mosaic.version = 14 : i64} {
  func.func @seg(%arg0: i32, %arg1: i32, %arg2: memref<10016x128xf32, #tpu.memory_space<hbm>>, %arg3: memref<202752xi32, #tpu.memory_space<hbm>>, %arg4: memref<2x10000x128xf32, #tpu.memory_space<hbm>>, %arg5: memref<10016x128xf32, #tpu.memory_space<vmem_shared>>, %arg6: memref<88x128xf32, #tpu.memory_space<vmem>>, %arg7: memref<88x128xf32, #tpu.memory_space<vmem>>, %arg8: memref<88x128xf32, #tpu.memory_space<vmem>>, %arg9: memref<88x128xf32, #tpu.memory_space<vmem>>, %arg10: memref<88xi32, #tpu.memory_space<vmem>>, %arg11: memref<88xi32, #tpu.memory_space<vmem>>, %arg12: memref<88xi32, #tpu.memory_space<vmem>>, %arg13: memref<88xi32, #tpu.memory_space<vmem>>, %arg14: memref<88xi32, #tpu.memory_space<vmem>>, %arg15: memref<88xi32, #tpu.memory_space<vmem>>, %arg16: memref<88xi32, #tpu.memory_space<vmem>>, %arg17: memref<88xi32, #tpu.memory_space<vmem>>, %arg18: memref<!tpu.dma_semaphore, #tpu.memory_space<semaphore_mem>>, %arg19: memref<!tpu.dma_semaphore, #tpu.memory_space<semaphore_mem>>, %arg20: memref<!tpu.dma_semaphore, #tpu.memory_space<semaphore_mem>>, %arg21: memref<!tpu.dma_semaphore, #tpu.memory_space<semaphore_mem>>, %arg22: memref<!tpu.dma_semaphore, #tpu.memory_space<semaphore_mem>>, %arg23: memref<!tpu.dma_semaphore, #tpu.memory_space<semaphore_mem>>, %arg24: memref<!tpu.dma_semaphore, #tpu.memory_space<semaphore_mem>>, %arg25: memref<!tpu.dma_semaphore, #tpu.memory_space<semaphore_mem>>, %arg26: memref<!tpu.dma_semaphore, #tpu.memory_space<semaphore_mem>>, %arg27: memref<!tpu.dma_semaphore, #tpu.memory_space<semaphore_mem>>, %arg28: memref<!tpu.dma_semaphore, #tpu.memory_space<semaphore_mem>>, %arg29: memref<!tpu.dma_semaphore, #tpu.memory_space<semaphore_mem>>) attributes {dimension_semantics = [#tpu.dimension_semantics<core_parallel>, #tpu.dimension_semantics<subcore_parallel>], iteration_bounds = array<i64: 2, 16>, scalar_prefetch = 0 : i64, scratch_operands = 25 : i64, tpu.core_type = #tpu.core_type<sc_vector_subcore>, window_params = [{transform_indices = #map}, {transform_indices = #map1}, {transform_indices = #map2}]} {
    %broadcast_in_dim3A = arith.constant 0.000000e+00 : f32
    %broadcast_in_dim3A_0 = vector.broadcast %broadcast_in_dim3A : f32 to vector<16xf32>
    %scan3A = arith.constant 0 : i32
    %scan3A_1 = arith.constant 0 : i32
    %scan3A_2 = arith.constant 88 : i32
    %scan3A_3 = arith.addi %scan3A_1, %scan3A_2 : i32
    %scan3A_4 = arith.constant 1 : i32
    scf.for %scan3A_222 = %scan3A_1 to %scan3A_3 step %scan3A_4  : i32 {
      %swap3A = arith.index_cast %scan3A_222 : i32 to index
      %swap3A_223 = arith.constant 0 : index
      %swap3A_224 = tpu.vector_load %arg6[%swap3A, %swap3A_223] {strides = array<i32>} : memref<88x128xf32, #tpu.memory_space<vmem>>, vector<1x16xf32>,
      %swap3A_225 = vector.shape_cast %swap3A_224 : vector<1x16xf32> to vector<16xf32>
      %swap3A_226 = vector.shape_cast %broadcast_in_dim3A_0 : vector<16xf32> to vector<1x16xf32>
      tpu.vector_store %arg6[%swap3A, %swap3A_223], %swap3A_226 {strides = array<i32>} : memref<88x128xf32, #tpu.memory_space<vmem>>, vector<1x16xf32>,
      %swap3A_227 = arith.index_cast %scan3A_222 : i32 to index
      %swap3A_228 = arith.constant 16 : index
      %swap3A_229 = tpu.vector_load %arg6[%swap3A_227, %swap3A_228] {strides = array<i32>} : memref<88x128xf32, #tpu.memory_space<vmem>>, vector<1x16xf32>,
      %swap3A_230 = vector.shape_cast %swap3A_229 : vector<1x16xf32> to vector<16xf32>
      %swap3A_231 = vector.shape_cast %broadcast_in_dim3A_0 : vector<16xf32> to vector<1x16xf32>
      tpu.vector_store %arg6[%swap3A_227, %swap3A_228], %swap3A_231 {strides = array<i32>} : memref<88x128xf32, #tpu.memory_space<vmem>>, vector<1x16xf32>,
      %swap3A_232 = arith.index_cast %scan3A_222 : i32 to index
      %swap3A_233 = arith.constant 32 : index
      %swap3A_234 = tpu.vector_load %arg6[%swap3A_232, %swap3A_233] {strides = array<i32>} : memref<88x128xf32, #tpu.memory_space<vmem>>, vector<1x16xf32>,
      %swap3A_235 = vector.shape_cast %swap3A_234 : vector<1x16xf32> to vector<16xf32>
      %swap3A_236 = vector.shape_cast %broadcast_in_dim3A_0 : vector<16xf32> to vector<1x16xf32>
      tpu.vector_store %arg6[%swap3A_232, %swap3A_233], %swap3A_236 {strides = array<i32>} : memref<88x128xf32, #tpu.memory_space<vmem>>, vector<1x16xf32>,
      %swap3A_237 = arith.index_cast %scan3A_222 : i32 to index
      %swap3A_238 = arith.constant 48 : index
      %swap3A_239 = tpu.vector_load %arg6[%swap3A_237, %swap3A_238] {strides = array<i32>} : memref<88x128xf32, #tpu.memory_space<vmem>>, vector<1x16xf32>,
      %swap3A_240 = vector.shape_cast %swap3A_239 : vector<1x16xf32> to vector<16xf32>
      %swap3A_241 = vector.shape_cast %broadcast_in_dim3A_0 : vector<16xf32> to vector<1x16xf32>
      tpu.vector_store %arg6[%swap3A_237, %swap3A_238], %swap3A_241 {strides = array<i32>} : memref<88x128xf32, #tpu.memory_space<vmem>>, vector<1x16xf32>,
      %swap3A_242 = arith.index_cast %scan3A_222 : i32 to index
      %swap3A_243 = arith.constant 64 : index
      %swap3A_244 = tpu.vector_load %arg6[%swap3A_242, %swap3A_243] {strides = array<i32>} : memref<88x128xf32, #tpu.memory_space<vmem>>, vector<1x16xf32>,
      %swap3A_245 = vector.shape_cast %swap3A_244 : vector<1x16xf32> to vector<16xf32>
      %swap3A_246 = vector.shape_cast %broadcast_in_dim3A_0 : vector<16xf32> to vector<1x16xf32>
      tpu.vector_store %arg6[%swap3A_242, %swap3A_243], %swap3A_246 {strides = array<i32>} : memref<88x128xf32, #tpu.memory_space<vmem>>, vector<1x16xf32>,
      %swap3A_247 = arith.index_cast %scan3A_222 : i32 to index
      %swap3A_248 = arith.constant 80 : index
      %swap3A_249 = tpu.vector_load %arg6[%swap3A_247, %swap3A_248] {strides = array<i32>} : memref<88x128xf32, #tpu.memory_space<vmem>>, vector<1x16xf32>,
      %swap3A_250 = vector.shape_cast %swap3A_249 : vector<1x16xf32> to vector<16xf32>
      %swap3A_251 = vector.shape_cast %broadcast_in_dim3A_0 : vector<16xf32> to vector<1x16xf32>
      tpu.vector_store %arg6[%swap3A_247, %swap3A_248], %swap3A_251 {strides = array<i32>} : memref<88x128xf32, #tpu.memory_space<vmem>>, vector<1x16xf32>,
      %swap3A_252 = arith.index_cast %scan3A_222 : i32 to index
      %swap3A_253 = arith.constant 96 : index
      %swap3A_254 = tpu.vector_load %arg6[%swap3A_252, %swap3A_253] {strides = array<i32>} : memref<88x128xf32, #tpu.memory_space<vmem>>, vector<1x16xf32>,
      %swap3A_255 = vector.shape_cast %swap3A_254 : vector<1x16xf32> to vector<16xf32>
      %swap3A_256 = vector.shape_cast %broadcast_in_dim3A_0 : vector<16xf32> to vector<1x16xf32>
      tpu.vector_store %arg6[%swap3A_252, %swap3A_253], %swap3A_256 {strides = array<i32>} : memref<88x128xf32, #tpu.memory_space<vmem>>, vector<1x16xf32>,
      %swap3A_257 = arith.index_cast %scan3A_222 : i32 to index
      %swap3A_258 = arith.constant 112 : index
      %swap3A_259 = tpu.vector_load %arg6[%swap3A_257, %swap3A_258] {strides = array<i32>} : memref<88x128xf32, #tpu.memory_space<vmem>>, vector<1x16xf32>,
      %swap3A_260 = vector.shape_cast %swap3A_259 : vector<1x16xf32> to vector<16xf32>
      %swap3A_261 = vector.shape_cast %broadcast_in_dim3A_0 : vector<16xf32> to vector<1x16xf32>
      tpu.vector_store %arg6[%swap3A_257, %swap3A_258], %swap3A_261 {strides = array<i32>} : memref<88x128xf32, #tpu.memory_space<vmem>>, vector<1x16xf32>,
    }
    %scan3A_5 = arith.constant 88 : i32
    %mul3A = arith.constant 626 : i32
    %mul3A_6 = arith.muli %arg1, %mul3A : i32
    %add3A = arith.constant 0 : i32
    %add3A_7 = arith.addi %mul3A_6, %add3A : i32
    %dma_start3A = arith.constant 0 : i32
    %dma_start3A_8 = tpu.memref_slice %arg5[%add3A_7, %dma_start3A] : memref<10016x128xf32, #tpu.memory_space<vmem_shared>> -> memref<88x128xf32, #tpu.memory_space<vmem_shared>>
    %dma_start3A_9 = arith.constant 0 : i32
    %dma_start3A_10 = tpu.memref_slice %arg5[%add3A_7, %dma_start3A_9] : memref<10016x128xf32, #tpu.memory_space<vmem_shared>> -> memref<88x128xf32, #tpu.memory_space<vmem_shared>>
    tpu.enqueue_dma source(%arg6 : memref<88x128xf32, #tpu.memory_space<vmem>>) target(%dma_start3A_10 : memref<88x128xf32, #tpu.memory_space<vmem_shared>>) target_semaphore(%arg18 : memref<!tpu.dma_semaphore, #tpu.memory_space<semaphore_mem>>)
    %add3A_11 = arith.constant 88 : i32
    %add3A_12 = arith.addi %mul3A_6, %add3A_11 : i32
    %dma_start3A_13 = arith.constant 0 : i32
    %dma_start3A_14 = tpu.memref_slice %arg5[%add3A_12, %dma_start3A_13] : memref<10016x128xf32, #tpu.memory_space<vmem_shared>> -> memref<88x128xf32, #tpu.memory_space<vmem_shared>>
    %dma_start3A_15 = arith.constant 0 : i32
    %dma_start3A_16 = tpu.memref_slice %arg5[%add3A_12, %dma_start3A_15] : memref<10016x128xf32, #tpu.memory_space<vmem_shared>> -> memref<88x128xf32, #tpu.memory_space<vmem_shared>>
    tpu.enqueue_dma source(%arg6 : memref<88x128xf32, #tpu.memory_space<vmem>>) target(%dma_start3A_16 : memref<88x128xf32, #tpu.memory_space<vmem_shared>>) target_semaphore(%arg18 : memref<!tpu.dma_semaphore, #tpu.memory_space<semaphore_mem>>)
    %add3A_17 = arith.constant 176 : i32
    %add3A_18 = arith.addi %mul3A_6, %add3A_17 : i32
    %dma_start3A_19 = arith.constant 0 : i32
    %dma_start3A_20 = tpu.memref_slice %arg5[%add3A_18, %dma_start3A_19] : memref<10016x128xf32, #tpu.memory_space<vmem_shared>> -> memref<88x128xf32, #tpu.memory_space<vmem_shared>>
    %dma_start3A_21 = arith.constant 0 : i32
    %dma_start3A_22 = tpu.memref_slice %arg5[%add3A_18, %dma_start3A_21] : memref<10016x128xf32, #tpu.memory_space<vmem_shared>> -> memref<88x128xf32, #tpu.memory_space<vmem_shared>>
    tpu.enqueue_dma source(%arg6 : memref<88x128xf32, #tpu.memory_space<vmem>>) target(%dma_start3A_22 : memref<88x128xf32, #tpu.memory_space<vmem_shared>>) target_semaphore(%arg18 : memref<!tpu.dma_semaphore, #tpu.memory_space<semaphore_mem>>)
    %add3A_23 = arith.constant 264 : i32
    %add3A_24 = arith.addi %mul3A_6, %add3A_23 : i32
    %dma_start3A_25 = arith.constant 0 : i32
    %dma_start3A_26 = tpu.memref_slice %arg5[%add3A_24, %dma_start3A_25] : memref<10016x128xf32, #tpu.memory_space<vmem_shared>> -> memref<88x128xf32, #tpu.memory_space<vmem_shared>>
    %dma_start3A_27 = arith.constant 0 : i32
    %dma_start3A_28 = tpu.memref_slice %arg5[%add3A_24, %dma_start3A_27] : memref<10016x128xf32, #tpu.memory_space<vmem_shared>> -> memref<88x128xf32, #tpu.memory_space<vmem_shared>>
    tpu.enqueue_dma source(%arg6 : memref<88x128xf32, #tpu.memory_space<vmem>>) target(%dma_start3A_28 : memref<88x128xf32, #tpu.memory_space<vmem_shared>>) target_semaphore(%arg18 : memref<!tpu.dma_semaphore, #tpu.memory_space<semaphore_mem>>)
    %add3A_29 = arith.constant 352 : i32
    %add3A_30 = arith.addi %mul3A_6, %add3A_29 : i32
    %dma_start3A_31 = arith.constant 0 : i32
    %dma_start3A_32 = tpu.memref_slice %arg5[%add3A_30, %dma_start3A_31] : memref<10016x128xf32, #tpu.memory_space<vmem_shared>> -> memref<88x128xf32, #tpu.memory_space<vmem_shared>>
    %dma_start3A_33 = arith.constant 0 : i32
    %dma_start3A_34 = tpu.memref_slice %arg5[%add3A_30, %dma_start3A_33] : memref<10016x128xf32, #tpu.memory_space<vmem_shared>> -> memref<88x128xf32, #tpu.memory_space<vmem_shared>>
    tpu.enqueue_dma source(%arg6 : memref<88x128xf32, #tpu.memory_space<vmem>>) target(%dma_start3A_34 : memref<88x128xf32, #tpu.memory_space<vmem_shared>>) target_semaphore(%arg18 : memref<!tpu.dma_semaphore, #tpu.memory_space<semaphore_mem>>)
    %add3A_35 = arith.constant 440 : i32
    %add3A_36 = arith.addi %mul3A_6, %add3A_35 : i32
    %dma_start3A_37 = arith.constant 0 : i32
    %dma_start3A_38 = tpu.memref_slice %arg5[%add3A_36, %dma_start3A_37] : memref<10016x128xf32, #tpu.memory_space<vmem_shared>> -> memref<88x128xf32, #tpu.memory_space<vmem_shared>>
    %dma_start3A_39 = arith.constant 0 : i32
    %dma_start3A_40 = tpu.memref_slice %arg5[%add3A_36, %dma_start3A_39] : memref<10016x128xf32, #tpu.memory_space<vmem_shared>> -> memref<88x128xf32, #tpu.memory_space<vmem_shared>>
    tpu.enqueue_dma source(%arg6 : memref<88x128xf32, #tpu.memory_space<vmem>>) target(%dma_start3A_40 : memref<88x128xf32, #tpu.memory_space<vmem_shared>>) target_semaphore(%arg18 : memref<!tpu.dma_semaphore, #tpu.memory_space<semaphore_mem>>)
    %add3A_41 = arith.constant 528 : i32
    %add3A_42 = arith.addi %mul3A_6, %add3A_41 : i32
    %dma_start3A_43 = arith.constant 0 : i32
    %dma_start3A_44 = tpu.memref_slice %arg5[%add3A_42, %dma_start3A_43] : memref<10016x128xf32, #tpu.memory_space<vmem_shared>> -> memref<88x128xf32, #tpu.memory_space<vmem_shared>>
    %dma_start3A_45 = arith.constant 0 : i32
    %dma_start3A_46 = tpu.memref_slice %arg5[%add3A_42, %dma_start3A_45] : memref<10016x128xf32, #tpu.memory_space<vmem_shared>> -> memref<88x128xf32, #tpu.memory_space<vmem_shared>>
    tpu.enqueue_dma source(%arg6 : memref<88x128xf32, #tpu.memory_space<vmem>>) target(%dma_start3A_46 : memref<88x128xf32, #tpu.memory_space<vmem_shared>>) target_semaphore(%arg18 : memref<!tpu.dma_semaphore, #tpu.memory_space<semaphore_mem>>)
    %add3A_47 = arith.constant 616 : i32
    %add3A_48 = arith.addi %mul3A_6, %add3A_47 : i32
    %dma_start3A_49 = arith.constant 0 : i32
    %dma_start3A_50 = arith.constant 0 : i32
    %dma_start3A_51 = tpu.memref_slice %arg6[%dma_start3A_49, %dma_start3A_50] : memref<88x128xf32, #tpu.memory_space<vmem>> -> memref<10x128xf32, #tpu.memory_space<vmem>>
    %dma_start3A_52 = arith.constant 0 : i32
    %dma_start3A_53 = tpu.memref_slice %arg5[%add3A_48, %dma_start3A_52] : memref<10016x128xf32, #tpu.memory_space<vmem_shared>> -> memref<10x128xf32, #tpu.memory_space<vmem_shared>>
    %dma_start3A_54 = arith.constant 0 : i32
    %dma_start3A_55 = tpu.memref_slice %arg5[%add3A_48, %dma_start3A_54] : memref<10016x128xf32, #tpu.memory_space<vmem_shared>> -> memref<10x128xf32, #tpu.memory_space<vmem_shared>>
    %dma_start3A_56 = arith.constant 0 : i32
    %dma_start3A_57 = arith.constant 0 : i32
    %dma_start3A_58 = tpu.memref_slice %arg6[%dma_start3A_56, %dma_start3A_57] : memref<88x128xf32, #tpu.memory_space<vmem>> -> memref<10x128xf32, #tpu.memory_space<vmem>>
    tpu.enqueue_dma source(%dma_start3A_58 : memref<10x128xf32, #tpu.memory_space<vmem>>) target(%dma_start3A_55 : memref<10x128xf32, #tpu.memory_space<vmem_shared>>) target_semaphore(%arg18 : memref<!tpu.dma_semaphore, #tpu.memory_space<semaphore_mem>>)
    %add3A_59 = arith.constant 0 : i32
    %add3A_60 = arith.addi %mul3A_6, %add3A_59 : i32
    %dma_wait3A = arith.constant 0 : i32
    %dma_wait3A_61 = tpu.memref_slice %arg5[%add3A_60, %dma_wait3A] : memref<10016x128xf32, #tpu.memory_space<vmem_shared>> -> memref<88x128xf32, #tpu.memory_space<vmem_shared>>
    %dma_wait3A_62 = arith.constant 0 : i32
    %dma_wait3A_63 = tpu.memref_slice %arg5[%add3A_60, %dma_wait3A_62] : memref<10016x128xf32, #tpu.memory_space<vmem_shared>> -> memref<88x128xf32, #tpu.memory_space<vmem_shared>>
    tpu.wait_dma2 semaphore(%arg18 : memref<!tpu.dma_semaphore, #tpu.memory_space<semaphore_mem>>) src(%arg6 : memref<88x128xf32, #tpu.memory_space<vmem>>) dst(%dma_wait3A_63 : memref<88x128xf32, #tpu.memory_space<vmem_shared>>)
    %add3A_64 = arith.constant 88 : i32
    %add3A_65 = arith.addi %mul3A_6, %add3A_64 : i32
    %dma_wait3A_66 = arith.constant 0 : i32
    %dma_wait3A_67 = tpu.memref_slice %arg5[%add3A_65, %dma_wait3A_66] : memref<10016x128xf32, #tpu.memory_space<vmem_shared>> -> memref<88x128xf32, #tpu.memory_space<vmem_shared>>
    %dma_wait3A_68 = arith.constant 0 : i32
    %dma_wait3A_69 = tpu.memref_slice %arg5[%add3A_65, %dma_wait3A_68] : memref<10016x128xf32, #tpu.memory_space<vmem_shared>> -> memref<88x128xf32, #tpu.memory_space<vmem_shared>>
    tpu.wait_dma2 semaphore(%arg18 : memref<!tpu.dma_semaphore, #tpu.memory_space<semaphore_mem>>) src(%arg6 : memref<88x128xf32, #tpu.memory_space<vmem>>) dst(%dma_wait3A_69 : memref<88x128xf32, #tpu.memory_space<vmem_shared>>)
    %add3A_70 = arith.constant 176 : i32
    %add3A_71 = arith.addi %mul3A_6, %add3A_70 : i32
    %dma_wait3A_72 = arith.constant 0 : i32
    %dma_wait3A_73 = tpu.memref_slice %arg5[%add3A_71, %dma_wait3A_72] : memref<10016x128xf32, #tpu.memory_space<vmem_shared>> -> memref<88x128xf32, #tpu.memory_space<vmem_shared>>
    %dma_wait3A_74 = arith.constant 0 : i32
    %dma_wait3A_75 = tpu.memref_slice %arg5[%add3A_71, %dma_wait3A_74] : memref<10016x128xf32, #tpu.memory_space<vmem_shared>> -> memref<88x128xf32, #tpu.memory_space<vmem_shared>>
    tpu.wait_dma2 semaphore(%arg18 : memref<!tpu.dma_semaphore, #tpu.memory_space<semaphore_mem>>) src(%arg6 : memref<88x128xf32, #tpu.memory_space<vmem>>) dst(%dma_wait3A_75 : memref<88x128xf32, #tpu.memory_space<vmem_shared>>)
    %add3A_76 = arith.constant 264 : i32
    %add3A_77 = arith.addi %mul3A_6, %add3A_76 : i32
    %dma_wait3A_78 = arith.constant 0 : i32
    %dma_wait3A_79 = tpu.memref_slice %arg5[%add3A_77, %dma_wait3A_78] : memref<10016x128xf32, #tpu.memory_space<vmem_shared>> -> memref<88x128xf32, #tpu.memory_space<vmem_shared>>
    %dma_wait3A_80 = arith.constant 0 : i32
    %dma_wait3A_81 = tpu.memref_slice %arg5[%add3A_77, %dma_wait3A_80] : memref<10016x128xf32, #tpu.memory_space<vmem_shared>> -> memref<88x128xf32, #tpu.memory_space<vmem_shared>>
    tpu.wait_dma2 semaphore(%arg18 : memref<!tpu.dma_semaphore, #tpu.memory_space<semaphore_mem>>) src(%arg6 : memref<88x128xf32, #tpu.memory_space<vmem>>) dst(%dma_wait3A_81 : memref<88x128xf32, #tpu.memory_space<vmem_shared>>)
    %add3A_82 = arith.constant 352 : i32
    %add3A_83 = arith.addi %mul3A_6, %add3A_82 : i32
    %dma_wait3A_84 = arith.constant 0 : i32
    %dma_wait3A_85 = tpu.memref_slice %arg5[%add3A_83, %dma_wait3A_84] : memref<10016x128xf32, #tpu.memory_space<vmem_shared>> -> memref<88x128xf32, #tpu.memory_space<vmem_shared>>
    %dma_wait3A_86 = arith.constant 0 : i32
    %dma_wait3A_87 = tpu.memref_slice %arg5[%add3A_83, %dma_wait3A_86] : memref<10016x128xf32, #tpu.memory_space<vmem_shared>> -> memref<88x128xf32, #tpu.memory_space<vmem_shared>>
    tpu.wait_dma2 semaphore(%arg18 : memref<!tpu.dma_semaphore, #tpu.memory_space<semaphore_mem>>) src(%arg6 : memref<88x128xf32, #tpu.memory_space<vmem>>) dst(%dma_wait3A_87 : memref<88x128xf32, #tpu.memory_space<vmem_shared>>)
    %add3A_88 = arith.constant 440 : i32
    %add3A_89 = arith.addi %mul3A_6, %add3A_88 : i32
    %dma_wait3A_90 = arith.constant 0 : i32
    %dma_wait3A_91 = tpu.memref_slice %arg5[%add3A_89, %dma_wait3A_90] : memref<10016x128xf32, #tpu.memory_space<vmem_shared>> -> memref<88x128xf32, #tpu.memory_space<vmem_shared>>
    %dma_wait3A_92 = arith.constant 0 : i32
    %dma_wait3A_93 = tpu.memref_slice %arg5[%add3A_89, %dma_wait3A_92] : memref<10016x128xf32, #tpu.memory_space<vmem_shared>> -> memref<88x128xf32, #tpu.memory_space<vmem_shared>>
    tpu.wait_dma2 semaphore(%arg18 : memref<!tpu.dma_semaphore, #tpu.memory_space<semaphore_mem>>) src(%arg6 : memref<88x128xf32, #tpu.memory_space<vmem>>) dst(%dma_wait3A_93 : memref<88x128xf32, #tpu.memory_space<vmem_shared>>)
    %add3A_94 = arith.constant 528 : i32
    %add3A_95 = arith.addi %mul3A_6, %add3A_94 : i32
    %dma_wait3A_96 = arith.constant 0 : i32
    %dma_wait3A_97 = tpu.memref_slice %arg5[%add3A_95, %dma_wait3A_96] : memref<10016x128xf32, #tpu.memory_space<vmem_shared>> -> memref<88x128xf32, #tpu.memory_space<vmem_shared>>
    %dma_wait3A_98 = arith.constant 0 : i32
    %dma_wait3A_99 = tpu.memref_slice %arg5[%add3A_95, %dma_wait3A_98] : memref<10016x128xf32, #tpu.memory_space<vmem_shared>> -> memref<88x128xf32, #tpu.memory_space<vmem_shared>>
    tpu.wait_dma2 semaphore(%arg18 : memref<!tpu.dma_semaphore, #tpu.memory_space<semaphore_mem>>) src(%arg6 : memref<88x128xf32, #tpu.memory_space<vmem>>) dst(%dma_wait3A_99 : memref<88x128xf32, #tpu.memory_space<vmem_shared>>)
    %add3A_100 = arith.constant 616 : i32
    %add3A_101 = arith.addi %mul3A_6, %add3A_100 : i32
    %dma_wait3A_102 = arith.constant 0 : i32
    %dma_wait3A_103 = arith.constant 0 : i32
    %dma_wait3A_104 = tpu.memref_slice %arg6[%dma_wait3A_102, %dma_wait3A_103] : memref<88x128xf32, #tpu.memory_space<vmem>> -> memref<10x128xf32, #tpu.memory_space<vmem>>
    %dma_wait3A_105 = arith.constant 0 : i32
    %dma_wait3A_106 = tpu.memref_slice %arg5[%add3A_101, %dma_wait3A_105] : memref<10016x128xf32, #tpu.memory_space<vmem_shared>> -> memref<10x128xf32, #tpu.memory_space<vmem_shared>>
    %dma_wait3A_107 = arith.constant 0 : i32
    %dma_wait3A_108 = tpu.memref_slice %arg5[%add3A_101, %dma_wait3A_107] : memref<10016x128xf32, #tpu.memory_space<vmem_shared>> -> memref<10x128xf32, #tpu.memory_space<vmem_shared>>
    %dma_wait3A_109 = arith.constant 0 : i32
    %dma_wait3A_110 = arith.constant 0 : i32
    %dma_wait3A_111 = tpu.memref_slice %arg6[%dma_wait3A_109, %dma_wait3A_110] : memref<88x128xf32, #tpu.memory_space<vmem>> -> memref<10x128xf32, #tpu.memory_space<vmem>>
    tpu.wait_dma2 semaphore(%arg18 : memref<!tpu.dma_semaphore, #tpu.memory_space<semaphore_mem>>) src(%dma_wait3A_111 : memref<10x128xf32, #tpu.memory_space<vmem>>) dst(%dma_wait3A_108 : memref<10x128xf32, #tpu.memory_space<vmem_shared>>)
    %barrier3A = arith.constant 0 : index
    tpu.barrier barrier_id(%barrier3A)
    %eq3A = arith.constant 0 : i32
    %eq3A_112 = arith.cmpi eq, %arg0, %eq3A : i32
    %jit3A = arith.constant 56 : i32
    %jit3A_113 = arith.constant 16 : i32
    %select_n3A = arith.select %eq3A_112, %jit3A, %jit3A_113 : i32
    %eq3A_114 = arith.constant 0 : i32
    %eq3A_115 = arith.cmpi eq, %arg0, %eq3A_114 : i32
    %mul3A_116 = arith.constant 56 : i32
    %mul3A_117 = arith.muli %arg1, %mul3A_116 : i32
    %mul3A_118 = arith.constant 16 : i32
    %mul3A_119 = arith.muli %arg1, %mul3A_118 : i32
    %add3A_120 = arith.constant 896 : i32
    %add3A_121 = arith.addi %add3A_120, %mul3A_119 : i32
    %select_n3A_122 = arith.select %eq3A_115, %mul3A_117, %add3A_121 : i32
    %jit3A_123 = arith.constant 4 : i32
    %div3A = arith.divsi %select_n3A, %jit3A_123 : i32
    %sign3A = arith.constant 0 : i32
    %sign3A_124 = arith.cmpi sgt, %select_n3A, %sign3A : i32
    %sign3A_125 = arith.extui %sign3A_124 : i1 to i32
    %sign3A_126 = arith.constant 0 : i32
    %sign3A_127 = arith.cmpi slt, %select_n3A, %sign3A_126 : i32
    %sign3A_128 = arith.extui %sign3A_127 : i1 to i32
    %sign3A_129 = arith.subi %sign3A_125, %sign3A_128 : i32
    %sign3A_130 = arith.constant 0 : i32
    %sign3A_131 = arith.cmpi sgt, %jit3A_123, %sign3A_130 : i32
    %sign3A_132 = arith.extui %sign3A_131 : i1 to i32
    %sign3A_133 = arith.constant 0 : i32
    %sign3A_134 = arith.cmpi slt, %jit3A_123, %sign3A_133 : i32
    %sign3A_135 = arith.extui %sign3A_134 : i1 to i32
    %sign3A_136 = arith.subi %sign3A_132, %sign3A_135 : i32
    %ne3A = arith.cmpi ne, %sign3A_129, %sign3A_136 : i32
    %rem3A = arith.remsi %select_n3A, %jit3A_123 : i32
    %ne3A_137 = arith.constant 0 : i32
    %ne3A_138 = arith.cmpi ne, %rem3A, %ne3A_137 : i32
    %and3A = arith.andi %ne3A, %ne3A_138 : i1
    %sub3A = arith.constant 1 : i32
    %sub3A_139 = arith.subi %div3A, %sub3A : i32
    %select_n3A_140 = arith.select %and3A, %sub3A_139, %div3A : i32
    %while3A = arith.constant 0 : i32
    %while3A_141 = arith.constant 0 : i32
    %while3A_142 = arith.subi %select_n3A_140, %while3A_141 : i32
    %while3A_143 = arith.addi %while3A_141, %while3A_142 : i32
    %while3A_144 = arith.constant 1 : i32
    %while3A_145 = arith.divsi %while3A_142, %while3A_144 : i32
    %while3A_146 = arith.muli %while3A_145, %while3A_144 : i32
    %while3A_147 = arith.addi %while3A_141, %while3A_146 : i32
    %while3A_148 = arith.constant 1 : i32
    scf.for %while3A_222 = %while3A_141 to %while3A_147 step %while3A_148  : i32 {
      %mul3A_223 = arith.constant 4 : i32
      %mul3A_224 = arith.muli %while3A_222, %mul3A_223 : i32
      %add3A_225 = arith.constant 0 : i32
      %add3A_226 = arith.addi %mul3A_224, %add3A_225 : i32
      %gt3A = arith.constant 0 : i32
      %gt3A_227 = arith.cmpi sgt, %while3A_222, %gt3A : i32
      %convert_element_type3A_228 = arith.extui %gt3A_227 : i1 to i32
      %cond3A_229 = arith.constant 0 : i32
      %cond3A_230 = arith.cmpi ne, %convert_element_type3A_228, %cond3A_229 : i32
      scf.if %cond3A_230 {
        %dma_wait3A_341 = arith.constant 0 : i32
        %dma_wait3A_342 = arith.constant 0 : i32
        %dma_wait3A_343 = tpu.memref_slice %arg5[%dma_wait3A_341, %dma_wait3A_342] : memref<10016x128xf32, #tpu.memory_space<vmem_shared>> -> memref<10016x128xf32, #tpu.memory_space<vmem_shared>>
        tpu.wait_indirect_dma semaphore(%arg26 : memref<!tpu.dma_semaphore, #tpu.memory_space<semaphore_mem>>) src(%arg6 : memref<88x128xf32, #tpu.memory_space<vmem>>) dst(%dma_wait3A_343 : memref<10016x128xf32, #tpu.memory_space<vmem_shared>>)
      } else {
      }
      %add3A_231 = arith.addi %select_n3A_122, %add3A_226 : i32
      %mul3A_232 = arith.constant 88 : i32
      %mul3A_233 = arith.muli %add3A_231, %mul3A_232 : i32
      %add3A_234 = arith.constant 101376 : i32
      %add3A_235 = arith.addi %add3A_234, %mul3A_233 : i32
      %dma_start3A_236 = tpu.memref_slice %arg3[%add3A_235] : memref<202752xi32, #tpu.memory_space<hbm>> -> memref<88xi32, #tpu.memory_space<hbm>>
      %dma_start3A_237 = tpu.memref_slice %arg3[%add3A_235] : memref<202752xi32, #tpu.memory_space<hbm>> -> memref<88xi32, #tpu.memory_space<hbm>>
      tpu.enqueue_dma source(%dma_start3A_237 : memref<88xi32, #tpu.memory_space<hbm>>) target(%arg10 : memref<88xi32, #tpu.memory_space<vmem>>) target_semaphore(%arg18 : memref<!tpu.dma_semaphore, #tpu.memory_space<semaphore_mem>>)
      %add3A_238 = arith.constant 0 : i32
      %add3A_239 = arith.addi %add3A_238, %mul3A_233 : i32
      %dma_start3A_240 = tpu.memref_slice %arg3[%add3A_239] : memref<202752xi32, #tpu.memory_space<hbm>> -> memref<88xi32, #tpu.memory_space<hbm>>
      %dma_start3A_241 = tpu.memref_slice %arg3[%add3A_239] : memref<202752xi32, #tpu.memory_space<hbm>> -> memref<88xi32, #tpu.memory_space<hbm>>
      tpu.enqueue_dma source(%dma_start3A_241 : memref<88xi32, #tpu.memory_space<hbm>>) target(%arg14 : memref<88xi32, #tpu.memory_space<vmem>>) target_semaphore(%arg18 : memref<!tpu.dma_semaphore, #tpu.memory_space<semaphore_mem>>)
      %ge3A = arith.constant 2 : i32
      %ge3A_242 = arith.cmpi sge, %add3A_226, %ge3A : i32
      %convert_element_type3A_243 = arith.extui %ge3A_242 : i1 to i32
      %cond3A_244 = arith.constant 0 : i32
      %cond3A_245 = arith.cmpi ne, %convert_element_type3A_243, %cond3A_244 : i32
      scf.if %cond3A_245 {
        %sub3A_341 = arith.constant 2 : i32
        %sub3A_342 = arith.subi %add3A_226, %sub3A_341 : i32
        %add3A_343 = arith.addi %select_n3A_122, %sub3A_342 : i32
        %mul3A_344 = arith.constant 88 : i32
        %mul3A_345 = arith.muli %add3A_343, %mul3A_344 : i32
        %add3A_346 = arith.constant 101376 : i32
        %add3A_347 = arith.addi %add3A_346, %mul3A_345 : i32
        %dma_wait3A_348 = tpu.memref_slice %arg3[%add3A_347] : memref<202752xi32, #tpu.memory_space<hbm>> -> memref<88xi32, #tpu.memory_space<hbm>>
        %dma_wait3A_349 = tpu.memref_slice %arg3[%add3A_347] : memref<202752xi32, #tpu.memory_space<hbm>> -> memref<88xi32, #tpu.memory_space<hbm>>
        tpu.wait_dma2 semaphore(%arg20 : memref<!tpu.dma_semaphore, #tpu.memory_space<semaphore_mem>>) src(%dma_wait3A_349 : memref<88xi32, #tpu.memory_space<hbm>>) dst(%arg12 : memref<88xi32, #tpu.memory_space<vmem>>)
        %add3A_350 = arith.constant 0 : i32
        %add3A_351 = arith.addi %add3A_350, %mul3A_345 : i32
        %dma_wait3A_352 = tpu.memref_slice %arg3[%add3A_351] : memref<202752xi32, #tpu.memory_space<hbm>> -> memref<88xi32, #tpu.memory_space<hbm>>
        %dma_wait3A_353 = tpu.memref_slice %arg3[%add3A_351] : memref<202752xi32, #tpu.memory_space<hbm>> -> memref<88xi32, #tpu.memory_space<hbm>>
        tpu.wait_dma2 semaphore(%arg20 : memref<!tpu.dma_semaphore, #tpu.memory_space<semaphore_mem>>) src(%dma_wait3A_353 : memref<88xi32, #tpu.memory_space<hbm>>) dst(%arg16 : memref<88xi32, #tpu.memory_space<vmem>>)
        %dma_start3A_354 = arith.constant 0 : i32
        %dma_start3A_355 = arith.constant 0 : i32
        %dma_start3A_356 = tpu.memref_slice %arg2[%dma_start3A_354, %dma_start3A_355] : memref<10016x128xf32, #tpu.memory_space<hbm>> -> memref<10016x128xf32, #tpu.memory_space<hbm>>
        tpu.enqueue_indirect_dma source(%dma_start3A_356 : memref<10016x128xf32, #tpu.memory_space<hbm>>) target(%arg8 : memref<88x128xf32, #tpu.memory_space<vmem>>) offsets(%arg12 : memref<88xi32, #tpu.memory_space<vmem>>) semaphore(%arg24 : memref<!tpu.dma_semaphore, #tpu.memory_space<semaphore_mem>>)
      } else {
      }
      %ge3A_246 = arith.constant 3 : i32
      %ge3A_247 = arith.cmpi sge, %add3A_226, %ge3A_246 : i32
      %convert_element_type3A_248 = arith.extui %ge3A_247 : i1 to i32
      %cond3A_249 = arith.constant 0 : i32
      %cond3A_250 = arith.cmpi ne, %convert_element_type3A_248, %cond3A_249 : i32
      scf.if %cond3A_250 {
        %dma_wait3A_341 = arith.constant 0 : i32
        %dma_wait3A_342 = arith.constant 0 : i32
        %dma_wait3A_343 = tpu.memref_slice %arg2[%dma_wait3A_341, %dma_wait3A_342] : memref<10016x128xf32, #tpu.memory_space<hbm>> -> memref<10016x128xf32, #tpu.memory_space<hbm>>
        tpu.wait_indirect_dma semaphore(%arg23 : memref<!tpu.dma_semaphore, #tpu.memory_space<semaphore_mem>>) src(%dma_wait3A_343 : memref<10016x128xf32, #tpu.memory_space<hbm>>) dst(%arg7 : memref<88x128xf32, #tpu.memory_space<vmem>>)
        %dma_start3A_344 = arith.constant 0 : i32
        %dma_start3A_345 = arith.constant 0 : i32
        %dma_start3A_346 = tpu.memref_slice %arg5[%dma_start3A_344, %dma_start3A_345] : memref<10016x128xf32, #tpu.memory_space<vmem_shared>> -> memref<10016x128xf32, #tpu.memory_space<vmem_shared>>
        tpu.enqueue_indirect_dma source(%arg7 : memref<88x128xf32, #tpu.memory_space<vmem>>) target(%dma_start3A_346 : memref<10016x128xf32, #tpu.memory_space<vmem_shared>>) offsets(%arg15 : memref<88xi32, #tpu.memory_space<vmem>>) semaphore(%arg27 : memref<!tpu.dma_semaphore, #tpu.memory_space<semaphore_mem>>) {add = true}
      } else {
      }
      %mul3A_251 = arith.constant 4 : i32
      %mul3A_252 = arith.muli %while3A_222, %mul3A_251 : i32
      %add3A_253 = arith.constant 1 : i32
      %add3A_254 = arith.addi %mul3A_252, %add3A_253 : i32
      %gt3A_255 = arith.constant 0 : i32
      %gt3A_256 = arith.cmpi sgt, %while3A_222, %gt3A_255 : i32
      %convert_element_type3A_257 = arith.extui %gt3A_256 : i1 to i32
      %cond3A_258 = arith.constant 0 : i32
      %cond3A_259 = arith.cmpi ne, %convert_element_type3A_257, %cond3A_258 : i32
      scf.if %cond3A_259 {
        %dma_wait3A_341 = arith.constant 0 : i32
        %dma_wait3A_342 = arith.constant 0 : i32
        %dma_wait3A_343 = tpu.memref_slice %arg5[%dma_wait3A_341, %dma_wait3A_342] : memref<10016x128xf32, #tpu.memory_space<vmem_shared>> -> memref<10016x128xf32, #tpu.memory_space<vmem_shared>>
        tpu.wait_indirect_dma semaphore(%arg27 : memref<!tpu.dma_semaphore, #tpu.memory_space<semaphore_mem>>) src(%arg7 : memref<88x128xf32, #tpu.memory_space<vmem>>) dst(%dma_wait3A_343 : memref<10016x128xf32, #tpu.memory_space<vmem_shared>>)
      } else {
      }
      %add3A_260 = arith.addi %select_n3A_122, %add3A_254 : i32
      %mul3A_261 = arith.constant 88 : i32
      %mul3A_262 = arith.muli %add3A_260, %mul3A_261 : i32
      %add3A_263 = arith.constant 101376 : i32
      %add3A_264 = arith.addi %add3A_263, %mul3A_262 : i32
      %dma_start3A_265 = tpu.memref_slice %arg3[%add3A_264] : memref<202752xi32, #tpu.memory_space<hbm>> -> memref<88xi32, #tpu.memory_space<hbm>>
      %dma_start3A_266 = tpu.memref_slice %arg3[%add3A_264] : memref<202752xi32, #tpu.memory_space<hbm>> -> memref<88xi32, #tpu.memory_space<hbm>>
      tpu.enqueue_dma source(%dma_start3A_266 : memref<88xi32, #tpu.memory_space<hbm>>) target(%arg11 : memref<88xi32, #tpu.memory_space<vmem>>) target_semaphore(%arg19 : memref<!tpu.dma_semaphore, #tpu.memory_space<semaphore_mem>>)
      %add3A_267 = arith.constant 0 : i32
      %add3A_268 = arith.addi %add3A_267, %mul3A_262 : i32
      %dma_start3A_269 = tpu.memref_slice %arg3[%add3A_268] : memref<202752xi32, #tpu.memory_space<hbm>> -> memref<88xi32, #tpu.memory_space<hbm>>
      %dma_start3A_270 = tpu.memref_slice %arg3[%add3A_268] : memref<202752xi32, #tpu.memory_space<hbm>> -> memref<88xi32, #tpu.memory_space<hbm>>
      tpu.enqueue_dma source(%dma_start3A_270 : memref<88xi32, #tpu.memory_space<hbm>>) target(%arg15 : memref<88xi32, #tpu.memory_space<vmem>>) target_semaphore(%arg19 : memref<!tpu.dma_semaphore, #tpu.memory_space<semaphore_mem>>)
      %ge3A_271 = arith.constant 2 : i32
      %ge3A_272 = arith.cmpi sge, %add3A_254, %ge3A_271 : i32
      %convert_element_type3A_273 = arith.extui %ge3A_272 : i1 to i32
      %cond3A_274 = arith.constant 0 : i32
      %cond3A_275 = arith.cmpi ne, %convert_element_type3A_273, %cond3A_274 : i32
      scf.if %cond3A_275 {
        %sub3A_341 = arith.constant 2 : i32
        %sub3A_342 = arith.subi %add3A_254, %sub3A_341 : i32
        %add3A_343 = arith.addi %select_n3A_122, %sub3A_342 : i32
        %mul3A_344 = arith.constant 88 : i32
        %mul3A_345 = arith.muli %add3A_343, %mul3A_344 : i32
        %add3A_346 = arith.constant 101376 : i32
        %add3A_347 = arith.addi %add3A_346, %mul3A_345 : i32
        %dma_wait3A_348 = tpu.memref_slice %arg3[%add3A_347] : memref<202752xi32, #tpu.memory_space<hbm>> -> memref<88xi32, #tpu.memory_space<hbm>>
        %dma_wait3A_349 = tpu.memref_slice %arg3[%add3A_347] : memref<202752xi32, #tpu.memory_space<hbm>> -> memref<88xi32, #tpu.memory_space<hbm>>
        tpu.wait_dma2 semaphore(%arg21 : memref<!tpu.dma_semaphore, #tpu.memory_space<semaphore_mem>>) src(%dma_wait3A_349 : memref<88xi32, #tpu.memory_space<hbm>>) dst(%arg13 : memref<88xi32, #tpu.memory_space<vmem>>)
        %add3A_350 = arith.constant 0 : i32
        %add3A_351 = arith.addi %add3A_350, %mul3A_345 : i32
        %dma_wait3A_352 = tpu.memref_slice %arg3[%add3A_351] : memref<202752xi32, #tpu.memory_space<hbm>> -> memref<88xi32, #tpu.memory_space<hbm>>
        %dma_wait3A_353 = tpu.memref_slice %arg3[%add3A_351] : memref<202752xi32, #tpu.memory_space<hbm>> -> memref<88xi32, #tpu.memory_space<hbm>>
        tpu.wait_dma2 semaphore(%arg21 : memref<!tpu.dma_semaphore, #tpu.memory_space<semaphore_mem>>) src(%dma_wait3A_353 : memref<88xi32, #tpu.memory_space<hbm>>) dst(%arg17 : memref<88xi32, #tpu.memory_space<vmem>>)
        %dma_start3A_354 = arith.constant 0 : i32
        %dma_start3A_355 = arith.constant 0 : i32
        %dma_start3A_356 = tpu.memref_slice %arg2[%dma_start3A_354, %dma_start3A_355] : memref<10016x128xf32, #tpu.memory_space<hbm>> -> memref<10016x128xf32, #tpu.memory_space<hbm>>
        tpu.enqueue_indirect_dma source(%dma_start3A_356 : memref<10016x128xf32, #tpu.memory_space<hbm>>) target(%arg9 : memref<88x128xf32, #tpu.memory_space<vmem>>) offsets(%arg13 : memref<88xi32, #tpu.memory_space<vmem>>) semaphore(%arg25 : memref<!tpu.dma_semaphore, #tpu.memory_space<semaphore_mem>>)
      } else {
      }
      %ge3A_276 = arith.constant 3 : i32
      %ge3A_277 = arith.cmpi sge, %add3A_254, %ge3A_276 : i32
      %convert_element_type3A_278 = arith.extui %ge3A_277 : i1 to i32
      %cond3A_279 = arith.constant 0 : i32
      %cond3A_280 = arith.cmpi ne, %convert_element_type3A_278, %cond3A_279 : i32
      scf.if %cond3A_280 {
        %dma_wait3A_341 = arith.constant 0 : i32
        %dma_wait3A_342 = arith.constant 0 : i32
        %dma_wait3A_343 = tpu.memref_slice %arg2[%dma_wait3A_341, %dma_wait3A_342] : memref<10016x128xf32, #tpu.memory_space<hbm>> -> memref<10016x128xf32, #tpu.memory_space<hbm>>
        tpu.wait_indirect_dma semaphore(%arg24 : memref<!tpu.dma_semaphore, #tpu.memory_space<semaphore_mem>>) src(%dma_wait3A_343 : memref<10016x128xf32, #tpu.memory_space<hbm>>) dst(%arg8 : memref<88x128xf32, #tpu.memory_space<vmem>>)
        %dma_start3A_344 = arith.constant 0 : i32
        %dma_start3A_345 = arith.constant 0 : i32
        %dma_start3A_346 = tpu.memref_slice %arg5[%dma_start3A_344, %dma_start3A_345] : memref<10016x128xf32, #tpu.memory_space<vmem_shared>> -> memref<10016x128xf32, #tpu.memory_space<vmem_shared>>
        tpu.enqueue_indirect_dma source(%arg8 : memref<88x128xf32, #tpu.memory_space<vmem>>) target(%dma_start3A_346 : memref<10016x128xf32, #tpu.memory_space<vmem_shared>>) offsets(%arg16 : memref<88xi32, #tpu.memory_space<vmem>>) semaphore(%arg28 : memref<!tpu.dma_semaphore, #tpu.memory_space<semaphore_mem>>) {add = true}
      } else {
      }
      %mul3A_281 = arith.constant 4 : i32
      %mul3A_282 = arith.muli %while3A_222, %mul3A_281 : i32
      %add3A_283 = arith.constant 2 : i32
      %add3A_284 = arith.addi %mul3A_282, %add3A_283 : i32
      %gt3A_285 = arith.constant 0 : i32
      %gt3A_286 = arith.cmpi sgt, %while3A_222, %gt3A_285 : i32
      %convert_element_type3A_287 = arith.extui %gt3A_286 : i1 to i32
      %cond3A_288 = arith.constant 0 : i32
      %cond3A_289 = arith.cmpi ne, %convert_element_type3A_287, %cond3A_288 : i32
      scf.if %cond3A_289 {
        %dma_wait3A_341 = arith.constant 0 : i32
        %dma_wait3A_342 = arith.constant 0 : i32
        %dma_wait3A_343 = tpu.memref_slice %arg5[%dma_wait3A_341, %dma_wait3A_342] : memref<10016x128xf32, #tpu.memory_space<vmem_shared>> -> memref<10016x128xf32, #tpu.memory_space<vmem_shared>>
        tpu.wait_indirect_dma semaphore(%arg28 : memref<!tpu.dma_semaphore, #tpu.memory_space<semaphore_mem>>) src(%arg8 : memref<88x128xf32, #tpu.memory_space<vmem>>) dst(%dma_wait3A_343 : memref<10016x128xf32, #tpu.memory_space<vmem_shared>>)
      } else {
      }
      %add3A_290 = arith.addi %select_n3A_122, %add3A_284 : i32
      %mul3A_291 = arith.constant 88 : i32
      %mul3A_292 = arith.muli %add3A_290, %mul3A_291 : i32
      %add3A_293 = arith.constant 101376 : i32
      %add3A_294 = arith.addi %add3A_293, %mul3A_292 : i32
      %dma_start3A_295 = tpu.memref_slice %arg3[%add3A_294] : memref<202752xi32, #tpu.memory_space<hbm>> -> memref<88xi32, #tpu.memory_space<hbm>>
      %dma_start3A_296 = tpu.memref_slice %arg3[%add3A_294] : memref<202752xi32, #tpu.memory_space<hbm>> -> memref<88xi32, #tpu.memory_space<hbm>>
      tpu.enqueue_dma source(%dma_start3A_296 : memref<88xi32, #tpu.memory_space<hbm>>) target(%arg12 : memref<88xi32, #tpu.memory_space<vmem>>) target_semaphore(%arg20 : memref<!tpu.dma_semaphore, #tpu.memory_space<semaphore_mem>>)
      %add3A_297 = arith.constant 0 : i32
      %add3A_298 = arith.addi %add3A_297, %mul3A_292 : i32
      %dma_start3A_299 = tpu.memref_slice %arg3[%add3A_298] : memref<202752xi32, #tpu.memory_space<hbm>> -> memref<88xi32, #tpu.memory_space<hbm>>
      %dma_start3A_300 = tpu.memref_slice %arg3[%add3A_298] : memref<202752xi32, #tpu.memory_space<hbm>> -> memref<88xi32, #tpu.memory_space<hbm>>
      tpu.enqueue_dma source(%dma_start3A_300 : memref<88xi32, #tpu.memory_space<hbm>>) target(%arg16 : memref<88xi32, #tpu.memory_space<vmem>>) target_semaphore(%arg20 : memref<!tpu.dma_semaphore, #tpu.memory_space<semaphore_mem>>)
      %ge3A_301 = arith.constant 2 : i32
      %ge3A_302 = arith.cmpi sge, %add3A_284, %ge3A_301 : i32
      %convert_element_type3A_303 = arith.extui %ge3A_302 : i1 to i32
      %cond3A_304 = arith.constant 0 : i32
      %cond3A_305 = arith.cmpi ne, %convert_element_type3A_303, %cond3A_304 : i32
      scf.if %cond3A_305 {
        %sub3A_341 = arith.constant 2 : i32
        %sub3A_342 = arith.subi %add3A_284, %sub3A_341 : i32
        %add3A_343 = arith.addi %select_n3A_122, %sub3A_342 : i32
        %mul3A_344 = arith.constant 88 : i32
        %mul3A_345 = arith.muli %add3A_343, %mul3A_344 : i32
        %add3A_346 = arith.constant 101376 : i32
        %add3A_347 = arith.addi %add3A_346, %mul3A_345 : i32
        %dma_wait3A_348 = tpu.memref_slice %arg3[%add3A_347] : memref<202752xi32, #tpu.memory_space<hbm>> -> memref<88xi32, #tpu.memory_space<hbm>>
        %dma_wait3A_349 = tpu.memref_slice %arg3[%add3A_347] : memref<202752xi32, #tpu.memory_space<hbm>> -> memref<88xi32, #tpu.memory_space<hbm>>
        tpu.wait_dma2 semaphore(%arg18 : memref<!tpu.dma_semaphore, #tpu.memory_space<semaphore_mem>>) src(%dma_wait3A_349 : memref<88xi32, #tpu.memory_space<hbm>>) dst(%arg10 : memref<88xi32, #tpu.memory_space<vmem>>)
        %add3A_350 = arith.constant 0 : i32
        %add3A_351 = arith.addi %add3A_350, %mul3A_345 : i32
        %dma_wait3A_352 = tpu.memref_slice %arg3[%add3A_351] : memref<202752xi32, #tpu.memory_space<hbm>> -> memref<88xi32, #tpu.memory_space<hbm>>
        %dma_wait3A_353 = tpu.memref_slice %arg3[%add3A_351] : memref<202752xi32, #tpu.memory_space<hbm>> -> memref<88xi32, #tpu.memory_space<hbm>>
        tpu.wait_dma2 semaphore(%arg18 : memref<!tpu.dma_semaphore, #tpu.memory_space<semaphore_mem>>) src(%dma_wait3A_353 : memref<88xi32, #tpu.memory_space<hbm>>) dst(%arg14 : memref<88xi32, #tpu.memory_space<vmem>>)
        %dma_start3A_354 = arith.constant 0 : i32
        %dma_start3A_355 = arith.constant 0 : i32
        %dma_start3A_356 = tpu.memref_slice %arg2[%dma_start3A_354, %dma_start3A_355] : memref<10016x128xf32, #tpu.memory_space<hbm>> -> memref<10016x128xf32, #tpu.memory_space<hbm>>
        tpu.enqueue_indirect_dma source(%dma_start3A_356 : memref<10016x128xf32, #tpu.memory_space<hbm>>) target(%arg6 : memref<88x128xf32, #tpu.memory_space<vmem>>) offsets(%arg10 : memref<88xi32, #tpu.memory_space<vmem>>) semaphore(%arg22 : memref<!tpu.dma_semaphore, #tpu.memory_space<semaphore_mem>>)
      } else {
      }
      %ge3A_306 = arith.constant 3 : i32
      %ge3A_307 = arith.cmpi sge, %add3A_284, %ge3A_306 : i32
      %convert_element_type3A_308 = arith.extui %ge3A_307 : i1 to i32
      %cond3A_309 = arith.constant 0 : i32
      %cond3A_310 = arith.cmpi ne, %convert_element_type3A_308, %cond3A_309 : i32
      scf.if %cond3A_310 {
        %dma_wait3A_341 = arith.constant 0 : i32
        %dma_wait3A_342 = arith.constant 0 : i32
        %dma_wait3A_343 = tpu.memref_slice %arg2[%dma_wait3A_341, %dma_wait3A_342] : memref<10016x128xf32, #tpu.memory_space<hbm>> -> memref<10016x128xf32, #tpu.memory_space<hbm>>
        tpu.wait_indirect_dma semaphore(%arg25 : memref<!tpu.dma_semaphore, #tpu.memory_space<semaphore_mem>>) src(%dma_wait3A_343 : memref<10016x128xf32, #tpu.memory_space<hbm>>) dst(%arg9 : memref<88x128xf32, #tpu.memory_space<vmem>>)
        %dma_start3A_344 = arith.constant 0 : i32
        %dma_start3A_345 = arith.constant 0 : i32
        %dma_start3A_346 = tpu.memref_slice %arg5[%dma_start3A_344, %dma_start3A_345] : memref<10016x128xf32, #tpu.memory_space<vmem_shared>> -> memref<10016x128xf32, #tpu.memory_space<vmem_shared>>
        tpu.enqueue_indirect_dma source(%arg9 : memref<88x128xf32, #tpu.memory_space<vmem>>) target(%dma_start3A_346 : memref<10016x128xf32, #tpu.memory_space<vmem_shared>>) offsets(%arg17 : memref<88xi32, #tpu.memory_space<vmem>>) semaphore(%arg29 : memref<!tpu.dma_semaphore, #tpu.memory_space<semaphore_mem>>) {add = true}
      } else {
      }
      %mul3A_311 = arith.constant 4 : i32
      %mul3A_312 = arith.muli %while3A_222, %mul3A_311 : i32
      %add3A_313 = arith.constant 3 : i32
      %add3A_314 = arith.addi %mul3A_312, %add3A_313 : i32
      %gt3A_315 = arith.constant 0 : i32
      %gt3A_316 = arith.cmpi sgt, %while3A_222, %gt3A_315 : i32
      %convert_element_type3A_317 = arith.extui %gt3A_316 : i1 to i32
      %cond3A_318 = arith.constant 0 : i32
      %cond3A_319 = arith.cmpi ne, %convert_element_type3A_317, %cond3A_318 : i32
      scf.if %cond3A_319 {
        %dma_wait3A_341 = arith.constant 0 : i32
        %dma_wait3A_342 = arith.constant 0 : i32
        %dma_wait3A_343 = tpu.memref_slice %arg5[%dma_wait3A_341, %dma_wait3A_342] : memref<10016x128xf32, #tpu.memory_space<vmem_shared>> -> memref<10016x128xf32, #tpu.memory_space<vmem_shared>>
        tpu.wait_indirect_dma semaphore(%arg29 : memref<!tpu.dma_semaphore, #tpu.memory_space<semaphore_mem>>) src(%arg9 : memref<88x128xf32, #tpu.memory_space<vmem>>) dst(%dma_wait3A_343 : memref<10016x128xf32, #tpu.memory_space<vmem_shared>>)
      } else {
      }
      %add3A_320 = arith.addi %select_n3A_122, %add3A_314 : i32
      %mul3A_321 = arith.constant 88 : i32
      %mul3A_322 = arith.muli %add3A_320, %mul3A_321 : i32
      %add3A_323 = arith.constant 101376 : i32
      %add3A_324 = arith.addi %add3A_323, %mul3A_322 : i32
      %dma_start3A_325 = tpu.memref_slice %arg3[%add3A_324] : memref<202752xi32, #tpu.memory_space<hbm>> -> memref<88xi32, #tpu.memory_space<hbm>>
      %dma_start3A_326 = tpu.memref_slice %arg3[%add3A_324] : memref<202752xi32, #tpu.memory_space<hbm>> -> memref<88xi32, #tpu.memory_space<hbm>>
      tpu.enqueue_dma source(%dma_start3A_326 : memref<88xi32, #tpu.memory_space<hbm>>) target(%arg13 : memref<88xi32, #tpu.memory_space<vmem>>) target_semaphore(%arg21 : memref<!tpu.dma_semaphore, #tpu.memory_space<semaphore_mem>>)
      %add3A_327 = arith.constant 0 : i32
      %add3A_328 = arith.addi %add3A_327, %mul3A_322 : i32
      %dma_start3A_329 = tpu.memref_slice %arg3[%add3A_328] : memref<202752xi32, #tpu.memory_space<hbm>> -> memref<88xi32, #tpu.memory_space<hbm>>
      %dma_start3A_330 = tpu.memref_slice %arg3[%add3A_328] : memref<202752xi32, #tpu.memory_space<hbm>> -> memref<88xi32, #tpu.memory_space<hbm>>
      tpu.enqueue_dma source(%dma_start3A_330 : memref<88xi32, #tpu.memory_space<hbm>>) target(%arg17 : memref<88xi32, #tpu.memory_space<vmem>>) target_semaphore(%arg21 : memref<!tpu.dma_semaphore, #tpu.memory_space<semaphore_mem>>)
      %ge3A_331 = arith.constant 2 : i32
      %ge3A_332 = arith.cmpi sge, %add3A_314, %ge3A_331 : i32
      %convert_element_type3A_333 = arith.extui %ge3A_332 : i1 to i32
      %cond3A_334 = arith.constant 0 : i32
      %cond3A_335 = arith.cmpi ne, %convert_element_type3A_333, %cond3A_334 : i32
      scf.if %cond3A_335 {
        %sub3A_341 = arith.constant 2 : i32
        %sub3A_342 = arith.subi %add3A_314, %sub3A_341 : i32
        %add3A_343 = arith.addi %select_n3A_122, %sub3A_342 : i32
        %mul3A_344 = arith.constant 88 : i32
        %mul3A_345 = arith.muli %add3A_343, %mul3A_344 : i32
        %add3A_346 = arith.constant 101376 : i32
        %add3A_347 = arith.addi %add3A_346, %mul3A_345 : i32
        %dma_wait3A_348 = tpu.memref_slice %arg3[%add3A_347] : memref<202752xi32, #tpu.memory_space<hbm>> -> memref<88xi32, #tpu.memory_space<hbm>>
        %dma_wait3A_349 = tpu.memref_slice %arg3[%add3A_347] : memref<202752xi32, #tpu.memory_space<hbm>> -> memref<88xi32, #tpu.memory_space<hbm>>
        tpu.wait_dma2 semaphore(%arg19 : memref<!tpu.dma_semaphore, #tpu.memory_space<semaphore_mem>>) src(%dma_wait3A_349 : memref<88xi32, #tpu.memory_space<hbm>>) dst(%arg11 : memref<88xi32, #tpu.memory_space<vmem>>)
        %add3A_350 = arith.constant 0 : i32
        %add3A_351 = arith.addi %add3A_350, %mul3A_345 : i32
        %dma_wait3A_352 = tpu.memref_slice %arg3[%add3A_351] : memref<202752xi32, #tpu.memory_space<hbm>> -> memref<88xi32, #tpu.memory_space<hbm>>
        %dma_wait3A_353 = tpu.memref_slice %arg3[%add3A_351] : memref<202752xi32, #tpu.memory_space<hbm>> -> memref<88xi32, #tpu.memory_space<hbm>>
        tpu.wait_dma2 semaphore(%arg19 : memref<!tpu.dma_semaphore, #tpu.memory_space<semaphore_mem>>) src(%dma_wait3A_353 : memref<88xi32, #tpu.memory_space<hbm>>) dst(%arg15 : memref<88xi32, #tpu.memory_space<vmem>>)
        %dma_start3A_354 = arith.constant 0 : i32
        %dma_start3A_355 = arith.constant 0 : i32
        %dma_start3A_356 = tpu.memref_slice %arg2[%dma_start3A_354, %dma_start3A_355] : memref<10016x128xf32, #tpu.memory_space<hbm>> -> memref<10016x128xf32, #tpu.memory_space<hbm>>
        tpu.enqueue_indirect_dma source(%dma_start3A_356 : memref<10016x128xf32, #tpu.memory_space<hbm>>) target(%arg7 : memref<88x128xf32, #tpu.memory_space<vmem>>) offsets(%arg11 : memref<88xi32, #tpu.memory_space<vmem>>) semaphore(%arg23 : memref<!tpu.dma_semaphore, #tpu.memory_space<semaphore_mem>>)
      } else {
      }
      %ge3A_336 = arith.constant 3 : i32
      %ge3A_337 = arith.cmpi sge, %add3A_314, %ge3A_336 : i32
      %convert_element_type3A_338 = arith.extui %ge3A_337 : i1 to i32
      %cond3A_339 = arith.constant 0 : i32
      %cond3A_340 = arith.cmpi ne, %convert_element_type3A_338, %cond3A_339 : i32
      scf.if %cond3A_340 {
        %dma_wait3A_341 = arith.constant 0 : i32
        %dma_wait3A_342 = arith.constant 0 : i32
        %dma_wait3A_343 = tpu.memref_slice %arg2[%dma_wait3A_341, %dma_wait3A_342] : memref<10016x128xf32, #tpu.memory_space<hbm>> -> memref<10016x128xf32, #tpu.memory_space<hbm>>
        tpu.wait_indirect_dma semaphore(%arg22 : memref<!tpu.dma_semaphore, #tpu.memory_space<semaphore_mem>>) src(%dma_wait3A_343 : memref<10016x128xf32, #tpu.memory_space<hbm>>) dst(%arg6 : memref<88x128xf32, #tpu.memory_space<vmem>>)
        %dma_start3A_344 = arith.constant 0 : i32
        %dma_start3A_345 = arith.constant 0 : i32
        %dma_start3A_346 = tpu.memref_slice %arg5[%dma_start3A_344, %dma_start3A_345] : memref<10016x128xf32, #tpu.memory_space<vmem_shared>> -> memref<10016x128xf32, #tpu.memory_space<vmem_shared>>
        tpu.enqueue_indirect_dma source(%arg6 : memref<88x128xf32, #tpu.memory_space<vmem>>) target(%dma_start3A_346 : memref<10016x128xf32, #tpu.memory_space<vmem_shared>>) offsets(%arg14 : memref<88xi32, #tpu.memory_space<vmem>>) semaphore(%arg26 : memref<!tpu.dma_semaphore, #tpu.memory_space<semaphore_mem>>) {add = true}
      } else {
      }
    }
    %while3A_149 = arith.constant 1 : i32
    scf.for %while3A_222 = %while3A_147 to %while3A_143 step %while3A_149  : i32 {
      %mul3A_223 = arith.constant 4 : i32
      %mul3A_224 = arith.muli %while3A_222, %mul3A_223 : i32
      %add3A_225 = arith.constant 0 : i32
      %add3A_226 = arith.addi %mul3A_224, %add3A_225 : i32
      %gt3A = arith.constant 0 : i32
      %gt3A_227 = arith.cmpi sgt, %while3A_222, %gt3A : i32
      %convert_element_type3A_228 = arith.extui %gt3A_227 : i1 to i32
      %cond3A_229 = arith.constant 0 : i32
      %cond3A_230 = arith.cmpi ne, %convert_element_type3A_228, %cond3A_229 : i32
      scf.if %cond3A_230 {
        %dma_wait3A_341 = arith.constant 0 : i32
        %dma_wait3A_342 = arith.constant 0 : i32
        %dma_wait3A_343 = tpu.memref_slice %arg5[%dma_wait3A_341, %dma_wait3A_342] : memref<10016x128xf32, #tpu.memory_space<vmem_shared>> -> memref<10016x128xf32, #tpu.memory_space<vmem_shared>>
        tpu.wait_indirect_dma semaphore(%arg26 : memref<!tpu.dma_semaphore, #tpu.memory_space<semaphore_mem>>) src(%arg6 : memref<88x128xf32, #tpu.memory_space<vmem>>) dst(%dma_wait3A_343 : memref<10016x128xf32, #tpu.memory_space<vmem_shared>>)
      } else {
      }
      %add3A_231 = arith.addi %select_n3A_122, %add3A_226 : i32
      %mul3A_232 = arith.constant 88 : i32
      %mul3A_233 = arith.muli %add3A_231, %mul3A_232 : i32
      %add3A_234 = arith.constant 101376 : i32
      %add3A_235 = arith.addi %add3A_234, %mul3A_233 : i32
      %dma_start3A_236 = tpu.memref_slice %arg3[%add3A_235] : memref<202752xi32, #tpu.memory_space<hbm>> -> memref<88xi32, #tpu.memory_space<hbm>>
      %dma_start3A_237 = tpu.memref_slice %arg3[%add3A_235] : memref<202752xi32, #tpu.memory_space<hbm>> -> memref<88xi32, #tpu.memory_space<hbm>>
      tpu.enqueue_dma source(%dma_start3A_237 : memref<88xi32, #tpu.memory_space<hbm>>) target(%arg10 : memref<88xi32, #tpu.memory_space<vmem>>) target_semaphore(%arg18 : memref<!tpu.dma_semaphore, #tpu.memory_space<semaphore_mem>>)
      %add3A_238 = arith.constant 0 : i32
      %add3A_239 = arith.addi %add3A_238, %mul3A_233 : i32
      %dma_start3A_240 = tpu.memref_slice %arg3[%add3A_239] : memref<202752xi32, #tpu.memory_space<hbm>> -> memref<88xi32, #tpu.memory_space<hbm>>
      %dma_start3A_241 = tpu.memref_slice %arg3[%add3A_239] : memref<202752xi32, #tpu.memory_space<hbm>> -> memref<88xi32, #tpu.memory_space<hbm>>
      tpu.enqueue_dma source(%dma_start3A_241 : memref<88xi32, #tpu.memory_space<hbm>>) target(%arg14 : memref<88xi32, #tpu.memory_space<vmem>>) target_semaphore(%arg18 : memref<!tpu.dma_semaphore, #tpu.memory_space<semaphore_mem>>)
      %ge3A = arith.constant 2 : i32
      %ge3A_242 = arith.cmpi sge, %add3A_226, %ge3A : i32
      %convert_element_type3A_243 = arith.extui %ge3A_242 : i1 to i32
      %cond3A_244 = arith.constant 0 : i32
      %cond3A_245 = arith.cmpi ne, %convert_element_type3A_243, %cond3A_244 : i32
      scf.if %cond3A_245 {
        %sub3A_341 = arith.constant 2 : i32
        %sub3A_342 = arith.subi %add3A_226, %sub3A_341 : i32
        %add3A_343 = arith.addi %select_n3A_122, %sub3A_342 : i32
        %mul3A_344 = arith.constant 88 : i32
        %mul3A_345 = arith.muli %add3A_343, %mul3A_344 : i32
        %add3A_346 = arith.constant 101376 : i32
        %add3A_347 = arith.addi %add3A_346, %mul3A_345 : i32
        %dma_wait3A_348 = tpu.memref_slice %arg3[%add3A_347] : memref<202752xi32, #tpu.memory_space<hbm>> -> memref<88xi32, #tpu.memory_space<hbm>>
        %dma_wait3A_349 = tpu.memref_slice %arg3[%add3A_347] : memref<202752xi32, #tpu.memory_space<hbm>> -> memref<88xi32, #tpu.memory_space<hbm>>
        tpu.wait_dma2 semaphore(%arg20 : memref<!tpu.dma_semaphore, #tpu.memory_space<semaphore_mem>>) src(%dma_wait3A_349 : memref<88xi32, #tpu.memory_space<hbm>>) dst(%arg12 : memref<88xi32, #tpu.memory_space<vmem>>)
        %add3A_350 = arith.constant 0 : i32
        %add3A_351 = arith.addi %add3A_350, %mul3A_345 : i32
        %dma_wait3A_352 = tpu.memref_slice %arg3[%add3A_351] : memref<202752xi32, #tpu.memory_space<hbm>> -> memref<88xi32, #tpu.memory_space<hbm>>
        %dma_wait3A_353 = tpu.memref_slice %arg3[%add3A_351] : memref<202752xi32, #tpu.memory_space<hbm>> -> memref<88xi32, #tpu.memory_space<hbm>>
        tpu.wait_dma2 semaphore(%arg20 : memref<!tpu.dma_semaphore, #tpu.memory_space<semaphore_mem>>) src(%dma_wait3A_353 : memref<88xi32, #tpu.memory_space<hbm>>) dst(%arg16 : memref<88xi32, #tpu.memory_space<vmem>>)
        %dma_start3A_354 = arith.constant 0 : i32
        %dma_start3A_355 = arith.constant 0 : i32
        %dma_start3A_356 = tpu.memref_slice %arg2[%dma_start3A_354, %dma_start3A_355] : memref<10016x128xf32, #tpu.memory_space<hbm>> -> memref<10016x128xf32, #tpu.memory_space<hbm>>
        tpu.enqueue_indirect_dma source(%dma_start3A_356 : memref<10016x128xf32, #tpu.memory_space<hbm>>) target(%arg8 : memref<88x128xf32, #tpu.memory_space<vmem>>) offsets(%arg12 : memref<88xi32, #tpu.memory_space<vmem>>) semaphore(%arg24 : memref<!tpu.dma_semaphore, #tpu.memory_space<semaphore_mem>>)
      } else {
      }
      %ge3A_246 = arith.constant 3 : i32
      %ge3A_247 = arith.cmpi sge, %add3A_226, %ge3A_246 : i32
      %convert_element_type3A_248 = arith.extui %ge3A_247 : i1 to i32
      %cond3A_249 = arith.constant 0 : i32
      %cond3A_250 = arith.cmpi ne, %convert_element_type3A_248, %cond3A_249 : i32
      scf.if %cond3A_250 {
        %dma_wait3A_341 = arith.constant 0 : i32
        %dma_wait3A_342 = arith.constant 0 : i32
        %dma_wait3A_343 = tpu.memref_slice %arg2[%dma_wait3A_341, %dma_wait3A_342] : memref<10016x128xf32, #tpu.memory_space<hbm>> -> memref<10016x128xf32, #tpu.memory_space<hbm>>
        tpu.wait_indirect_dma semaphore(%arg23 : memref<!tpu.dma_semaphore, #tpu.memory_space<semaphore_mem>>) src(%dma_wait3A_343 : memref<10016x128xf32, #tpu.memory_space<hbm>>) dst(%arg7 : memref<88x128xf32, #tpu.memory_space<vmem>>)
        %dma_start3A_344 = arith.constant 0 : i32
        %dma_start3A_345 = arith.constant 0 : i32
        %dma_start3A_346 = tpu.memref_slice %arg5[%dma_start3A_344, %dma_start3A_345] : memref<10016x128xf32, #tpu.memory_space<vmem_shared>> -> memref<10016x128xf32, #tpu.memory_space<vmem_shared>>
        tpu.enqueue_indirect_dma source(%arg7 : memref<88x128xf32, #tpu.memory_space<vmem>>) target(%dma_start3A_346 : memref<10016x128xf32, #tpu.memory_space<vmem_shared>>) offsets(%arg15 : memref<88xi32, #tpu.memory_space<vmem>>) semaphore(%arg27 : memref<!tpu.dma_semaphore, #tpu.memory_space<semaphore_mem>>) {add = true}
      } else {
      }
      %mul3A_251 = arith.constant 4 : i32
      %mul3A_252 = arith.muli %while3A_222, %mul3A_251 : i32
      %add3A_253 = arith.constant 1 : i32
      %add3A_254 = arith.addi %mul3A_252, %add3A_253 : i32
      %gt3A_255 = arith.constant 0 : i32
      %gt3A_256 = arith.cmpi sgt, %while3A_222, %gt3A_255 : i32
      %convert_element_type3A_257 = arith.extui %gt3A_256 : i1 to i32
      %cond3A_258 = arith.constant 0 : i32
      %cond3A_259 = arith.cmpi ne, %convert_element_type3A_257, %cond3A_258 : i32
      scf.if %cond3A_259 {
        %dma_wait3A_341 = arith.constant 0 : i32
        %dma_wait3A_342 = arith.constant 0 : i32
        %dma_wait3A_343 = tpu.memref_slice %arg5[%dma_wait3A_341, %dma_wait3A_342] : memref<10016x128xf32, #tpu.memory_space<vmem_shared>> -> memref<10016x128xf32, #tpu.memory_space<vmem_shared>>
        tpu.wait_indirect_dma semaphore(%arg27 : memref<!tpu.dma_semaphore, #tpu.memory_space<semaphore_mem>>) src(%arg7 : memref<88x128xf32, #tpu.memory_space<vmem>>) dst(%dma_wait3A_343 : memref<10016x128xf32, #tpu.memory_space<vmem_shared>>)
      } else {
      }
      %add3A_260 = arith.addi %select_n3A_122, %add3A_254 : i32
      %mul3A_261 = arith.constant 88 : i32
      %mul3A_262 = arith.muli %add3A_260, %mul3A_261 : i32
      %add3A_263 = arith.constant 101376 : i32
      %add3A_264 = arith.addi %add3A_263, %mul3A_262 : i32
      %dma_start3A_265 = tpu.memref_slice %arg3[%add3A_264] : memref<202752xi32, #tpu.memory_space<hbm>> -> memref<88xi32, #tpu.memory_space<hbm>>
      %dma_start3A_266 = tpu.memref_slice %arg3[%add3A_264] : memref<202752xi32, #tpu.memory_space<hbm>> -> memref<88xi32, #tpu.memory_space<hbm>>
      tpu.enqueue_dma source(%dma_start3A_266 : memref<88xi32, #tpu.memory_space<hbm>>) target(%arg11 : memref<88xi32, #tpu.memory_space<vmem>>) target_semaphore(%arg19 : memref<!tpu.dma_semaphore, #tpu.memory_space<semaphore_mem>>)
      %add3A_267 = arith.constant 0 : i32
      %add3A_268 = arith.addi %add3A_267, %mul3A_262 : i32
      %dma_start3A_269 = tpu.memref_slice %arg3[%add3A_268] : memref<202752xi32, #tpu.memory_space<hbm>> -> memref<88xi32, #tpu.memory_space<hbm>>
      %dma_start3A_270 = tpu.memref_slice %arg3[%add3A_268] : memref<202752xi32, #tpu.memory_space<hbm>> -> memref<88xi32, #tpu.memory_space<hbm>>
      tpu.enqueue_dma source(%dma_start3A_270 : memref<88xi32, #tpu.memory_space<hbm>>) target(%arg15 : memref<88xi32, #tpu.memory_space<vmem>>) target_semaphore(%arg19 : memref<!tpu.dma_semaphore, #tpu.memory_space<semaphore_mem>>)
      %ge3A_271 = arith.constant 2 : i32
      %ge3A_272 = arith.cmpi sge, %add3A_254, %ge3A_271 : i32
      %convert_element_type3A_273 = arith.extui %ge3A_272 : i1 to i32
      %cond3A_274 = arith.constant 0 : i32
      %cond3A_275 = arith.cmpi ne, %convert_element_type3A_273, %cond3A_274 : i32
      scf.if %cond3A_275 {
        %sub3A_341 = arith.constant 2 : i32
        %sub3A_342 = arith.subi %add3A_254, %sub3A_341 : i32
        %add3A_343 = arith.addi %select_n3A_122, %sub3A_342 : i32
        %mul3A_344 = arith.constant 88 : i32
        %mul3A_345 = arith.muli %add3A_343, %mul3A_344 : i32
        %add3A_346 = arith.constant 101376 : i32
        %add3A_347 = arith.addi %add3A_346, %mul3A_345 : i32
        %dma_wait3A_348 = tpu.memref_slice %arg3[%add3A_347] : memref<202752xi32, #tpu.memory_space<hbm>> -> memref<88xi32, #tpu.memory_space<hbm>>
        %dma_wait3A_349 = tpu.memref_slice %arg3[%add3A_347] : memref<202752xi32, #tpu.memory_space<hbm>> -> memref<88xi32, #tpu.memory_space<hbm>>
        tpu.wait_dma2 semaphore(%arg21 : memref<!tpu.dma_semaphore, #tpu.memory_space<semaphore_mem>>) src(%dma_wait3A_349 : memref<88xi32, #tpu.memory_space<hbm>>) dst(%arg13 : memref<88xi32, #tpu.memory_space<vmem>>)
        %add3A_350 = arith.constant 0 : i32
        %add3A_351 = arith.addi %add3A_350, %mul3A_345 : i32
        %dma_wait3A_352 = tpu.memref_slice %arg3[%add3A_351] : memref<202752xi32, #tpu.memory_space<hbm>> -> memref<88xi32, #tpu.memory_space<hbm>>
        %dma_wait3A_353 = tpu.memref_slice %arg3[%add3A_351] : memref<202752xi32, #tpu.memory_space<hbm>> -> memref<88xi32, #tpu.memory_space<hbm>>
        tpu.wait_dma2 semaphore(%arg21 : memref<!tpu.dma_semaphore, #tpu.memory_space<semaphore_mem>>) src(%dma_wait3A_353 : memref<88xi32, #tpu.memory_space<hbm>>) dst(%arg17 : memref<88xi32, #tpu.memory_space<vmem>>)
        %dma_start3A_354 = arith.constant 0 : i32
        %dma_start3A_355 = arith.constant 0 : i32
        %dma_start3A_356 = tpu.memref_slice %arg2[%dma_start3A_354, %dma_start3A_355] : memref<10016x128xf32, #tpu.memory_space<hbm>> -> memref<10016x128xf32, #tpu.memory_space<hbm>>
        tpu.enqueue_indirect_dma source(%dma_start3A_356 : memref<10016x128xf32, #tpu.memory_space<hbm>>) target(%arg9 : memref<88x128xf32, #tpu.memory_space<vmem>>) offsets(%arg13 : memref<88xi32, #tpu.memory_space<vmem>>) semaphore(%arg25 : memref<!tpu.dma_semaphore, #tpu.memory_space<semaphore_mem>>)
      } else {
      }
      %ge3A_276 = arith.constant 3 : i32
      %ge3A_277 = arith.cmpi sge, %add3A_254, %ge3A_276 : i32
      %convert_element_type3A_278 = arith.extui %ge3A_277 : i1 to i32
      %cond3A_279 = arith.constant 0 : i32
      %cond3A_280 = arith.cmpi ne, %convert_element_type3A_278, %cond3A_279 : i32
      scf.if %cond3A_280 {
        %dma_wait3A_341 = arith.constant 0 : i32
        %dma_wait3A_342 = arith.constant 0 : i32
        %dma_wait3A_343 = tpu.memref_slice %arg2[%dma_wait3A_341, %dma_wait3A_342] : memref<10016x128xf32, #tpu.memory_space<hbm>> -> memref<10016x128xf32, #tpu.memory_space<hbm>>
        tpu.wait_indirect_dma semaphore(%arg24 : memref<!tpu.dma_semaphore, #tpu.memory_space<semaphore_mem>>) src(%dma_wait3A_343 : memref<10016x128xf32, #tpu.memory_space<hbm>>) dst(%arg8 : memref<88x128xf32, #tpu.memory_space<vmem>>)
        %dma_start3A_344 = arith.constant 0 : i32
        %dma_start3A_345 = arith.constant 0 : i32
        %dma_start3A_346 = tpu.memref_slice %arg5[%dma_start3A_344, %dma_start3A_345] : memref<10016x128xf32, #tpu.memory_space<vmem_shared>> -> memref<10016x128xf32, #tpu.memory_space<vmem_shared>>
        tpu.enqueue_indirect_dma source(%arg8 : memref<88x128xf32, #tpu.memory_space<vmem>>) target(%dma_start3A_346 : memref<10016x128xf32, #tpu.memory_space<vmem_shared>>) offsets(%arg16 : memref<88xi32, #tpu.memory_space<vmem>>) semaphore(%arg28 : memref<!tpu.dma_semaphore, #tpu.memory_space<semaphore_mem>>) {add = true}
      } else {
      }
      %mul3A_281 = arith.constant 4 : i32
      %mul3A_282 = arith.muli %while3A_222, %mul3A_281 : i32
      %add3A_283 = arith.constant 2 : i32
      %add3A_284 = arith.addi %mul3A_282, %add3A_283 : i32
      %gt3A_285 = arith.constant 0 : i32
      %gt3A_286 = arith.cmpi sgt, %while3A_222, %gt3A_285 : i32
      %convert_element_type3A_287 = arith.extui %gt3A_286 : i1 to i32
      %cond3A_288 = arith.constant 0 : i32
      %cond3A_289 = arith.cmpi ne, %convert_element_type3A_287, %cond3A_288 : i32
      scf.if %cond3A_289 {
        %dma_wait3A_341 = arith.constant 0 : i32
        %dma_wait3A_342 = arith.constant 0 : i32
        %dma_wait3A_343 = tpu.memref_slice %arg5[%dma_wait3A_341, %dma_wait3A_342] : memref<10016x128xf32, #tpu.memory_space<vmem_shared>> -> memref<10016x128xf32, #tpu.memory_space<vmem_shared>>
        tpu.wait_indirect_dma semaphore(%arg28 : memref<!tpu.dma_semaphore, #tpu.memory_space<semaphore_mem>>) src(%arg8 : memref<88x128xf32, #tpu.memory_space<vmem>>) dst(%dma_wait3A_343 : memref<10016x128xf32, #tpu.memory_space<vmem_shared>>)
      } else {
      }
      %add3A_290 = arith.addi %select_n3A_122, %add3A_284 : i32
      %mul3A_291 = arith.constant 88 : i32
      %mul3A_292 = arith.muli %add3A_290, %mul3A_291 : i32
      %add3A_293 = arith.constant 101376 : i32
      %add3A_294 = arith.addi %add3A_293, %mul3A_292 : i32
      %dma_start3A_295 = tpu.memref_slice %arg3[%add3A_294] : memref<202752xi32, #tpu.memory_space<hbm>> -> memref<88xi32, #tpu.memory_space<hbm>>
      %dma_start3A_296 = tpu.memref_slice %arg3[%add3A_294] : memref<202752xi32, #tpu.memory_space<hbm>> -> memref<88xi32, #tpu.memory_space<hbm>>
      tpu.enqueue_dma source(%dma_start3A_296 : memref<88xi32, #tpu.memory_space<hbm>>) target(%arg12 : memref<88xi32, #tpu.memory_space<vmem>>) target_semaphore(%arg20 : memref<!tpu.dma_semaphore, #tpu.memory_space<semaphore_mem>>)
      %add3A_297 = arith.constant 0 : i32
      %add3A_298 = arith.addi %add3A_297, %mul3A_292 : i32
      %dma_start3A_299 = tpu.memref_slice %arg3[%add3A_298] : memref<202752xi32, #tpu.memory_space<hbm>> -> memref<88xi32, #tpu.memory_space<hbm>>
      %dma_start3A_300 = tpu.memref_slice %arg3[%add3A_298] : memref<202752xi32, #tpu.memory_space<hbm>> -> memref<88xi32, #tpu.memory_space<hbm>>
      tpu.enqueue_dma source(%dma_start3A_300 : memref<88xi32, #tpu.memory_space<hbm>>) target(%arg16 : memref<88xi32, #tpu.memory_space<vmem>>) target_semaphore(%arg20 : memref<!tpu.dma_semaphore, #tpu.memory_space<semaphore_mem>>)
      %ge3A_301 = arith.constant 2 : i32
      %ge3A_302 = arith.cmpi sge, %add3A_284, %ge3A_301 : i32
      %convert_element_type3A_303 = arith.extui %ge3A_302 : i1 to i32
      %cond3A_304 = arith.constant 0 : i32
      %cond3A_305 = arith.cmpi ne, %convert_element_type3A_303, %cond3A_304 : i32
      scf.if %cond3A_305 {
        %sub3A_341 = arith.constant 2 : i32
        %sub3A_342 = arith.subi %add3A_284, %sub3A_341 : i32
        %add3A_343 = arith.addi %select_n3A_122, %sub3A_342 : i32
        %mul3A_344 = arith.constant 88 : i32
        %mul3A_345 = arith.muli %add3A_343, %mul3A_344 : i32
        %add3A_346 = arith.constant 101376 : i32
        %add3A_347 = arith.addi %add3A_346, %mul3A_345 : i32
        %dma_wait3A_348 = tpu.memref_slice %arg3[%add3A_347] : memref<202752xi32, #tpu.memory_space<hbm>> -> memref<88xi32, #tpu.memory_space<hbm>>
        %dma_wait3A_349 = tpu.memref_slice %arg3[%add3A_347] : memref<202752xi32, #tpu.memory_space<hbm>> -> memref<88xi32, #tpu.memory_space<hbm>>
        tpu.wait_dma2 semaphore(%arg18 : memref<!tpu.dma_semaphore, #tpu.memory_space<semaphore_mem>>) src(%dma_wait3A_349 : memref<88xi32, #tpu.memory_space<hbm>>) dst(%arg10 : memref<88xi32, #tpu.memory_space<vmem>>)
        %add3A_350 = arith.constant 0 : i32
        %add3A_351 = arith.addi %add3A_350, %mul3A_345 : i32
        %dma_wait3A_352 = tpu.memref_slice %arg3[%add3A_351] : memref<202752xi32, #tpu.memory_space<hbm>> -> memref<88xi32, #tpu.memory_space<hbm>>
        %dma_wait3A_353 = tpu.memref_slice %arg3[%add3A_351] : memref<202752xi32, #tpu.memory_space<hbm>> -> memref<88xi32, #tpu.memory_space<hbm>>
        tpu.wait_dma2 semaphore(%arg18 : memref<!tpu.dma_semaphore, #tpu.memory_space<semaphore_mem>>) src(%dma_wait3A_353 : memref<88xi32, #tpu.memory_space<hbm>>) dst(%arg14 : memref<88xi32, #tpu.memory_space<vmem>>)
        %dma_start3A_354 = arith.constant 0 : i32
        %dma_start3A_355 = arith.constant 0 : i32
        %dma_start3A_356 = tpu.memref_slice %arg2[%dma_start3A_354, %dma_start3A_355] : memref<10016x128xf32, #tpu.memory_space<hbm>> -> memref<10016x128xf32, #tpu.memory_space<hbm>>
        tpu.enqueue_indirect_dma source(%dma_start3A_356 : memref<10016x128xf32, #tpu.memory_space<hbm>>) target(%arg6 : memref<88x128xf32, #tpu.memory_space<vmem>>) offsets(%arg10 : memref<88xi32, #tpu.memory_space<vmem>>) semaphore(%arg22 : memref<!tpu.dma_semaphore, #tpu.memory_space<semaphore_mem>>)
      } else {
      }
      %ge3A_306 = arith.constant 3 : i32
      %ge3A_307 = arith.cmpi sge, %add3A_284, %ge3A_306 : i32
      %convert_element_type3A_308 = arith.extui %ge3A_307 : i1 to i32
      %cond3A_309 = arith.constant 0 : i32
      %cond3A_310 = arith.cmpi ne, %convert_element_type3A_308, %cond3A_309 : i32
      scf.if %cond3A_310 {
        %dma_wait3A_341 = arith.constant 0 : i32
        %dma_wait3A_342 = arith.constant 0 : i32
        %dma_wait3A_343 = tpu.memref_slice %arg2[%dma_wait3A_341, %dma_wait3A_342] : memref<10016x128xf32, #tpu.memory_space<hbm>> -> memref<10016x128xf32, #tpu.memory_space<hbm>>
        tpu.wait_indirect_dma semaphore(%arg25 : memref<!tpu.dma_semaphore, #tpu.memory_space<semaphore_mem>>) src(%dma_wait3A_343 : memref<10016x128xf32, #tpu.memory_space<hbm>>) dst(%arg9 : memref<88x128xf32, #tpu.memory_space<vmem>>)
        %dma_start3A_344 = arith.constant 0 : i32
        %dma_start3A_345 = arith.constant 0 : i32
        %dma_start3A_346 = tpu.memref_slice %arg5[%dma_start3A_344, %dma_start3A_345] : memref<10016x128xf32, #tpu.memory_space<vmem_shared>> -> memref<10016x128xf32, #tpu.memory_space<vmem_shared>>
        tpu.enqueue_indirect_dma source(%arg9 : memref<88x128xf32, #tpu.memory_space<vmem>>) target(%dma_start3A_346 : memref<10016x128xf32, #tpu.memory_space<vmem_shared>>) offsets(%arg17 : memref<88xi32, #tpu.memory_space<vmem>>) semaphore(%arg29 : memref<!tpu.dma_semaphore, #tpu.memory_space<semaphore_mem>>) {add = true}
      } else {
      }
      %mul3A_311 = arith.constant 4 : i32
      %mul3A_312 = arith.muli %while3A_222, %mul3A_311 : i32
      %add3A_313 = arith.constant 3 : i32
      %add3A_314 = arith.addi %mul3A_312, %add3A_313 : i32
      %gt3A_315 = arith.constant 0 : i32
      %gt3A_316 = arith.cmpi sgt, %while3A_222, %gt3A_315 : i32
      %convert_element_type3A_317 = arith.extui %gt3A_316 : i1 to i32
      %cond3A_318 = arith.constant 0 : i32
      %cond3A_319 = arith.cmpi ne, %convert_element_type3A_317, %cond3A_318 : i32
      scf.if %cond3A_319 {
        %dma_wait3A_341 = arith.constant 0 : i32
        %dma_wait3A_342 = arith.constant 0 : i32
        %dma_wait3A_343 = tpu.memref_slice %arg5[%dma_wait3A_341, %dma_wait3A_342] : memref<10016x128xf32, #tpu.memory_space<vmem_shared>> -> memref<10016x128xf32, #tpu.memory_space<vmem_shared>>
        tpu.wait_indirect_dma semaphore(%arg29 : memref<!tpu.dma_semaphore, #tpu.memory_space<semaphore_mem>>) src(%arg9 : memref<88x128xf32, #tpu.memory_space<vmem>>) dst(%dma_wait3A_343 : memref<10016x128xf32, #tpu.memory_space<vmem_shared>>)
      } else {
      }
      %add3A_320 = arith.addi %select_n3A_122, %add3A_314 : i32
      %mul3A_321 = arith.constant 88 : i32
      %mul3A_322 = arith.muli %add3A_320, %mul3A_321 : i32
      %add3A_323 = arith.constant 101376 : i32
      %add3A_324 = arith.addi %add3A_323, %mul3A_322 : i32
      %dma_start3A_325 = tpu.memref_slice %arg3[%add3A_324] : memref<202752xi32, #tpu.memory_space<hbm>> -> memref<88xi32, #tpu.memory_space<hbm>>
      %dma_start3A_326 = tpu.memref_slice %arg3[%add3A_324] : memref<202752xi32, #tpu.memory_space<hbm>> -> memref<88xi32, #tpu.memory_space<hbm>>
      tpu.enqueue_dma source(%dma_start3A_326 : memref<88xi32, #tpu.memory_space<hbm>>) target(%arg13 : memref<88xi32, #tpu.memory_space<vmem>>) target_semaphore(%arg21 : memref<!tpu.dma_semaphore, #tpu.memory_space<semaphore_mem>>)
      %add3A_327 = arith.constant 0 : i32
      %add3A_328 = arith.addi %add3A_327, %mul3A_322 : i32
      %dma_start3A_329 = tpu.memref_slice %arg3[%add3A_328] : memref<202752xi32, #tpu.memory_space<hbm>> -> memref<88xi32, #tpu.memory_space<hbm>>
      %dma_start3A_330 = tpu.memref_slice %arg3[%add3A_328] : memref<202752xi32, #tpu.memory_space<hbm>> -> memref<88xi32, #tpu.memory_space<hbm>>
      tpu.enqueue_dma source(%dma_start3A_330 : memref<88xi32, #tpu.memory_space<hbm>>) target(%arg17 : memref<88xi32, #tpu.memory_space<vmem>>) target_semaphore(%arg21 : memref<!tpu.dma_semaphore, #tpu.memory_space<semaphore_mem>>)
      %ge3A_331 = arith.constant 2 : i32
      %ge3A_332 = arith.cmpi sge, %add3A_314, %ge3A_331 : i32
      %convert_element_type3A_333 = arith.extui %ge3A_332 : i1 to i32
      %cond3A_334 = arith.constant 0 : i32
      %cond3A_335 = arith.cmpi ne, %convert_element_type3A_333, %cond3A_334 : i32
      scf.if %cond3A_335 {
        %sub3A_341 = arith.constant 2 : i32
        %sub3A_342 = arith.subi %add3A_314, %sub3A_341 : i32
        %add3A_343 = arith.addi %select_n3A_122, %sub3A_342 : i32
        %mul3A_344 = arith.constant 88 : i32
        %mul3A_345 = arith.muli %add3A_343, %mul3A_344 : i32
        %add3A_346 = arith.constant 101376 : i32
        %add3A_347 = arith.addi %add3A_346, %mul3A_345 : i32
        %dma_wait3A_348 = tpu.memref_slice %arg3[%add3A_347] : memref<202752xi32, #tpu.memory_space<hbm>> -> memref<88xi32, #tpu.memory_space<hbm>>
        %dma_wait3A_349 = tpu.memref_slice %arg3[%add3A_347] : memref<202752xi32, #tpu.memory_space<hbm>> -> memref<88xi32, #tpu.memory_space<hbm>>
        tpu.wait_dma2 semaphore(%arg19 : memref<!tpu.dma_semaphore, #tpu.memory_space<semaphore_mem>>) src(%dma_wait3A_349 : memref<88xi32, #tpu.memory_space<hbm>>) dst(%arg11 : memref<88xi32, #tpu.memory_space<vmem>>)
        %add3A_350 = arith.constant 0 : i32
        %add3A_351 = arith.addi %add3A_350, %mul3A_345 : i32
        %dma_wait3A_352 = tpu.memref_slice %arg3[%add3A_351] : memref<202752xi32, #tpu.memory_space<hbm>> -> memref<88xi32, #tpu.memory_space<hbm>>
        %dma_wait3A_353 = tpu.memref_slice %arg3[%add3A_351] : memref<202752xi32, #tpu.memory_space<hbm>> -> memref<88xi32, #tpu.memory_space<hbm>>
        tpu.wait_dma2 semaphore(%arg19 : memref<!tpu.dma_semaphore, #tpu.memory_space<semaphore_mem>>) src(%dma_wait3A_353 : memref<88xi32, #tpu.memory_space<hbm>>) dst(%arg15 : memref<88xi32, #tpu.memory_space<vmem>>)
        %dma_start3A_354 = arith.constant 0 : i32
        %dma_start3A_355 = arith.constant 0 : i32
        %dma_start3A_356 = tpu.memref_slice %arg2[%dma_start3A_354, %dma_start3A_355] : memref<10016x128xf32, #tpu.memory_space<hbm>> -> memref<10016x128xf32, #tpu.memory_space<hbm>>
        tpu.enqueue_indirect_dma source(%dma_start3A_356 : memref<10016x128xf32, #tpu.memory_space<hbm>>) target(%arg7 : memref<88x128xf32, #tpu.memory_space<vmem>>) offsets(%arg11 : memref<88xi32, #tpu.memory_space<vmem>>) semaphore(%arg23 : memref<!tpu.dma_semaphore, #tpu.memory_space<semaphore_mem>>)
      } else {
      }
      %ge3A_336 = arith.constant 3 : i32
      %ge3A_337 = arith.cmpi sge, %add3A_314, %ge3A_336 : i32
      %convert_element_type3A_338 = arith.extui %ge3A_337 : i1 to i32
      %cond3A_339 = arith.constant 0 : i32
      %cond3A_340 = arith.cmpi ne, %convert_element_type3A_338, %cond3A_339 : i32
      scf.if %cond3A_340 {
        %dma_wait3A_341 = arith.constant 0 : i32
        %dma_wait3A_342 = arith.constant 0 : i32
        %dma_wait3A_343 = tpu.memref_slice %arg2[%dma_wait3A_341, %dma_wait3A_342] : memref<10016x128xf32, #tpu.memory_space<hbm>> -> memref<10016x128xf32, #tpu.memory_space<hbm>>
        tpu.wait_indirect_dma semaphore(%arg22 : memref<!tpu.dma_semaphore, #tpu.memory_space<semaphore_mem>>) src(%dma_wait3A_343 : memref<10016x128xf32, #tpu.memory_space<hbm>>) dst(%arg6 : memref<88x128xf32, #tpu.memory_space<vmem>>)
        %dma_start3A_344 = arith.constant 0 : i32
        %dma_start3A_345 = arith.constant 0 : i32
        %dma_start3A_346 = tpu.memref_slice %arg5[%dma_start3A_344, %dma_start3A_345] : memref<10016x128xf32, #tpu.memory_space<vmem_shared>> -> memref<10016x128xf32, #tpu.memory_space<vmem_shared>>
        tpu.enqueue_indirect_dma source(%arg6 : memref<88x128xf32, #tpu.memory_space<vmem>>) target(%dma_start3A_346 : memref<10016x128xf32, #tpu.memory_space<vmem_shared>>) offsets(%arg14 : memref<88xi32, #tpu.memory_space<vmem>>) semaphore(%arg26 : memref<!tpu.dma_semaphore, #tpu.memory_space<semaphore_mem>>) {add = true}
      } else {
      }
    }
    %sub3A_150 = arith.constant 2 : i32
    %sub3A_151 = arith.subi %select_n3A, %sub3A_150 : i32
    %add3A_152 = arith.constant 0 : i32
    %add3A_153 = arith.addi %sub3A_151, %add3A_152 : i32
    %add3A_154 = arith.addi %select_n3A_122, %add3A_153 : i32
    %mul3A_155 = arith.constant 88 : i32
    %mul3A_156 = arith.muli %add3A_154, %mul3A_155 : i32
    %add3A_157 = arith.constant 101376 : i32
    %add3A_158 = arith.addi %add3A_157, %mul3A_156 : i32
    %dma_wait3A_159 = tpu.memref_slice %arg3[%add3A_158] : memref<202752xi32, #tpu.memory_space<hbm>> -> memref<88xi32, #tpu.memory_space<hbm>>
    %dma_wait3A_160 = tpu.memref_slice %arg3[%add3A_158] : memref<202752xi32, #tpu.memory_space<hbm>> -> memref<88xi32, #tpu.memory_space<hbm>>
    tpu.wait_dma2 semaphore(%arg20 : memref<!tpu.dma_semaphore, #tpu.memory_space<semaphore_mem>>) src(%dma_wait3A_160 : memref<88xi32, #tpu.memory_space<hbm>>) dst(%arg12 : memref<88xi32, #tpu.memory_space<vmem>>)
    %add3A_161 = arith.constant 0 : i32
    %add3A_162 = arith.addi %add3A_161, %mul3A_156 : i32
    %dma_wait3A_163 = tpu.memref_slice %arg3[%add3A_162] : memref<202752xi32, #tpu.memory_space<hbm>> -> memref<88xi32, #tpu.memory_space<hbm>>
    %dma_wait3A_164 = tpu.memref_slice %arg3[%add3A_162] : memref<202752xi32, #tpu.memory_space<hbm>> -> memref<88xi32, #tpu.memory_space<hbm>>
    tpu.wait_dma2 semaphore(%arg20 : memref<!tpu.dma_semaphore, #tpu.memory_space<semaphore_mem>>) src(%dma_wait3A_164 : memref<88xi32, #tpu.memory_space<hbm>>) dst(%arg16 : memref<88xi32, #tpu.memory_space<vmem>>)
    %dma_start3A_165 = arith.constant 0 : i32
    %dma_start3A_166 = arith.constant 0 : i32
    %dma_start3A_167 = tpu.memref_slice %arg2[%dma_start3A_165, %dma_start3A_166] : memref<10016x128xf32, #tpu.memory_space<hbm>> -> memref<10016x128xf32, #tpu.memory_space<hbm>>
    tpu.enqueue_indirect_dma source(%dma_start3A_167 : memref<10016x128xf32, #tpu.memory_space<hbm>>) target(%arg8 : memref<88x128xf32, #tpu.memory_space<vmem>>) offsets(%arg12 : memref<88xi32, #tpu.memory_space<vmem>>) semaphore(%arg24 : memref<!tpu.dma_semaphore, #tpu.memory_space<semaphore_mem>>)
    %sub3A_168 = arith.constant 2 : i32
    %sub3A_169 = arith.subi %select_n3A, %sub3A_168 : i32
    %add3A_170 = arith.constant 1 : i32
    %add3A_171 = arith.addi %sub3A_169, %add3A_170 : i32
    %add3A_172 = arith.addi %select_n3A_122, %add3A_171 : i32
    %mul3A_173 = arith.constant 88 : i32
    %mul3A_174 = arith.muli %add3A_172, %mul3A_173 : i32
    %add3A_175 = arith.constant 101376 : i32
    %add3A_176 = arith.addi %add3A_175, %mul3A_174 : i32
    %dma_wait3A_177 = tpu.memref_slice %arg3[%add3A_176] : memref<202752xi32, #tpu.memory_space<hbm>> -> memref<88xi32, #tpu.memory_space<hbm>>
    %dma_wait3A_178 = tpu.memref_slice %arg3[%add3A_176] : memref<202752xi32, #tpu.memory_space<hbm>> -> memref<88xi32, #tpu.memory_space<hbm>>
    tpu.wait_dma2 semaphore(%arg21 : memref<!tpu.dma_semaphore, #tpu.memory_space<semaphore_mem>>) src(%dma_wait3A_178 : memref<88xi32, #tpu.memory_space<hbm>>) dst(%arg13 : memref<88xi32, #tpu.memory_space<vmem>>)
    %add3A_179 = arith.constant 0 : i32
    %add3A_180 = arith.addi %add3A_179, %mul3A_174 : i32
    %dma_wait3A_181 = tpu.memref_slice %arg3[%add3A_180] : memref<202752xi32, #tpu.memory_space<hbm>> -> memref<88xi32, #tpu.memory_space<hbm>>
    %dma_wait3A_182 = tpu.memref_slice %arg3[%add3A_180] : memref<202752xi32, #tpu.memory_space<hbm>> -> memref<88xi32, #tpu.memory_space<hbm>>
    tpu.wait_dma2 semaphore(%arg21 : memref<!tpu.dma_semaphore, #tpu.memory_space<semaphore_mem>>) src(%dma_wait3A_182 : memref<88xi32, #tpu.memory_space<hbm>>) dst(%arg17 : memref<88xi32, #tpu.memory_space<vmem>>)
    %dma_start3A_183 = arith.constant 0 : i32
    %dma_start3A_184 = arith.constant 0 : i32
    %dma_start3A_185 = tpu.memref_slice %arg2[%dma_start3A_183, %dma_start3A_184] : memref<10016x128xf32, #tpu.memory_space<hbm>> -> memref<10016x128xf32, #tpu.memory_space<hbm>>
    tpu.enqueue_indirect_dma source(%dma_start3A_185 : memref<10016x128xf32, #tpu.memory_space<hbm>>) target(%arg9 : memref<88x128xf32, #tpu.memory_space<vmem>>) offsets(%arg13 : memref<88xi32, #tpu.memory_space<vmem>>) semaphore(%arg25 : memref<!tpu.dma_semaphore, #tpu.memory_space<semaphore_mem>>)
    %dma_wait3A_186 = arith.constant 0 : i32
    %dma_wait3A_187 = arith.constant 0 : i32
    %dma_wait3A_188 = tpu.memref_slice %arg5[%dma_wait3A_186, %dma_wait3A_187] : memref<10016x128xf32, #tpu.memory_space<vmem_shared>> -> memref<10016x128xf32, #tpu.memory_space<vmem_shared>>
    tpu.wait_indirect_dma semaphore(%arg26 : memref<!tpu.dma_semaphore, #tpu.memory_space<semaphore_mem>>) src(%arg6 : memref<88x128xf32, #tpu.memory_space<vmem>>) dst(%dma_wait3A_188 : memref<10016x128xf32, #tpu.memory_space<vmem_shared>>)
    %dma_wait3A_189 = arith.constant 0 : i32
    %dma_wait3A_190 = arith.constant 0 : i32
    %dma_wait3A_191 = tpu.memref_slice %arg2[%dma_wait3A_189, %dma_wait3A_190] : memref<10016x128xf32, #tpu.memory_space<hbm>> -> memref<10016x128xf32, #tpu.memory_space<hbm>>
    tpu.wait_indirect_dma semaphore(%arg23 : memref<!tpu.dma_semaphore, #tpu.memory_space<semaphore_mem>>) src(%dma_wait3A_191 : memref<10016x128xf32, #tpu.memory_space<hbm>>) dst(%arg7 : memref<88x128xf32, #tpu.memory_space<vmem>>)
    %dma_start3A_192 = arith.constant 0 : i32
    %dma_start3A_193 = arith.constant 0 : i32
    %dma_start3A_194 = tpu.memref_slice %arg5[%dma_start3A_192, %dma_start3A_193] : memref<10016x128xf32, #tpu.memory_space<vmem_shared>> -> memref<10016x128xf32, #tpu.memory_space<vmem_shared>>
    tpu.enqueue_indirect_dma source(%arg7 : memref<88x128xf32, #tpu.memory_space<vmem>>) target(%dma_start3A_194 : memref<10016x128xf32, #tpu.memory_space<vmem_shared>>) offsets(%arg15 : memref<88xi32, #tpu.memory_space<vmem>>) semaphore(%arg27 : memref<!tpu.dma_semaphore, #tpu.memory_space<semaphore_mem>>) {add = true}
    %dma_wait3A_195 = arith.constant 0 : i32
    %dma_wait3A_196 = arith.constant 0 : i32
    %dma_wait3A_197 = tpu.memref_slice %arg5[%dma_wait3A_195, %dma_wait3A_196] : memref<10016x128xf32, #tpu.memory_space<vmem_shared>> -> memref<10016x128xf32, #tpu.memory_space<vmem_shared>>
    tpu.wait_indirect_dma semaphore(%arg27 : memref<!tpu.dma_semaphore, #tpu.memory_space<semaphore_mem>>) src(%arg7 : memref<88x128xf32, #tpu.memory_space<vmem>>) dst(%dma_wait3A_197 : memref<10016x128xf32, #tpu.memory_space<vmem_shared>>)
    %dma_wait3A_198 = arith.constant 0 : i32
    %dma_wait3A_199 = arith.constant 0 : i32
    %dma_wait3A_200 = tpu.memref_slice %arg2[%dma_wait3A_198, %dma_wait3A_199] : memref<10016x128xf32, #tpu.memory_space<hbm>> -> memref<10016x128xf32, #tpu.memory_space<hbm>>
    tpu.wait_indirect_dma semaphore(%arg24 : memref<!tpu.dma_semaphore, #tpu.memory_space<semaphore_mem>>) src(%dma_wait3A_200 : memref<10016x128xf32, #tpu.memory_space<hbm>>) dst(%arg8 : memref<88x128xf32, #tpu.memory_space<vmem>>)
    %dma_start3A_201 = arith.constant 0 : i32
    %dma_start3A_202 = arith.constant 0 : i32
    %dma_start3A_203 = tpu.memref_slice %arg5[%dma_start3A_201, %dma_start3A_202] : memref<10016x128xf32, #tpu.memory_space<vmem_shared>> -> memref<10016x128xf32, #tpu.memory_space<vmem_shared>>
    tpu.enqueue_indirect_dma source(%arg8 : memref<88x128xf32, #tpu.memory_space<vmem>>) target(%dma_start3A_203 : memref<10016x128xf32, #tpu.memory_space<vmem_shared>>) offsets(%arg16 : memref<88xi32, #tpu.memory_space<vmem>>) semaphore(%arg28 : memref<!tpu.dma_semaphore, #tpu.memory_space<semaphore_mem>>) {add = true}
    %dma_wait3A_204 = arith.constant 0 : i32
    %dma_wait3A_205 = arith.constant 0 : i32
    %dma_wait3A_206 = tpu.memref_slice %arg5[%dma_wait3A_204, %dma_wait3A_205] : memref<10016x128xf32, #tpu.memory_space<vmem_shared>> -> memref<10016x128xf32, #tpu.memory_space<vmem_shared>>
    tpu.wait_indirect_dma semaphore(%arg28 : memref<!tpu.dma_semaphore, #tpu.memory_space<semaphore_mem>>) src(%arg8 : memref<88x128xf32, #tpu.memory_space<vmem>>) dst(%dma_wait3A_206 : memref<10016x128xf32, #tpu.memory_space<vmem_shared>>)
    %dma_wait3A_207 = arith.constant 0 : i32
    %dma_wait3A_208 = arith.constant 0 : i32
    %dma_wait3A_209 = tpu.memref_slice %arg2[%dma_wait3A_207, %dma_wait3A_208] : memref<10016x128xf32, #tpu.memory_space<hbm>> -> memref<10016x128xf32, #tpu.memory_space<hbm>>
    tpu.wait_indirect_dma semaphore(%arg25 : memref<!tpu.dma_semaphore, #tpu.memory_space<semaphore_mem>>) src(%dma_wait3A_209 : memref<10016x128xf32, #tpu.memory_space<hbm>>) dst(%arg9 : memref<88x128xf32, #tpu.memory_space<vmem>>)
    %dma_start3A_210 = arith.constant 0 : i32
    %dma_start3A_211 = arith.constant 0 : i32
    %dma_start3A_212 = tpu.memref_slice %arg5[%dma_start3A_210, %dma_start3A_211] : memref<10016x128xf32, #tpu.memory_space<vmem_shared>> -> memref<10016x128xf32, #tpu.memory_space<vmem_shared>>
    tpu.enqueue_indirect_dma source(%arg9 : memref<88x128xf32, #tpu.memory_space<vmem>>) target(%dma_start3A_212 : memref<10016x128xf32, #tpu.memory_space<vmem_shared>>) offsets(%arg17 : memref<88xi32, #tpu.memory_space<vmem>>) semaphore(%arg29 : memref<!tpu.dma_semaphore, #tpu.memory_space<semaphore_mem>>) {add = true}
    %dma_wait3A_213 = arith.constant 0 : i32
    %dma_wait3A_214 = arith.constant 0 : i32
    %dma_wait3A_215 = tpu.memref_slice %arg5[%dma_wait3A_213, %dma_wait3A_214] : memref<10016x128xf32, #tpu.memory_space<vmem_shared>> -> memref<10016x128xf32, #tpu.memory_space<vmem_shared>>
    tpu.wait_indirect_dma semaphore(%arg29 : memref<!tpu.dma_semaphore, #tpu.memory_space<semaphore_mem>>) src(%arg9 : memref<88x128xf32, #tpu.memory_space<vmem>>) dst(%dma_wait3A_215 : memref<10016x128xf32, #tpu.memory_space<vmem_shared>>)
    %barrier3A_216 = arith.constant 0 : index
    tpu.barrier barrier_id(%barrier3A_216)
    %mul3A_217 = arith.constant 624 : i32
    %mul3A_218 = arith.muli %arg1, %mul3A_217 : i32
    "tpu.region"() ({
      %run_scoped3A = tpu.sem_alloc : memref<!tpu.dma_semaphore, #tpu.memory_space<semaphore_mem>>
      %dma_start3A_222 = arith.constant 0 : i32
      %dma_start3A_223 = tpu.memref_slice %arg4[%arg0, %mul3A_218, %dma_start3A_222] : memref<2x10000x128xf32, #tpu.memory_space<hbm>> -> memref<1x624x128xf32, #tpu.memory_space<hbm>>
      %dma_start3A_224 = tpu.memref_squeeze %dma_start3A_223 : memref<1x624x128xf32, #tpu.memory_space<hbm>> -> memref<624x128xf32, #tpu.memory_space<hbm>>
      %dma_start3A_225 = arith.constant 0 : i32
      %dma_start3A_226 = tpu.memref_slice %arg5[%mul3A_218, %dma_start3A_225] : memref<10016x128xf32, #tpu.memory_space<vmem_shared>> -> memref<624x128xf32, #tpu.memory_space<vmem_shared>>
      tpu.enqueue_dma source(%dma_start3A_226 : memref<624x128xf32, #tpu.memory_space<vmem_shared>>) target(%dma_start3A_224 : memref<624x128xf32, #tpu.memory_space<hbm>>) target_semaphore(%run_scoped3A : memref<!tpu.dma_semaphore, #tpu.memory_space<semaphore_mem>>)
      %dma_wait3A_227 = arith.constant 0 : i32
      %dma_wait3A_228 = tpu.memref_slice %arg4[%arg0, %mul3A_218, %dma_wait3A_227] : memref<2x10000x128xf32, #tpu.memory_space<hbm>> -> memref<1x624x128xf32, #tpu.memory_space<hbm>>
      %dma_wait3A_229 = tpu.memref_squeeze %dma_wait3A_228 : memref<1x624x128xf32, #tpu.memory_space<hbm>> -> memref<624x128xf32, #tpu.memory_space<hbm>>
      %dma_wait3A_230 = arith.constant 0 : i32
      %dma_wait3A_231 = tpu.memref_slice %arg5[%mul3A_218, %dma_wait3A_230] : memref<10016x128xf32, #tpu.memory_space<vmem_shared>> -> memref<624x128xf32, #tpu.memory_space<vmem_shared>>
      tpu.wait_dma2 semaphore(%run_scoped3A : memref<!tpu.dma_semaphore, #tpu.memory_space<semaphore_mem>>) src(%dma_wait3A_231 : memref<624x128xf32, #tpu.memory_space<vmem_shared>>) dst(%dma_wait3A_229 : memref<624x128xf32, #tpu.memory_space<hbm>>)
      tpu.yield
    }) : () -> ()
    %eq3A_219 = arith.constant 15 : i32
    %eq3A_220 = arith.cmpi eq, %arg1, %eq3A_219 : i32
    %convert_element_type3A = arith.extui %eq3A_220 : i1 to i32
    %cond3A = arith.constant 0 : i32
    %cond3A_221 = arith.cmpi ne, %convert_element_type3A, %cond3A : i32
    scf.if %cond3A_221 {
      "tpu.region"() ({
        %run_scoped3A = tpu.sem_alloc : memref<!tpu.dma_semaphore, #tpu.memory_space<semaphore_mem>>
        %dma_start3A_222 = arith.constant 9984 : i32
        %dma_start3A_223 = arith.constant 0 : i32
        %dma_start3A_224 = tpu.memref_slice %arg4[%arg0, %dma_start3A_222, %dma_start3A_223] : memref<2x10000x128xf32, #tpu.memory_space<hbm>> -> memref<1x16x128xf32, #tpu.memory_space<hbm>>
        %dma_start3A_225 = tpu.memref_squeeze %dma_start3A_224 : memref<1x16x128xf32, #tpu.memory_space<hbm>> -> memref<16x128xf32, #tpu.memory_space<hbm>>
        %dma_start3A_226 = arith.constant 9984 : i32
        %dma_start3A_227 = arith.constant 0 : i32
        %dma_start3A_228 = tpu.memref_slice %arg5[%dma_start3A_226, %dma_start3A_227] : memref<10016x128xf32, #tpu.memory_space<vmem_shared>> -> memref<16x128xf32, #tpu.memory_space<vmem_shared>>
        tpu.enqueue_dma source(%dma_start3A_228 : memref<16x128xf32, #tpu.memory_space<vmem_shared>>) target(%dma_start3A_225 : memref<16x128xf32, #tpu.memory_space<hbm>>) target_semaphore(%run_scoped3A : memref<!tpu.dma_semaphore, #tpu.memory_space<semaphore_mem>>)
        %dma_wait3A_229 = arith.constant 9984 : i32
        %dma_wait3A_230 = arith.constant 0 : i32
        %dma_wait3A_231 = tpu.memref_slice %arg4[%arg0, %dma_wait3A_229, %dma_wait3A_230] : memref<2x10000x128xf32, #tpu.memory_space<hbm>> -> memref<1x16x128xf32, #tpu.memory_space<hbm>>
        %dma_wait3A_232 = tpu.memref_squeeze %dma_wait3A_231 : memref<1x16x128xf32, #tpu.memory_space<hbm>> -> memref<16x128xf32, #tpu.memory_space<hbm>>
        %dma_wait3A_233 = arith.constant 9984 : i32
        %dma_wait3A_234 = arith.constant 0 : i32
        %dma_wait3A_235 = tpu.memref_slice %arg5[%dma_wait3A_233, %dma_wait3A_234] : memref<10016x128xf32, #tpu.memory_space<vmem_shared>> -> memref<16x128xf32, #tpu.memory_space<vmem_shared>>
        tpu.wait_dma2 semaphore(%run_scoped3A : memref<!tpu.dma_semaphore, #tpu.memory_space<semaphore_mem>>) src(%dma_wait3A_235 : memref<16x128xf32, #tpu.memory_space<vmem_shared>>) dst(%dma_wait3A_232 : memref<16x128xf32, #tpu.memory_space<hbm>>)
        tpu.yield
      }) : () -> ()
    } else {
    }
    return
  }
}

#map = affine_map<(d0, d1) -> (0, 0)>
#map1 = affine_map<(d0, d1) -> (0)>
#map2 = affine_map<(d0, d1) -> (0, 0, 0)>
module attributes {stable_mosaic.version = 14 : i64} {
  func.func @seg(%arg0: i32, %arg1: i32, %arg2: memref<10016x128xf32, #tpu.memory_space<hbm>>, %arg3: memref<202752xi32, #tpu.memory_space<hbm>>, %arg4: memref<2x10000x128xf32, #tpu.memory_space<hbm>>, %arg5: memref<10016x128xf32, #tpu.memory_space<vmem_shared>>, %arg6: memref<88x128xf32, #tpu.memory_space<vmem>>, %arg7: memref<88x128xf32, #tpu.memory_space<vmem>>, %arg8: memref<88x128xf32, #tpu.memory_space<vmem>>, %arg9: memref<88x128xf32, #tpu.memory_space<vmem>>, %arg10: memref<88xi32, #tpu.memory_space<vmem>>, %arg11: memref<88xi32, #tpu.memory_space<vmem>>, %arg12: memref<88xi32, #tpu.memory_space<vmem>>, %arg13: memref<88xi32, #tpu.memory_space<vmem>>, %arg14: memref<88xi32, #tpu.memory_space<vmem>>, %arg15: memref<88xi32, #tpu.memory_space<vmem>>, %arg16: memref<88xi32, #tpu.memory_space<vmem>>, %arg17: memref<88xi32, #tpu.memory_space<vmem>>, %arg18: memref<!tpu.dma_semaphore, #tpu.memory_space<semaphore_mem>>, %arg19: memref<!tpu.dma_semaphore, #tpu.memory_space<semaphore_mem>>, %arg20: memref<!tpu.dma_semaphore, #tpu.memory_space<semaphore_mem>>, %arg21: memref<!tpu.dma_semaphore, #tpu.memory_space<semaphore_mem>>, %arg22: memref<!tpu.dma_semaphore, #tpu.memory_space<semaphore_mem>>, %arg23: memref<!tpu.dma_semaphore, #tpu.memory_space<semaphore_mem>>, %arg24: memref<!tpu.dma_semaphore, #tpu.memory_space<semaphore_mem>>, %arg25: memref<!tpu.dma_semaphore, #tpu.memory_space<semaphore_mem>>, %arg26: memref<!tpu.dma_semaphore, #tpu.memory_space<semaphore_mem>>, %arg27: memref<!tpu.dma_semaphore, #tpu.memory_space<semaphore_mem>>, %arg28: memref<!tpu.dma_semaphore, #tpu.memory_space<semaphore_mem>>, %arg29: memref<!tpu.dma_semaphore, #tpu.memory_space<semaphore_mem>>) attributes {dimension_semantics = [#tpu.dimension_semantics<core_parallel>, #tpu.dimension_semantics<subcore_parallel>], iteration_bounds = array<i64: 2, 16>, scalar_prefetch = 0 : i64, scratch_operands = 25 : i64, tpu.core_type = #tpu.core_type<sc_vector_subcore>, window_params = [{transform_indices = #map}, {transform_indices = #map1}, {transform_indices = #map2}]} {
    %broadcast_in_dim3A = arith.constant 0.000000e+00 : f32
    %broadcast_in_dim3A_0 = vector.broadcast %broadcast_in_dim3A : f32 to vector<16xf32>
    %scan3A = arith.constant 0 : i32
    %scan3A_1 = arith.constant 0 : i32
    %scan3A_2 = arith.constant 88 : i32
    %scan3A_3 = arith.addi %scan3A_1, %scan3A_2 : i32
    %scan3A_4 = arith.constant 1 : i32
    scf.for %scan3A_222 = %scan3A_1 to %scan3A_3 step %scan3A_4  : i32 {
      %swap3A = arith.index_cast %scan3A_222 : i32 to index
      %swap3A_223 = arith.constant 0 : index
      %swap3A_224 = tpu.vector_load %arg6[%swap3A, %swap3A_223] {strides = array<i32>} : memref<88x128xf32, #tpu.memory_space<vmem>>, vector<1x16xf32>,
      %swap3A_225 = vector.shape_cast %swap3A_224 : vector<1x16xf32> to vector<16xf32>
      %swap3A_226 = vector.shape_cast %broadcast_in_dim3A_0 : vector<16xf32> to vector<1x16xf32>
      tpu.vector_store %arg6[%swap3A, %swap3A_223], %swap3A_226 {strides = array<i32>} : memref<88x128xf32, #tpu.memory_space<vmem>>, vector<1x16xf32>,
      %swap3A_227 = arith.index_cast %scan3A_222 : i32 to index
      %swap3A_228 = arith.constant 16 : index
      %swap3A_229 = tpu.vector_load %arg6[%swap3A_227, %swap3A_228] {strides = array<i32>} : memref<88x128xf32, #tpu.memory_space<vmem>>, vector<1x16xf32>,
      %swap3A_230 = vector.shape_cast %swap3A_229 : vector<1x16xf32> to vector<16xf32>
      %swap3A_231 = vector.shape_cast %broadcast_in_dim3A_0 : vector<16xf32> to vector<1x16xf32>
      tpu.vector_store %arg6[%swap3A_227, %swap3A_228], %swap3A_231 {strides = array<i32>} : memref<88x128xf32, #tpu.memory_space<vmem>>, vector<1x16xf32>,
      %swap3A_232 = arith.index_cast %scan3A_222 : i32 to index
      %swap3A_233 = arith.constant 32 : index
      %swap3A_234 = tpu.vector_load %arg6[%swap3A_232, %swap3A_233] {strides = array<i32>} : memref<88x128xf32, #tpu.memory_space<vmem>>, vector<1x16xf32>,
      %swap3A_235 = vector.shape_cast %swap3A_234 : vector<1x16xf32> to vector<16xf32>
      %swap3A_236 = vector.shape_cast %broadcast_in_dim3A_0 : vector<16xf32> to vector<1x16xf32>
      tpu.vector_store %arg6[%swap3A_232, %swap3A_233], %swap3A_236 {strides = array<i32>} : memref<88x128xf32, #tpu.memory_space<vmem>>, vector<1x16xf32>,
      %swap3A_237 = arith.index_cast %scan3A_222 : i32 to index
      %swap3A_238 = arith.constant 48 : index
      %swap3A_239 = tpu.vector_load %arg6[%swap3A_237, %swap3A_238] {strides = array<i32>} : memref<88x128xf32, #tpu.memory_space<vmem>>, vector<1x16xf32>,
      %swap3A_240 = vector.shape_cast %swap3A_239 : vector<1x16xf32> to vector<16xf32>
      %swap3A_241 = vector.shape_cast %broadcast_in_dim3A_0 : vector<16xf32> to vector<1x16xf32>
      tpu.vector_store %arg6[%swap3A_237, %swap3A_238], %swap3A_241 {strides = array<i32>} : memref<88x128xf32, #tpu.memory_space<vmem>>, vector<1x16xf32>,
      %swap3A_242 = arith.index_cast %scan3A_222 : i32 to index
      %swap3A_243 = arith.constant 64 : index
      %swap3A_244 = tpu.vector_load %arg6[%swap3A_242, %swap3A_243] {strides = array<i32>} : memref<88x128xf32, #tpu.memory_space<vmem>>, vector<1x16xf32>,
      %swap3A_245 = vector.shape_cast %swap3A_244 : vector<1x16xf32> to vector<16xf32>
      %swap3A_246 = vector.shape_cast %broadcast_in_dim3A_0 : vector<16xf32> to vector<1x16xf32>
      tpu.vector_store %arg6[%swap3A_242, %swap3A_243], %swap3A_246 {strides = array<i32>} : memref<88x128xf32, #tpu.memory_space<vmem>>, vector<1x16xf32>,
      %swap3A_247 = arith.index_cast %scan3A_222 : i32 to index
      %swap3A_248 = arith.constant 80 : index
      %swap3A_249 = tpu.vector_load %arg6[%swap3A_247, %swap3A_248] {strides = array<i32>} : memref<88x128xf32, #tpu.memory_space<vmem>>, vector<1x16xf32>,
      %swap3A_250 = vector.shape_cast %swap3A_249 : vector<1x16xf32> to vector<16xf32>
      %swap3A_251 = vector.shape_cast %broadcast_in_dim3A_0 : vector<16xf32> to vector<1x16xf32>
      tpu.vector_store %arg6[%swap3A_247, %swap3A_248], %swap3A_251 {strides = array<i32>} : memref<88x128xf32, #tpu.memory_space<vmem>>, vector<1x16xf32>,
      %swap3A_252 = arith.index_cast %scan3A_222 : i32 to index
      %swap3A_253 = arith.constant 96 : index
      %swap3A_254 = tpu.vector_load %arg6[%swap3A_252, %swap3A_253] {strides = array<i32>} : memref<88x128xf32, #tpu.memory_space<vmem>>, vector<1x16xf32>,
      %swap3A_255 = vector.shape_cast %swap3A_254 : vector<1x16xf32> to vector<16xf32>
      %swap3A_256 = vector.shape_cast %broadcast_in_dim3A_0 : vector<16xf32> to vector<1x16xf32>
      tpu.vector_store %arg6[%swap3A_252, %swap3A_253], %swap3A_256 {strides = array<i32>} : memref<88x128xf32, #tpu.memory_space<vmem>>, vector<1x16xf32>,
      %swap3A_257 = arith.index_cast %scan3A_222 : i32 to index
      %swap3A_258 = arith.constant 112 : index
      %swap3A_259 = tpu.vector_load %arg6[%swap3A_257, %swap3A_258] {strides = array<i32>} : memref<88x128xf32, #tpu.memory_space<vmem>>, vector<1x16xf32>,
      %swap3A_260 = vector.shape_cast %swap3A_259 : vector<1x16xf32> to vector<16xf32>
      %swap3A_261 = vector.shape_cast %broadcast_in_dim3A_0 : vector<16xf32> to vector<1x16xf32>
      tpu.vector_store %arg6[%swap3A_257, %swap3A_258], %swap3A_261 {strides = array<i32>} : memref<88x128xf32, #tpu.memory_space<vmem>>, vector<1x16xf32>,
    }
    %scan3A_5 = arith.constant 88 : i32
    %mul3A = arith.constant 626 : i32
    %mul3A_6 = arith.muli %arg1, %mul3A : i32
    %add3A = arith.constant 0 : i32
    %add3A_7 = arith.addi %mul3A_6, %add3A : i32
    %dma_start3A = arith.constant 0 : i32
    %dma_start3A_8 = tpu.memref_slice %arg5[%add3A_7, %dma_start3A] : memref<10016x128xf32, #tpu.memory_space<vmem_shared>> -> memref<88x128xf32, #tpu.memory_space<vmem_shared>>
    %dma_start3A_9 = arith.constant 0 : i32
    %dma_start3A_10 = tpu.memref_slice %arg5[%add3A_7, %dma_start3A_9] : memref<10016x128xf32, #tpu.memory_space<vmem_shared>> -> memref<88x128xf32, #tpu.memory_space<vmem_shared>>
    tpu.enqueue_dma source(%arg6 : memref<88x128xf32, #tpu.memory_space<vmem>>) target(%dma_start3A_10 : memref<88x128xf32, #tpu.memory_space<vmem_shared>>) target_semaphore(%arg18 : memref<!tpu.dma_semaphore, #tpu.memory_space<semaphore_mem>>)
    %add3A_11 = arith.constant 88 : i32
    %add3A_12 = arith.addi %mul3A_6, %add3A_11 : i32
    %dma_start3A_13 = arith.constant 0 : i32
    %dma_start3A_14 = tpu.memref_slice %arg5[%add3A_12, %dma_start3A_13] : memref<10016x128xf32, #tpu.memory_space<vmem_shared>> -> memref<88x128xf32, #tpu.memory_space<vmem_shared>>
    %dma_start3A_15 = arith.constant 0 : i32
    %dma_start3A_16 = tpu.memref_slice %arg5[%add3A_12, %dma_start3A_15] : memref<10016x128xf32, #tpu.memory_space<vmem_shared>> -> memref<88x128xf32, #tpu.memory_space<vmem_shared>>
    tpu.enqueue_dma source(%arg6 : memref<88x128xf32, #tpu.memory_space<vmem>>) target(%dma_start3A_16 : memref<88x128xf32, #tpu.memory_space<vmem_shared>>) target_semaphore(%arg18 : memref<!tpu.dma_semaphore, #tpu.memory_space<semaphore_mem>>)
    %add3A_17 = arith.constant 176 : i32
    %add3A_18 = arith.addi %mul3A_6, %add3A_17 : i32
    %dma_start3A_19 = arith.constant 0 : i32
    %dma_start3A_20 = tpu.memref_slice %arg5[%add3A_18, %dma_start3A_19] : memref<10016x128xf32, #tpu.memory_space<vmem_shared>> -> memref<88x128xf32, #tpu.memory_space<vmem_shared>>
    %dma_start3A_21 = arith.constant 0 : i32
    %dma_start3A_22 = tpu.memref_slice %arg5[%add3A_18, %dma_start3A_21] : memref<10016x128xf32, #tpu.memory_space<vmem_shared>> -> memref<88x128xf32, #tpu.memory_space<vmem_shared>>
    tpu.enqueue_dma source(%arg6 : memref<88x128xf32, #tpu.memory_space<vmem>>) target(%dma_start3A_22 : memref<88x128xf32, #tpu.memory_space<vmem_shared>>) target_semaphore(%arg18 : memref<!tpu.dma_semaphore, #tpu.memory_space<semaphore_mem>>)
    %add3A_23 = arith.constant 264 : i32
    %add3A_24 = arith.addi %mul3A_6, %add3A_23 : i32
    %dma_start3A_25 = arith.constant 0 : i32
    %dma_start3A_26 = tpu.memref_slice %arg5[%add3A_24, %dma_start3A_25] : memref<10016x128xf32, #tpu.memory_space<vmem_shared>> -> memref<88x128xf32, #tpu.memory_space<vmem_shared>>
    %dma_start3A_27 = arith.constant 0 : i32
    %dma_start3A_28 = tpu.memref_slice %arg5[%add3A_24, %dma_start3A_27] : memref<10016x128xf32, #tpu.memory_space<vmem_shared>> -> memref<88x128xf32, #tpu.memory_space<vmem_shared>>
    tpu.enqueue_dma source(%arg6 : memref<88x128xf32, #tpu.memory_space<vmem>>) target(%dma_start3A_28 : memref<88x128xf32, #tpu.memory_space<vmem_shared>>) target_semaphore(%arg18 : memref<!tpu.dma_semaphore, #tpu.memory_space<semaphore_mem>>)
    %add3A_29 = arith.constant 352 : i32
    %add3A_30 = arith.addi %mul3A_6, %add3A_29 : i32
    %dma_start3A_31 = arith.constant 0 : i32
    %dma_start3A_32 = tpu.memref_slice %arg5[%add3A_30, %dma_start3A_31] : memref<10016x128xf32, #tpu.memory_space<vmem_shared>> -> memref<88x128xf32, #tpu.memory_space<vmem_shared>>
    %dma_start3A_33 = arith.constant 0 : i32
    %dma_start3A_34 = tpu.memref_slice %arg5[%add3A_30, %dma_start3A_33] : memref<10016x128xf32, #tpu.memory_space<vmem_shared>> -> memref<88x128xf32, #tpu.memory_space<vmem_shared>>
    tpu.enqueue_dma source(%arg6 : memref<88x128xf32, #tpu.memory_space<vmem>>) target(%dma_start3A_34 : memref<88x128xf32, #tpu.memory_space<vmem_shared>>) target_semaphore(%arg18 : memref<!tpu.dma_semaphore, #tpu.memory_space<semaphore_mem>>)
    %add3A_35 = arith.constant 440 : i32
    %add3A_36 = arith.addi %mul3A_6, %add3A_35 : i32
    %dma_start3A_37 = arith.constant 0 : i32
    %dma_start3A_38 = tpu.memref_slice %arg5[%add3A_36, %dma_start3A_37] : memref<10016x128xf32, #tpu.memory_space<vmem_shared>> -> memref<88x128xf32, #tpu.memory_space<vmem_shared>>
    %dma_start3A_39 = arith.constant 0 : i32
    %dma_start3A_40 = tpu.memref_slice %arg5[%add3A_36, %dma_start3A_39] : memref<10016x128xf32, #tpu.memory_space<vmem_shared>> -> memref<88x128xf32, #tpu.memory_space<vmem_shared>>
    tpu.enqueue_dma source(%arg6 : memref<88x128xf32, #tpu.memory_space<vmem>>) target(%dma_start3A_40 : memref<88x128xf32, #tpu.memory_space<vmem_shared>>) target_semaphore(%arg18 : memref<!tpu.dma_semaphore, #tpu.memory_space<semaphore_mem>>)
    %add3A_41 = arith.constant 528 : i32
    %add3A_42 = arith.addi %mul3A_6, %add3A_41 : i32
    %dma_start3A_43 = arith.constant 0 : i32
    %dma_start3A_44 = tpu.memref_slice %arg5[%add3A_42, %dma_start3A_43] : memref<10016x128xf32, #tpu.memory_space<vmem_shared>> -> memref<88x128xf32, #tpu.memory_space<vmem_shared>>
    %dma_start3A_45 = arith.constant 0 : i32
    %dma_start3A_46 = tpu.memref_slice %arg5[%add3A_42, %dma_start3A_45] : memref<10016x128xf32, #tpu.memory_space<vmem_shared>> -> memref<88x128xf32, #tpu.memory_space<vmem_shared>>
    tpu.enqueue_dma source(%arg6 : memref<88x128xf32, #tpu.memory_space<vmem>>) target(%dma_start3A_46 : memref<88x128xf32, #tpu.memory_space<vmem_shared>>) target_semaphore(%arg18 : memref<!tpu.dma_semaphore, #tpu.memory_space<semaphore_mem>>)
    %add3A_47 = arith.constant 616 : i32
    %add3A_48 = arith.addi %mul3A_6, %add3A_47 : i32
    %dma_start3A_49 = arith.constant 0 : i32
    %dma_start3A_50 = arith.constant 0 : i32
    %dma_start3A_51 = tpu.memref_slice %arg6[%dma_start3A_49, %dma_start3A_50] : memref<88x128xf32, #tpu.memory_space<vmem>> -> memref<10x128xf32, #tpu.memory_space<vmem>>
    %dma_start3A_52 = arith.constant 0 : i32
    %dma_start3A_53 = tpu.memref_slice %arg5[%add3A_48, %dma_start3A_52] : memref<10016x128xf32, #tpu.memory_space<vmem_shared>> -> memref<10x128xf32, #tpu.memory_space<vmem_shared>>
    %dma_start3A_54 = arith.constant 0 : i32
    %dma_start3A_55 = tpu.memref_slice %arg5[%add3A_48, %dma_start3A_54] : memref<10016x128xf32, #tpu.memory_space<vmem_shared>> -> memref<10x128xf32, #tpu.memory_space<vmem_shared>>
    %dma_start3A_56 = arith.constant 0 : i32
    %dma_start3A_57 = arith.constant 0 : i32
    %dma_start3A_58 = tpu.memref_slice %arg6[%dma_start3A_56, %dma_start3A_57] : memref<88x128xf32, #tpu.memory_space<vmem>> -> memref<10x128xf32, #tpu.memory_space<vmem>>
    tpu.enqueue_dma source(%dma_start3A_58 : memref<10x128xf32, #tpu.memory_space<vmem>>) target(%dma_start3A_55 : memref<10x128xf32, #tpu.memory_space<vmem_shared>>) target_semaphore(%arg18 : memref<!tpu.dma_semaphore, #tpu.memory_space<semaphore_mem>>)
    %add3A_59 = arith.constant 0 : i32
    %add3A_60 = arith.addi %mul3A_6, %add3A_59 : i32
    %dma_wait3A = arith.constant 0 : i32
    %dma_wait3A_61 = tpu.memref_slice %arg5[%add3A_60, %dma_wait3A] : memref<10016x128xf32, #tpu.memory_space<vmem_shared>> -> memref<88x128xf32, #tpu.memory_space<vmem_shared>>
    %dma_wait3A_62 = arith.constant 0 : i32
    %dma_wait3A_63 = tpu.memref_slice %arg5[%add3A_60, %dma_wait3A_62] : memref<10016x128xf32, #tpu.memory_space<vmem_shared>> -> memref<88x128xf32, #tpu.memory_space<vmem_shared>>
    tpu.wait_dma2 semaphore(%arg18 : memref<!tpu.dma_semaphore, #tpu.memory_space<semaphore_mem>>) src(%arg6 : memref<88x128xf32, #tpu.memory_space<vmem>>) dst(%dma_wait3A_63 : memref<88x128xf32, #tpu.memory_space<vmem_shared>>)
    %add3A_64 = arith.constant 88 : i32
    %add3A_65 = arith.addi %mul3A_6, %add3A_64 : i32
    %dma_wait3A_66 = arith.constant 0 : i32
    %dma_wait3A_67 = tpu.memref_slice %arg5[%add3A_65, %dma_wait3A_66] : memref<10016x128xf32, #tpu.memory_space<vmem_shared>> -> memref<88x128xf32, #tpu.memory_space<vmem_shared>>
    %dma_wait3A_68 = arith.constant 0 : i32
    %dma_wait3A_69 = tpu.memref_slice %arg5[%add3A_65, %dma_wait3A_68] : memref<10016x128xf32, #tpu.memory_space<vmem_shared>> -> memref<88x128xf32, #tpu.memory_space<vmem_shared>>
    tpu.wait_dma2 semaphore(%arg18 : memref<!tpu.dma_semaphore, #tpu.memory_space<semaphore_mem>>) src(%arg6 : memref<88x128xf32, #tpu.memory_space<vmem>>) dst(%dma_wait3A_69 : memref<88x128xf32, #tpu.memory_space<vmem_shared>>)
    %add3A_70 = arith.constant 176 : i32
    %add3A_71 = arith.addi %mul3A_6, %add3A_70 : i32
    %dma_wait3A_72 = arith.constant 0 : i32
    %dma_wait3A_73 = tpu.memref_slice %arg5[%add3A_71, %dma_wait3A_72] : memref<10016x128xf32, #tpu.memory_space<vmem_shared>> -> memref<88x128xf32, #tpu.memory_space<vmem_shared>>
    %dma_wait3A_74 = arith.constant 0 : i32
    %dma_wait3A_75 = tpu.memref_slice %arg5[%add3A_71, %dma_wait3A_74] : memref<10016x128xf32, #tpu.memory_space<vmem_shared>> -> memref<88x128xf32, #tpu.memory_space<vmem_shared>>
    tpu.wait_dma2 semaphore(%arg18 : memref<!tpu.dma_semaphore, #tpu.memory_space<semaphore_mem>>) src(%arg6 : memref<88x128xf32, #tpu.memory_space<vmem>>) dst(%dma_wait3A_75 : memref<88x128xf32, #tpu.memory_space<vmem_shared>>)
    %add3A_76 = arith.constant 264 : i32
    %add3A_77 = arith.addi %mul3A_6, %add3A_76 : i32
    %dma_wait3A_78 = arith.constant 0 : i32
    %dma_wait3A_79 = tpu.memref_slice %arg5[%add3A_77, %dma_wait3A_78] : memref<10016x128xf32, #tpu.memory_space<vmem_shared>> -> memref<88x128xf32, #tpu.memory_space<vmem_shared>>
    %dma_wait3A_80 = arith.constant 0 : i32
    %dma_wait3A_81 = tpu.memref_slice %arg5[%add3A_77, %dma_wait3A_80] : memref<10016x128xf32, #tpu.memory_space<vmem_shared>> -> memref<88x128xf32, #tpu.memory_space<vmem_shared>>
    tpu.wait_dma2 semaphore(%arg18 : memref<!tpu.dma_semaphore, #tpu.memory_space<semaphore_mem>>) src(%arg6 : memref<88x128xf32, #tpu.memory_space<vmem>>) dst(%dma_wait3A_81 : memref<88x128xf32, #tpu.memory_space<vmem_shared>>)
    %add3A_82 = arith.constant 352 : i32
    %add3A_83 = arith.addi %mul3A_6, %add3A_82 : i32
    %dma_wait3A_84 = arith.constant 0 : i32
    %dma_wait3A_85 = tpu.memref_slice %arg5[%add3A_83, %dma_wait3A_84] : memref<10016x128xf32, #tpu.memory_space<vmem_shared>> -> memref<88x128xf32, #tpu.memory_space<vmem_shared>>
    %dma_wait3A_86 = arith.constant 0 : i32
    %dma_wait3A_87 = tpu.memref_slice %arg5[%add3A_83, %dma_wait3A_86] : memref<10016x128xf32, #tpu.memory_space<vmem_shared>> -> memref<88x128xf32, #tpu.memory_space<vmem_shared>>
    tpu.wait_dma2 semaphore(%arg18 : memref<!tpu.dma_semaphore, #tpu.memory_space<semaphore_mem>>) src(%arg6 : memref<88x128xf32, #tpu.memory_space<vmem>>) dst(%dma_wait3A_87 : memref<88x128xf32, #tpu.memory_space<vmem_shared>>)
    %add3A_88 = arith.constant 440 : i32
    %add3A_89 = arith.addi %mul3A_6, %add3A_88 : i32
    %dma_wait3A_90 = arith.constant 0 : i32
    %dma_wait3A_91 = tpu.memref_slice %arg5[%add3A_89, %dma_wait3A_90] : memref<10016x128xf32, #tpu.memory_space<vmem_shared>> -> memref<88x128xf32, #tpu.memory_space<vmem_shared>>
    %dma_wait3A_92 = arith.constant 0 : i32
    %dma_wait3A_93 = tpu.memref_slice %arg5[%add3A_89, %dma_wait3A_92] : memref<10016x128xf32, #tpu.memory_space<vmem_shared>> -> memref<88x128xf32, #tpu.memory_space<vmem_shared>>
    tpu.wait_dma2 semaphore(%arg18 : memref<!tpu.dma_semaphore, #tpu.memory_space<semaphore_mem>>) src(%arg6 : memref<88x128xf32, #tpu.memory_space<vmem>>) dst(%dma_wait3A_93 : memref<88x128xf32, #tpu.memory_space<vmem_shared>>)
    %add3A_94 = arith.constant 528 : i32
    %add3A_95 = arith.addi %mul3A_6, %add3A_94 : i32
    %dma_wait3A_96 = arith.constant 0 : i32
    %dma_wait3A_97 = tpu.memref_slice %arg5[%add3A_95, %dma_wait3A_96] : memref<10016x128xf32, #tpu.memory_space<vmem_shared>> -> memref<88x128xf32, #tpu.memory_space<vmem_shared>>
    %dma_wait3A_98 = arith.constant 0 : i32
    %dma_wait3A_99 = tpu.memref_slice %arg5[%add3A_95, %dma_wait3A_98] : memref<10016x128xf32, #tpu.memory_space<vmem_shared>> -> memref<88x128xf32, #tpu.memory_space<vmem_shared>>
    tpu.wait_dma2 semaphore(%arg18 : memref<!tpu.dma_semaphore, #tpu.memory_space<semaphore_mem>>) src(%arg6 : memref<88x128xf32, #tpu.memory_space<vmem>>) dst(%dma_wait3A_99 : memref<88x128xf32, #tpu.memory_space<vmem_shared>>)
    %add3A_100 = arith.constant 616 : i32
    %add3A_101 = arith.addi %mul3A_6, %add3A_100 : i32
    %dma_wait3A_102 = arith.constant 0 : i32
    %dma_wait3A_103 = arith.constant 0 : i32
    %dma_wait3A_104 = tpu.memref_slice %arg6[%dma_wait3A_102, %dma_wait3A_103] : memref<88x128xf32, #tpu.memory_space<vmem>> -> memref<10x128xf32, #tpu.memory_space<vmem>>
    %dma_wait3A_105 = arith.constant 0 : i32
    %dma_wait3A_106 = tpu.memref_slice %arg5[%add3A_101, %dma_wait3A_105] : memref<10016x128xf32, #tpu.memory_space<vmem_shared>> -> memref<10x128xf32, #tpu.memory_space<vmem_shared>>
    %dma_wait3A_107 = arith.constant 0 : i32
    %dma_wait3A_108 = tpu.memref_slice %arg5[%add3A_101, %dma_wait3A_107] : memref<10016x128xf32, #tpu.memory_space<vmem_shared>> -> memref<10x128xf32, #tpu.memory_space<vmem_shared>>
    %dma_wait3A_109 = arith.constant 0 : i32
    %dma_wait3A_110 = arith.constant 0 : i32
    %dma_wait3A_111 = tpu.memref_slice %arg6[%dma_wait3A_109, %dma_wait3A_110] : memref<88x128xf32, #tpu.memory_space<vmem>> -> memref<10x128xf32, #tpu.memory_space<vmem>>
    tpu.wait_dma2 semaphore(%arg18 : memref<!tpu.dma_semaphore, #tpu.memory_space<semaphore_mem>>) src(%dma_wait3A_111 : memref<10x128xf32, #tpu.memory_space<vmem>>) dst(%dma_wait3A_108 : memref<10x128xf32, #tpu.memory_space<vmem_shared>>)
    %barrier3A = arith.constant 0 : index
    tpu.barrier barrier_id(%barrier3A)
    %eq3A = arith.constant 0 : i32
    %eq3A_112 = arith.cmpi eq, %arg0, %eq3A : i32
    %jit3A = arith.constant 56 : i32
    %jit3A_113 = arith.constant 16 : i32
    %select_n3A = arith.select %eq3A_112, %jit3A, %jit3A_113 : i32
    %eq3A_114 = arith.constant 0 : i32
    %eq3A_115 = arith.cmpi eq, %arg0, %eq3A_114 : i32
    %mul3A_116 = arith.constant 56 : i32
    %mul3A_117 = arith.muli %arg1, %mul3A_116 : i32
    %mul3A_118 = arith.constant 16 : i32
    %mul3A_119 = arith.muli %arg1, %mul3A_118 : i32
    %add3A_120 = arith.constant 896 : i32
    %add3A_121 = arith.addi %add3A_120, %mul3A_119 : i32
    %select_n3A_122 = arith.select %eq3A_115, %mul3A_117, %add3A_121 : i32
    %jit3A_123 = arith.constant 4 : i32
    %div3A = arith.divsi %select_n3A, %jit3A_123 : i32
    %sign3A = arith.constant 0 : i32
    %sign3A_124 = arith.cmpi sgt, %select_n3A, %sign3A : i32
    %sign3A_125 = arith.extui %sign3A_124 : i1 to i32
    %sign3A_126 = arith.constant 0 : i32
    %sign3A_127 = arith.cmpi slt, %select_n3A, %sign3A_126 : i32
    %sign3A_128 = arith.extui %sign3A_127 : i1 to i32
    %sign3A_129 = arith.subi %sign3A_125, %sign3A_128 : i32
    %sign3A_130 = arith.constant 0 : i32
    %sign3A_131 = arith.cmpi sgt, %jit3A_123, %sign3A_130 : i32
    %sign3A_132 = arith.extui %sign3A_131 : i1 to i32
    %sign3A_133 = arith.constant 0 : i32
    %sign3A_134 = arith.cmpi slt, %jit3A_123, %sign3A_133 : i32
    %sign3A_135 = arith.extui %sign3A_134 : i1 to i32
    %sign3A_136 = arith.subi %sign3A_132, %sign3A_135 : i32
    %ne3A = arith.cmpi ne, %sign3A_129, %sign3A_136 : i32
    %rem3A = arith.remsi %select_n3A, %jit3A_123 : i32
    %ne3A_137 = arith.constant 0 : i32
    %ne3A_138 = arith.cmpi ne, %rem3A, %ne3A_137 : i32
    %and3A = arith.andi %ne3A, %ne3A_138 : i1
    %sub3A = arith.constant 1 : i32
    %sub3A_139 = arith.subi %div3A, %sub3A : i32
    %select_n3A_140 = arith.select %and3A, %sub3A_139, %div3A : i32
    %while3A = arith.constant 0 : i32
    %while3A_141 = arith.constant 0 : i32
    %while3A_142 = arith.subi %select_n3A_140, %while3A_141 : i32
    %while3A_143 = arith.addi %while3A_141, %while3A_142 : i32
    %while3A_144 = arith.constant 1 : i32
    %while3A_145 = arith.divsi %while3A_142, %while3A_144 : i32
    %while3A_146 = arith.muli %while3A_145, %while3A_144 : i32
    %while3A_147 = arith.addi %while3A_141, %while3A_146 : i32
    %while3A_148 = arith.constant 1 : i32
    scf.for %while3A_222 = %while3A_141 to %while3A_147 step %while3A_148  : i32 {
      %mul3A_223 = arith.constant 4 : i32
      %mul3A_224 = arith.muli %while3A_222, %mul3A_223 : i32
      %add3A_225 = arith.constant 0 : i32
      %add3A_226 = arith.addi %mul3A_224, %add3A_225 : i32
      %gt3A = arith.constant 0 : i32
      %gt3A_227 = arith.cmpi sgt, %while3A_222, %gt3A : i32
      %convert_element_type3A_228 = arith.extui %gt3A_227 : i1 to i32
      %cond3A_229 = arith.constant 0 : i32
      %cond3A_230 = arith.cmpi ne, %convert_element_type3A_228, %cond3A_229 : i32
      scf.if %cond3A_230 {
        %dma_wait3A_341 = arith.constant 0 : i32
        %dma_wait3A_342 = arith.constant 0 : i32
        %dma_wait3A_343 = tpu.memref_slice %arg5[%dma_wait3A_341, %dma_wait3A_342] : memref<10016x128xf32, #tpu.memory_space<vmem_shared>> -> memref<10016x128xf32, #tpu.memory_space<vmem_shared>>
        tpu.wait_indirect_dma semaphore(%arg26 : memref<!tpu.dma_semaphore, #tpu.memory_space<semaphore_mem>>) src(%arg6 : memref<88x128xf32, #tpu.memory_space<vmem>>) dst(%dma_wait3A_343 : memref<10016x128xf32, #tpu.memory_space<vmem_shared>>)
      } else {
      }
      %add3A_231 = arith.addi %select_n3A_122, %add3A_226 : i32
      %mul3A_232 = arith.constant 88 : i32
      %mul3A_233 = arith.muli %add3A_231, %mul3A_232 : i32
      %add3A_234 = arith.constant 0 : i32
      %add3A_235 = arith.addi %add3A_234, %mul3A_233 : i32
      %dma_start3A_236 = tpu.memref_slice %arg3[%add3A_235] : memref<202752xi32, #tpu.memory_space<hbm>> -> memref<88xi32, #tpu.memory_space<hbm>>
      %dma_start3A_237 = tpu.memref_slice %arg3[%add3A_235] : memref<202752xi32, #tpu.memory_space<hbm>> -> memref<88xi32, #tpu.memory_space<hbm>>
      tpu.enqueue_dma source(%dma_start3A_237 : memref<88xi32, #tpu.memory_space<hbm>>) target(%arg10 : memref<88xi32, #tpu.memory_space<vmem>>) target_semaphore(%arg18 : memref<!tpu.dma_semaphore, #tpu.memory_space<semaphore_mem>>)
      %add3A_238 = arith.constant 101376 : i32
      %add3A_239 = arith.addi %add3A_238, %mul3A_233 : i32
      %dma_start3A_240 = tpu.memref_slice %arg3[%add3A_239] : memref<202752xi32, #tpu.memory_space<hbm>> -> memref<88xi32, #tpu.memory_space<hbm>>
      %dma_start3A_241 = tpu.memref_slice %arg3[%add3A_239] : memref<202752xi32, #tpu.memory_space<hbm>> -> memref<88xi32, #tpu.memory_space<hbm>>
      tpu.enqueue_dma source(%dma_start3A_241 : memref<88xi32, #tpu.memory_space<hbm>>) target(%arg14 : memref<88xi32, #tpu.memory_space<vmem>>) target_semaphore(%arg18 : memref<!tpu.dma_semaphore, #tpu.memory_space<semaphore_mem>>)
      %ge3A = arith.constant 2 : i32
      %ge3A_242 = arith.cmpi sge, %add3A_226, %ge3A : i32
      %convert_element_type3A_243 = arith.extui %ge3A_242 : i1 to i32
      %cond3A_244 = arith.constant 0 : i32
      %cond3A_245 = arith.cmpi ne, %convert_element_type3A_243, %cond3A_244 : i32
      scf.if %cond3A_245 {
        %sub3A_341 = arith.constant 2 : i32
        %sub3A_342 = arith.subi %add3A_226, %sub3A_341 : i32
        %add3A_343 = arith.addi %select_n3A_122, %sub3A_342 : i32
        %mul3A_344 = arith.constant 88 : i32
        %mul3A_345 = arith.muli %add3A_343, %mul3A_344 : i32
        %add3A_346 = arith.constant 0 : i32
        %add3A_347 = arith.addi %add3A_346, %mul3A_345 : i32
        %dma_wait3A_348 = tpu.memref_slice %arg3[%add3A_347] : memref<202752xi32, #tpu.memory_space<hbm>> -> memref<88xi32, #tpu.memory_space<hbm>>
        %dma_wait3A_349 = tpu.memref_slice %arg3[%add3A_347] : memref<202752xi32, #tpu.memory_space<hbm>> -> memref<88xi32, #tpu.memory_space<hbm>>
        tpu.wait_dma2 semaphore(%arg20 : memref<!tpu.dma_semaphore, #tpu.memory_space<semaphore_mem>>) src(%dma_wait3A_349 : memref<88xi32, #tpu.memory_space<hbm>>) dst(%arg12 : memref<88xi32, #tpu.memory_space<vmem>>)
        %add3A_350 = arith.constant 101376 : i32
        %add3A_351 = arith.addi %add3A_350, %mul3A_345 : i32
        %dma_wait3A_352 = tpu.memref_slice %arg3[%add3A_351] : memref<202752xi32, #tpu.memory_space<hbm>> -> memref<88xi32, #tpu.memory_space<hbm>>
        %dma_wait3A_353 = tpu.memref_slice %arg3[%add3A_351] : memref<202752xi32, #tpu.memory_space<hbm>> -> memref<88xi32, #tpu.memory_space<hbm>>
        tpu.wait_dma2 semaphore(%arg20 : memref<!tpu.dma_semaphore, #tpu.memory_space<semaphore_mem>>) src(%dma_wait3A_353 : memref<88xi32, #tpu.memory_space<hbm>>) dst(%arg16 : memref<88xi32, #tpu.memory_space<vmem>>)
        %dma_start3A_354 = arith.constant 0 : i32
        %dma_start3A_355 = arith.constant 0 : i32
        %dma_start3A_356 = tpu.memref_slice %arg2[%dma_start3A_354, %dma_start3A_355] : memref<10016x128xf32, #tpu.memory_space<hbm>> -> memref<10016x128xf32, #tpu.memory_space<hbm>>
        tpu.enqueue_indirect_dma source(%dma_start3A_356 : memref<10016x128xf32, #tpu.memory_space<hbm>>) target(%arg8 : memref<88x128xf32, #tpu.memory_space<vmem>>) offsets(%arg12 : memref<88xi32, #tpu.memory_space<vmem>>) semaphore(%arg24 : memref<!tpu.dma_semaphore, #tpu.memory_space<semaphore_mem>>)
      } else {
      }
      %ge3A_246 = arith.constant 3 : i32
      %ge3A_247 = arith.cmpi sge, %add3A_226, %ge3A_246 : i32
      %convert_element_type3A_248 = arith.extui %ge3A_247 : i1 to i32
      %cond3A_249 = arith.constant 0 : i32
      %cond3A_250 = arith.cmpi ne, %convert_element_type3A_248, %cond3A_249 : i32
      scf.if %cond3A_250 {
        %dma_wait3A_341 = arith.constant 0 : i32
        %dma_wait3A_342 = arith.constant 0 : i32
        %dma_wait3A_343 = tpu.memref_slice %arg2[%dma_wait3A_341, %dma_wait3A_342] : memref<10016x128xf32, #tpu.memory_space<hbm>> -> memref<10016x128xf32, #tpu.memory_space<hbm>>
        tpu.wait_indirect_dma semaphore(%arg23 : memref<!tpu.dma_semaphore, #tpu.memory_space<semaphore_mem>>) src(%dma_wait3A_343 : memref<10016x128xf32, #tpu.memory_space<hbm>>) dst(%arg7 : memref<88x128xf32, #tpu.memory_space<vmem>>)
        %dma_start3A_344 = arith.constant 0 : i32
        %dma_start3A_345 = arith.constant 0 : i32
        %dma_start3A_346 = tpu.memref_slice %arg5[%dma_start3A_344, %dma_start3A_345] : memref<10016x128xf32, #tpu.memory_space<vmem_shared>> -> memref<10016x128xf32, #tpu.memory_space<vmem_shared>>
        tpu.enqueue_indirect_dma source(%arg7 : memref<88x128xf32, #tpu.memory_space<vmem>>) target(%dma_start3A_346 : memref<10016x128xf32, #tpu.memory_space<vmem_shared>>) offsets(%arg15 : memref<88xi32, #tpu.memory_space<vmem>>) semaphore(%arg27 : memref<!tpu.dma_semaphore, #tpu.memory_space<semaphore_mem>>) {add = true}
      } else {
      }
      %mul3A_251 = arith.constant 4 : i32
      %mul3A_252 = arith.muli %while3A_222, %mul3A_251 : i32
      %add3A_253 = arith.constant 1 : i32
      %add3A_254 = arith.addi %mul3A_252, %add3A_253 : i32
      %gt3A_255 = arith.constant 0 : i32
      %gt3A_256 = arith.cmpi sgt, %while3A_222, %gt3A_255 : i32
      %convert_element_type3A_257 = arith.extui %gt3A_256 : i1 to i32
      %cond3A_258 = arith.constant 0 : i32
      %cond3A_259 = arith.cmpi ne, %convert_element_type3A_257, %cond3A_258 : i32
      scf.if %cond3A_259 {
        %dma_wait3A_341 = arith.constant 0 : i32
        %dma_wait3A_342 = arith.constant 0 : i32
        %dma_wait3A_343 = tpu.memref_slice %arg5[%dma_wait3A_341, %dma_wait3A_342] : memref<10016x128xf32, #tpu.memory_space<vmem_shared>> -> memref<10016x128xf32, #tpu.memory_space<vmem_shared>>
        tpu.wait_indirect_dma semaphore(%arg27 : memref<!tpu.dma_semaphore, #tpu.memory_space<semaphore_mem>>) src(%arg7 : memref<88x128xf32, #tpu.memory_space<vmem>>) dst(%dma_wait3A_343 : memref<10016x128xf32, #tpu.memory_space<vmem_shared>>)
      } else {
      }
      %add3A_260 = arith.addi %select_n3A_122, %add3A_254 : i32
      %mul3A_261 = arith.constant 88 : i32
      %mul3A_262 = arith.muli %add3A_260, %mul3A_261 : i32
      %add3A_263 = arith.constant 0 : i32
      %add3A_264 = arith.addi %add3A_263, %mul3A_262 : i32
      %dma_start3A_265 = tpu.memref_slice %arg3[%add3A_264] : memref<202752xi32, #tpu.memory_space<hbm>> -> memref<88xi32, #tpu.memory_space<hbm>>
      %dma_start3A_266 = tpu.memref_slice %arg3[%add3A_264] : memref<202752xi32, #tpu.memory_space<hbm>> -> memref<88xi32, #tpu.memory_space<hbm>>
      tpu.enqueue_dma source(%dma_start3A_266 : memref<88xi32, #tpu.memory_space<hbm>>) target(%arg11 : memref<88xi32, #tpu.memory_space<vmem>>) target_semaphore(%arg19 : memref<!tpu.dma_semaphore, #tpu.memory_space<semaphore_mem>>)
      %add3A_267 = arith.constant 101376 : i32
      %add3A_268 = arith.addi %add3A_267, %mul3A_262 : i32
      %dma_start3A_269 = tpu.memref_slice %arg3[%add3A_268] : memref<202752xi32, #tpu.memory_space<hbm>> -> memref<88xi32, #tpu.memory_space<hbm>>
      %dma_start3A_270 = tpu.memref_slice %arg3[%add3A_268] : memref<202752xi32, #tpu.memory_space<hbm>> -> memref<88xi32, #tpu.memory_space<hbm>>
      tpu.enqueue_dma source(%dma_start3A_270 : memref<88xi32, #tpu.memory_space<hbm>>) target(%arg15 : memref<88xi32, #tpu.memory_space<vmem>>) target_semaphore(%arg19 : memref<!tpu.dma_semaphore, #tpu.memory_space<semaphore_mem>>)
      %ge3A_271 = arith.constant 2 : i32
      %ge3A_272 = arith.cmpi sge, %add3A_254, %ge3A_271 : i32
      %convert_element_type3A_273 = arith.extui %ge3A_272 : i1 to i32
      %cond3A_274 = arith.constant 0 : i32
      %cond3A_275 = arith.cmpi ne, %convert_element_type3A_273, %cond3A_274 : i32
      scf.if %cond3A_275 {
        %sub3A_341 = arith.constant 2 : i32
        %sub3A_342 = arith.subi %add3A_254, %sub3A_341 : i32
        %add3A_343 = arith.addi %select_n3A_122, %sub3A_342 : i32
        %mul3A_344 = arith.constant 88 : i32
        %mul3A_345 = arith.muli %add3A_343, %mul3A_344 : i32
        %add3A_346 = arith.constant 0 : i32
        %add3A_347 = arith.addi %add3A_346, %mul3A_345 : i32
        %dma_wait3A_348 = tpu.memref_slice %arg3[%add3A_347] : memref<202752xi32, #tpu.memory_space<hbm>> -> memref<88xi32, #tpu.memory_space<hbm>>
        %dma_wait3A_349 = tpu.memref_slice %arg3[%add3A_347] : memref<202752xi32, #tpu.memory_space<hbm>> -> memref<88xi32, #tpu.memory_space<hbm>>
        tpu.wait_dma2 semaphore(%arg21 : memref<!tpu.dma_semaphore, #tpu.memory_space<semaphore_mem>>) src(%dma_wait3A_349 : memref<88xi32, #tpu.memory_space<hbm>>) dst(%arg13 : memref<88xi32, #tpu.memory_space<vmem>>)
        %add3A_350 = arith.constant 101376 : i32
        %add3A_351 = arith.addi %add3A_350, %mul3A_345 : i32
        %dma_wait3A_352 = tpu.memref_slice %arg3[%add3A_351] : memref<202752xi32, #tpu.memory_space<hbm>> -> memref<88xi32, #tpu.memory_space<hbm>>
        %dma_wait3A_353 = tpu.memref_slice %arg3[%add3A_351] : memref<202752xi32, #tpu.memory_space<hbm>> -> memref<88xi32, #tpu.memory_space<hbm>>
        tpu.wait_dma2 semaphore(%arg21 : memref<!tpu.dma_semaphore, #tpu.memory_space<semaphore_mem>>) src(%dma_wait3A_353 : memref<88xi32, #tpu.memory_space<hbm>>) dst(%arg17 : memref<88xi32, #tpu.memory_space<vmem>>)
        %dma_start3A_354 = arith.constant 0 : i32
        %dma_start3A_355 = arith.constant 0 : i32
        %dma_start3A_356 = tpu.memref_slice %arg2[%dma_start3A_354, %dma_start3A_355] : memref<10016x128xf32, #tpu.memory_space<hbm>> -> memref<10016x128xf32, #tpu.memory_space<hbm>>
        tpu.enqueue_indirect_dma source(%dma_start3A_356 : memref<10016x128xf32, #tpu.memory_space<hbm>>) target(%arg9 : memref<88x128xf32, #tpu.memory_space<vmem>>) offsets(%arg13 : memref<88xi32, #tpu.memory_space<vmem>>) semaphore(%arg25 : memref<!tpu.dma_semaphore, #tpu.memory_space<semaphore_mem>>)
      } else {
      }
      %ge3A_276 = arith.constant 3 : i32
      %ge3A_277 = arith.cmpi sge, %add3A_254, %ge3A_276 : i32
      %convert_element_type3A_278 = arith.extui %ge3A_277 : i1 to i32
      %cond3A_279 = arith.constant 0 : i32
      %cond3A_280 = arith.cmpi ne, %convert_element_type3A_278, %cond3A_279 : i32
      scf.if %cond3A_280 {
        %dma_wait3A_341 = arith.constant 0 : i32
        %dma_wait3A_342 = arith.constant 0 : i32
        %dma_wait3A_343 = tpu.memref_slice %arg2[%dma_wait3A_341, %dma_wait3A_342] : memref<10016x128xf32, #tpu.memory_space<hbm>> -> memref<10016x128xf32, #tpu.memory_space<hbm>>
        tpu.wait_indirect_dma semaphore(%arg24 : memref<!tpu.dma_semaphore, #tpu.memory_space<semaphore_mem>>) src(%dma_wait3A_343 : memref<10016x128xf32, #tpu.memory_space<hbm>>) dst(%arg8 : memref<88x128xf32, #tpu.memory_space<vmem>>)
        %dma_start3A_344 = arith.constant 0 : i32
        %dma_start3A_345 = arith.constant 0 : i32
        %dma_start3A_346 = tpu.memref_slice %arg5[%dma_start3A_344, %dma_start3A_345] : memref<10016x128xf32, #tpu.memory_space<vmem_shared>> -> memref<10016x128xf32, #tpu.memory_space<vmem_shared>>
        tpu.enqueue_indirect_dma source(%arg8 : memref<88x128xf32, #tpu.memory_space<vmem>>) target(%dma_start3A_346 : memref<10016x128xf32, #tpu.memory_space<vmem_shared>>) offsets(%arg16 : memref<88xi32, #tpu.memory_space<vmem>>) semaphore(%arg28 : memref<!tpu.dma_semaphore, #tpu.memory_space<semaphore_mem>>) {add = true}
      } else {
      }
      %mul3A_281 = arith.constant 4 : i32
      %mul3A_282 = arith.muli %while3A_222, %mul3A_281 : i32
      %add3A_283 = arith.constant 2 : i32
      %add3A_284 = arith.addi %mul3A_282, %add3A_283 : i32
      %gt3A_285 = arith.constant 0 : i32
      %gt3A_286 = arith.cmpi sgt, %while3A_222, %gt3A_285 : i32
      %convert_element_type3A_287 = arith.extui %gt3A_286 : i1 to i32
      %cond3A_288 = arith.constant 0 : i32
      %cond3A_289 = arith.cmpi ne, %convert_element_type3A_287, %cond3A_288 : i32
      scf.if %cond3A_289 {
        %dma_wait3A_341 = arith.constant 0 : i32
        %dma_wait3A_342 = arith.constant 0 : i32
        %dma_wait3A_343 = tpu.memref_slice %arg5[%dma_wait3A_341, %dma_wait3A_342] : memref<10016x128xf32, #tpu.memory_space<vmem_shared>> -> memref<10016x128xf32, #tpu.memory_space<vmem_shared>>
        tpu.wait_indirect_dma semaphore(%arg28 : memref<!tpu.dma_semaphore, #tpu.memory_space<semaphore_mem>>) src(%arg8 : memref<88x128xf32, #tpu.memory_space<vmem>>) dst(%dma_wait3A_343 : memref<10016x128xf32, #tpu.memory_space<vmem_shared>>)
      } else {
      }
      %add3A_290 = arith.addi %select_n3A_122, %add3A_284 : i32
      %mul3A_291 = arith.constant 88 : i32
      %mul3A_292 = arith.muli %add3A_290, %mul3A_291 : i32
      %add3A_293 = arith.constant 0 : i32
      %add3A_294 = arith.addi %add3A_293, %mul3A_292 : i32
      %dma_start3A_295 = tpu.memref_slice %arg3[%add3A_294] : memref<202752xi32, #tpu.memory_space<hbm>> -> memref<88xi32, #tpu.memory_space<hbm>>
      %dma_start3A_296 = tpu.memref_slice %arg3[%add3A_294] : memref<202752xi32, #tpu.memory_space<hbm>> -> memref<88xi32, #tpu.memory_space<hbm>>
      tpu.enqueue_dma source(%dma_start3A_296 : memref<88xi32, #tpu.memory_space<hbm>>) target(%arg12 : memref<88xi32, #tpu.memory_space<vmem>>) target_semaphore(%arg20 : memref<!tpu.dma_semaphore, #tpu.memory_space<semaphore_mem>>)
      %add3A_297 = arith.constant 101376 : i32
      %add3A_298 = arith.addi %add3A_297, %mul3A_292 : i32
      %dma_start3A_299 = tpu.memref_slice %arg3[%add3A_298] : memref<202752xi32, #tpu.memory_space<hbm>> -> memref<88xi32, #tpu.memory_space<hbm>>
      %dma_start3A_300 = tpu.memref_slice %arg3[%add3A_298] : memref<202752xi32, #tpu.memory_space<hbm>> -> memref<88xi32, #tpu.memory_space<hbm>>
      tpu.enqueue_dma source(%dma_start3A_300 : memref<88xi32, #tpu.memory_space<hbm>>) target(%arg16 : memref<88xi32, #tpu.memory_space<vmem>>) target_semaphore(%arg20 : memref<!tpu.dma_semaphore, #tpu.memory_space<semaphore_mem>>)
      %ge3A_301 = arith.constant 2 : i32
      %ge3A_302 = arith.cmpi sge, %add3A_284, %ge3A_301 : i32
      %convert_element_type3A_303 = arith.extui %ge3A_302 : i1 to i32
      %cond3A_304 = arith.constant 0 : i32
      %cond3A_305 = arith.cmpi ne, %convert_element_type3A_303, %cond3A_304 : i32
      scf.if %cond3A_305 {
        %sub3A_341 = arith.constant 2 : i32
        %sub3A_342 = arith.subi %add3A_284, %sub3A_341 : i32
        %add3A_343 = arith.addi %select_n3A_122, %sub3A_342 : i32
        %mul3A_344 = arith.constant 88 : i32
        %mul3A_345 = arith.muli %add3A_343, %mul3A_344 : i32
        %add3A_346 = arith.constant 0 : i32
        %add3A_347 = arith.addi %add3A_346, %mul3A_345 : i32
        %dma_wait3A_348 = tpu.memref_slice %arg3[%add3A_347] : memref<202752xi32, #tpu.memory_space<hbm>> -> memref<88xi32, #tpu.memory_space<hbm>>
        %dma_wait3A_349 = tpu.memref_slice %arg3[%add3A_347] : memref<202752xi32, #tpu.memory_space<hbm>> -> memref<88xi32, #tpu.memory_space<hbm>>
        tpu.wait_dma2 semaphore(%arg18 : memref<!tpu.dma_semaphore, #tpu.memory_space<semaphore_mem>>) src(%dma_wait3A_349 : memref<88xi32, #tpu.memory_space<hbm>>) dst(%arg10 : memref<88xi32, #tpu.memory_space<vmem>>)
        %add3A_350 = arith.constant 101376 : i32
        %add3A_351 = arith.addi %add3A_350, %mul3A_345 : i32
        %dma_wait3A_352 = tpu.memref_slice %arg3[%add3A_351] : memref<202752xi32, #tpu.memory_space<hbm>> -> memref<88xi32, #tpu.memory_space<hbm>>
        %dma_wait3A_353 = tpu.memref_slice %arg3[%add3A_351] : memref<202752xi32, #tpu.memory_space<hbm>> -> memref<88xi32, #tpu.memory_space<hbm>>
        tpu.wait_dma2 semaphore(%arg18 : memref<!tpu.dma_semaphore, #tpu.memory_space<semaphore_mem>>) src(%dma_wait3A_353 : memref<88xi32, #tpu.memory_space<hbm>>) dst(%arg14 : memref<88xi32, #tpu.memory_space<vmem>>)
        %dma_start3A_354 = arith.constant 0 : i32
        %dma_start3A_355 = arith.constant 0 : i32
        %dma_start3A_356 = tpu.memref_slice %arg2[%dma_start3A_354, %dma_start3A_355] : memref<10016x128xf32, #tpu.memory_space<hbm>> -> memref<10016x128xf32, #tpu.memory_space<hbm>>
        tpu.enqueue_indirect_dma source(%dma_start3A_356 : memref<10016x128xf32, #tpu.memory_space<hbm>>) target(%arg6 : memref<88x128xf32, #tpu.memory_space<vmem>>) offsets(%arg10 : memref<88xi32, #tpu.memory_space<vmem>>) semaphore(%arg22 : memref<!tpu.dma_semaphore, #tpu.memory_space<semaphore_mem>>)
      } else {
      }
      %ge3A_306 = arith.constant 3 : i32
      %ge3A_307 = arith.cmpi sge, %add3A_284, %ge3A_306 : i32
      %convert_element_type3A_308 = arith.extui %ge3A_307 : i1 to i32
      %cond3A_309 = arith.constant 0 : i32
      %cond3A_310 = arith.cmpi ne, %convert_element_type3A_308, %cond3A_309 : i32
      scf.if %cond3A_310 {
        %dma_wait3A_341 = arith.constant 0 : i32
        %dma_wait3A_342 = arith.constant 0 : i32
        %dma_wait3A_343 = tpu.memref_slice %arg2[%dma_wait3A_341, %dma_wait3A_342] : memref<10016x128xf32, #tpu.memory_space<hbm>> -> memref<10016x128xf32, #tpu.memory_space<hbm>>
        tpu.wait_indirect_dma semaphore(%arg25 : memref<!tpu.dma_semaphore, #tpu.memory_space<semaphore_mem>>) src(%dma_wait3A_343 : memref<10016x128xf32, #tpu.memory_space<hbm>>) dst(%arg9 : memref<88x128xf32, #tpu.memory_space<vmem>>)
        %dma_start3A_344 = arith.constant 0 : i32
        %dma_start3A_345 = arith.constant 0 : i32
        %dma_start3A_346 = tpu.memref_slice %arg5[%dma_start3A_344, %dma_start3A_345] : memref<10016x128xf32, #tpu.memory_space<vmem_shared>> -> memref<10016x128xf32, #tpu.memory_space<vmem_shared>>
        tpu.enqueue_indirect_dma source(%arg9 : memref<88x128xf32, #tpu.memory_space<vmem>>) target(%dma_start3A_346 : memref<10016x128xf32, #tpu.memory_space<vmem_shared>>) offsets(%arg17 : memref<88xi32, #tpu.memory_space<vmem>>) semaphore(%arg29 : memref<!tpu.dma_semaphore, #tpu.memory_space<semaphore_mem>>) {add = true}
      } else {
      }
      %mul3A_311 = arith.constant 4 : i32
      %mul3A_312 = arith.muli %while3A_222, %mul3A_311 : i32
      %add3A_313 = arith.constant 3 : i32
      %add3A_314 = arith.addi %mul3A_312, %add3A_313 : i32
      %gt3A_315 = arith.constant 0 : i32
      %gt3A_316 = arith.cmpi sgt, %while3A_222, %gt3A_315 : i32
      %convert_element_type3A_317 = arith.extui %gt3A_316 : i1 to i32
      %cond3A_318 = arith.constant 0 : i32
      %cond3A_319 = arith.cmpi ne, %convert_element_type3A_317, %cond3A_318 : i32
      scf.if %cond3A_319 {
        %dma_wait3A_341 = arith.constant 0 : i32
        %dma_wait3A_342 = arith.constant 0 : i32
        %dma_wait3A_343 = tpu.memref_slice %arg5[%dma_wait3A_341, %dma_wait3A_342] : memref<10016x128xf32, #tpu.memory_space<vmem_shared>> -> memref<10016x128xf32, #tpu.memory_space<vmem_shared>>
        tpu.wait_indirect_dma semaphore(%arg29 : memref<!tpu.dma_semaphore, #tpu.memory_space<semaphore_mem>>) src(%arg9 : memref<88x128xf32, #tpu.memory_space<vmem>>) dst(%dma_wait3A_343 : memref<10016x128xf32, #tpu.memory_space<vmem_shared>>)
      } else {
      }
      %add3A_320 = arith.addi %select_n3A_122, %add3A_314 : i32
      %mul3A_321 = arith.constant 88 : i32
      %mul3A_322 = arith.muli %add3A_320, %mul3A_321 : i32
      %add3A_323 = arith.constant 0 : i32
      %add3A_324 = arith.addi %add3A_323, %mul3A_322 : i32
      %dma_start3A_325 = tpu.memref_slice %arg3[%add3A_324] : memref<202752xi32, #tpu.memory_space<hbm>> -> memref<88xi32, #tpu.memory_space<hbm>>
      %dma_start3A_326 = tpu.memref_slice %arg3[%add3A_324] : memref<202752xi32, #tpu.memory_space<hbm>> -> memref<88xi32, #tpu.memory_space<hbm>>
      tpu.enqueue_dma source(%dma_start3A_326 : memref<88xi32, #tpu.memory_space<hbm>>) target(%arg13 : memref<88xi32, #tpu.memory_space<vmem>>) target_semaphore(%arg21 : memref<!tpu.dma_semaphore, #tpu.memory_space<semaphore_mem>>)
      %add3A_327 = arith.constant 101376 : i32
      %add3A_328 = arith.addi %add3A_327, %mul3A_322 : i32
      %dma_start3A_329 = tpu.memref_slice %arg3[%add3A_328] : memref<202752xi32, #tpu.memory_space<hbm>> -> memref<88xi32, #tpu.memory_space<hbm>>
      %dma_start3A_330 = tpu.memref_slice %arg3[%add3A_328] : memref<202752xi32, #tpu.memory_space<hbm>> -> memref<88xi32, #tpu.memory_space<hbm>>
      tpu.enqueue_dma source(%dma_start3A_330 : memref<88xi32, #tpu.memory_space<hbm>>) target(%arg17 : memref<88xi32, #tpu.memory_space<vmem>>) target_semaphore(%arg21 : memref<!tpu.dma_semaphore, #tpu.memory_space<semaphore_mem>>)
      %ge3A_331 = arith.constant 2 : i32
      %ge3A_332 = arith.cmpi sge, %add3A_314, %ge3A_331 : i32
      %convert_element_type3A_333 = arith.extui %ge3A_332 : i1 to i32
      %cond3A_334 = arith.constant 0 : i32
      %cond3A_335 = arith.cmpi ne, %convert_element_type3A_333, %cond3A_334 : i32
      scf.if %cond3A_335 {
        %sub3A_341 = arith.constant 2 : i32
        %sub3A_342 = arith.subi %add3A_314, %sub3A_341 : i32
        %add3A_343 = arith.addi %select_n3A_122, %sub3A_342 : i32
        %mul3A_344 = arith.constant 88 : i32
        %mul3A_345 = arith.muli %add3A_343, %mul3A_344 : i32
        %add3A_346 = arith.constant 0 : i32
        %add3A_347 = arith.addi %add3A_346, %mul3A_345 : i32
        %dma_wait3A_348 = tpu.memref_slice %arg3[%add3A_347] : memref<202752xi32, #tpu.memory_space<hbm>> -> memref<88xi32, #tpu.memory_space<hbm>>
        %dma_wait3A_349 = tpu.memref_slice %arg3[%add3A_347] : memref<202752xi32, #tpu.memory_space<hbm>> -> memref<88xi32, #tpu.memory_space<hbm>>
        tpu.wait_dma2 semaphore(%arg19 : memref<!tpu.dma_semaphore, #tpu.memory_space<semaphore_mem>>) src(%dma_wait3A_349 : memref<88xi32, #tpu.memory_space<hbm>>) dst(%arg11 : memref<88xi32, #tpu.memory_space<vmem>>)
        %add3A_350 = arith.constant 101376 : i32
        %add3A_351 = arith.addi %add3A_350, %mul3A_345 : i32
        %dma_wait3A_352 = tpu.memref_slice %arg3[%add3A_351] : memref<202752xi32, #tpu.memory_space<hbm>> -> memref<88xi32, #tpu.memory_space<hbm>>
        %dma_wait3A_353 = tpu.memref_slice %arg3[%add3A_351] : memref<202752xi32, #tpu.memory_space<hbm>> -> memref<88xi32, #tpu.memory_space<hbm>>
        tpu.wait_dma2 semaphore(%arg19 : memref<!tpu.dma_semaphore, #tpu.memory_space<semaphore_mem>>) src(%dma_wait3A_353 : memref<88xi32, #tpu.memory_space<hbm>>) dst(%arg15 : memref<88xi32, #tpu.memory_space<vmem>>)
        %dma_start3A_354 = arith.constant 0 : i32
        %dma_start3A_355 = arith.constant 0 : i32
        %dma_start3A_356 = tpu.memref_slice %arg2[%dma_start3A_354, %dma_start3A_355] : memref<10016x128xf32, #tpu.memory_space<hbm>> -> memref<10016x128xf32, #tpu.memory_space<hbm>>
        tpu.enqueue_indirect_dma source(%dma_start3A_356 : memref<10016x128xf32, #tpu.memory_space<hbm>>) target(%arg7 : memref<88x128xf32, #tpu.memory_space<vmem>>) offsets(%arg11 : memref<88xi32, #tpu.memory_space<vmem>>) semaphore(%arg23 : memref<!tpu.dma_semaphore, #tpu.memory_space<semaphore_mem>>)
      } else {
      }
      %ge3A_336 = arith.constant 3 : i32
      %ge3A_337 = arith.cmpi sge, %add3A_314, %ge3A_336 : i32
      %convert_element_type3A_338 = arith.extui %ge3A_337 : i1 to i32
      %cond3A_339 = arith.constant 0 : i32
      %cond3A_340 = arith.cmpi ne, %convert_element_type3A_338, %cond3A_339 : i32
      scf.if %cond3A_340 {
        %dma_wait3A_341 = arith.constant 0 : i32
        %dma_wait3A_342 = arith.constant 0 : i32
        %dma_wait3A_343 = tpu.memref_slice %arg2[%dma_wait3A_341, %dma_wait3A_342] : memref<10016x128xf32, #tpu.memory_space<hbm>> -> memref<10016x128xf32, #tpu.memory_space<hbm>>
        tpu.wait_indirect_dma semaphore(%arg22 : memref<!tpu.dma_semaphore, #tpu.memory_space<semaphore_mem>>) src(%dma_wait3A_343 : memref<10016x128xf32, #tpu.memory_space<hbm>>) dst(%arg6 : memref<88x128xf32, #tpu.memory_space<vmem>>)
        %dma_start3A_344 = arith.constant 0 : i32
        %dma_start3A_345 = arith.constant 0 : i32
        %dma_start3A_346 = tpu.memref_slice %arg5[%dma_start3A_344, %dma_start3A_345] : memref<10016x128xf32, #tpu.memory_space<vmem_shared>> -> memref<10016x128xf32, #tpu.memory_space<vmem_shared>>
        tpu.enqueue_indirect_dma source(%arg6 : memref<88x128xf32, #tpu.memory_space<vmem>>) target(%dma_start3A_346 : memref<10016x128xf32, #tpu.memory_space<vmem_shared>>) offsets(%arg14 : memref<88xi32, #tpu.memory_space<vmem>>) semaphore(%arg26 : memref<!tpu.dma_semaphore, #tpu.memory_space<semaphore_mem>>) {add = true}
      } else {
      }
    }
    %while3A_149 = arith.constant 1 : i32
    scf.for %while3A_222 = %while3A_147 to %while3A_143 step %while3A_149  : i32 {
      %mul3A_223 = arith.constant 4 : i32
      %mul3A_224 = arith.muli %while3A_222, %mul3A_223 : i32
      %add3A_225 = arith.constant 0 : i32
      %add3A_226 = arith.addi %mul3A_224, %add3A_225 : i32
      %gt3A = arith.constant 0 : i32
      %gt3A_227 = arith.cmpi sgt, %while3A_222, %gt3A : i32
      %convert_element_type3A_228 = arith.extui %gt3A_227 : i1 to i32
      %cond3A_229 = arith.constant 0 : i32
      %cond3A_230 = arith.cmpi ne, %convert_element_type3A_228, %cond3A_229 : i32
      scf.if %cond3A_230 {
        %dma_wait3A_341 = arith.constant 0 : i32
        %dma_wait3A_342 = arith.constant 0 : i32
        %dma_wait3A_343 = tpu.memref_slice %arg5[%dma_wait3A_341, %dma_wait3A_342] : memref<10016x128xf32, #tpu.memory_space<vmem_shared>> -> memref<10016x128xf32, #tpu.memory_space<vmem_shared>>
        tpu.wait_indirect_dma semaphore(%arg26 : memref<!tpu.dma_semaphore, #tpu.memory_space<semaphore_mem>>) src(%arg6 : memref<88x128xf32, #tpu.memory_space<vmem>>) dst(%dma_wait3A_343 : memref<10016x128xf32, #tpu.memory_space<vmem_shared>>)
      } else {
      }
      %add3A_231 = arith.addi %select_n3A_122, %add3A_226 : i32
      %mul3A_232 = arith.constant 88 : i32
      %mul3A_233 = arith.muli %add3A_231, %mul3A_232 : i32
      %add3A_234 = arith.constant 0 : i32
      %add3A_235 = arith.addi %add3A_234, %mul3A_233 : i32
      %dma_start3A_236 = tpu.memref_slice %arg3[%add3A_235] : memref<202752xi32, #tpu.memory_space<hbm>> -> memref<88xi32, #tpu.memory_space<hbm>>
      %dma_start3A_237 = tpu.memref_slice %arg3[%add3A_235] : memref<202752xi32, #tpu.memory_space<hbm>> -> memref<88xi32, #tpu.memory_space<hbm>>
      tpu.enqueue_dma source(%dma_start3A_237 : memref<88xi32, #tpu.memory_space<hbm>>) target(%arg10 : memref<88xi32, #tpu.memory_space<vmem>>) target_semaphore(%arg18 : memref<!tpu.dma_semaphore, #tpu.memory_space<semaphore_mem>>)
      %add3A_238 = arith.constant 101376 : i32
      %add3A_239 = arith.addi %add3A_238, %mul3A_233 : i32
      %dma_start3A_240 = tpu.memref_slice %arg3[%add3A_239] : memref<202752xi32, #tpu.memory_space<hbm>> -> memref<88xi32, #tpu.memory_space<hbm>>
      %dma_start3A_241 = tpu.memref_slice %arg3[%add3A_239] : memref<202752xi32, #tpu.memory_space<hbm>> -> memref<88xi32, #tpu.memory_space<hbm>>
      tpu.enqueue_dma source(%dma_start3A_241 : memref<88xi32, #tpu.memory_space<hbm>>) target(%arg14 : memref<88xi32, #tpu.memory_space<vmem>>) target_semaphore(%arg18 : memref<!tpu.dma_semaphore, #tpu.memory_space<semaphore_mem>>)
      %ge3A = arith.constant 2 : i32
      %ge3A_242 = arith.cmpi sge, %add3A_226, %ge3A : i32
      %convert_element_type3A_243 = arith.extui %ge3A_242 : i1 to i32
      %cond3A_244 = arith.constant 0 : i32
      %cond3A_245 = arith.cmpi ne, %convert_element_type3A_243, %cond3A_244 : i32
      scf.if %cond3A_245 {
        %sub3A_341 = arith.constant 2 : i32
        %sub3A_342 = arith.subi %add3A_226, %sub3A_341 : i32
        %add3A_343 = arith.addi %select_n3A_122, %sub3A_342 : i32
        %mul3A_344 = arith.constant 88 : i32
        %mul3A_345 = arith.muli %add3A_343, %mul3A_344 : i32
        %add3A_346 = arith.constant 0 : i32
        %add3A_347 = arith.addi %add3A_346, %mul3A_345 : i32
        %dma_wait3A_348 = tpu.memref_slice %arg3[%add3A_347] : memref<202752xi32, #tpu.memory_space<hbm>> -> memref<88xi32, #tpu.memory_space<hbm>>
        %dma_wait3A_349 = tpu.memref_slice %arg3[%add3A_347] : memref<202752xi32, #tpu.memory_space<hbm>> -> memref<88xi32, #tpu.memory_space<hbm>>
        tpu.wait_dma2 semaphore(%arg20 : memref<!tpu.dma_semaphore, #tpu.memory_space<semaphore_mem>>) src(%dma_wait3A_349 : memref<88xi32, #tpu.memory_space<hbm>>) dst(%arg12 : memref<88xi32, #tpu.memory_space<vmem>>)
        %add3A_350 = arith.constant 101376 : i32
        %add3A_351 = arith.addi %add3A_350, %mul3A_345 : i32
        %dma_wait3A_352 = tpu.memref_slice %arg3[%add3A_351] : memref<202752xi32, #tpu.memory_space<hbm>> -> memref<88xi32, #tpu.memory_space<hbm>>
        %dma_wait3A_353 = tpu.memref_slice %arg3[%add3A_351] : memref<202752xi32, #tpu.memory_space<hbm>> -> memref<88xi32, #tpu.memory_space<hbm>>
        tpu.wait_dma2 semaphore(%arg20 : memref<!tpu.dma_semaphore, #tpu.memory_space<semaphore_mem>>) src(%dma_wait3A_353 : memref<88xi32, #tpu.memory_space<hbm>>) dst(%arg16 : memref<88xi32, #tpu.memory_space<vmem>>)
        %dma_start3A_354 = arith.constant 0 : i32
        %dma_start3A_355 = arith.constant 0 : i32
        %dma_start3A_356 = tpu.memref_slice %arg2[%dma_start3A_354, %dma_start3A_355] : memref<10016x128xf32, #tpu.memory_space<hbm>> -> memref<10016x128xf32, #tpu.memory_space<hbm>>
        tpu.enqueue_indirect_dma source(%dma_start3A_356 : memref<10016x128xf32, #tpu.memory_space<hbm>>) target(%arg8 : memref<88x128xf32, #tpu.memory_space<vmem>>) offsets(%arg12 : memref<88xi32, #tpu.memory_space<vmem>>) semaphore(%arg24 : memref<!tpu.dma_semaphore, #tpu.memory_space<semaphore_mem>>)
      } else {
      }
      %ge3A_246 = arith.constant 3 : i32
      %ge3A_247 = arith.cmpi sge, %add3A_226, %ge3A_246 : i32
      %convert_element_type3A_248 = arith.extui %ge3A_247 : i1 to i32
      %cond3A_249 = arith.constant 0 : i32
      %cond3A_250 = arith.cmpi ne, %convert_element_type3A_248, %cond3A_249 : i32
      scf.if %cond3A_250 {
        %dma_wait3A_341 = arith.constant 0 : i32
        %dma_wait3A_342 = arith.constant 0 : i32
        %dma_wait3A_343 = tpu.memref_slice %arg2[%dma_wait3A_341, %dma_wait3A_342] : memref<10016x128xf32, #tpu.memory_space<hbm>> -> memref<10016x128xf32, #tpu.memory_space<hbm>>
        tpu.wait_indirect_dma semaphore(%arg23 : memref<!tpu.dma_semaphore, #tpu.memory_space<semaphore_mem>>) src(%dma_wait3A_343 : memref<10016x128xf32, #tpu.memory_space<hbm>>) dst(%arg7 : memref<88x128xf32, #tpu.memory_space<vmem>>)
        %dma_start3A_344 = arith.constant 0 : i32
        %dma_start3A_345 = arith.constant 0 : i32
        %dma_start3A_346 = tpu.memref_slice %arg5[%dma_start3A_344, %dma_start3A_345] : memref<10016x128xf32, #tpu.memory_space<vmem_shared>> -> memref<10016x128xf32, #tpu.memory_space<vmem_shared>>
        tpu.enqueue_indirect_dma source(%arg7 : memref<88x128xf32, #tpu.memory_space<vmem>>) target(%dma_start3A_346 : memref<10016x128xf32, #tpu.memory_space<vmem_shared>>) offsets(%arg15 : memref<88xi32, #tpu.memory_space<vmem>>) semaphore(%arg27 : memref<!tpu.dma_semaphore, #tpu.memory_space<semaphore_mem>>) {add = true}
      } else {
      }
      %mul3A_251 = arith.constant 4 : i32
      %mul3A_252 = arith.muli %while3A_222, %mul3A_251 : i32
      %add3A_253 = arith.constant 1 : i32
      %add3A_254 = arith.addi %mul3A_252, %add3A_253 : i32
      %gt3A_255 = arith.constant 0 : i32
      %gt3A_256 = arith.cmpi sgt, %while3A_222, %gt3A_255 : i32
      %convert_element_type3A_257 = arith.extui %gt3A_256 : i1 to i32
      %cond3A_258 = arith.constant 0 : i32
      %cond3A_259 = arith.cmpi ne, %convert_element_type3A_257, %cond3A_258 : i32
      scf.if %cond3A_259 {
        %dma_wait3A_341 = arith.constant 0 : i32
        %dma_wait3A_342 = arith.constant 0 : i32
        %dma_wait3A_343 = tpu.memref_slice %arg5[%dma_wait3A_341, %dma_wait3A_342] : memref<10016x128xf32, #tpu.memory_space<vmem_shared>> -> memref<10016x128xf32, #tpu.memory_space<vmem_shared>>
        tpu.wait_indirect_dma semaphore(%arg27 : memref<!tpu.dma_semaphore, #tpu.memory_space<semaphore_mem>>) src(%arg7 : memref<88x128xf32, #tpu.memory_space<vmem>>) dst(%dma_wait3A_343 : memref<10016x128xf32, #tpu.memory_space<vmem_shared>>)
      } else {
      }
      %add3A_260 = arith.addi %select_n3A_122, %add3A_254 : i32
      %mul3A_261 = arith.constant 88 : i32
      %mul3A_262 = arith.muli %add3A_260, %mul3A_261 : i32
      %add3A_263 = arith.constant 0 : i32
      %add3A_264 = arith.addi %add3A_263, %mul3A_262 : i32
      %dma_start3A_265 = tpu.memref_slice %arg3[%add3A_264] : memref<202752xi32, #tpu.memory_space<hbm>> -> memref<88xi32, #tpu.memory_space<hbm>>
      %dma_start3A_266 = tpu.memref_slice %arg3[%add3A_264] : memref<202752xi32, #tpu.memory_space<hbm>> -> memref<88xi32, #tpu.memory_space<hbm>>
      tpu.enqueue_dma source(%dma_start3A_266 : memref<88xi32, #tpu.memory_space<hbm>>) target(%arg11 : memref<88xi32, #tpu.memory_space<vmem>>) target_semaphore(%arg19 : memref<!tpu.dma_semaphore, #tpu.memory_space<semaphore_mem>>)
      %add3A_267 = arith.constant 101376 : i32
      %add3A_268 = arith.addi %add3A_267, %mul3A_262 : i32
      %dma_start3A_269 = tpu.memref_slice %arg3[%add3A_268] : memref<202752xi32, #tpu.memory_space<hbm>> -> memref<88xi32, #tpu.memory_space<hbm>>
      %dma_start3A_270 = tpu.memref_slice %arg3[%add3A_268] : memref<202752xi32, #tpu.memory_space<hbm>> -> memref<88xi32, #tpu.memory_space<hbm>>
      tpu.enqueue_dma source(%dma_start3A_270 : memref<88xi32, #tpu.memory_space<hbm>>) target(%arg15 : memref<88xi32, #tpu.memory_space<vmem>>) target_semaphore(%arg19 : memref<!tpu.dma_semaphore, #tpu.memory_space<semaphore_mem>>)
      %ge3A_271 = arith.constant 2 : i32
      %ge3A_272 = arith.cmpi sge, %add3A_254, %ge3A_271 : i32
      %convert_element_type3A_273 = arith.extui %ge3A_272 : i1 to i32
      %cond3A_274 = arith.constant 0 : i32
      %cond3A_275 = arith.cmpi ne, %convert_element_type3A_273, %cond3A_274 : i32
      scf.if %cond3A_275 {
        %sub3A_341 = arith.constant 2 : i32
        %sub3A_342 = arith.subi %add3A_254, %sub3A_341 : i32
        %add3A_343 = arith.addi %select_n3A_122, %sub3A_342 : i32
        %mul3A_344 = arith.constant 88 : i32
        %mul3A_345 = arith.muli %add3A_343, %mul3A_344 : i32
        %add3A_346 = arith.constant 0 : i32
        %add3A_347 = arith.addi %add3A_346, %mul3A_345 : i32
        %dma_wait3A_348 = tpu.memref_slice %arg3[%add3A_347] : memref<202752xi32, #tpu.memory_space<hbm>> -> memref<88xi32, #tpu.memory_space<hbm>>
        %dma_wait3A_349 = tpu.memref_slice %arg3[%add3A_347] : memref<202752xi32, #tpu.memory_space<hbm>> -> memref<88xi32, #tpu.memory_space<hbm>>
        tpu.wait_dma2 semaphore(%arg21 : memref<!tpu.dma_semaphore, #tpu.memory_space<semaphore_mem>>) src(%dma_wait3A_349 : memref<88xi32, #tpu.memory_space<hbm>>) dst(%arg13 : memref<88xi32, #tpu.memory_space<vmem>>)
        %add3A_350 = arith.constant 101376 : i32
        %add3A_351 = arith.addi %add3A_350, %mul3A_345 : i32
        %dma_wait3A_352 = tpu.memref_slice %arg3[%add3A_351] : memref<202752xi32, #tpu.memory_space<hbm>> -> memref<88xi32, #tpu.memory_space<hbm>>
        %dma_wait3A_353 = tpu.memref_slice %arg3[%add3A_351] : memref<202752xi32, #tpu.memory_space<hbm>> -> memref<88xi32, #tpu.memory_space<hbm>>
        tpu.wait_dma2 semaphore(%arg21 : memref<!tpu.dma_semaphore, #tpu.memory_space<semaphore_mem>>) src(%dma_wait3A_353 : memref<88xi32, #tpu.memory_space<hbm>>) dst(%arg17 : memref<88xi32, #tpu.memory_space<vmem>>)
        %dma_start3A_354 = arith.constant 0 : i32
        %dma_start3A_355 = arith.constant 0 : i32
        %dma_start3A_356 = tpu.memref_slice %arg2[%dma_start3A_354, %dma_start3A_355] : memref<10016x128xf32, #tpu.memory_space<hbm>> -> memref<10016x128xf32, #tpu.memory_space<hbm>>
        tpu.enqueue_indirect_dma source(%dma_start3A_356 : memref<10016x128xf32, #tpu.memory_space<hbm>>) target(%arg9 : memref<88x128xf32, #tpu.memory_space<vmem>>) offsets(%arg13 : memref<88xi32, #tpu.memory_space<vmem>>) semaphore(%arg25 : memref<!tpu.dma_semaphore, #tpu.memory_space<semaphore_mem>>)
      } else {
      }
      %ge3A_276 = arith.constant 3 : i32
      %ge3A_277 = arith.cmpi sge, %add3A_254, %ge3A_276 : i32
      %convert_element_type3A_278 = arith.extui %ge3A_277 : i1 to i32
      %cond3A_279 = arith.constant 0 : i32
      %cond3A_280 = arith.cmpi ne, %convert_element_type3A_278, %cond3A_279 : i32
      scf.if %cond3A_280 {
        %dma_wait3A_341 = arith.constant 0 : i32
        %dma_wait3A_342 = arith.constant 0 : i32
        %dma_wait3A_343 = tpu.memref_slice %arg2[%dma_wait3A_341, %dma_wait3A_342] : memref<10016x128xf32, #tpu.memory_space<hbm>> -> memref<10016x128xf32, #tpu.memory_space<hbm>>
        tpu.wait_indirect_dma semaphore(%arg24 : memref<!tpu.dma_semaphore, #tpu.memory_space<semaphore_mem>>) src(%dma_wait3A_343 : memref<10016x128xf32, #tpu.memory_space<hbm>>) dst(%arg8 : memref<88x128xf32, #tpu.memory_space<vmem>>)
        %dma_start3A_344 = arith.constant 0 : i32
        %dma_start3A_345 = arith.constant 0 : i32
        %dma_start3A_346 = tpu.memref_slice %arg5[%dma_start3A_344, %dma_start3A_345] : memref<10016x128xf32, #tpu.memory_space<vmem_shared>> -> memref<10016x128xf32, #tpu.memory_space<vmem_shared>>
        tpu.enqueue_indirect_dma source(%arg8 : memref<88x128xf32, #tpu.memory_space<vmem>>) target(%dma_start3A_346 : memref<10016x128xf32, #tpu.memory_space<vmem_shared>>) offsets(%arg16 : memref<88xi32, #tpu.memory_space<vmem>>) semaphore(%arg28 : memref<!tpu.dma_semaphore, #tpu.memory_space<semaphore_mem>>) {add = true}
      } else {
      }
      %mul3A_281 = arith.constant 4 : i32
      %mul3A_282 = arith.muli %while3A_222, %mul3A_281 : i32
      %add3A_283 = arith.constant 2 : i32
      %add3A_284 = arith.addi %mul3A_282, %add3A_283 : i32
      %gt3A_285 = arith.constant 0 : i32
      %gt3A_286 = arith.cmpi sgt, %while3A_222, %gt3A_285 : i32
      %convert_element_type3A_287 = arith.extui %gt3A_286 : i1 to i32
      %cond3A_288 = arith.constant 0 : i32
      %cond3A_289 = arith.cmpi ne, %convert_element_type3A_287, %cond3A_288 : i32
      scf.if %cond3A_289 {
        %dma_wait3A_341 = arith.constant 0 : i32
        %dma_wait3A_342 = arith.constant 0 : i32
        %dma_wait3A_343 = tpu.memref_slice %arg5[%dma_wait3A_341, %dma_wait3A_342] : memref<10016x128xf32, #tpu.memory_space<vmem_shared>> -> memref<10016x128xf32, #tpu.memory_space<vmem_shared>>
        tpu.wait_indirect_dma semaphore(%arg28 : memref<!tpu.dma_semaphore, #tpu.memory_space<semaphore_mem>>) src(%arg8 : memref<88x128xf32, #tpu.memory_space<vmem>>) dst(%dma_wait3A_343 : memref<10016x128xf32, #tpu.memory_space<vmem_shared>>)
      } else {
      }
      %add3A_290 = arith.addi %select_n3A_122, %add3A_284 : i32
      %mul3A_291 = arith.constant 88 : i32
      %mul3A_292 = arith.muli %add3A_290, %mul3A_291 : i32
      %add3A_293 = arith.constant 0 : i32
      %add3A_294 = arith.addi %add3A_293, %mul3A_292 : i32
      %dma_start3A_295 = tpu.memref_slice %arg3[%add3A_294] : memref<202752xi32, #tpu.memory_space<hbm>> -> memref<88xi32, #tpu.memory_space<hbm>>
      %dma_start3A_296 = tpu.memref_slice %arg3[%add3A_294] : memref<202752xi32, #tpu.memory_space<hbm>> -> memref<88xi32, #tpu.memory_space<hbm>>
      tpu.enqueue_dma source(%dma_start3A_296 : memref<88xi32, #tpu.memory_space<hbm>>) target(%arg12 : memref<88xi32, #tpu.memory_space<vmem>>) target_semaphore(%arg20 : memref<!tpu.dma_semaphore, #tpu.memory_space<semaphore_mem>>)
      %add3A_297 = arith.constant 101376 : i32
      %add3A_298 = arith.addi %add3A_297, %mul3A_292 : i32
      %dma_start3A_299 = tpu.memref_slice %arg3[%add3A_298] : memref<202752xi32, #tpu.memory_space<hbm>> -> memref<88xi32, #tpu.memory_space<hbm>>
      %dma_start3A_300 = tpu.memref_slice %arg3[%add3A_298] : memref<202752xi32, #tpu.memory_space<hbm>> -> memref<88xi32, #tpu.memory_space<hbm>>
      tpu.enqueue_dma source(%dma_start3A_300 : memref<88xi32, #tpu.memory_space<hbm>>) target(%arg16 : memref<88xi32, #tpu.memory_space<vmem>>) target_semaphore(%arg20 : memref<!tpu.dma_semaphore, #tpu.memory_space<semaphore_mem>>)
      %ge3A_301 = arith.constant 2 : i32
      %ge3A_302 = arith.cmpi sge, %add3A_284, %ge3A_301 : i32
      %convert_element_type3A_303 = arith.extui %ge3A_302 : i1 to i32
      %cond3A_304 = arith.constant 0 : i32
      %cond3A_305 = arith.cmpi ne, %convert_element_type3A_303, %cond3A_304 : i32
      scf.if %cond3A_305 {
        %sub3A_341 = arith.constant 2 : i32
        %sub3A_342 = arith.subi %add3A_284, %sub3A_341 : i32
        %add3A_343 = arith.addi %select_n3A_122, %sub3A_342 : i32
        %mul3A_344 = arith.constant 88 : i32
        %mul3A_345 = arith.muli %add3A_343, %mul3A_344 : i32
        %add3A_346 = arith.constant 0 : i32
        %add3A_347 = arith.addi %add3A_346, %mul3A_345 : i32
        %dma_wait3A_348 = tpu.memref_slice %arg3[%add3A_347] : memref<202752xi32, #tpu.memory_space<hbm>> -> memref<88xi32, #tpu.memory_space<hbm>>
        %dma_wait3A_349 = tpu.memref_slice %arg3[%add3A_347] : memref<202752xi32, #tpu.memory_space<hbm>> -> memref<88xi32, #tpu.memory_space<hbm>>
        tpu.wait_dma2 semaphore(%arg18 : memref<!tpu.dma_semaphore, #tpu.memory_space<semaphore_mem>>) src(%dma_wait3A_349 : memref<88xi32, #tpu.memory_space<hbm>>) dst(%arg10 : memref<88xi32, #tpu.memory_space<vmem>>)
        %add3A_350 = arith.constant 101376 : i32
        %add3A_351 = arith.addi %add3A_350, %mul3A_345 : i32
        %dma_wait3A_352 = tpu.memref_slice %arg3[%add3A_351] : memref<202752xi32, #tpu.memory_space<hbm>> -> memref<88xi32, #tpu.memory_space<hbm>>
        %dma_wait3A_353 = tpu.memref_slice %arg3[%add3A_351] : memref<202752xi32, #tpu.memory_space<hbm>> -> memref<88xi32, #tpu.memory_space<hbm>>
        tpu.wait_dma2 semaphore(%arg18 : memref<!tpu.dma_semaphore, #tpu.memory_space<semaphore_mem>>) src(%dma_wait3A_353 : memref<88xi32, #tpu.memory_space<hbm>>) dst(%arg14 : memref<88xi32, #tpu.memory_space<vmem>>)
        %dma_start3A_354 = arith.constant 0 : i32
        %dma_start3A_355 = arith.constant 0 : i32
        %dma_start3A_356 = tpu.memref_slice %arg2[%dma_start3A_354, %dma_start3A_355] : memref<10016x128xf32, #tpu.memory_space<hbm>> -> memref<10016x128xf32, #tpu.memory_space<hbm>>
        tpu.enqueue_indirect_dma source(%dma_start3A_356 : memref<10016x128xf32, #tpu.memory_space<hbm>>) target(%arg6 : memref<88x128xf32, #tpu.memory_space<vmem>>) offsets(%arg10 : memref<88xi32, #tpu.memory_space<vmem>>) semaphore(%arg22 : memref<!tpu.dma_semaphore, #tpu.memory_space<semaphore_mem>>)
      } else {
      }
      %ge3A_306 = arith.constant 3 : i32
      %ge3A_307 = arith.cmpi sge, %add3A_284, %ge3A_306 : i32
      %convert_element_type3A_308 = arith.extui %ge3A_307 : i1 to i32
      %cond3A_309 = arith.constant 0 : i32
      %cond3A_310 = arith.cmpi ne, %convert_element_type3A_308, %cond3A_309 : i32
      scf.if %cond3A_310 {
        %dma_wait3A_341 = arith.constant 0 : i32
        %dma_wait3A_342 = arith.constant 0 : i32
        %dma_wait3A_343 = tpu.memref_slice %arg2[%dma_wait3A_341, %dma_wait3A_342] : memref<10016x128xf32, #tpu.memory_space<hbm>> -> memref<10016x128xf32, #tpu.memory_space<hbm>>
        tpu.wait_indirect_dma semaphore(%arg25 : memref<!tpu.dma_semaphore, #tpu.memory_space<semaphore_mem>>) src(%dma_wait3A_343 : memref<10016x128xf32, #tpu.memory_space<hbm>>) dst(%arg9 : memref<88x128xf32, #tpu.memory_space<vmem>>)
        %dma_start3A_344 = arith.constant 0 : i32
        %dma_start3A_345 = arith.constant 0 : i32
        %dma_start3A_346 = tpu.memref_slice %arg5[%dma_start3A_344, %dma_start3A_345] : memref<10016x128xf32, #tpu.memory_space<vmem_shared>> -> memref<10016x128xf32, #tpu.memory_space<vmem_shared>>
        tpu.enqueue_indirect_dma source(%arg9 : memref<88x128xf32, #tpu.memory_space<vmem>>) target(%dma_start3A_346 : memref<10016x128xf32, #tpu.memory_space<vmem_shared>>) offsets(%arg17 : memref<88xi32, #tpu.memory_space<vmem>>) semaphore(%arg29 : memref<!tpu.dma_semaphore, #tpu.memory_space<semaphore_mem>>) {add = true}
      } else {
      }
      %mul3A_311 = arith.constant 4 : i32
      %mul3A_312 = arith.muli %while3A_222, %mul3A_311 : i32
      %add3A_313 = arith.constant 3 : i32
      %add3A_314 = arith.addi %mul3A_312, %add3A_313 : i32
      %gt3A_315 = arith.constant 0 : i32
      %gt3A_316 = arith.cmpi sgt, %while3A_222, %gt3A_315 : i32
      %convert_element_type3A_317 = arith.extui %gt3A_316 : i1 to i32
      %cond3A_318 = arith.constant 0 : i32
      %cond3A_319 = arith.cmpi ne, %convert_element_type3A_317, %cond3A_318 : i32
      scf.if %cond3A_319 {
        %dma_wait3A_341 = arith.constant 0 : i32
        %dma_wait3A_342 = arith.constant 0 : i32
        %dma_wait3A_343 = tpu.memref_slice %arg5[%dma_wait3A_341, %dma_wait3A_342] : memref<10016x128xf32, #tpu.memory_space<vmem_shared>> -> memref<10016x128xf32, #tpu.memory_space<vmem_shared>>
        tpu.wait_indirect_dma semaphore(%arg29 : memref<!tpu.dma_semaphore, #tpu.memory_space<semaphore_mem>>) src(%arg9 : memref<88x128xf32, #tpu.memory_space<vmem>>) dst(%dma_wait3A_343 : memref<10016x128xf32, #tpu.memory_space<vmem_shared>>)
      } else {
      }
      %add3A_320 = arith.addi %select_n3A_122, %add3A_314 : i32
      %mul3A_321 = arith.constant 88 : i32
      %mul3A_322 = arith.muli %add3A_320, %mul3A_321 : i32
      %add3A_323 = arith.constant 0 : i32
      %add3A_324 = arith.addi %add3A_323, %mul3A_322 : i32
      %dma_start3A_325 = tpu.memref_slice %arg3[%add3A_324] : memref<202752xi32, #tpu.memory_space<hbm>> -> memref<88xi32, #tpu.memory_space<hbm>>
      %dma_start3A_326 = tpu.memref_slice %arg3[%add3A_324] : memref<202752xi32, #tpu.memory_space<hbm>> -> memref<88xi32, #tpu.memory_space<hbm>>
      tpu.enqueue_dma source(%dma_start3A_326 : memref<88xi32, #tpu.memory_space<hbm>>) target(%arg13 : memref<88xi32, #tpu.memory_space<vmem>>) target_semaphore(%arg21 : memref<!tpu.dma_semaphore, #tpu.memory_space<semaphore_mem>>)
      %add3A_327 = arith.constant 101376 : i32
      %add3A_328 = arith.addi %add3A_327, %mul3A_322 : i32
      %dma_start3A_329 = tpu.memref_slice %arg3[%add3A_328] : memref<202752xi32, #tpu.memory_space<hbm>> -> memref<88xi32, #tpu.memory_space<hbm>>
      %dma_start3A_330 = tpu.memref_slice %arg3[%add3A_328] : memref<202752xi32, #tpu.memory_space<hbm>> -> memref<88xi32, #tpu.memory_space<hbm>>
      tpu.enqueue_dma source(%dma_start3A_330 : memref<88xi32, #tpu.memory_space<hbm>>) target(%arg17 : memref<88xi32, #tpu.memory_space<vmem>>) target_semaphore(%arg21 : memref<!tpu.dma_semaphore, #tpu.memory_space<semaphore_mem>>)
      %ge3A_331 = arith.constant 2 : i32
      %ge3A_332 = arith.cmpi sge, %add3A_314, %ge3A_331 : i32
      %convert_element_type3A_333 = arith.extui %ge3A_332 : i1 to i32
      %cond3A_334 = arith.constant 0 : i32
      %cond3A_335 = arith.cmpi ne, %convert_element_type3A_333, %cond3A_334 : i32
      scf.if %cond3A_335 {
        %sub3A_341 = arith.constant 2 : i32
        %sub3A_342 = arith.subi %add3A_314, %sub3A_341 : i32
        %add3A_343 = arith.addi %select_n3A_122, %sub3A_342 : i32
        %mul3A_344 = arith.constant 88 : i32
        %mul3A_345 = arith.muli %add3A_343, %mul3A_344 : i32
        %add3A_346 = arith.constant 0 : i32
        %add3A_347 = arith.addi %add3A_346, %mul3A_345 : i32
        %dma_wait3A_348 = tpu.memref_slice %arg3[%add3A_347] : memref<202752xi32, #tpu.memory_space<hbm>> -> memref<88xi32, #tpu.memory_space<hbm>>
        %dma_wait3A_349 = tpu.memref_slice %arg3[%add3A_347] : memref<202752xi32, #tpu.memory_space<hbm>> -> memref<88xi32, #tpu.memory_space<hbm>>
        tpu.wait_dma2 semaphore(%arg19 : memref<!tpu.dma_semaphore, #tpu.memory_space<semaphore_mem>>) src(%dma_wait3A_349 : memref<88xi32, #tpu.memory_space<hbm>>) dst(%arg11 : memref<88xi32, #tpu.memory_space<vmem>>)
        %add3A_350 = arith.constant 101376 : i32
        %add3A_351 = arith.addi %add3A_350, %mul3A_345 : i32
        %dma_wait3A_352 = tpu.memref_slice %arg3[%add3A_351] : memref<202752xi32, #tpu.memory_space<hbm>> -> memref<88xi32, #tpu.memory_space<hbm>>
        %dma_wait3A_353 = tpu.memref_slice %arg3[%add3A_351] : memref<202752xi32, #tpu.memory_space<hbm>> -> memref<88xi32, #tpu.memory_space<hbm>>
        tpu.wait_dma2 semaphore(%arg19 : memref<!tpu.dma_semaphore, #tpu.memory_space<semaphore_mem>>) src(%dma_wait3A_353 : memref<88xi32, #tpu.memory_space<hbm>>) dst(%arg15 : memref<88xi32, #tpu.memory_space<vmem>>)
        %dma_start3A_354 = arith.constant 0 : i32
        %dma_start3A_355 = arith.constant 0 : i32
        %dma_start3A_356 = tpu.memref_slice %arg2[%dma_start3A_354, %dma_start3A_355] : memref<10016x128xf32, #tpu.memory_space<hbm>> -> memref<10016x128xf32, #tpu.memory_space<hbm>>
        tpu.enqueue_indirect_dma source(%dma_start3A_356 : memref<10016x128xf32, #tpu.memory_space<hbm>>) target(%arg7 : memref<88x128xf32, #tpu.memory_space<vmem>>) offsets(%arg11 : memref<88xi32, #tpu.memory_space<vmem>>) semaphore(%arg23 : memref<!tpu.dma_semaphore, #tpu.memory_space<semaphore_mem>>)
      } else {
      }
      %ge3A_336 = arith.constant 3 : i32
      %ge3A_337 = arith.cmpi sge, %add3A_314, %ge3A_336 : i32
      %convert_element_type3A_338 = arith.extui %ge3A_337 : i1 to i32
      %cond3A_339 = arith.constant 0 : i32
      %cond3A_340 = arith.cmpi ne, %convert_element_type3A_338, %cond3A_339 : i32
      scf.if %cond3A_340 {
        %dma_wait3A_341 = arith.constant 0 : i32
        %dma_wait3A_342 = arith.constant 0 : i32
        %dma_wait3A_343 = tpu.memref_slice %arg2[%dma_wait3A_341, %dma_wait3A_342] : memref<10016x128xf32, #tpu.memory_space<hbm>> -> memref<10016x128xf32, #tpu.memory_space<hbm>>
        tpu.wait_indirect_dma semaphore(%arg22 : memref<!tpu.dma_semaphore, #tpu.memory_space<semaphore_mem>>) src(%dma_wait3A_343 : memref<10016x128xf32, #tpu.memory_space<hbm>>) dst(%arg6 : memref<88x128xf32, #tpu.memory_space<vmem>>)
        %dma_start3A_344 = arith.constant 0 : i32
        %dma_start3A_345 = arith.constant 0 : i32
        %dma_start3A_346 = tpu.memref_slice %arg5[%dma_start3A_344, %dma_start3A_345] : memref<10016x128xf32, #tpu.memory_space<vmem_shared>> -> memref<10016x128xf32, #tpu.memory_space<vmem_shared>>
        tpu.enqueue_indirect_dma source(%arg6 : memref<88x128xf32, #tpu.memory_space<vmem>>) target(%dma_start3A_346 : memref<10016x128xf32, #tpu.memory_space<vmem_shared>>) offsets(%arg14 : memref<88xi32, #tpu.memory_space<vmem>>) semaphore(%arg26 : memref<!tpu.dma_semaphore, #tpu.memory_space<semaphore_mem>>) {add = true}
      } else {
      }
    }
    %sub3A_150 = arith.constant 2 : i32
    %sub3A_151 = arith.subi %select_n3A, %sub3A_150 : i32
    %add3A_152 = arith.constant 0 : i32
    %add3A_153 = arith.addi %sub3A_151, %add3A_152 : i32
    %add3A_154 = arith.addi %select_n3A_122, %add3A_153 : i32
    %mul3A_155 = arith.constant 88 : i32
    %mul3A_156 = arith.muli %add3A_154, %mul3A_155 : i32
    %add3A_157 = arith.constant 0 : i32
    %add3A_158 = arith.addi %add3A_157, %mul3A_156 : i32
    %dma_wait3A_159 = tpu.memref_slice %arg3[%add3A_158] : memref<202752xi32, #tpu.memory_space<hbm>> -> memref<88xi32, #tpu.memory_space<hbm>>
    %dma_wait3A_160 = tpu.memref_slice %arg3[%add3A_158] : memref<202752xi32, #tpu.memory_space<hbm>> -> memref<88xi32, #tpu.memory_space<hbm>>
    tpu.wait_dma2 semaphore(%arg20 : memref<!tpu.dma_semaphore, #tpu.memory_space<semaphore_mem>>) src(%dma_wait3A_160 : memref<88xi32, #tpu.memory_space<hbm>>) dst(%arg12 : memref<88xi32, #tpu.memory_space<vmem>>)
    %add3A_161 = arith.constant 101376 : i32
    %add3A_162 = arith.addi %add3A_161, %mul3A_156 : i32
    %dma_wait3A_163 = tpu.memref_slice %arg3[%add3A_162] : memref<202752xi32, #tpu.memory_space<hbm>> -> memref<88xi32, #tpu.memory_space<hbm>>
    %dma_wait3A_164 = tpu.memref_slice %arg3[%add3A_162] : memref<202752xi32, #tpu.memory_space<hbm>> -> memref<88xi32, #tpu.memory_space<hbm>>
    tpu.wait_dma2 semaphore(%arg20 : memref<!tpu.dma_semaphore, #tpu.memory_space<semaphore_mem>>) src(%dma_wait3A_164 : memref<88xi32, #tpu.memory_space<hbm>>) dst(%arg16 : memref<88xi32, #tpu.memory_space<vmem>>)
    %dma_start3A_165 = arith.constant 0 : i32
    %dma_start3A_166 = arith.constant 0 : i32
    %dma_start3A_167 = tpu.memref_slice %arg2[%dma_start3A_165, %dma_start3A_166] : memref<10016x128xf32, #tpu.memory_space<hbm>> -> memref<10016x128xf32, #tpu.memory_space<hbm>>
    tpu.enqueue_indirect_dma source(%dma_start3A_167 : memref<10016x128xf32, #tpu.memory_space<hbm>>) target(%arg8 : memref<88x128xf32, #tpu.memory_space<vmem>>) offsets(%arg12 : memref<88xi32, #tpu.memory_space<vmem>>) semaphore(%arg24 : memref<!tpu.dma_semaphore, #tpu.memory_space<semaphore_mem>>)
    %sub3A_168 = arith.constant 2 : i32
    %sub3A_169 = arith.subi %select_n3A, %sub3A_168 : i32
    %add3A_170 = arith.constant 1 : i32
    %add3A_171 = arith.addi %sub3A_169, %add3A_170 : i32
    %add3A_172 = arith.addi %select_n3A_122, %add3A_171 : i32
    %mul3A_173 = arith.constant 88 : i32
    %mul3A_174 = arith.muli %add3A_172, %mul3A_173 : i32
    %add3A_175 = arith.constant 0 : i32
    %add3A_176 = arith.addi %add3A_175, %mul3A_174 : i32
    %dma_wait3A_177 = tpu.memref_slice %arg3[%add3A_176] : memref<202752xi32, #tpu.memory_space<hbm>> -> memref<88xi32, #tpu.memory_space<hbm>>
    %dma_wait3A_178 = tpu.memref_slice %arg3[%add3A_176] : memref<202752xi32, #tpu.memory_space<hbm>> -> memref<88xi32, #tpu.memory_space<hbm>>
    tpu.wait_dma2 semaphore(%arg21 : memref<!tpu.dma_semaphore, #tpu.memory_space<semaphore_mem>>) src(%dma_wait3A_178 : memref<88xi32, #tpu.memory_space<hbm>>) dst(%arg13 : memref<88xi32, #tpu.memory_space<vmem>>)
    %add3A_179 = arith.constant 101376 : i32
    %add3A_180 = arith.addi %add3A_179, %mul3A_174 : i32
    %dma_wait3A_181 = tpu.memref_slice %arg3[%add3A_180] : memref<202752xi32, #tpu.memory_space<hbm>> -> memref<88xi32, #tpu.memory_space<hbm>>
    %dma_wait3A_182 = tpu.memref_slice %arg3[%add3A_180] : memref<202752xi32, #tpu.memory_space<hbm>> -> memref<88xi32, #tpu.memory_space<hbm>>
    tpu.wait_dma2 semaphore(%arg21 : memref<!tpu.dma_semaphore, #tpu.memory_space<semaphore_mem>>) src(%dma_wait3A_182 : memref<88xi32, #tpu.memory_space<hbm>>) dst(%arg17 : memref<88xi32, #tpu.memory_space<vmem>>)
    %dma_start3A_183 = arith.constant 0 : i32
    %dma_start3A_184 = arith.constant 0 : i32
    %dma_start3A_185 = tpu.memref_slice %arg2[%dma_start3A_183, %dma_start3A_184] : memref<10016x128xf32, #tpu.memory_space<hbm>> -> memref<10016x128xf32, #tpu.memory_space<hbm>>
    tpu.enqueue_indirect_dma source(%dma_start3A_185 : memref<10016x128xf32, #tpu.memory_space<hbm>>) target(%arg9 : memref<88x128xf32, #tpu.memory_space<vmem>>) offsets(%arg13 : memref<88xi32, #tpu.memory_space<vmem>>) semaphore(%arg25 : memref<!tpu.dma_semaphore, #tpu.memory_space<semaphore_mem>>)
    %dma_wait3A_186 = arith.constant 0 : i32
    %dma_wait3A_187 = arith.constant 0 : i32
    %dma_wait3A_188 = tpu.memref_slice %arg5[%dma_wait3A_186, %dma_wait3A_187] : memref<10016x128xf32, #tpu.memory_space<vmem_shared>> -> memref<10016x128xf32, #tpu.memory_space<vmem_shared>>
    tpu.wait_indirect_dma semaphore(%arg26 : memref<!tpu.dma_semaphore, #tpu.memory_space<semaphore_mem>>) src(%arg6 : memref<88x128xf32, #tpu.memory_space<vmem>>) dst(%dma_wait3A_188 : memref<10016x128xf32, #tpu.memory_space<vmem_shared>>)
    %dma_wait3A_189 = arith.constant 0 : i32
    %dma_wait3A_190 = arith.constant 0 : i32
    %dma_wait3A_191 = tpu.memref_slice %arg2[%dma_wait3A_189, %dma_wait3A_190] : memref<10016x128xf32, #tpu.memory_space<hbm>> -> memref<10016x128xf32, #tpu.memory_space<hbm>>
    tpu.wait_indirect_dma semaphore(%arg23 : memref<!tpu.dma_semaphore, #tpu.memory_space<semaphore_mem>>) src(%dma_wait3A_191 : memref<10016x128xf32, #tpu.memory_space<hbm>>) dst(%arg7 : memref<88x128xf32, #tpu.memory_space<vmem>>)
    %dma_start3A_192 = arith.constant 0 : i32
    %dma_start3A_193 = arith.constant 0 : i32
    %dma_start3A_194 = tpu.memref_slice %arg5[%dma_start3A_192, %dma_start3A_193] : memref<10016x128xf32, #tpu.memory_space<vmem_shared>> -> memref<10016x128xf32, #tpu.memory_space<vmem_shared>>
    tpu.enqueue_indirect_dma source(%arg7 : memref<88x128xf32, #tpu.memory_space<vmem>>) target(%dma_start3A_194 : memref<10016x128xf32, #tpu.memory_space<vmem_shared>>) offsets(%arg15 : memref<88xi32, #tpu.memory_space<vmem>>) semaphore(%arg27 : memref<!tpu.dma_semaphore, #tpu.memory_space<semaphore_mem>>) {add = true}
    %dma_wait3A_195 = arith.constant 0 : i32
    %dma_wait3A_196 = arith.constant 0 : i32
    %dma_wait3A_197 = tpu.memref_slice %arg5[%dma_wait3A_195, %dma_wait3A_196] : memref<10016x128xf32, #tpu.memory_space<vmem_shared>> -> memref<10016x128xf32, #tpu.memory_space<vmem_shared>>
    tpu.wait_indirect_dma semaphore(%arg27 : memref<!tpu.dma_semaphore, #tpu.memory_space<semaphore_mem>>) src(%arg7 : memref<88x128xf32, #tpu.memory_space<vmem>>) dst(%dma_wait3A_197 : memref<10016x128xf32, #tpu.memory_space<vmem_shared>>)
    %dma_wait3A_198 = arith.constant 0 : i32
    %dma_wait3A_199 = arith.constant 0 : i32
    %dma_wait3A_200 = tpu.memref_slice %arg2[%dma_wait3A_198, %dma_wait3A_199] : memref<10016x128xf32, #tpu.memory_space<hbm>> -> memref<10016x128xf32, #tpu.memory_space<hbm>>
    tpu.wait_indirect_dma semaphore(%arg24 : memref<!tpu.dma_semaphore, #tpu.memory_space<semaphore_mem>>) src(%dma_wait3A_200 : memref<10016x128xf32, #tpu.memory_space<hbm>>) dst(%arg8 : memref<88x128xf32, #tpu.memory_space<vmem>>)
    %dma_start3A_201 = arith.constant 0 : i32
    %dma_start3A_202 = arith.constant 0 : i32
    %dma_start3A_203 = tpu.memref_slice %arg5[%dma_start3A_201, %dma_start3A_202] : memref<10016x128xf32, #tpu.memory_space<vmem_shared>> -> memref<10016x128xf32, #tpu.memory_space<vmem_shared>>
    tpu.enqueue_indirect_dma source(%arg8 : memref<88x128xf32, #tpu.memory_space<vmem>>) target(%dma_start3A_203 : memref<10016x128xf32, #tpu.memory_space<vmem_shared>>) offsets(%arg16 : memref<88xi32, #tpu.memory_space<vmem>>) semaphore(%arg28 : memref<!tpu.dma_semaphore, #tpu.memory_space<semaphore_mem>>) {add = true}
    %dma_wait3A_204 = arith.constant 0 : i32
    %dma_wait3A_205 = arith.constant 0 : i32
    %dma_wait3A_206 = tpu.memref_slice %arg5[%dma_wait3A_204, %dma_wait3A_205] : memref<10016x128xf32, #tpu.memory_space<vmem_shared>> -> memref<10016x128xf32, #tpu.memory_space<vmem_shared>>
    tpu.wait_indirect_dma semaphore(%arg28 : memref<!tpu.dma_semaphore, #tpu.memory_space<semaphore_mem>>) src(%arg8 : memref<88x128xf32, #tpu.memory_space<vmem>>) dst(%dma_wait3A_206 : memref<10016x128xf32, #tpu.memory_space<vmem_shared>>)
    %dma_wait3A_207 = arith.constant 0 : i32
    %dma_wait3A_208 = arith.constant 0 : i32
    %dma_wait3A_209 = tpu.memref_slice %arg2[%dma_wait3A_207, %dma_wait3A_208] : memref<10016x128xf32, #tpu.memory_space<hbm>> -> memref<10016x128xf32, #tpu.memory_space<hbm>>
    tpu.wait_indirect_dma semaphore(%arg25 : memref<!tpu.dma_semaphore, #tpu.memory_space<semaphore_mem>>) src(%dma_wait3A_209 : memref<10016x128xf32, #tpu.memory_space<hbm>>) dst(%arg9 : memref<88x128xf32, #tpu.memory_space<vmem>>)
    %dma_start3A_210 = arith.constant 0 : i32
    %dma_start3A_211 = arith.constant 0 : i32
    %dma_start3A_212 = tpu.memref_slice %arg5[%dma_start3A_210, %dma_start3A_211] : memref<10016x128xf32, #tpu.memory_space<vmem_shared>> -> memref<10016x128xf32, #tpu.memory_space<vmem_shared>>
    tpu.enqueue_indirect_dma source(%arg9 : memref<88x128xf32, #tpu.memory_space<vmem>>) target(%dma_start3A_212 : memref<10016x128xf32, #tpu.memory_space<vmem_shared>>) offsets(%arg17 : memref<88xi32, #tpu.memory_space<vmem>>) semaphore(%arg29 : memref<!tpu.dma_semaphore, #tpu.memory_space<semaphore_mem>>) {add = true}
    %dma_wait3A_213 = arith.constant 0 : i32
    %dma_wait3A_214 = arith.constant 0 : i32
    %dma_wait3A_215 = tpu.memref_slice %arg5[%dma_wait3A_213, %dma_wait3A_214] : memref<10016x128xf32, #tpu.memory_space<vmem_shared>> -> memref<10016x128xf32, #tpu.memory_space<vmem_shared>>
    tpu.wait_indirect_dma semaphore(%arg29 : memref<!tpu.dma_semaphore, #tpu.memory_space<semaphore_mem>>) src(%arg9 : memref<88x128xf32, #tpu.memory_space<vmem>>) dst(%dma_wait3A_215 : memref<10016x128xf32, #tpu.memory_space<vmem_shared>>)
    %barrier3A_216 = arith.constant 0 : index
    tpu.barrier barrier_id(%barrier3A_216)
    %mul3A_217 = arith.constant 624 : i32
    %mul3A_218 = arith.muli %arg1, %mul3A_217 : i32
    "tpu.region"() ({
      %run_scoped3A = tpu.sem_alloc : memref<!tpu.dma_semaphore, #tpu.memory_space<semaphore_mem>>
      %dma_start3A_222 = arith.constant 0 : i32
      %dma_start3A_223 = tpu.memref_slice %arg4[%arg0, %mul3A_218, %dma_start3A_222] : memref<2x10000x128xf32, #tpu.memory_space<hbm>> -> memref<1x624x128xf32, #tpu.memory_space<hbm>>
      %dma_start3A_224 = tpu.memref_squeeze %dma_start3A_223 : memref<1x624x128xf32, #tpu.memory_space<hbm>> -> memref<624x128xf32, #tpu.memory_space<hbm>>
      %dma_start3A_225 = arith.constant 0 : i32
      %dma_start3A_226 = tpu.memref_slice %arg5[%mul3A_218, %dma_start3A_225] : memref<10016x128xf32, #tpu.memory_space<vmem_shared>> -> memref<624x128xf32, #tpu.memory_space<vmem_shared>>
      tpu.enqueue_dma source(%dma_start3A_226 : memref<624x128xf32, #tpu.memory_space<vmem_shared>>) target(%dma_start3A_224 : memref<624x128xf32, #tpu.memory_space<hbm>>) target_semaphore(%run_scoped3A : memref<!tpu.dma_semaphore, #tpu.memory_space<semaphore_mem>>)
      %dma_wait3A_227 = arith.constant 0 : i32
      %dma_wait3A_228 = tpu.memref_slice %arg4[%arg0, %mul3A_218, %dma_wait3A_227] : memref<2x10000x128xf32, #tpu.memory_space<hbm>> -> memref<1x624x128xf32, #tpu.memory_space<hbm>>
      %dma_wait3A_229 = tpu.memref_squeeze %dma_wait3A_228 : memref<1x624x128xf32, #tpu.memory_space<hbm>> -> memref<624x128xf32, #tpu.memory_space<hbm>>
      %dma_wait3A_230 = arith.constant 0 : i32
      %dma_wait3A_231 = tpu.memref_slice %arg5[%mul3A_218, %dma_wait3A_230] : memref<10016x128xf32, #tpu.memory_space<vmem_shared>> -> memref<624x128xf32, #tpu.memory_space<vmem_shared>>
      tpu.wait_dma2 semaphore(%run_scoped3A : memref<!tpu.dma_semaphore, #tpu.memory_space<semaphore_mem>>) src(%dma_wait3A_231 : memref<624x128xf32, #tpu.memory_space<vmem_shared>>) dst(%dma_wait3A_229 : memref<624x128xf32, #tpu.memory_space<hbm>>)
      tpu.yield
    }) : () -> ()
    %eq3A_219 = arith.constant 15 : i32
    %eq3A_220 = arith.cmpi eq, %arg1, %eq3A_219 : i32
    %convert_element_type3A = arith.extui %eq3A_220 : i1 to i32
    %cond3A = arith.constant 0 : i32
    %cond3A_221 = arith.cmpi ne, %convert_element_type3A, %cond3A : i32
    scf.if %cond3A_221 {
      "tpu.region"() ({
        %run_scoped3A = tpu.sem_alloc : memref<!tpu.dma_semaphore, #tpu.memory_space<semaphore_mem>>
        %dma_start3A_222 = arith.constant 9984 : i32
        %dma_start3A_223 = arith.constant 0 : i32
        %dma_start3A_224 = tpu.memref_slice %arg4[%arg0, %dma_start3A_222, %dma_start3A_223] : memref<2x10000x128xf32, #tpu.memory_space<hbm>> -> memref<1x16x128xf32, #tpu.memory_space<hbm>>
        %dma_start3A_225 = tpu.memref_squeeze %dma_start3A_224 : memref<1x16x128xf32, #tpu.memory_space<hbm>> -> memref<16x128xf32, #tpu.memory_space<hbm>>
        %dma_start3A_226 = arith.constant 9984 : i32
        %dma_start3A_227 = arith.constant 0 : i32
        %dma_start3A_228 = tpu.memref_slice %arg5[%dma_start3A_226, %dma_start3A_227] : memref<10016x128xf32, #tpu.memory_space<vmem_shared>> -> memref<16x128xf32, #tpu.memory_space<vmem_shared>>
        tpu.enqueue_dma source(%dma_start3A_228 : memref<16x128xf32, #tpu.memory_space<vmem_shared>>) target(%dma_start3A_225 : memref<16x128xf32, #tpu.memory_space<hbm>>) target_semaphore(%run_scoped3A : memref<!tpu.dma_semaphore, #tpu.memory_space<semaphore_mem>>)
        %dma_wait3A_229 = arith.constant 9984 : i32
        %dma_wait3A_230 = arith.constant 0 : i32
        %dma_wait3A_231 = tpu.memref_slice %arg4[%arg0, %dma_wait3A_229, %dma_wait3A_230] : memref<2x10000x128xf32, #tpu.memory_space<hbm>> -> memref<1x16x128xf32, #tpu.memory_space<hbm>>
        %dma_wait3A_232 = tpu.memref_squeeze %dma_wait3A_231 : memref<1x16x128xf32, #tpu.memory_space<hbm>> -> memref<16x128xf32, #tpu.memory_space<hbm>>
        %dma_wait3A_233 = arith.constant 9984 : i32
        %dma_wait3A_234 = arith.constant 0 : i32
        %dma_wait3A_235 = tpu.memref_slice %arg5[%dma_wait3A_233, %dma_wait3A_234] : memref<10016x128xf32, #tpu.memory_space<vmem_shared>> -> memref<16x128xf32, #tpu.memory_space<vmem_shared>>
        tpu.wait_dma2 semaphore(%run_scoped3A : memref<!tpu.dma_semaphore, #tpu.memory_space<semaphore_mem>>) src(%dma_wait3A_235 : memref<16x128xf32, #tpu.memory_space<vmem_shared>>) dst(%dma_wait3A_232 : memref<16x128xf32, #tpu.memory_space<hbm>>)
        tpu.yield
      }) : () -> ()
    } else {
    }
    return
  }
}

module attributes {stable_mosaic.version = 14 : i64} {
  func.func @_mm_a_body(%arg0: i32, %arg1: memref<2504x128xf32, #tpu.memory_space<vmem>>, %arg2: memref<2x2504x128xf32, #tpu.memory_space<vmem>>, %arg3: memref<128x128xf32, #tpu.memory_space<vmem>>, %arg4: memref<128x128xf32, #tpu.memory_space<vmem>>, %arg5: memref<1x128xf32, #tpu.memory_space<vmem>>, %arg6: memref<2504x128xf32, #tpu.memory_space<vmem>>) attributes {dimension_semantics = [#tpu.dimension_semantics<arbitrary>], iteration_bounds = array<i64: 4>, scalar_prefetch = 0 : i64, scratch_operands = 0 : i64, tpu.core_type = #tpu.core_type<tc>, window_params = [{transform_indices = @transform_0, window_bounds = array<i64: 2504, 128>}, {transform_indices = @transform_1, window_bounds = array<i64: 2, 2504, 128>}, {pipeline_mode = #tpu.pipeline_mode<synchronous>, transform_indices = @transform_2, window_bounds = array<i64: 128, 128>}, {pipeline_mode = #tpu.pipeline_mode<synchronous>, transform_indices = @transform_3, window_bounds = array<i64: 128, 128>}, {pipeline_mode = #tpu.pipeline_mode<synchronous>, transform_indices = @transform_4, window_bounds = array<i64: 1, 128>}, {transform_indices = @transform_5, window_bounds = array<i64: 2504, 128>}]} {
    %get3A = arith.constant 0 : index
    %get3A_0 = arith.constant 0 : index
    %get3A_1 = arith.constant 0 : index
    %get3A_2 = vector.load %arg2[%get3A, %get3A_0, %get3A_1] : memref<2x2504x128xf32, #tpu.memory_space<vmem>>, vector<1x2504x128xf32>
    %get3A_3 = vector.shape_cast %get3A_2 : vector<1x2504x128xf32> to vector<2504x128xf32>
    %get3A_4 = arith.constant 1 : index
    %get3A_5 = arith.constant 0 : index
    %get3A_6 = arith.constant 0 : index
    %get3A_7 = vector.load %arg2[%get3A_4, %get3A_5, %get3A_6] : memref<2x2504x128xf32, #tpu.memory_space<vmem>>, vector<1x2504x128xf32>
    %get3A_8 = vector.shape_cast %get3A_7 : vector<1x2504x128xf32> to vector<2504x128xf32>
    %add3A = arith.addf %get3A_3, %get3A_8 : vector<2504x128xf32>
    %get3A_9 = arith.constant 0 : index
    %get3A_10 = arith.constant 0 : index
    %get3A_11 = vector.load %arg1[%get3A_9, %get3A_10] : memref<2504x128xf32, #tpu.memory_space<vmem>>, vector<2504x128xf32>
    %get3A_12 = arith.constant 0 : index
    %get3A_13 = arith.constant 0 : index
    %get3A_14 = vector.load %arg3[%get3A_12, %get3A_13] : memref<128x128xf32, #tpu.memory_space<vmem>>, vector<128x128xf32>
    %dot_general3A = arith.constant dense<0.000000e+00> : vector<2504x128xf32>
    %dot_general3A_15 = tpu.matmul %get3A_11, %get3A_14, %dot_general3A {dimension_numbers = #tpu.dot_dimension_numbers<[1], [0], [0], [1], [0, 0, 1, 1], [], []>, transpose_lhs_hint = false} : vector<2504x128xf32>, vector<128x128xf32>, vector<2504x128xf32> -> vector<2504x128xf32>
    %get3A_16 = arith.constant 0 : index
    %get3A_17 = arith.constant 0 : index
    %get3A_18 = vector.load %arg4[%get3A_16, %get3A_17] : memref<128x128xf32, #tpu.memory_space<vmem>>, vector<128x128xf32>
    %dot_general3A_19 = arith.constant dense<0.000000e+00> : vector<2504x128xf32>
    %dot_general3A_20 = tpu.matmul %add3A, %get3A_18, %dot_general3A_19 {dimension_numbers = #tpu.dot_dimension_numbers<[1], [0], [0], [1], [0, 0, 1, 1], [], []>, transpose_lhs_hint = false} : vector<2504x128xf32>, vector<128x128xf32>, vector<2504x128xf32> -> vector<2504x128xf32>
    %add3A_21 = arith.addf %dot_general3A_15, %dot_general3A_20 : vector<2504x128xf32>
    %get3A_22 = arith.constant 0 : index
    %get3A_23 = arith.constant 0 : index
    %get3A_24 = vector.load %arg5[%get3A_22, %get3A_23] : memref<1x128xf32, #tpu.memory_space<vmem>>, vector<1x128xf32>
    %add3A_25 = vector.broadcast %get3A_24 : vector<1x128xf32> to vector<2504x128xf32>
    %add3A_26 = arith.addf %add3A_21, %add3A_25 : vector<2504x128xf32>
    %swap3A = arith.constant 0 : index
    %swap3A_27 = arith.constant 0 : index
    %swap3A_28 = vector.load %arg6[%swap3A, %swap3A_27] : memref<2504x128xf32, #tpu.memory_space<vmem>>, vector<2504x128xf32>
    tpu.vector_store %arg6[%swap3A, %swap3A_27], %add3A_26 {strides = array<i32>} : memref<2504x128xf32, #tpu.memory_space<vmem>>, vector<2504x128xf32>,
    return
  }
  func.func @transform_0(%arg0: i32) -> (i32, i32) {
    %c0_i32 = arith.constant 0 : i32
    %c0_i32_0 = arith.constant 0 : i32
    return %arg0, %c0_i32 : i32, i32
  }
  func.func @transform_1(%arg0: i32) -> (i32, i32, i32) {
    %c0_i32 = arith.constant 0 : i32
    %c0_i32_0 = arith.constant 0 : i32
    %c0_i32_1 = arith.constant 0 : i32
    return %c0_i32, %arg0, %c0_i32_0 : i32, i32, i32
  }
  func.func @transform_2(%arg0: i32) -> (i32, i32) {
    %c0_i32 = arith.constant 0 : i32
    %c0_i32_0 = arith.constant 0 : i32
    %c0_i32_1 = arith.constant 0 : i32
    return %c0_i32, %c0_i32_0 : i32, i32
  }
  func.func @transform_3(%arg0: i32) -> (i32, i32) {
    %c0_i32 = arith.constant 0 : i32
    %c0_i32_0 = arith.constant 0 : i32
    %c0_i32_1 = arith.constant 0 : i32
    return %c0_i32, %c0_i32_0 : i32, i32
  }
  func.func @transform_4(%arg0: i32) -> (i32, i32) {
    %c0_i32 = arith.constant 0 : i32
    %c0_i32_0 = arith.constant 0 : i32
    %c0_i32_1 = arith.constant 0 : i32
    return %c0_i32, %c0_i32_0 : i32, i32
  }
  func.func @transform_5(%arg0: i32) -> (i32, i32) {
    %c0_i32 = arith.constant 0 : i32
    %c0_i32_0 = arith.constant 0 : i32
    return %arg0, %c0_i32 : i32, i32
  }
}

module attributes {stable_mosaic.version = 14 : i64} {
  func.func @_mm_b_body(%arg0: i32, %arg1: memref<2x2504x128xf32, #tpu.memory_space<vmem>>, %arg2: memref<128x128xf32, #tpu.memory_space<vmem>>, %arg3: memref<1x128xf32, #tpu.memory_space<vmem>>, %arg4: memref<128x128xf32, #tpu.memory_space<vmem>>, %arg5: memref<2504x128xf32, #tpu.memory_space<vmem>>) attributes {dimension_semantics = [#tpu.dimension_semantics<arbitrary>], iteration_bounds = array<i64: 4>, scalar_prefetch = 0 : i64, scratch_operands = 0 : i64, tpu.core_type = #tpu.core_type<tc>, window_params = [{transform_indices = @transform_0, window_bounds = array<i64: 2, 2504, 128>}, {pipeline_mode = #tpu.pipeline_mode<synchronous>, transform_indices = @transform_1, window_bounds = array<i64: 128, 128>}, {pipeline_mode = #tpu.pipeline_mode<synchronous>, transform_indices = @transform_2, window_bounds = array<i64: 1, 128>}, {pipeline_mode = #tpu.pipeline_mode<synchronous>, transform_indices = @transform_3, window_bounds = array<i64: 128, 128>}, {transform_indices = @transform_4, window_bounds = array<i64: 2504, 128>}]} {
    %get3A = arith.constant 0 : index
    %get3A_0 = arith.constant 0 : index
    %get3A_1 = arith.constant 0 : index
    %get3A_2 = vector.load %arg1[%get3A, %get3A_0, %get3A_1] : memref<2x2504x128xf32, #tpu.memory_space<vmem>>, vector<1x2504x128xf32>
    %get3A_3 = vector.shape_cast %get3A_2 : vector<1x2504x128xf32> to vector<2504x128xf32>
    %get3A_4 = arith.constant 1 : index
    %get3A_5 = arith.constant 0 : index
    %get3A_6 = arith.constant 0 : index
    %get3A_7 = vector.load %arg1[%get3A_4, %get3A_5, %get3A_6] : memref<2x2504x128xf32, #tpu.memory_space<vmem>>, vector<1x2504x128xf32>
    %get3A_8 = vector.shape_cast %get3A_7 : vector<1x2504x128xf32> to vector<2504x128xf32>
    %add3A = arith.addf %get3A_3, %get3A_8 : vector<2504x128xf32>
    %get3A_9 = arith.constant 0 : index
    %get3A_10 = arith.constant 0 : index
    %get3A_11 = vector.load %arg2[%get3A_9, %get3A_10] : memref<128x128xf32, #tpu.memory_space<vmem>>, vector<128x128xf32>
    %dot_general3A = arith.constant dense<0.000000e+00> : vector<2504x128xf32>
    %dot_general3A_12 = tpu.matmul %add3A, %get3A_11, %dot_general3A {dimension_numbers = #tpu.dot_dimension_numbers<[1], [0], [0], [1], [0, 0, 1, 1], [], []>, transpose_lhs_hint = false} : vector<2504x128xf32>, vector<128x128xf32>, vector<2504x128xf32> -> vector<2504x128xf32>
    %get3A_13 = arith.constant 0 : index
    %get3A_14 = arith.constant 0 : index
    %get3A_15 = vector.load %arg3[%get3A_13, %get3A_14] : memref<1x128xf32, #tpu.memory_space<vmem>>, vector<1x128xf32>
    %add3A_16 = vector.broadcast %get3A_15 : vector<1x128xf32> to vector<2504x128xf32>
    %add3A_17 = arith.addf %dot_general3A_12, %add3A_16 : vector<2504x128xf32>
    %get3A_18 = arith.constant 0 : index
    %get3A_19 = arith.constant 0 : index
    %get3A_20 = vector.load %arg4[%get3A_18, %get3A_19] : memref<128x128xf32, #tpu.memory_space<vmem>>, vector<128x128xf32>
    %dot_general3A_21 = arith.constant dense<0.000000e+00> : vector<2504x128xf32>
    %dot_general3A_22 = tpu.matmul %add3A_17, %get3A_20, %dot_general3A_21 {dimension_numbers = #tpu.dot_dimension_numbers<[1], [0], [0], [1], [0, 0, 1, 1], [], []>, transpose_lhs_hint = false} : vector<2504x128xf32>, vector<128x128xf32>, vector<2504x128xf32> -> vector<2504x128xf32>
    %swap3A = arith.constant 0 : index
    %swap3A_23 = arith.constant 0 : index
    %swap3A_24 = vector.load %arg5[%swap3A, %swap3A_23] : memref<2504x128xf32, #tpu.memory_space<vmem>>, vector<2504x128xf32>
    tpu.vector_store %arg5[%swap3A, %swap3A_23], %dot_general3A_22 {strides = array<i32>} : memref<2504x128xf32, #tpu.memory_space<vmem>>, vector<2504x128xf32>,
    return
  }
  func.func @transform_0(%arg0: i32) -> (i32, i32, i32) {
    %c0_i32 = arith.constant 0 : i32
    %c0_i32_0 = arith.constant 0 : i32
    %c0_i32_1 = arith.constant 0 : i32
    return %c0_i32, %arg0, %c0_i32_0 : i32, i32, i32
  }
  func.func @transform_1(%arg0: i32) -> (i32, i32) {
    %c0_i32 = arith.constant 0 : i32
    %c0_i32_0 = arith.constant 0 : i32
    %c0_i32_1 = arith.constant 0 : i32
    return %c0_i32, %c0_i32_0 : i32, i32
  }
  func.func @transform_2(%arg0: i32) -> (i32, i32) {
    %c0_i32 = arith.constant 0 : i32
    %c0_i32_0 = arith.constant 0 : i32
    %c0_i32_1 = arith.constant 0 : i32
    return %c0_i32, %c0_i32_0 : i32, i32
  }
  func.func @transform_3(%arg0: i32) -> (i32, i32) {
    %c0_i32 = arith.constant 0 : i32
    %c0_i32_0 = arith.constant 0 : i32
    %c0_i32_1 = arith.constant 0 : i32
    return %c0_i32, %c0_i32_0 : i32, i32
  }
  func.func @transform_4(%arg0: i32) -> (i32, i32) {
    %c0_i32 = arith.constant 0 : i32
    %c0_i32_0 = arith.constant 0 : i32
    return %arg0, %c0_i32 : i32, i32
  }
}

module attributes {stable_mosaic.version = 14 : i64} {
  func.func @_mm_c_body(%arg0: i32, %arg1: memref<2000x128xf32, #tpu.memory_space<vmem>>, %arg2: memref<2x2000x128xf32, #tpu.memory_space<vmem>>, %arg3: memref<1x128xf32, #tpu.memory_space<vmem>>, %arg4: memref<2000x128xf32, #tpu.memory_space<vmem>>) attributes {dimension_semantics = [#tpu.dimension_semantics<arbitrary>], iteration_bounds = array<i64: 5>, scalar_prefetch = 0 : i64, scratch_operands = 0 : i64, tpu.core_type = #tpu.core_type<tc>, window_params = [{transform_indices = @transform_0, window_bounds = array<i64: 2000, 128>}, {transform_indices = @transform_1, window_bounds = array<i64: 2, 2000, 128>}, {pipeline_mode = #tpu.pipeline_mode<synchronous>, transform_indices = @transform_2, window_bounds = array<i64: 1, 128>}, {transform_indices = @transform_3, window_bounds = array<i64: 2000, 128>}]} {
    %get3A = arith.constant 0 : index
    %get3A_0 = arith.constant 0 : index
    %get3A_1 = vector.load %arg1[%get3A, %get3A_0] : memref<2000x128xf32, #tpu.memory_space<vmem>>, vector<2000x128xf32>
    %get3A_2 = arith.constant 0 : index
    %get3A_3 = arith.constant 0 : index
    %get3A_4 = arith.constant 0 : index
    %get3A_5 = vector.load %arg2[%get3A_2, %get3A_3, %get3A_4] : memref<2x2000x128xf32, #tpu.memory_space<vmem>>, vector<1x2000x128xf32>
    %get3A_6 = vector.shape_cast %get3A_5 : vector<1x2000x128xf32> to vector<2000x128xf32>
    %add3A = arith.addf %get3A_1, %get3A_6 : vector<2000x128xf32>
    %get3A_7 = arith.constant 1 : index
    %get3A_8 = arith.constant 0 : index
    %get3A_9 = arith.constant 0 : index
    %get3A_10 = vector.load %arg2[%get3A_7, %get3A_8, %get3A_9] : memref<2x2000x128xf32, #tpu.memory_space<vmem>>, vector<1x2000x128xf32>
    %get3A_11 = vector.shape_cast %get3A_10 : vector<1x2000x128xf32> to vector<2000x128xf32>
    %add3A_12 = arith.addf %add3A, %get3A_11 : vector<2000x128xf32>
    %get3A_13 = arith.constant 0 : index
    %get3A_14 = arith.constant 0 : index
    %get3A_15 = vector.load %arg3[%get3A_13, %get3A_14] : memref<1x128xf32, #tpu.memory_space<vmem>>, vector<1x128xf32>
    %add3A_16 = vector.broadcast %get3A_15 : vector<1x128xf32> to vector<2000x128xf32>
    %add3A_17 = arith.addf %add3A_12, %add3A_16 : vector<2000x128xf32>
    %swap3A = arith.constant 0 : index
    %swap3A_18 = arith.constant 0 : index
    %swap3A_19 = vector.load %arg4[%swap3A, %swap3A_18] : memref<2000x128xf32, #tpu.memory_space<vmem>>, vector<2000x128xf32>
    tpu.vector_store %arg4[%swap3A, %swap3A_18], %add3A_17 {strides = array<i32>} : memref<2000x128xf32, #tpu.memory_space<vmem>>, vector<2000x128xf32>,
    return
  }
  func.func @transform_0(%arg0: i32) -> (i32, i32) {
    %c0_i32 = arith.constant 0 : i32
    %c0_i32_0 = arith.constant 0 : i32
    return %arg0, %c0_i32 : i32, i32
  }
  func.func @transform_1(%arg0: i32) -> (i32, i32, i32) {
    %c0_i32 = arith.constant 0 : i32
    %c0_i32_0 = arith.constant 0 : i32
    %c0_i32_1 = arith.constant 0 : i32
    return %c0_i32, %arg0, %c0_i32_0 : i32, i32, i32
  }
  func.func @transform_2(%arg0: i32) -> (i32, i32) {
    %c0_i32 = arith.constant 0 : i32
    %c0_i32_0 = arith.constant 0 : i32
    %c0_i32_1 = arith.constant 0 : i32
    return %c0_i32, %c0_i32_0 : i32, i32
  }
  func.func @transform_3(%arg0: i32) -> (i32, i32) {
    %c0_i32 = arith.constant 0 : i32
    %c0_i32_0 = arith.constant 0 : i32
    return %arg0, %c0_i32 : i32, i32
  }
}

</mosaic_0001>

<sc_bundles>
// kernel: kernel.11.cloned.1.call-start
scs
__scs_entry_jumppad:
0x0: {  	(pc) =	sbr.rel $0x88, $3  }
0x1: {  	(tag) =	ssettag $0x0;
	lr =	simm.s32 $0x1  }
0x2: {  	[smem:$0x3F97] =	sst lr;
	_ =	strace $0xD0000000  }
0x3: {  	_ = 	snop  }
0x4: {  	_ = 	snop  }
0x5: {  	_ = 	snop  }
0x6: {  	_ = 	snop  }
0x7: {  	_ = 	snop  }
__scs_overlays_trampoline_lowered:
0x8: {  	[smem:$0x3FA6] =	sst s0  }
0x9: {  	[smem:$0x3FA7] =	sst s1  }
0xa: {  	[smem:$0x3FA8] =	sst s2  }
0xb: {  	[smem:$0x3FA9] =	sst s3  }
0xc: {  	[smem:$0x3FAA] =	sst s4  }
0xd: {  	[smem:$0x3FAB] =	sst s5  }
0xe: {  	[smem:$0x3FAC] =	sst s6  }
0xf: {  	[smem:$0x3FAD] =	sst s7  }
0x10: {  	[smem:$0x3FAE] =	sst s8  }
0x11: {  	[smem:$0x3FAF] =	sst s9;
	s0 =	simm.s32 @!p0 $0x0  }
0x12: {  	s1 =	sld [smem:$0x3F95];
	s0 =	simm.s32 @p0 $0x1  }
0x13: {  	[smem:$0x3FB0] =	sst s0;
	s0 =	simm.s32 @!p1 $0x0  }
0x14: {  	s2 =	sld [smem:$0x3F94];
	s0 =	simm.s32 @p1 $0x1  }
0x15: {  	[smem:$0x3FB1] =	sst s0;
	s0 =	simm.s32 @!p2 $0x0  }
0x16: {  	s3 =	sld [smem:$0x3FDB];
	s0 =	simm.s32 @p2 $0x1  }
0x17: {  	s4 =	simm.s32 $0x1BF5;
	[smem:$0x3FB3] =	sst s0  }
0x18: {  	s0 =	sld [smem:$0x3F96];
	_ =	swait.ge [sflag:s4], $0x0  }
0x19: {  	s7 =	sld [smem:$0x3F97]  }
0x1a: {  	s8 =	sadd.s32 $0xFFFFE003, lr  }
0x1b: {  	s9 =	sadd.s32 $0xFFFFFEF7, lr;
	s5 =	simm.s32 $0xFFFFFFFF;
	p2 =	slt.u32 s8, $0xFFFFF086  }
0x1c: {  	p1 =	slt.u32 s9, $0xF7A;
	s5 =	simm.s32 @!p2 $0x0  }
0x1d: {  	s5 =	simm.s32 @p1 $0x1;
	p0 =	seq.s32 s7, s2  }
0x1e: {  	s7 =	smul.u32 @!p0 $0xF7A, s2;
	p2 =	seq.s32 @!p0 s5, $0x0  }
0x1f: {  	s9 =	smul.u32 $0xF7A, s1;
	s8 =	simm.s32 @!p0 $0x1BF5;
	p2 =	por !p2, p0  }
0x20: {  	[sflag:s8] =	ssyncset.s32 @!p0 $0xFFFFF086;
	s6 =	sadd.s32 @!p0 s3, s7;
	s7 =	simm.s32 @!p0 $0x108  }
0x21: {  	s3 =	sadd.s32 s3, s9;
	s6 =	sadd.s32 @!p0 $0x88, s6;
	s7 =	simm.s32 @p2 $0x1082  }
0x22: {  	[simem:s7], [sflag:s8] =	dma.local @!p0 [hbm:s6], $0xF7A  }
0x23: {  	s9 =	sor.u32 $0xD0000000, s2;
	s6 =	simm.s32 $0x108;
	_ =	swait.ge @!p0 [sflag:s8], $0x0  }
0x24: {  	s3 =	sadd.s32 $0x88, s3;
	s6 =	simm.s32 @!p1 $0x1082;
	[sflag:s4] =	ssyncset.s32 $0xFFFFF086  }
0x25: {  	[simem:s6], [sflag:s4] =	dma.local [hbm:s3], $0xF7A  }
0x26: {  	[smem:$0x3F97] =	sst s1;
	(tag) =	ssettag s2;
	_ =	strace s9  }
0x27: {  	s1 =	sld [smem:$0x3FA7]  }
0x28: {  	s2 =	sld [smem:$0x3FA8]  }
0x29: {  	s4 =	sld [smem:$0x3FAA]  }
0x2a: {  	p0 =	seq.s32 s5, $0x0;
	s5 =	sld [smem:$0x3FAB]  }
0x2b: {  	s6 =	sld [smem:$0x3FAC]  }
0x2c: {  	s7 =	sld [smem:$0x3FAD]  }
0x2d: {  	s3 =	simm.s32 $0x108;
	s8 =	sld [smem:$0x3FAE]  }
0x2e: {  	s3 =	simm.s32 @!p0 $0x1082;
	s9 =	sld [smem:$0x3FAF]  }
0x2f: {  	lr =	sadd.s32 s0, s3;
	s0 =	sld [smem:$0x3FA6]  }
0x30: {  	s3 =	sld [smem:$0x3FA9]  }
0x31: {  	[smem:$0x3FB2] =	sst s10  }
0x32: {  	s10 =	sld [smem:$0x3FB0];
	_ =	sdelay $0x3  }
0x33: {  	p0 =	seq.s32 s10, $0x1;
	s10 =	sld [smem:$0x3FB2];
	_ =	sdelay $0x3  }
0x34: {  	[smem:$0x3FB2] =	sst s10  }
0x35: {  	s10 =	sld [smem:$0x3FB1];
	_ =	sdelay $0x3  }
0x36: {  	p1 =	seq.s32 s10, $0x1;
	s10 =	sld [smem:$0x3FB2];
	_ =	sdelay $0x3  }
0x37: {  	[smem:$0x3FB2] =	sst s10  }
0x38: {  	s10 =	sld [smem:$0x3FB3]  }
0x39: {  	_ = 	snop;
	(pc) =	sbr.ind lr, $3  }
0x3a: {  	_ = 	snop  }
0x3b: {  	_ = 	snop  }
0x3c: {  	p2 =	seq.s32 s10, $0x1;
	s10 =	sld [smem:$0x3FB2]  }
0x3d: {  	_ =	shalt  }
0x3e: {  	_ =	shalt  }
0x3f: {  	_ =	shalt  }
0x40: {  	_ =	shalt  }
0x41: {  	_ =	shalt  }
0x42: {  	_ =	shalt  }
0x43: {  	_ =	shalt  }
0x44: {  	_ =	shalt  }
0x45: {  	_ =	shalt  }
0x46: {  	_ =	shalt  }
0x47: {  	_ =	shalt  }
0x48: {  	_ =	shalt  }
0x49: {  	_ =	shalt  }
0x4a: {  	_ =	shalt  }
0x4b: {  	_ =	shalt  }
0x4c: {  	_ =	shalt  }
0x4d: {  	_ =	shalt  }
0x4e: {  	_ =	shalt  }
0x4f: {  	_ =	shalt  }
0x50: {  	_ =	shalt  }
0x51: {  	_ =	shalt  }
0x52: {  	_ =	shalt  }
0x53: {  	_ =	shalt  }
0x54: {  	_ =	shalt  }
0x55: {  	_ =	shalt  }
0x56: {  	_ =	shalt  }
0x57: {  	_ =	shalt  }
0x58: {  	_ =	shalt  }
0x59: {  	_ =	shalt  }
0x5a: {  	_ =	shalt  }
0x5b: {  	_ =	shalt  }
0x5c: {  	_ =	shalt  }
0x5d: {  	_ =	shalt  }
0x5e: {  	_ =	shalt  }
0x5f: {  	_ =	shalt  }
0x60: {  	_ =	shalt  }
0x61: {  	_ =	shalt  }
0x62: {  	_ =	shalt  }
0x63: {  	_ =	shalt  }
0x64: {  	_ =	shalt  }
0x65: {  	_ =	shalt  }
0x66: {  	_ =	shalt  }
0x67: {  	_ =	shalt  }
0x68: {  	_ =	shalt  }
0x69: {  	_ =	shalt  }
0x6a: {  	_ =	shalt  }
0x6b: {  	_ =	shalt  }
0x6c: {  	_ =	shalt  }
0x6d: {  	_ =	shalt  }
0x6e: {  	_ =	shalt  }
0x6f: {  	_ =	shalt  }
0x70: {  	_ =	shalt  }
0x71: {  	_ =	shalt  }
0x72: {  	_ =	shalt  }
0x73: {  	_ =	shalt  }
0x74: {  	_ =	shalt  }
0x75: {  	_ =	shalt  }
0x76: {  	_ =	shalt  }
0x77: {  	_ =	shalt  }
0x78: {  	_ =	shalt  }
0x79: {  	_ =	shalt  }
0x7a: {  	_ =	shalt  }
0x7b: {  	_ =	shalt  }
0x7c: {  	_ =	shalt  }
0x7d: {  	_ =	shalt  }
0x7e: {  	_ =	shalt  }
0x7f: {  	_ =	shalt  }
0x80: {  	_ =	shalt  }
0x81: {  	_ =	shalt  }
0x82: {  	_ =	shalt  }
0x83: {  	_ =	shalt  }
0x84: {  	_ =	shalt  }
0x85: {  	_ =	shalt  }
0x86: {  	_ =	shalt  }
0x87: {  	_ =	shalt  }
.Lfunc_end0:
.L_simem_size_0:
called_computation.1_lowered:
.L_overlay_start_0:
0x88: {  	s2 =	sld [smem:$0x3FD9]  }
0x89: {  	s3 =	sld [smem:$0x3FFE];
	_ =	sdelay $0x1  }
0x8a: {  	s1 =	srdreg.scid  }
0x8b: {  	s0 =	sand.u32 $0x1, s1  }
0x8c: {  	s16 =	sshll.u32 s0, $0xA;
	s2 =	sadd.s32 s3, s2  }
0x8d: {  	s2 =	sadd.s32 s2, s16  }
0x8e: {  	[smem:$0x3FBE] =	sst s2  }
0x8f: {  	_ = 	snop  }
0x90: {  	(tm) =	ssettm $0x1  }
0x91: {  	s17 =	sld [smem:$0x3FFB];
	_ =	sdelay $0x3  }
0x92: {  	_ =	strace s17  }
0x93: {  	s2 =	sld [smem:$0x3FFC];
	_ =	sdelay $0x3  }
0x94: {  	_ =	strace s2  }
0x95: {  	s2 =	sld [smem:$0x3FFD];
	_ =	sdelay $0x3  }
0x96: {  	_ =	strace s2  }
0x97: {  	_ =	strace $0x8FFFFFFF  }
0x98: {  	s18 =	sld [smem:$0x3FDB];
	_ =	sdelay $0x1  }
0x99: {  	s19 =	simm.s32 $_scs_section_size  }
0x9a: {  	s4 =	simm.s32 $_size__tile_overlayer_lowered;
	s5 =	simm.s32 $_tile_overlayer_lowered  }
0x9b: {  	s22 =	simm.s32 $0x1BFF;
	s21 =	sshll.u32 s5, $0x1;
	s2 =	sadd.s32 s19, s18  }
0x9c: {  	s6 =	simm.s32 $0x0;
	s20 =	sshll.u32 s4, $0x1;
	s4 =	sadd.s32 s21, s2  }
0x9d: {  	[timem:s6], [sflag:s22] =	dma.local [hbm:s4], s20  }
0x9e: {  	_ =	swait.ge [sflag:s22], s20  }
0x9f: {  	s3 =	ssub.s32 $0x0, s20;
	[sflag:s22] =	ssyncset.done $0x0  }
0xa0: {  	[sflag:s22] =	ssyncadd.s32 s3;
	_ =	sdelay $0x1  }
0xa1: {  	s23 =	simm.s32 $0x1B8B  }
0xa2: {  	_ =	swait.ge [sflag:s23], $0x1  }
0xa3: {  	[sflag:s23] =	ssyncset.done $0x0  }
0xa4: {  	s25 =	simm.s32 $0x1B8E;
	s24 =	sld [smem:$0x3FFE];
	[sflag:s23] =	ssyncadd.s32 $0xFFFFFFFF  }
0xa5: {  	s26 =	simm.s32 $execute0_lowered;
	[smem:$0x3FD2] =	sst s25  }
0xa6: {  	s4 =	sshll.u32 s26, $0x1;
	_ =	strace $0x80000049;
	[dreg:$0x1] =	wrdreg $0xFFFFFFFF  }
0xa7: {  	s28 =	simm.s32 $_size_execute0_lowered;
	s2 =	sadd.s32 s2, s4;
	[dreg:$0x0] =	wrdreg $0x0  }
0xa8: {  	s4 =	sshll.u32 s28, $0x1;
	[dreg:$0x2] =	wrdreg s2  }
0xa9: {  	[dreg:$0x3] =	wrdreg s4  }
0xaa: {  	[dreg:$0x4] =	wrdreg $0xC0  }
0xab: {  	_ =	task [dreg:s6], $0x5FFFF  }
0xac: {  	[dreg:$0x1] =	wrdreg $0xFFFFFFFF  }
0xad: {  	[dreg:$0x0] =	wrdreg $0x60  }
0xae: {  	[dreg:$0x2] =	wrdreg s24  }
0xaf: {  	[dreg:$0x3] =	wrdreg $0x0  }
0xb0: {  	[dreg:$0x4] =	wrdreg $0x9  }
0xb1: {  	_ =	task.clear_ibuf [dreg:s6], $0x5FFFF;
	_ =	strace $0x90000049  }
0xb2: {  	s29 =	simm.s32 $0x9;
	_ =	strace $0x8000004B  }
0xb3: {  	_ =	swait.ge [sflag:s29], $0x1  }
0xb4: {  	[sflag:s29] =	ssyncadd.s32 $0xFFFFFFFF  }
0xb5: {  	_ =	strace $0x9000004B  }
0xb6: {  	_ =	sfence  }
0xb7: {  	s30 =	sld [smem:$0x0];
	_ =	sdelay $0x2  }
0xb8: {  	s31 =	sshll.u32 s1, $0xD;
	s1 =	sshrl.u32 s1, $0x2  }
0xb9: {  	s3 =	sand.u32 $0x4000, s31;
	s1 =	sadd.s32 s1, s30  }
0xba: {  	s0 =	sor.u32 s3, s0;
	s1 =	sshll.u32 s1, $0x11  }
0xbb: {  	s0 =	sor.u32 s1, s0  }
0xbc: {  	s0 =	sadd.s32 $0x8F2B, s0  }
0xbd: {  	[sflag:s0] =	ssyncadd.remote.s32 $0x1  }
0xbe: {  	_ =	sfence.sel $0xFFFF  }
0xbf: {  	[dreg:$0x0] =	wrdreg $0xFFFFFFFF;
	(pc) =	sbr.abs _section_cstart, $3  }
0xc0: {  	[dreg:$0x1] =	wrdreg $0xFFFFFFFF  }
0xc1: {  	_ =	task.clear_ibuf [dreg:s6], $0x2FFFF;
	_ =	strace $0x9FFFFFFF  }
0xc2: {  	(tm) =	ssettm $0x7FFFFFFF  }
0xc3: {  	_ =	shalt  }
tec
execute0_lowered:
.L_overlay_start_1:
0x0: {  	(tag) =	ssettag $0x1  }
0x1: {  	s0 =	rddreg [dreg:$0x0]  }
0x2: {  	s2 =	rddreg [dreg:$0x1]  }
0x3: {  	s3 =	simm.s32 $0x0;
	s1 =	srdreg.scid;
	s11 =	stileid.u32  }
0x4: {  	s16 =	simm.s32 $0x13900;
	s17 =	simm.s32 $0x1;
	s18 =	simm.s32 $0x1E900  }
0x5: {  	s19 =	simm.s32 $0x1EB00;
	s20 =	simm.s32 $0x1E980;
	s28 =	simm.s32 $0x1EA80  }
0x6: {  	s29 =	simm.s32 $0x1EC80;
	s30 =	simm.s32 $0x2;
	s4 =	smul.u32 $0x38, s11  }
0x7: {  	s31 =	simm.s32 $0x16500;
	s1 =	sand.u32 $0x1, s1;
	s6 =	smul.u32 $0x4E400, s11  }
0x8: {  	s5 =	sshll.u32 s11, $0x4;
	[smem:$0x7FF] =	sst s3;
	s10 =	smul.u32 $0x13800, s11  }
0x9: {  	p0 =	seq.s32 s1, $0x0;
	s5 =	sadd.s32 $0x380, s5;
	_ =	strace $0x8000004A  }
0xa: {  	s7 =	ssub.s32 $0x2, s1;
	s1 =	smul.u32 $0x138800, s1;
	s5 =	smov.u32 @p0 s4  }
0xb: {  	s4 =	sadd.s32 $0x3800, s0;
	s6 =	sshrl.u32 s6, $0x2;
	s9 =	sshrl.u32 s7, $0x1  }
0xc: {  	s5 =	smul.u32 $0xB, s5;
	s21 =	sadd.s32 s6, s2;
	s22 =	ssub.s32 s7, s9  }
0xd: {  	s7 =	sadd.s32 s10, s1;
	s23 =	sadd.s32 $0x2C00, s21;
	[dreg:$0x5] =	wrdreg s21  }
0xe: {  	s10 =	smul.u32 $0x4E000, s11;
	s24 =	sadd.s32 $0x5800, s21;
	[dreg:$0x6] =	wrdreg s23  }
0xf: {  	s1 =	sshrl.u32 s1, $0x3;
	s25 =	sadd.s32 $0x8400, s21;
	[dreg:$0x7] =	wrdreg s24  }
0x10: {  	s26 =	sadd.s32 $0xB000, s21;
	s9 =	sadd.s32 $0xDC00, s21;
	[dreg:$0x8] =	wrdreg s25  }
0x11: {  	s12 =	sadd.s32 $0x10800, s21;
	s7 =	sshrl.u32 s7, $0x3;
	[dreg:$0x9] =	wrdreg s26  }
0x12: {  	s8 =	sadd.s32 s5, s0;
	s0 =	sadd.s32 $0x57E00, s0;
	[dreg:$0xa] =	wrdreg s9  }
0x13: {  	[dreg:$0xb] =	wrdreg s12;
	s5 =	sadd.s32 $0x13400, s21;
	s9 =	simm.s32 $0x268  }
0x14: {  	s14 =	sshrl.u32 s10, $0x2;
	s25 =	smax.u32 s22, $0x1;
	s21 =	simm.s32 $0x1EB80  }
0x15: {  	s22 =	simm.s32 $0x1EA00;
	s23 =	simm.s32 $0x1EC00;
	s12 =	simm.s32 $0x7  }
0x16: {  	[dreg:$0xc] =	wrdreg s5;
	s9 =	simm.s32 @!p0 $0xB0;
	s13 =	sadd.s32 s0, s7  }
0x17: {  	s0 =	sadd.s32 s0, s1;
	s15 =	sadd.s32 s14, s2;
	s24 =	sadd.s32 $0x51A00, s8  }
0x18: {  	s7 =	sadd.s32 $0x138000, s2;
	[dreg:$0xf] =	wrdreg s25;
	p0 =	sne.s32 s11, $0xF  }
0x19: {  	s1 =	simm.s32 $0x3;
	s14 =	simm.s32 $0x8;
	[dreg:$0x3] =	wrdreg s9  }
0x1a: {  	s25 =	simm.s32 $0x0;
	[dreg:$0xd] =	wrdreg s13;
	s0 =	sadd.s32 $0x27000, s0  }
0x1b: {  	[dreg:$0x4] =	wrdreg s24;
	s26 =	sshrl.u32 s15, $0x3;
	s13 =	simm.s32 $0xB  }
0x1c: {  	s15 =	simm.s32 $0xC;
	s24 =	simm.s32 $0xD;
	[dreg:$0xe] =	wrdreg s0  }
0x1d: {  	[dreg:$0x10] =	wrdreg s26;
	s0 =	sshrl.u32 @!p0 s7, $0x3;
	s26 =	simm.s32 $0x58  }
0x1e: {  	v0 =	vimm.f32 $0.0e+00;
	s7 =	simm.s32 $0x4;
	[dreg:$0x11] =	wrdreg s0;
	s0 =	simm.s32 $0x5  }
.LBB2_1:
0x1f: {  	s6 =	simm.s32 $0x0;
	s8 =	simm.s32 $0x200  }
.LBB2_2:
0x20: {  	p1 =	sne.s32 s8, $0xAE00;
	[tilespmem:s6+$0x13970] =	vst v0  }
0x21: {  	[tilespmem:s6+$0x13900] =	vst v0  }
0x22: {  	[tilespmem:s6+$0x13910] =	vst v0  }
.Ltmp0:
0x23: {  	[tilespmem:s6+$0x13920] =	vst v0;
	(pc) =	sbr.rel @p1 .LBB2_2-.Ltmp0, $4  }
0x24: {  	[tilespmem:s6+$0x13930] =	vst v0  }
0x25: {  	[tilespmem:s6+$0x13940] =	vst v0  }
0x26: {  	[tilespmem:s6+$0x13950] =	vst v0  }
0x27: {  	[tilespmem:s6+$0x13960] =	vst v0;
	s6 =	sshra.s32 s8, $0x2;
	s8 =	sadd.s32 $0x200, s8  }
0x28: {  	[tilespmem:s6+$0x13970] =	vst v0  }
0x29: {  	[tilespmem:s6+$0x13900] =	vst v0  }
0x2a: {  	[tilespmem:s6+$0x13910] =	vst v0  }
0x2b: {  	[tilespmem:s6+$0x13920] =	vst v0  }
0x2c: {  	[tilespmem:s6+$0x13930] =	vst v0  }
0x2d: {  	[tilespmem:s6+$0x13940] =	vst v0  }
0x2e: {  	[tilespmem:s6+$0x13950] =	vst v0  }
0x2f: {  	[tilespmem:s6+$0x13960] =	vst v0;
	s5 =	rddreg [dreg:$0x5]  }
0x30: {  	[spmem:s5] =	stream.linear.scatter [tilespmem:s16], [sflag:$0x1], $0x2C00, $0x38;
	[tilespmem:$0x1ED00] =	vst v63  }
0x31: {  	s10 =	rddreg [dreg:$0x6]  }
0x32: {  	[spmem:s10] =	stream.linear.scatter [tilespmem:s16], [sflag:$0x1], $0x2C00, $0x38;
	[tilespmem:$0x1ED00] =	vst v63  }
0x33: {  	s11 =	rddreg [dreg:$0x7]  }
0x34: {  	[spmem:s11] =	stream.linear.scatter [tilespmem:s16], [sflag:$0x1], $0x2C00, $0x38;
	[tilespmem:$0x1ED00] =	vst v63  }
0x35: {  	s6 =	rddreg [dreg:$0x8]  }
0x36: {  	[spmem:s6] =	stream.linear.scatter [tilespmem:s16], [sflag:$0x1], $0x2C00, $0x38;
	[tilespmem:$0x1ED00] =	vst v63  }
0x37: {  	s8 =	rddreg [dreg:$0x9]  }
0x38: {  	[spmem:s8] =	stream.linear.scatter [tilespmem:s16], [sflag:$0x1], $0x2C00, $0x38;
	[tilespmem:$0x1ED00] =	vst v63  }
0x39: {  	s9 =	rddreg [dreg:$0xa]  }
0x3a: {  	[spmem:s9] =	stream.linear.scatter [tilespmem:s16], [sflag:$0x1], $0x2C00, $0x38;
	[tilespmem:$0x1ED00] =	vst v63  }
0x3b: {  	s10 =	rddreg [dreg:$0xb]  }
0x3c: {  	[spmem:s10] =	stream.linear.scatter [tilespmem:s16], [sflag:$0x1], $0x2C00, $0x38;
	[tilespmem:$0x1ED00] =	vst v63  }
0x3d: {  	s11 =	rddreg [dreg:$0xc]  }
0x3e: {  	[spmem:s11] =	stream.linear.scatter [tilespmem:s16], [sflag:$0x1], $0x500, $0x38;
	[tilespmem:$0x1ED00] =	vst v63  }
0x3f: {  	_ =	swait.ge [sflag:s17], $0x2C00  }
0x40: {  	[sflag:s17] =	ssyncset.done $0x0  }
0x41: {  	[sflag:s17] =	ssyncadd.s32 $0xFFFFD400  }
0x42: {  	_ =	swait.ge [sflag:s17], $0x2C00  }
0x43: {  	[sflag:s17] =	ssyncset.done $0x0  }
0x44: {  	[sflag:s17] =	ssyncadd.s32 $0xFFFFD400  }
0x45: {  	_ =	swait.ge [sflag:s17], $0x2C00  }
0x46: {  	[sflag:s17] =	ssyncset.done $0x0  }
0x47: {  	[sflag:s17] =	ssyncadd.s32 $0xFFFFD400  }
0x48: {  	_ =	swait.ge [sflag:s17], $0x2C00  }
0x49: {  	[sflag:s17] =	ssyncset.done $0x0  }
0x4a: {  	[sflag:s17] =	ssyncadd.s32 $0xFFFFD400  }
0x4b: {  	_ =	swait.ge [sflag:s17], $0x2C00  }
0x4c: {  	[sflag:s17] =	ssyncset.done $0x0  }
0x4d: {  	[sflag:s17] =	ssyncadd.s32 $0xFFFFD400  }
0x4e: {  	_ =	swait.ge [sflag:s17], $0x2C00  }
0x4f: {  	[sflag:s17] =	ssyncset.done $0x0  }
0x50: {  	[sflag:s17] =	ssyncadd.s32 $0xFFFFD400  }
0x51: {  	_ =	swait.ge [sflag:s17], $0x2C00  }
0x52: {  	[sflag:s17] =	ssyncset.done $0x0  }
0x53: {  	[sflag:s17] =	ssyncadd.s32 $0xFFFFD400  }
0x54: {  	_ =	swait.ge [sflag:s17], $0x500  }
0x55: {  	[sflag:s17] =	ssyncset.done $0x0  }
0x56: {  	[sflag:s17] =	ssyncadd.s32 $0xFFFFFB00  }
0x57: {  	s6 =	simm.s32 $0x0;
	[bflag:$0x0] =	sbarrier.arrive $0xFFFF  }
.LBB2_4:
0x58: {  	p1 =	seq.s32 s6, $0x0  }
0x59: {  	s8 =	simm.s32 @!p1 $0x9  }
0x5a: {  	_ =	swait.ge @!p1 [sflag:s8], $0x2C00  }
0x5b: {  	s5 =	rddreg [dreg:$0x4];
	[sflag:s8] =	ssyncset.done @!p1 $0x0  }
0x5c: {  	[sflag:s8] =	ssyncadd.s32 @!p1 $0xFFFFD400;
	s8 =	sadd.s32 s6, s5  }
0x5d: {  	[tilespmem:s18], [sflag:$0x1] =	stream.linear.gather [hbm4b:s8+s3], $0x58, $0x38;
	[tilespmem:$0x1ED00] =	vst v63  }
0x5e: {  	s5 =	sadd.s32 $0x3180, s8  }
0x5f: {  	[tilespmem:s19], [sflag:$0x1] =	stream.linear.gather [hbm4b:s5+s3], $0x58, $0x38;
	[tilespmem:$0x1ED00] =	vst v63  }
0x60: {  	s5 =	simm.s32 @!p1 $0x3  }
0x61: {  	_ =	swait.ge @!p1 [sflag:s5], $0x58  }
0x62: {  	[sflag:s5] =	ssyncset.done @!p1 $0x0  }
0x63: {  	[sflag:s5] =	ssyncadd.s32 @!p1 $0xFFFFFFA8  }
0x64: {  	_ =	swait.ge @!p1 [sflag:s5], $0x58  }
0x65: {  	s9 =	simm.s32 @!p1 $0x1EA00;
	[sflag:s5] =	ssyncset.done @!p1 $0x0  }
0x66: {  	s10 =	simm.s32 @!p1 $0x19100;
	[sflag:s5] =	ssyncadd.s32 @!p1 $0xFFFFFFA8;
	s5 =	simm.s32 @!p1 $0x58  }
0x67: {  	[tilespmem:s10], [sflag:$0x7] =	stream.indirect.gather @!p1 [hbm4b:s4+s5], $0x80, s9, s5, $0xb8;
	[tilespmem:$0x1ED00] =	vst v63  }
0x68: {  	s9 =	simm.s32 @!p1 $0x6  }
0x69: {  	_ =	swait.ge @!p1 [sflag:s9], $0x2C00  }
0x6a: {  	[sflag:s9] =	ssyncset.done @!p1 $0x0  }
0x6b: {  	s11 =	simm.s32 @!p1 $0x16500;
	[sflag:s9] =	ssyncadd.s32 @!p1 $0xFFFFD400;
	s9 =	simm.s32 @!p1 $0x1EB80  }
0x6c: {  	[spmem:s2] =	stream.indirect.scatter.add.f32 @!p1 [tilespmem:s11], [sflag:$0xA], $0x80, s9, s5, $0xb8;
	[tilespmem:$0x1ED00] =	vst v63  }
0x6d: {  	s9 =	simm.s32 @!p1 $0xA  }
0x6e: {  	_ =	swait.ge @!p1 [sflag:s9], $0x2C00  }
0x6f: {  	[sflag:s9] =	ssyncset.done @!p1 $0x0  }
0x70: {  	s11 =	sadd.s32 $0xB, s8;
	[sflag:s9] =	ssyncadd.s32 @!p1 $0xFFFFD400  }
0x71: {  	[tilespmem:s20], [sflag:$0x2] =	stream.linear.gather [hbm4b:s11+s3], $0x58, $0x38;
	[tilespmem:$0x1ED00] =	vst v63  }
0x72: {  	s9 =	simm.s32 @!p1 $0x4;
	s11 =	sadd.s32 $0x318B, s8  }
0x73: {  	[tilespmem:s21], [sflag:$0x2] =	stream.linear.gather [hbm4b:s11+s3], $0x58, $0x38;
	[tilespmem:$0x1ED00] =	vst v63  }
0x74: {  	_ =	swait.ge @!p1 [sflag:s9], $0x58  }
0x75: {  	[sflag:s9] =	ssyncset.done @!p1 $0x0  }
0x76: {  	[sflag:s9] =	ssyncadd.s32 @!p1 $0xFFFFFFA8  }
0x77: {  	_ =	swait.ge @!p1 [sflag:s9], $0x58  }
0x78: {  	[sflag:s9] =	ssyncset.done @!p1 $0x0  }
0x79: {  	s11 =	simm.s32 @!p1 $0x1BD00;
	[sflag:s9] =	ssyncadd.s32 @!p1 $0xFFFFFFA8;
	s9 =	simm.s32 @!p1 $0x1EA80  }
0x7a: {  	[tilespmem:s11], [sflag:$0x8] =	stream.indirect.gather @!p1 [hbm4b:s4+s5], $0x80, s9, s5, $0xb8;
	[tilespmem:$0x1ED00] =	vst v63  }
0x7b: {  	s9 =	simm.s32 @!p1 $0x7  }
0x7c: {  	_ =	swait.ge @!p1 [sflag:s9], $0x2C00  }
0x7d: {  	[sflag:s9] =	ssyncset.done @!p1 $0x0  }
0x7e: {  	[sflag:s9] =	ssyncadd.s32 @!p1 $0xFFFFD400;
	s9 =	simm.s32 @!p1 $0x1EC00  }
0x7f: {  	[spmem:s2] =	stream.indirect.scatter.add.f32 @!p1 [tilespmem:s10], [sflag:$0xB], $0x80, s9, s5, $0xb8;
	[tilespmem:$0x1ED00] =	vst v63  }
0x80: {  	s9 =	simm.s32 @!p1 $0xB  }
0x81: {  	_ =	swait.ge @!p1 [sflag:s9], $0x2C00  }
0x82: {  	[sflag:s9] =	ssyncset.done @!p1 $0x0  }
0x83: {  	s10 =	sadd.s32 $0x16, s8;
	[sflag:s9] =	ssyncadd.s32 @!p1 $0xFFFFD400  }
0x84: {  	[tilespmem:s22], [sflag:$0x3] =	stream.linear.gather [hbm4b:s10+s3], $0x58, $0x38;
	[tilespmem:$0x1ED00] =	vst v63  }
0x85: {  	s10 =	sadd.s32 $0x3196, s8  }
0x86: {  	[tilespmem:s23], [sflag:$0x3] =	stream.linear.gather [hbm4b:s10+s3], $0x58, $0x38;
	[tilespmem:$0x1ED00] =	vst v63  }
0x87: {  	_ =	swait.ge [sflag:s17], $0x58  }
0x88: {  	[sflag:s17] =	ssyncset.done $0x0  }
0x89: {  	[sflag:s17] =	ssyncadd.s32 $0xFFFFFFA8  }
0x8a: {  	_ =	swait.ge [sflag:s17], $0x58  }
0x8b: {  	[sflag:s17] =	ssyncset.done $0x0  }
0x8c: {  	s9 =	simm.s32 @!p1 $0x8;
	[sflag:s17] =	ssyncadd.s32 $0xFFFFFFA8  }
0x8d: {  	[tilespmem:s16], [sflag:$0x5] =	stream.indirect.gather [hbm4b:s4+s26], $0x80, s18, s26, $0xb8;
	[tilespmem:$0x1ED00] =	vst v63  }
0x8e: {  	_ =	swait.ge @!p1 [sflag:s9], $0x2C00  }
0x8f: {  	[sflag:s9] =	ssyncset.done @!p1 $0x0  }
0x90: {  	[sflag:s9] =	ssyncadd.s32 @!p1 $0xFFFFD400;
	s9 =	simm.s32 @!p1 $0x1EC80  }
0x91: {  	[spmem:s2] =	stream.indirect.scatter.add.f32 @!p1 [tilespmem:s11], [sflag:$0xC], $0x80, s9, s5, $0xb8;
	[tilespmem:$0x1ED00] =	vst v63  }
0x92: {  	s5 =	simm.s32 @!p1 $0xC  }
0x93: {  	_ =	swait.ge @!p1 [sflag:s5], $0x2C00  }
0x94: {  	[sflag:s5] =	ssyncset.done @!p1 $0x0  }
0x95: {  	s9 =	sadd.s32 $0x21, s8;
	[sflag:s5] =	ssyncadd.s32 @!p1 $0xFFFFD400  }
0x96: {  	[tilespmem:s28], [sflag:$0x4] =	stream.linear.gather [hbm4b:s9+s3], $0x58, $0x38;
	[tilespmem:$0x1ED00] =	vst v63  }
0x97: {  	s10 =	sadd.s32 $0x31A1, s8  }
0x98: {  	[tilespmem:s29], [sflag:$0x4] =	stream.linear.gather [hbm4b:s10+s3], $0x58, $0x38;
	[tilespmem:$0x1ED00] =	vst v63  }
0x99: {  	_ =	swait.ge [sflag:s30], $0x58  }
0x9a: {  	[sflag:s30] =	ssyncset.done $0x0  }
0x9b: {  	[sflag:s30] =	ssyncadd.s32 $0xFFFFFFA8  }
0x9c: {  	_ =	swait.ge [sflag:s30], $0x58  }
0x9d: {  	[sflag:s30] =	ssyncset.done $0x0  }
0x9e: {  	[sflag:s30] =	ssyncadd.s32 $0xFFFFFFA8  }
0x9f: {  	[tilespmem:s31], [sflag:$0x6] =	stream.indirect.gather [hbm4b:s4+s26], $0x80, s20, s26, $0xb8;
	[tilespmem:$0x1ED00] =	vst v63  }
0xa0: {  	_ =	swait.ge [sflag:s0], $0x2C00  }
0xa1: {  	s6 =	sadd.s32 $0x2C, s6;
	s11 =	rddreg [dreg:$0x3]  }
0xa2: {  	p1 =	sne.s32 s11, s6  }
.Ltmp1:
0xa3: {  	_ = 	snop;
	(pc) =	sbr.rel @p1 .LBB2_4-.Ltmp1, $4  }
0xa4: {  	_ = 	snop  }
0xa5: {  	[sflag:s0] =	ssyncset.done $0x0  }
0xa6: {  	[sflag:s0] =	ssyncadd.s32 $0xFFFFD400  }
0xa7: {  	[spmem:s2] =	stream.indirect.scatter.add.f32 [tilespmem:s16], [sflag:$0x9], $0x80, s19, s26, $0xb8;
	[tilespmem:$0x1ED00] =	vst v63  }
0xa8: {  	_ =	swait.ge [sflag:s1], $0x58  }
0xa9: {  	[sflag:s1] =	ssyncset.done $0x0  }
0xaa: {  	[sflag:s1] =	ssyncadd.s32 $0xFFFFFFA8  }
0xab: {  	_ =	swait.ge [sflag:s1], $0x58  }
0xac: {  	[sflag:s1] =	ssyncset.done $0x0  }
0xad: {  	s5 =	simm.s32 $0x19100;
	[sflag:s1] =	ssyncadd.s32 $0xFFFFFFA8  }
0xae: {  	[tilespmem:s5], [sflag:$0x7] =	stream.indirect.gather [hbm4b:s4+s26], $0x80, s22, s26, $0xb8;
	[tilespmem:$0x1ED00] =	vst v63  }
0xaf: {  	_ =	swait.ge [sflag:s7], $0x58  }
0xb0: {  	[sflag:s7] =	ssyncset.done $0x0  }
0xb1: {  	[sflag:s7] =	ssyncadd.s32 $0xFFFFFFA8  }
0xb2: {  	_ =	swait.ge [sflag:s7], $0x58  }
0xb3: {  	[sflag:s7] =	ssyncset.done $0x0  }
0xb4: {  	s6 =	simm.s32 $0x1BD00;
	s8 =	simm.s32 $0x9;
	[sflag:s7] =	ssyncadd.s32 $0xFFFFFFA8  }
0xb5: {  	[tilespmem:s6], [sflag:$0x8] =	stream.indirect.gather [hbm4b:s4+s26], $0x80, s28, s26, $0xb8;
	[tilespmem:$0x1ED00] =	vst v63  }
0xb6: {  	_ =	swait.ge [sflag:s8], $0x2C00  }
0xb7: {  	[sflag:s8] =	ssyncset.done $0x0  }
0xb8: {  	s10 =	simm.s32 $0x6;
	[sflag:s8] =	ssyncadd.s32 $0xFFFFD400  }
0xb9: {  	_ =	swait.ge [sflag:s10], $0x2C00  }
0xba: {  	[sflag:s10] =	ssyncset.done $0x0  }
0xbb: {  	s11 =	simm.s32 $0xA;
	[sflag:s10] =	ssyncadd.s32 $0xFFFFD400  }
0xbc: {  	[spmem:s2] =	stream.indirect.scatter.add.f32 [tilespmem:s31], [sflag:$0xA], $0x80, s21, s26, $0xb8;
	[tilespmem:$0x1ED00] =	vst v63  }
0xbd: {  	_ =	swait.ge [sflag:s11], $0x2C00  }
0xbe: {  	[sflag:s11] =	ssyncset.done $0x0  }
0xbf: {  	[sflag:s11] =	ssyncadd.s32 $0xFFFFD400  }
0xc0: {  	_ =	swait.ge [sflag:s12], $0x2C00  }
0xc1: {  	[sflag:s12] =	ssyncset.done $0x0  }
0xc2: {  	[sflag:s12] =	ssyncadd.s32 $0xFFFFD400  }
0xc3: {  	[spmem:s2] =	stream.indirect.scatter.add.f32 [tilespmem:s5], [sflag:$0xB], $0x80, s23, s26, $0xb8;
	[tilespmem:$0x1ED00] =	vst v63  }
0xc4: {  	_ =	swait.ge [sflag:s13], $0x2C00  }
0xc5: {  	[sflag:s13] =	ssyncset.done $0x0  }
0xc6: {  	[sflag:s13] =	ssyncadd.s32 $0xFFFFD400  }
0xc7: {  	_ =	swait.ge [sflag:s14], $0x2C00  }
0xc8: {  	[sflag:s14] =	ssyncset.done $0x0  }
0xc9: {  	[sflag:s14] =	ssyncadd.s32 $0xFFFFD400  }
0xca: {  	[spmem:s2] =	stream.indirect.scatter.add.f32 [tilespmem:s6], [sflag:$0xC], $0x80, s29, s26, $0xb8;
	[tilespmem:$0x1ED00] =	vst v63  }
0xcb: {  	_ =	swait.ge [sflag:s15], $0x2C00  }
0xcc: {  	[sflag:s15] =	ssyncset.done $0x0  }
0xcd: {  	[sflag:s15] =	ssyncadd.s32 $0xFFFFD400  }
0xce: {  	s8 =	stileid.u32;
	[bflag:$0x0] =	sbarrier.arrive $0xFFFF  }
0xcf: {  	s5 =	sshll.u32 s8, $0x6;
	s9 =	rddreg [dreg:$0xd]  }
0xd0: {  	s5 =	sor.u32 $0x1C0D, s5;
	s10 =	rddreg [dreg:$0x10]  }
0xd1: {  	[hbm:s9], [sflag:s5] =	dma.local [spmem:s10], $0x2700  }
0xd2: {  	_ =	swait.ge [sflag:s24], $0x2700  }
0xd3: {  	[sflag:s24] =	ssyncset.done $0x0;
	s6 =	rddreg [dreg:$0xe]  }
0xd4: {  	s8 =	rddreg [dreg:$0x11];
	[sflag:s24] =	ssyncadd.s32 $0xFFFFD900  }
0xd5: {  	[hbm:s6], [sflag:s5] =	dma.local @!p0 [spmem:s8], $0x100  }
0xd6: {  	s5 =	simm.s32 @!p0 $0xD  }
0xd7: {  	_ =	swait.ge @!p0 [sflag:s5], $0x100  }
0xd8: {  	s25 =	sadd.s32 $0x1, s25;
	s11 =	rddreg [dreg:$0xf]  }
0xd9: {  	p1 =	sne.s32 s25, s11  }
.Ltmp2:
0xda: {  	_ = 	snop;
	(pc) =	sbr.rel @p1 .LBB2_1-.Ltmp2, $3  }
0xdb: {  	_ =	sdelay $0x1  }
0xdc: {  	[sflag:s5] =	ssyncset.done @!p0 $0x0  }
0xdd: {  	[sflag:s5] =	ssyncadd.s32 @!p0 $0xFFFFFF00  }
0xde: {  	_ =	sfence.sel $0x180000  }
0xdf: {  	[bflag:$0x0] =	sbarrier.arrive $0xFFFF  }
0xe0: {  	_ =	strace $0x9000004A  }
0xe1: {  	s0 =	stileid.u32;
	[bflag:$0x2] =	sbarrier.arrive $0xFFFF  }
0xe2: {  	p0 =	sne.s32 s0, $0x0;
	s0 =	rddreg [dreg:$0x2]  }
0xe3: {  	s0 =	sadd.s32 @!p0 $0x100000, s0  }
0xe4: {  	[sflag:s0] =	ssyncadd.tile.s32 @!p0 $0x1;
	_ =	shalt  }
.Lfunc_end2:
_tile_overlayer_lowered:
.L_overlay_start_2:
0xe5: {  	(tag) =	ssettag $0x2  }
0xe6: {  	s0 =	rddreg [dreg:$0x0];
	s2 =	stileid.u32  }
0xe7: {  	s1 =	rddreg [dreg:$0x1];
	p0 =	sne.s32 s2, $0x0  }
0xe8: {  	s3 =	rddreg [dreg:$0x2];
	[bflag:$0x3] =	sbarrier.arrive $0xFFFF;
	s2 =	simm.s32 @!p0 $0x1C0D  }
0xe9: {  	[timem:s3], [sflag:s2] =	dma.local @!p0 [hbm:s0], s1  }
0xea: {  	s0 =	simm.s32 @!p0 $0xD  }
0xeb: {  	_ =	swait.ge @!p0 [sflag:s0], s1  }
0xec: {  	s1 =	ssub.s32 @!p0 $0x0, s1;
	[sflag:s0] =	ssyncset.done @!p0 $0x0  }
0xed: {  	[sflag:s0] =	ssyncadd.s32 @!p0 s1  }
0xee: {  	[bflag:$0x3] =	sbarrier.arrive $0xFFFF  }
0xef: {  	_ =	shalt  }

// kernel: kernel.14.cloned.1.call-start
scs
__scs_entry_jumppad:
0x0: {  	(pc) =	sbr.rel $0x88, $3  }
0x1: {  	(tag) =	ssettag $0x0;
	lr =	simm.s32 $0x1  }
0x2: {  	[smem:$0x3F97] =	sst lr;
	_ =	strace $0xD0000000  }
0x3: {  	_ = 	snop  }
0x4: {  	_ = 	snop  }
0x5: {  	_ = 	snop  }
0x6: {  	_ = 	snop  }
0x7: {  	_ = 	snop  }
__scs_overlays_trampoline_lowered:
0x8: {  	[smem:$0x3FA6] =	sst s0  }
0x9: {  	[smem:$0x3FA7] =	sst s1  }
0xa: {  	[smem:$0x3FA8] =	sst s2  }
0xb: {  	[smem:$0x3FA9] =	sst s3  }
0xc: {  	[smem:$0x3FAA] =	sst s4  }
0xd: {  	[smem:$0x3FAB] =	sst s5  }
0xe: {  	[smem:$0x3FAC] =	sst s6  }
0xf: {  	[smem:$0x3FAD] =	sst s7  }
0x10: {  	[smem:$0x3FAE] =	sst s8  }
0x11: {  	[smem:$0x3FAF] =	sst s9;
	s0 =	simm.s32 @!p0 $0x0  }
0x12: {  	s1 =	sld [smem:$0x3F95];
	s0 =	simm.s32 @p0 $0x1  }
0x13: {  	[smem:$0x3FB0] =	sst s0;
	s0 =	simm.s32 @!p1 $0x0  }
0x14: {  	s2 =	sld [smem:$0x3F94];
	s0 =	simm.s32 @p1 $0x1  }
0x15: {  	[smem:$0x3FB1] =	sst s0;
	s0 =	simm.s32 @!p2 $0x0  }
0x16: {  	s3 =	sld [smem:$0x3FDB];
	s0 =	simm.s32 @p2 $0x1  }
0x17: {  	s4 =	simm.s32 $0x1BF5;
	[smem:$0x3FB3] =	sst s0  }
0x18: {  	s0 =	sld [smem:$0x3F96];
	_ =	swait.ge [sflag:s4], $0x0  }
0x19: {  	s7 =	sld [smem:$0x3F97]  }
0x1a: {  	s8 =	sadd.s32 $0xFFFFE003, lr  }
0x1b: {  	s9 =	sadd.s32 $0xFFFFFEF7, lr;
	s5 =	simm.s32 $0xFFFFFFFF;
	p2 =	slt.u32 s8, $0xFFFFF086  }
0x1c: {  	p1 =	slt.u32 s9, $0xF7A;
	s5 =	simm.s32 @!p2 $0x0  }
0x1d: {  	s5 =	simm.s32 @p1 $0x1;
	p0 =	seq.s32 s7, s2  }
0x1e: {  	s7 =	smul.u32 @!p0 $0xF7A, s2;
	p2 =	seq.s32 @!p0 s5, $0x0  }
0x1f: {  	s9 =	smul.u32 $0xF7A, s1;
	s8 =	simm.s32 @!p0 $0x1BF5;
	p2 =	por !p2, p0  }
0x20: {  	[sflag:s8] =	ssyncset.s32 @!p0 $0xFFFFF086;
	s6 =	sadd.s32 @!p0 s3, s7;
	s7 =	simm.s32 @!p0 $0x108  }
0x21: {  	s3 =	sadd.s32 s3, s9;
	s6 =	sadd.s32 @!p0 $0x88, s6;
	s7 =	simm.s32 @p2 $0x1082  }
0x22: {  	[simem:s7], [sflag:s8] =	dma.local @!p0 [hbm:s6], $0xF7A  }
0x23: {  	s9 =	sor.u32 $0xD0000000, s2;
	s6 =	simm.s32 $0x108;
	_ =	swait.ge @!p0 [sflag:s8], $0x0  }
0x24: {  	s3 =	sadd.s32 $0x88, s3;
	s6 =	simm.s32 @!p1 $0x1082;
	[sflag:s4] =	ssyncset.s32 $0xFFFFF086  }
0x25: {  	[simem:s6], [sflag:s4] =	dma.local [hbm:s3], $0xF7A  }
0x26: {  	[smem:$0x3F97] =	sst s1;
	(tag) =	ssettag s2;
	_ =	strace s9  }
0x27: {  	s1 =	sld [smem:$0x3FA7]  }
0x28: {  	s2 =	sld [smem:$0x3FA8]  }
0x29: {  	s4 =	sld [smem:$0x3FAA]  }
0x2a: {  	p0 =	seq.s32 s5, $0x0;
	s5 =	sld [smem:$0x3FAB]  }
0x2b: {  	s6 =	sld [smem:$0x3FAC]  }
0x2c: {  	s7 =	sld [smem:$0x3FAD]  }
0x2d: {  	s3 =	simm.s32 $0x108;
	s8 =	sld [smem:$0x3FAE]  }
0x2e: {  	s3 =	simm.s32 @!p0 $0x1082;
	s9 =	sld [smem:$0x3FAF]  }
0x2f: {  	lr =	sadd.s32 s0, s3;
	s0 =	sld [smem:$0x3FA6]  }
0x30: {  	s3 =	sld [smem:$0x3FA9]  }
0x31: {  	[smem:$0x3FB2] =	sst s10  }
0x32: {  	s10 =	sld [smem:$0x3FB0];
	_ =	sdelay $0x3  }
0x33: {  	p0 =	seq.s32 s10, $0x1;
	s10 =	sld [smem:$0x3FB2];
	_ =	sdelay $0x3  }
0x34: {  	[smem:$0x3FB2] =	sst s10  }
0x35: {  	s10 =	sld [smem:$0x3FB1];
	_ =	sdelay $0x3  }
0x36: {  	p1 =	seq.s32 s10, $0x1;
	s10 =	sld [smem:$0x3FB2];
	_ =	sdelay $0x3  }
0x37: {  	[smem:$0x3FB2] =	sst s10  }
0x38: {  	s10 =	sld [smem:$0x3FB3]  }
0x39: {  	_ = 	snop;
	(pc) =	sbr.ind lr, $3  }
0x3a: {  	_ = 	snop  }
0x3b: {  	_ = 	snop  }
0x3c: {  	p2 =	seq.s32 s10, $0x1;
	s10 =	sld [smem:$0x3FB2]  }
0x3d: {  	_ =	shalt  }
0x3e: {  	_ =	shalt  }
0x3f: {  	_ =	shalt  }
0x40: {  	_ =	shalt  }
0x41: {  	_ =	shalt  }
0x42: {  	_ =	shalt  }
0x43: {  	_ =	shalt  }
0x44: {  	_ =	shalt  }
0x45: {  	_ =	shalt  }
0x46: {  	_ =	shalt  }
0x47: {  	_ =	shalt  }
0x48: {  	_ =	shalt  }
0x49: {  	_ =	shalt  }
0x4a: {  	_ =	shalt  }
0x4b: {  	_ =	shalt  }
0x4c: {  	_ =	shalt  }
0x4d: {  	_ =	shalt  }
0x4e: {  	_ =	shalt  }
0x4f: {  	_ =	shalt  }
0x50: {  	_ =	shalt  }
0x51: {  	_ =	shalt  }
0x52: {  	_ =	shalt  }
0x53: {  	_ =	shalt  }
0x54: {  	_ =	shalt  }
0x55: {  	_ =	shalt  }
0x56: {  	_ =	shalt  }
0x57: {  	_ =	shalt  }
0x58: {  	_ =	shalt  }
0x59: {  	_ =	shalt  }
0x5a: {  	_ =	shalt  }
0x5b: {  	_ =	shalt  }
0x5c: {  	_ =	shalt  }
0x5d: {  	_ =	shalt  }
0x5e: {  	_ =	shalt  }
0x5f: {  	_ =	shalt  }
0x60: {  	_ =	shalt  }
0x61: {  	_ =	shalt  }
0x62: {  	_ =	shalt  }
0x63: {  	_ =	shalt  }
0x64: {  	_ =	shalt  }
0x65: {  	_ =	shalt  }
0x66: {  	_ =	shalt  }
0x67: {  	_ =	shalt  }
0x68: {  	_ =	shalt  }
0x69: {  	_ =	shalt  }
0x6a: {  	_ =	shalt  }
0x6b: {  	_ =	shalt  }
0x6c: {  	_ =	shalt  }
0x6d: {  	_ =	shalt  }
0x6e: {  	_ =	shalt  }
0x6f: {  	_ =	shalt  }
0x70: {  	_ =	shalt  }
0x71: {  	_ =	shalt  }
0x72: {  	_ =	shalt  }
0x73: {  	_ =	shalt  }
0x74: {  	_ =	shalt  }
0x75: {  	_ =	shalt  }
0x76: {  	_ =	shalt  }
0x77: {  	_ =	shalt  }
0x78: {  	_ =	shalt  }
0x79: {  	_ =	shalt  }
0x7a: {  	_ =	shalt  }
0x7b: {  	_ =	shalt  }
0x7c: {  	_ =	shalt  }
0x7d: {  	_ =	shalt  }
0x7e: {  	_ =	shalt  }
0x7f: {  	_ =	shalt  }
0x80: {  	_ =	shalt  }
0x81: {  	_ =	shalt  }
0x82: {  	_ =	shalt  }
0x83: {  	_ =	shalt  }
0x84: {  	_ =	shalt  }
0x85: {  	_ =	shalt  }
0x86: {  	_ =	shalt  }
0x87: {  	_ =	shalt  }
.Lfunc_end0:
.L_simem_size_0:
called_computation.2_lowered:
.L_overlay_start_0:
0x88: {  	s2 =	sld [smem:$0x3FD9]  }
0x89: {  	s3 =	sld [smem:$0x3FFE];
	_ =	sdelay $0x1  }
0x8a: {  	s1 =	srdreg.scid  }
0x8b: {  	s0 =	sand.u32 $0x1, s1  }
0x8c: {  	s16 =	sshll.u32 s0, $0xA;
	s2 =	sadd.s32 s3, s2  }
0x8d: {  	s2 =	sadd.s32 s2, s16  }
0x8e: {  	[smem:$0x3FBE] =	sst s2  }
0x8f: {  	_ = 	snop  }
0x90: {  	(tm) =	ssettm $0x1  }
0x91: {  	s17 =	sld [smem:$0x3FFB];
	_ =	sdelay $0x3  }
0x92: {  	_ =	strace s17  }
0x93: {  	s2 =	sld [smem:$0x3FFC];
	_ =	sdelay $0x3  }
0x94: {  	_ =	strace s2  }
0x95: {  	s2 =	sld [smem:$0x3FFD];
	_ =	sdelay $0x3  }
0x96: {  	_ =	strace s2  }
0x97: {  	_ =	strace $0x8FFFFFFF  }
0x98: {  	s18 =	sld [smem:$0x3FDB];
	_ =	sdelay $0x1  }
0x99: {  	s19 =	simm.s32 $_scs_section_size  }
0x9a: {  	s4 =	simm.s32 $_size__tile_overlayer_lowered;
	s5 =	simm.s32 $_tile_overlayer_lowered  }
0x9b: {  	s22 =	simm.s32 $0x1BFF;
	s21 =	sshll.u32 s5, $0x1;
	s2 =	sadd.s32 s19, s18  }
0x9c: {  	s6 =	simm.s32 $0x0;
	s20 =	sshll.u32 s4, $0x1;
	s4 =	sadd.s32 s21, s2  }
0x9d: {  	[timem:s6], [sflag:s22] =	dma.local [hbm:s4], s20  }
0x9e: {  	_ =	swait.ge [sflag:s22], s20  }
0x9f: {  	s3 =	ssub.s32 $0x0, s20;
	[sflag:s22] =	ssyncset.done $0x0  }
0xa0: {  	[sflag:s22] =	ssyncadd.s32 s3;
	_ =	sdelay $0x1  }
0xa1: {  	s23 =	simm.s32 $0x1B8B  }
0xa2: {  	_ =	swait.ge [sflag:s23], $0x1  }
0xa3: {  	[sflag:s23] =	ssyncset.done $0x0  }
0xa4: {  	s25 =	simm.s32 $0x1B8E;
	s24 =	sld [smem:$0x3FFE];
	[sflag:s23] =	ssyncadd.s32 $0xFFFFFFFF  }
0xa5: {  	s26 =	simm.s32 $execute0_lowered;
	[smem:$0x3FD2] =	sst s25  }
0xa6: {  	s4 =	sshll.u32 s26, $0x1;
	_ =	strace $0x8000004C;
	[dreg:$0x1] =	wrdreg $0xFFFFFFFF  }
0xa7: {  	s28 =	simm.s32 $_size_execute0_lowered;
	s2 =	sadd.s32 s2, s4;
	[dreg:$0x0] =	wrdreg $0x0  }
0xa8: {  	s4 =	sshll.u32 s28, $0x1;
	[dreg:$0x2] =	wrdreg s2  }
0xa9: {  	[dreg:$0x3] =	wrdreg s4  }
0xaa: {  	[dreg:$0x4] =	wrdreg $0xC0  }
0xab: {  	_ =	task [dreg:s6], $0x5FFFF  }
0xac: {  	[dreg:$0x1] =	wrdreg $0xFFFFFFFF  }
0xad: {  	[dreg:$0x0] =	wrdreg $0x60  }
0xae: {  	[dreg:$0x2] =	wrdreg s24  }
0xaf: {  	[dreg:$0x3] =	wrdreg $0x0  }
0xb0: {  	[dreg:$0x4] =	wrdreg $0x9  }
0xb1: {  	_ =	task.clear_ibuf [dreg:s6], $0x5FFFF;
	_ =	strace $0x9000004C  }
0xb2: {  	s29 =	simm.s32 $0x9;
	_ =	strace $0x8000004E  }
0xb3: {  	_ =	swait.ge [sflag:s29], $0x1  }
0xb4: {  	[sflag:s29] =	ssyncadd.s32 $0xFFFFFFFF  }
0xb5: {  	_ =	strace $0x9000004E  }
0xb6: {  	_ =	sfence  }
0xb7: {  	s30 =	sld [smem:$0x0];
	_ =	sdelay $0x2  }
0xb8: {  	s31 =	sshll.u32 s1, $0xD;
	s1 =	sshrl.u32 s1, $0x2  }
0xb9: {  	s3 =	sand.u32 $0x4000, s31;
	s1 =	sadd.s32 s1, s30  }
0xba: {  	s0 =	sor.u32 s3, s0;
	s1 =	sshll.u32 s1, $0x11  }
0xbb: {  	s0 =	sor.u32 s1, s0  }
0xbc: {  	s0 =	sadd.s32 $0x8F2B, s0  }
0xbd: {  	[sflag:s0] =	ssyncadd.remote.s32 $0x1  }
0xbe: {  	_ =	sfence.sel $0xFFFF  }
0xbf: {  	[dreg:$0x0] =	wrdreg $0xFFFFFFFF;
	(pc) =	sbr.abs _section_cstart, $3  }
0xc0: {  	[dreg:$0x1] =	wrdreg $0xFFFFFFFF  }
0xc1: {  	_ =	task.clear_ibuf [dreg:s6], $0x2FFFF;
	_ =	strace $0x9FFFFFFF  }
0xc2: {  	(tm) =	ssettm $0x7FFFFFFF  }
0xc3: {  	_ =	shalt  }
tec
execute0_lowered:
.L_overlay_start_1:
0x0: {  	(tag) =	ssettag $0x1  }
0x1: {  	s0 =	rddreg [dreg:$0x0]  }
0x2: {  	s2 =	rddreg [dreg:$0x1]  }
0x3: {  	s3 =	simm.s32 $0x0;
	s1 =	srdreg.scid;
	s11 =	stileid.u32  }
0x4: {  	s16 =	simm.s32 $0x13900;
	s17 =	simm.s32 $0x1;
	s18 =	simm.s32 $0x1E900  }
0x5: {  	s19 =	simm.s32 $0x1EB00;
	s20 =	simm.s32 $0x1E980;
	s28 =	simm.s32 $0x1EA80  }
0x6: {  	s29 =	simm.s32 $0x1EC80;
	s30 =	simm.s32 $0x2;
	s4 =	smul.u32 $0x38, s11  }
0x7: {  	s31 =	simm.s32 $0x16500;
	s1 =	sand.u32 $0x1, s1;
	s6 =	smul.u32 $0x4E400, s11  }
0x8: {  	s5 =	sshll.u32 s11, $0x4;
	[smem:$0x7FF] =	sst s3;
	s10 =	smul.u32 $0x13800, s11  }
0x9: {  	p0 =	seq.s32 s1, $0x0;
	s5 =	sadd.s32 $0x380, s5;
	_ =	strace $0x8000004D  }
0xa: {  	s7 =	ssub.s32 $0x2, s1;
	s1 =	smul.u32 $0x138800, s1;
	s5 =	smov.u32 @p0 s4  }
0xb: {  	s4 =	sadd.s32 $0x57E00, s0;
	s6 =	sshrl.u32 s6, $0x2;
	s9 =	sshrl.u32 s7, $0x1  }
0xc: {  	s5 =	smul.u32 $0xB, s5;
	s21 =	sadd.s32 s6, s2;
	s22 =	ssub.s32 s7, s9  }
0xd: {  	s7 =	sadd.s32 s10, s1;
	s23 =	sadd.s32 $0x2C00, s21;
	[dreg:$0x5] =	wrdreg s21  }
0xe: {  	s10 =	smul.u32 $0x4E000, s11;
	s24 =	sadd.s32 $0x5800, s21;
	[dreg:$0x6] =	wrdreg s23  }
0xf: {  	s1 =	sshrl.u32 s1, $0x3;
	s25 =	sadd.s32 $0x8400, s21;
	[dreg:$0x7] =	wrdreg s24  }
0x10: {  	s26 =	sadd.s32 $0xB000, s21;
	s9 =	sadd.s32 $0xDC00, s21;
	[dreg:$0x8] =	wrdreg s25  }
0x11: {  	s12 =	sadd.s32 $0x10800, s21;
	s7 =	sshrl.u32 s7, $0x3;
	[dreg:$0x9] =	wrdreg s26  }
0x12: {  	s8 =	sadd.s32 s5, s0;
	s0 =	sadd.s32 $0x7F000, s0;
	[dreg:$0xa] =	wrdreg s9  }
0x13: {  	[dreg:$0xb] =	wrdreg s12;
	s5 =	sadd.s32 $0x13400, s21;
	s9 =	simm.s32 $0x268  }
0x14: {  	s14 =	sshrl.u32 s10, $0x2;
	s25 =	smax.u32 s22, $0x1;
	s21 =	simm.s32 $0x1EB80  }
0x15: {  	s22 =	simm.s32 $0x1EA00;
	s23 =	simm.s32 $0x1EC00;
	s12 =	simm.s32 $0x7  }
0x16: {  	[dreg:$0xc] =	wrdreg s5;
	s9 =	simm.s32 @!p0 $0xB0;
	s13 =	sadd.s32 s0, s7  }
0x17: {  	s0 =	sadd.s32 s0, s1;
	s15 =	sadd.s32 s14, s2;
	s24 =	sadd.s32 $0x51A00, s8  }
0x18: {  	s7 =	sadd.s32 $0x138000, s2;
	[dreg:$0xf] =	wrdreg s25;
	p0 =	sne.s32 s11, $0xF  }
0x19: {  	s1 =	simm.s32 $0x3;
	s14 =	simm.s32 $0x8;
	[dreg:$0x3] =	wrdreg s9  }
0x1a: {  	s25 =	simm.s32 $0x0;
	[dreg:$0xd] =	wrdreg s13;
	s0 =	sadd.s32 $0x27000, s0  }
0x1b: {  	[dreg:$0x4] =	wrdreg s24;
	s26 =	sshrl.u32 s15, $0x3;
	s13 =	simm.s32 $0xB  }
0x1c: {  	s15 =	simm.s32 $0xC;
	s24 =	simm.s32 $0xD;
	[dreg:$0xe] =	wrdreg s0  }
0x1d: {  	[dreg:$0x10] =	wrdreg s26;
	s0 =	sshrl.u32 @!p0 s7, $0x3;
	s26 =	simm.s32 $0x58  }
0x1e: {  	v0 =	vimm.f32 $0.0e+00;
	s7 =	simm.s32 $0x4;
	[dreg:$0x11] =	wrdreg s0;
	s0 =	simm.s32 $0x5  }
.LBB2_1:
0x1f: {  	s6 =	simm.s32 $0x0;
	s8 =	simm.s32 $0x200  }
.LBB2_2:
0x20: {  	p1 =	sne.s32 s8, $0xAE00;
	[tilespmem:s6+$0x13970] =	vst v0  }
0x21: {  	[tilespmem:s6+$0x13900] =	vst v0  }
0x22: {  	[tilespmem:s6+$0x13910] =	vst v0  }
.Ltmp0:
0x23: {  	[tilespmem:s6+$0x13920] =	vst v0;
	(pc) =	sbr.rel @p1 .LBB2_2-.Ltmp0, $4  }
0x24: {  	[tilespmem:s6+$0x13930] =	vst v0  }
0x25: {  	[tilespmem:s6+$0x13940] =	vst v0  }
0x26: {  	[tilespmem:s6+$0x13950] =	vst v0  }
0x27: {  	[tilespmem:s6+$0x13960] =	vst v0;
	s6 =	sshra.s32 s8, $0x2;
	s8 =	sadd.s32 $0x200, s8  }
0x28: {  	[tilespmem:s6+$0x13970] =	vst v0  }
0x29: {  	[tilespmem:s6+$0x13900] =	vst v0  }
0x2a: {  	[tilespmem:s6+$0x13910] =	vst v0  }
0x2b: {  	[tilespmem:s6+$0x13920] =	vst v0  }
0x2c: {  	[tilespmem:s6+$0x13930] =	vst v0  }
0x2d: {  	[tilespmem:s6+$0x13940] =	vst v0  }
0x2e: {  	[tilespmem:s6+$0x13950] =	vst v0  }
0x2f: {  	[tilespmem:s6+$0x13960] =	vst v0;
	s5 =	rddreg [dreg:$0x5]  }
0x30: {  	[spmem:s5] =	stream.linear.scatter [tilespmem:s16], [sflag:$0x1], $0x2C00, $0x38;
	[tilespmem:$0x1ED00] =	vst v63  }
0x31: {  	s10 =	rddreg [dreg:$0x6]  }
0x32: {  	[spmem:s10] =	stream.linear.scatter [tilespmem:s16], [sflag:$0x1], $0x2C00, $0x38;
	[tilespmem:$0x1ED00] =	vst v63  }
0x33: {  	s11 =	rddreg [dreg:$0x7]  }
0x34: {  	[spmem:s11] =	stream.linear.scatter [tilespmem:s16], [sflag:$0x1], $0x2C00, $0x38;
	[tilespmem:$0x1ED00] =	vst v63  }
0x35: {  	s6 =	rddreg [dreg:$0x8]  }
0x36: {  	[spmem:s6] =	stream.linear.scatter [tilespmem:s16], [sflag:$0x1], $0x2C00, $0x38;
	[tilespmem:$0x1ED00] =	vst v63  }
0x37: {  	s8 =	rddreg [dreg:$0x9]  }
0x38: {  	[spmem:s8] =	stream.linear.scatter [tilespmem:s16], [sflag:$0x1], $0x2C00, $0x38;
	[tilespmem:$0x1ED00] =	vst v63  }
0x39: {  	s9 =	rddreg [dreg:$0xa]  }
0x3a: {  	[spmem:s9] =	stream.linear.scatter [tilespmem:s16], [sflag:$0x1], $0x2C00, $0x38;
	[tilespmem:$0x1ED00] =	vst v63  }
0x3b: {  	s10 =	rddreg [dreg:$0xb]  }
0x3c: {  	[spmem:s10] =	stream.linear.scatter [tilespmem:s16], [sflag:$0x1], $0x2C00, $0x38;
	[tilespmem:$0x1ED00] =	vst v63  }
0x3d: {  	s11 =	rddreg [dreg:$0xc]  }
0x3e: {  	[spmem:s11] =	stream.linear.scatter [tilespmem:s16], [sflag:$0x1], $0x500, $0x38;
	[tilespmem:$0x1ED00] =	vst v63  }
0x3f: {  	_ =	swait.ge [sflag:s17], $0x2C00  }
0x40: {  	[sflag:s17] =	ssyncset.done $0x0  }
0x41: {  	[sflag:s17] =	ssyncadd.s32 $0xFFFFD400  }
0x42: {  	_ =	swait.ge [sflag:s17], $0x2C00  }
0x43: {  	[sflag:s17] =	ssyncset.done $0x0  }
0x44: {  	[sflag:s17] =	ssyncadd.s32 $0xFFFFD400  }
0x45: {  	_ =	swait.ge [sflag:s17], $0x2C00  }
0x46: {  	[sflag:s17] =	ssyncset.done $0x0  }
0x47: {  	[sflag:s17] =	ssyncadd.s32 $0xFFFFD400  }
0x48: {  	_ =	swait.ge [sflag:s17], $0x2C00  }
0x49: {  	[sflag:s17] =	ssyncset.done $0x0  }
0x4a: {  	[sflag:s17] =	ssyncadd.s32 $0xFFFFD400  }
0x4b: {  	_ =	swait.ge [sflag:s17], $0x2C00  }
0x4c: {  	[sflag:s17] =	ssyncset.done $0x0  }
0x4d: {  	[sflag:s17] =	ssyncadd.s32 $0xFFFFD400  }
0x4e: {  	_ =	swait.ge [sflag:s17], $0x2C00  }
0x4f: {  	[sflag:s17] =	ssyncset.done $0x0  }
0x50: {  	[sflag:s17] =	ssyncadd.s32 $0xFFFFD400  }
0x51: {  	_ =	swait.ge [sflag:s17], $0x2C00  }
0x52: {  	[sflag:s17] =	ssyncset.done $0x0  }
0x53: {  	[sflag:s17] =	ssyncadd.s32 $0xFFFFD400  }
0x54: {  	_ =	swait.ge [sflag:s17], $0x500  }
0x55: {  	[sflag:s17] =	ssyncset.done $0x0  }
0x56: {  	[sflag:s17] =	ssyncadd.s32 $0xFFFFFB00  }
0x57: {  	s6 =	simm.s32 $0x0;
	[bflag:$0x0] =	sbarrier.arrive $0xFFFF  }
.LBB2_4:
0x58: {  	p1 =	seq.s32 s6, $0x0  }
0x59: {  	s5 =	simm.s32 @!p1 $0x9  }
0x5a: {  	_ =	swait.ge @!p1 [sflag:s5], $0x2C00  }
0x5b: {  	s8 =	rddreg [dreg:$0x4]  }
0x5c: {  	[sflag:s5] =	ssyncset.done @!p1 $0x0;
	s8 =	sadd.s32 s6, s8  }
0x5d: {  	[sflag:s5] =	ssyncadd.s32 @!p1 $0xFFFFD400;
	s10 =	sadd.s32 $0x3180, s8  }
0x5e: {  	[tilespmem:s18], [sflag:$0x1] =	stream.linear.gather [hbm4b:s10+s3], $0x58, $0x38;
	[tilespmem:$0x1ED00] =	vst v63  }
0x5f: {  	s5 =	simm.s32 @!p1 $0x3  }
0x60: {  	[tilespmem:s19], [sflag:$0x1] =	stream.linear.gather [hbm4b:s8+s3], $0x58, $0x38;
	[tilespmem:$0x1ED00] =	vst v63  }
0x61: {  	_ =	swait.ge @!p1 [sflag:s5], $0x58  }
0x62: {  	[sflag:s5] =	ssyncset.done @!p1 $0x0  }
0x63: {  	[sflag:s5] =	ssyncadd.s32 @!p1 $0xFFFFFFA8  }
0x64: {  	_ =	swait.ge @!p1 [sflag:s5], $0x58  }
0x65: {  	s9 =	simm.s32 @!p1 $0x1EA00;
	[sflag:s5] =	ssyncset.done @!p1 $0x0  }
0x66: {  	s10 =	simm.s32 @!p1 $0x19100;
	[sflag:s5] =	ssyncadd.s32 @!p1 $0xFFFFFFA8;
	s5 =	simm.s32 @!p1 $0x58  }
0x67: {  	[tilespmem:s10], [sflag:$0x7] =	stream.indirect.gather @!p1 [hbm4b:s4+s5], $0x80, s9, s5, $0xb8;
	[tilespmem:$0x1ED00] =	vst v63  }
0x68: {  	s9 =	simm.s32 @!p1 $0x6  }
0x69: {  	_ =	swait.ge @!p1 [sflag:s9], $0x2C00  }
0x6a: {  	[sflag:s9] =	ssyncset.done @!p1 $0x0  }
0x6b: {  	s11 =	simm.s32 @!p1 $0x16500;
	[sflag:s9] =	ssyncadd.s32 @!p1 $0xFFFFD400;
	s9 =	simm.s32 @!p1 $0x1EB80  }
0x6c: {  	[spmem:s2] =	stream.indirect.scatter.add.f32 @!p1 [tilespmem:s11], [sflag:$0xA], $0x80, s9, s5, $0xb8;
	[tilespmem:$0x1ED00] =	vst v63  }
0x6d: {  	s9 =	simm.s32 @!p1 $0xA  }
0x6e: {  	_ =	swait.ge @!p1 [sflag:s9], $0x2C00  }
0x6f: {  	[sflag:s9] =	ssyncset.done @!p1 $0x0  }
0x70: {  	s11 =	sadd.s32 $0x318B, s8;
	[sflag:s9] =	ssyncadd.s32 @!p1 $0xFFFFD400  }
0x71: {  	[tilespmem:s20], [sflag:$0x2] =	stream.linear.gather [hbm4b:s11+s3], $0x58, $0x38;
	[tilespmem:$0x1ED00] =	vst v63  }
0x72: {  	s9 =	simm.s32 @!p1 $0x4;
	s11 =	sadd.s32 $0xB, s8  }
0x73: {  	[tilespmem:s21], [sflag:$0x2] =	stream.linear.gather [hbm4b:s11+s3], $0x58, $0x38;
	[tilespmem:$0x1ED00] =	vst v63  }
0x74: {  	_ =	swait.ge @!p1 [sflag:s9], $0x58  }
0x75: {  	[sflag:s9] =	ssyncset.done @!p1 $0x0  }
0x76: {  	[sflag:s9] =	ssyncadd.s32 @!p1 $0xFFFFFFA8  }
0x77: {  	_ =	swait.ge @!p1 [sflag:s9], $0x58  }
0x78: {  	[sflag:s9] =	ssyncset.done @!p1 $0x0  }
0x79: {  	s11 =	simm.s32 @!p1 $0x1BD00;
	[sflag:s9] =	ssyncadd.s32 @!p1 $0xFFFFFFA8;
	s9 =	simm.s32 @!p1 $0x1EA80  }
0x7a: {  	[tilespmem:s11], [sflag:$0x8] =	stream.indirect.gather @!p1 [hbm4b:s4+s5], $0x80, s9, s5, $0xb8;
	[tilespmem:$0x1ED00] =	vst v63  }
0x7b: {  	s9 =	simm.s32 @!p1 $0x7  }
0x7c: {  	_ =	swait.ge @!p1 [sflag:s9], $0x2C00  }
0x7d: {  	[sflag:s9] =	ssyncset.done @!p1 $0x0  }
0x7e: {  	[sflag:s9] =	ssyncadd.s32 @!p1 $0xFFFFD400;
	s9 =	simm.s32 @!p1 $0x1EC00  }
0x7f: {  	[spmem:s2] =	stream.indirect.scatter.add.f32 @!p1 [tilespmem:s10], [sflag:$0xB], $0x80, s9, s5, $0xb8;
	[tilespmem:$0x1ED00] =	vst v63  }
0x80: {  	s9 =	simm.s32 @!p1 $0xB  }
0x81: {  	_ =	swait.ge @!p1 [sflag:s9], $0x2C00  }
0x82: {  	[sflag:s9] =	ssyncset.done @!p1 $0x0  }
0x83: {  	s10 =	sadd.s32 $0x3196, s8;
	[sflag:s9] =	ssyncadd.s32 @!p1 $0xFFFFD400  }
0x84: {  	[tilespmem:s22], [sflag:$0x3] =	stream.linear.gather [hbm4b:s10+s3], $0x58, $0x38;
	[tilespmem:$0x1ED00] =	vst v63  }
0x85: {  	s10 =	sadd.s32 $0x16, s8  }
0x86: {  	[tilespmem:s23], [sflag:$0x3] =	stream.linear.gather [hbm4b:s10+s3], $0x58, $0x38;
	[tilespmem:$0x1ED00] =	vst v63  }
0x87: {  	_ =	swait.ge [sflag:s17], $0x58  }
0x88: {  	[sflag:s17] =	ssyncset.done $0x0  }
0x89: {  	[sflag:s17] =	ssyncadd.s32 $0xFFFFFFA8  }
0x8a: {  	_ =	swait.ge [sflag:s17], $0x58  }
0x8b: {  	[sflag:s17] =	ssyncset.done $0x0  }
0x8c: {  	s9 =	simm.s32 @!p1 $0x8;
	[sflag:s17] =	ssyncadd.s32 $0xFFFFFFA8  }
0x8d: {  	[tilespmem:s16], [sflag:$0x5] =	stream.indirect.gather [hbm4b:s4+s26], $0x80, s18, s26, $0xb8;
	[tilespmem:$0x1ED00] =	vst v63  }
0x8e: {  	_ =	swait.ge @!p1 [sflag:s9], $0x2C00  }
0x8f: {  	[sflag:s9] =	ssyncset.done @!p1 $0x0  }
0x90: {  	[sflag:s9] =	ssyncadd.s32 @!p1 $0xFFFFD400;
	s9 =	simm.s32 @!p1 $0x1EC80  }
0x91: {  	[spmem:s2] =	stream.indirect.scatter.add.f32 @!p1 [tilespmem:s11], [sflag:$0xC], $0x80, s9, s5, $0xb8;
	[tilespmem:$0x1ED00] =	vst v63  }
0x92: {  	s5 =	simm.s32 @!p1 $0xC  }
0x93: {  	_ =	swait.ge @!p1 [sflag:s5], $0x2C00  }
0x94: {  	[sflag:s5] =	ssyncset.done @!p1 $0x0  }
0x95: {  	s9 =	sadd.s32 $0x31A1, s8;
	[sflag:s5] =	ssyncadd.s32 @!p1 $0xFFFFD400  }
0x96: {  	[tilespmem:s28], [sflag:$0x4] =	stream.linear.gather [hbm4b:s9+s3], $0x58, $0x38;
	[tilespmem:$0x1ED00] =	vst v63  }
0x97: {  	s10 =	sadd.s32 $0x21, s8  }
0x98: {  	[tilespmem:s29], [sflag:$0x4] =	stream.linear.gather [hbm4b:s10+s3], $0x58, $0x38;
	[tilespmem:$0x1ED00] =	vst v63  }
0x99: {  	_ =	swait.ge [sflag:s30], $0x58  }
0x9a: {  	[sflag:s30] =	ssyncset.done $0x0  }
0x9b: {  	[sflag:s30] =	ssyncadd.s32 $0xFFFFFFA8  }
0x9c: {  	_ =	swait.ge [sflag:s30], $0x58  }
0x9d: {  	[sflag:s30] =	ssyncset.done $0x0  }
0x9e: {  	[sflag:s30] =	ssyncadd.s32 $0xFFFFFFA8  }
0x9f: {  	[tilespmem:s31], [sflag:$0x6] =	stream.indirect.gather [hbm4b:s4+s26], $0x80, s20, s26, $0xb8;
	[tilespmem:$0x1ED00] =	vst v63  }
0xa0: {  	_ =	swait.ge [sflag:s0], $0x2C00  }
0xa1: {  	s6 =	sadd.s32 $0x2C, s6;
	s11 =	rddreg [dreg:$0x3]  }
0xa2: {  	p1 =	sne.s32 s11, s6  }
.Ltmp1:
0xa3: {  	_ = 	snop;
	(pc) =	sbr.rel @p1 .LBB2_4-.Ltmp1, $4  }
0xa4: {  	_ = 	snop  }
0xa5: {  	[sflag:s0] =	ssyncset.done $0x0  }
0xa6: {  	[sflag:s0] =	ssyncadd.s32 $0xFFFFD400  }
0xa7: {  	[spmem:s2] =	stream.indirect.scatter.add.f32 [tilespmem:s16], [sflag:$0x9], $0x80, s19, s26, $0xb8;
	[tilespmem:$0x1ED00] =	vst v63  }
0xa8: {  	_ =	swait.ge [sflag:s1], $0x58  }
0xa9: {  	[sflag:s1] =	ssyncset.done $0x0  }
0xaa: {  	[sflag:s1] =	ssyncadd.s32 $0xFFFFFFA8  }
0xab: {  	_ =	swait.ge [sflag:s1], $0x58  }
0xac: {  	[sflag:s1] =	ssyncset.done $0x0  }
0xad: {  	s5 =	simm.s32 $0x19100;
	[sflag:s1] =	ssyncadd.s32 $0xFFFFFFA8  }
0xae: {  	[tilespmem:s5], [sflag:$0x7] =	stream.indirect.gather [hbm4b:s4+s26], $0x80, s22, s26, $0xb8;
	[tilespmem:$0x1ED00] =	vst v63  }
0xaf: {  	_ =	swait.ge [sflag:s7], $0x58  }
0xb0: {  	[sflag:s7] =	ssyncset.done $0x0  }
0xb1: {  	[sflag:s7] =	ssyncadd.s32 $0xFFFFFFA8  }
0xb2: {  	_ =	swait.ge [sflag:s7], $0x58  }
0xb3: {  	[sflag:s7] =	ssyncset.done $0x0  }
0xb4: {  	s6 =	simm.s32 $0x1BD00;
	s8 =	simm.s32 $0x9;
	[sflag:s7] =	ssyncadd.s32 $0xFFFFFFA8  }
0xb5: {  	[tilespmem:s6], [sflag:$0x8] =	stream.indirect.gather [hbm4b:s4+s26], $0x80, s28, s26, $0xb8;
	[tilespmem:$0x1ED00] =	vst v63  }
0xb6: {  	_ =	swait.ge [sflag:s8], $0x2C00  }
0xb7: {  	[sflag:s8] =	ssyncset.done $0x0  }
0xb8: {  	s10 =	simm.s32 $0x6;
	[sflag:s8] =	ssyncadd.s32 $0xFFFFD400  }
0xb9: {  	_ =	swait.ge [sflag:s10], $0x2C00  }
0xba: {  	[sflag:s10] =	ssyncset.done $0x0  }
0xbb: {  	s11 =	simm.s32 $0xA;
	[sflag:s10] =	ssyncadd.s32 $0xFFFFD400  }
0xbc: {  	[spmem:s2] =	stream.indirect.scatter.add.f32 [tilespmem:s31], [sflag:$0xA], $0x80, s21, s26, $0xb8;
	[tilespmem:$0x1ED00] =	vst v63  }
0xbd: {  	_ =	swait.ge [sflag:s11], $0x2C00  }
0xbe: {  	[sflag:s11] =	ssyncset.done $0x0  }
0xbf: {  	[sflag:s11] =	ssyncadd.s32 $0xFFFFD400  }
0xc0: {  	_ =	swait.ge [sflag:s12], $0x2C00  }
0xc1: {  	[sflag:s12] =	ssyncset.done $0x0  }
0xc2: {  	[sflag:s12] =	ssyncadd.s32 $0xFFFFD400  }
0xc3: {  	[spmem:s2] =	stream.indirect.scatter.add.f32 [tilespmem:s5], [sflag:$0xB], $0x80, s23, s26, $0xb8;
	[tilespmem:$0x1ED00] =	vst v63  }
0xc4: {  	_ =	swait.ge [sflag:s13], $0x2C00  }
0xc5: {  	[sflag:s13] =	ssyncset.done $0x0  }
0xc6: {  	[sflag:s13] =	ssyncadd.s32 $0xFFFFD400  }
0xc7: {  	_ =	swait.ge [sflag:s14], $0x2C00  }
0xc8: {  	[sflag:s14] =	ssyncset.done $0x0  }
0xc9: {  	[sflag:s14] =	ssyncadd.s32 $0xFFFFD400  }
0xca: {  	[spmem:s2] =	stream.indirect.scatter.add.f32 [tilespmem:s6], [sflag:$0xC], $0x80, s29, s26, $0xb8;
	[tilespmem:$0x1ED00] =	vst v63  }
0xcb: {  	_ =	swait.ge [sflag:s15], $0x2C00  }
0xcc: {  	[sflag:s15] =	ssyncset.done $0x0  }
0xcd: {  	[sflag:s15] =	ssyncadd.s32 $0xFFFFD400  }
0xce: {  	s8 =	stileid.u32;
	[bflag:$0x0] =	sbarrier.arrive $0xFFFF  }
0xcf: {  	s5 =	sshll.u32 s8, $0x6;
	s9 =	rddreg [dreg:$0xd]  }
0xd0: {  	s5 =	sor.u32 $0x1C0D, s5;
	s10 =	rddreg [dreg:$0x10]  }
0xd1: {  	[hbm:s9], [sflag:s5] =	dma.local [spmem:s10], $0x2700  }
0xd2: {  	_ =	swait.ge [sflag:s24], $0x2700  }
0xd3: {  	[sflag:s24] =	ssyncset.done $0x0;
	s6 =	rddreg [dreg:$0xe]  }
0xd4: {  	s8 =	rddreg [dreg:$0x11];
	[sflag:s24] =	ssyncadd.s32 $0xFFFFD900  }
0xd5: {  	[hbm:s6], [sflag:s5] =	dma.local @!p0 [spmem:s8], $0x100  }
0xd6: {  	s5 =	simm.s32 @!p0 $0xD  }
0xd7: {  	_ =	swait.ge @!p0 [sflag:s5], $0x100  }
0xd8: {  	s25 =	sadd.s32 $0x1, s25;
	s11 =	rddreg [dreg:$0xf]  }
0xd9: {  	p1 =	sne.s32 s25, s11  }
.Ltmp2:
0xda: {  	_ = 	snop;
	(pc) =	sbr.rel @p1 .LBB2_1-.Ltmp2, $3  }
0xdb: {  	_ =	sdelay $0x1  }
0xdc: {  	[sflag:s5] =	ssyncset.done @!p0 $0x0  }
0xdd: {  	[sflag:s5] =	ssyncadd.s32 @!p0 $0xFFFFFF00  }
0xde: {  	_ =	sfence.sel $0x180000  }
0xdf: {  	[bflag:$0x0] =	sbarrier.arrive $0xFFFF  }
0xe0: {  	_ =	strace $0x9000004D  }
0xe1: {  	s0 =	stileid.u32;
	[bflag:$0x2] =	sbarrier.arrive $0xFFFF  }
0xe2: {  	p0 =	sne.s32 s0, $0x0;
	s0 =	rddreg [dreg:$0x2]  }
0xe3: {  	s0 =	sadd.s32 @!p0 $0x100000, s0  }
0xe4: {  	[sflag:s0] =	ssyncadd.tile.s32 @!p0 $0x1;
	_ =	shalt  }
.Lfunc_end2:
_tile_overlayer_lowered:
.L_overlay_start_2:
0xe5: {  	(tag) =	ssettag $0x2  }
0xe6: {  	s0 =	rddreg [dreg:$0x0];
	s2 =	stileid.u32  }
0xe7: {  	s1 =	rddreg [dreg:$0x1];
	p0 =	sne.s32 s2, $0x0  }
0xe8: {  	s3 =	rddreg [dreg:$0x2];
	[bflag:$0x3] =	sbarrier.arrive $0xFFFF;
	s2 =	simm.s32 @!p0 $0x1C0D  }
0xe9: {  	[timem:s3], [sflag:s2] =	dma.local @!p0 [hbm:s0], s1  }
0xea: {  	s0 =	simm.s32 @!p0 $0xD  }
0xeb: {  	_ =	swait.ge @!p0 [sflag:s0], s1  }
0xec: {  	s1 =	ssub.s32 @!p0 $0x0, s1;
	[sflag:s0] =	ssyncset.done @!p0 $0x0  }
0xed: {  	[sflag:s0] =	ssyncadd.s32 @!p0 s1  }
0xee: {  	[bflag:$0x3] =	sbarrier.arrive $0xFFFF  }
0xef: {  	_ =	shalt  }

// kernel: kernel.8.cloned.1.call-start
scs
__scs_entry_jumppad:
0x0: {  	(pc) =	sbr.rel $0x88, $3  }
0x1: {  	(tag) =	ssettag $0x0;
	lr =	simm.s32 $0x1  }
0x2: {  	[smem:$0x3F97] =	sst lr;
	_ =	strace $0xD0000000  }
0x3: {  	_ = 	snop  }
0x4: {  	_ = 	snop  }
0x5: {  	_ = 	snop  }
0x6: {  	_ = 	snop  }
0x7: {  	_ = 	snop  }
__scs_overlays_trampoline_lowered:
0x8: {  	[smem:$0x3FA6] =	sst s0  }
0x9: {  	[smem:$0x3FA7] =	sst s1  }
0xa: {  	[smem:$0x3FA8] =	sst s2  }
0xb: {  	[smem:$0x3FA9] =	sst s3  }
0xc: {  	[smem:$0x3FAA] =	sst s4  }
0xd: {  	[smem:$0x3FAB] =	sst s5  }
0xe: {  	[smem:$0x3FAC] =	sst s6  }
0xf: {  	[smem:$0x3FAD] =	sst s7  }
0x10: {  	[smem:$0x3FAE] =	sst s8  }
0x11: {  	[smem:$0x3FAF] =	sst s9;
	s0 =	simm.s32 @!p0 $0x0  }
0x12: {  	s1 =	sld [smem:$0x3F95];
	s0 =	simm.s32 @p0 $0x1  }
0x13: {  	[smem:$0x3FB0] =	sst s0;
	s0 =	simm.s32 @!p1 $0x0  }
0x14: {  	s2 =	sld [smem:$0x3F94];
	s0 =	simm.s32 @p1 $0x1  }
0x15: {  	[smem:$0x3FB1] =	sst s0;
	s0 =	simm.s32 @!p2 $0x0  }
0x16: {  	s3 =	sld [smem:$0x3FDB];
	s0 =	simm.s32 @p2 $0x1  }
0x17: {  	s4 =	simm.s32 $0x1BF5;
	[smem:$0x3FB3] =	sst s0  }
0x18: {  	s0 =	sld [smem:$0x3F96];
	_ =	swait.ge [sflag:s4], $0x0  }
0x19: {  	s7 =	sld [smem:$0x3F97]  }
0x1a: {  	s8 =	sadd.s32 $0xFFFFE003, lr  }
0x1b: {  	s9 =	sadd.s32 $0xFFFFFEF7, lr;
	s5 =	simm.s32 $0xFFFFFFFF;
	p2 =	slt.u32 s8, $0xFFFFF086  }
0x1c: {  	p1 =	slt.u32 s9, $0xF7A;
	s5 =	simm.s32 @!p2 $0x0  }
0x1d: {  	s5 =	simm.s32 @p1 $0x1;
	p0 =	seq.s32 s7, s2  }
0x1e: {  	s7 =	smul.u32 @!p0 $0xF7A, s2;
	p2 =	seq.s32 @!p0 s5, $0x0  }
0x1f: {  	s9 =	smul.u32 $0xF7A, s1;
	s8 =	simm.s32 @!p0 $0x1BF5;
	p2 =	por !p2, p0  }
0x20: {  	[sflag:s8] =	ssyncset.s32 @!p0 $0xFFFFF086;
	s6 =	sadd.s32 @!p0 s3, s7;
	s7 =	simm.s32 @!p0 $0x108  }
0x21: {  	s3 =	sadd.s32 s3, s9;
	s6 =	sadd.s32 @!p0 $0x88, s6;
	s7 =	simm.s32 @p2 $0x1082  }
0x22: {  	[simem:s7], [sflag:s8] =	dma.local @!p0 [hbm:s6], $0xF7A  }
0x23: {  	s9 =	sor.u32 $0xD0000000, s2;
	s6 =	simm.s32 $0x108;
	_ =	swait.ge @!p0 [sflag:s8], $0x0  }
0x24: {  	s3 =	sadd.s32 $0x88, s3;
	s6 =	simm.s32 @!p1 $0x1082;
	[sflag:s4] =	ssyncset.s32 $0xFFFFF086  }
0x25: {  	[simem:s6], [sflag:s4] =	dma.local [hbm:s3], $0xF7A  }
0x26: {  	[smem:$0x3F97] =	sst s1;
	(tag) =	ssettag s2;
	_ =	strace s9  }
0x27: {  	s1 =	sld [smem:$0x3FA7]  }
0x28: {  	s2 =	sld [smem:$0x3FA8]  }
0x29: {  	s4 =	sld [smem:$0x3FAA]  }
0x2a: {  	p0 =	seq.s32 s5, $0x0;
	s5 =	sld [smem:$0x3FAB]  }
0x2b: {  	s6 =	sld [smem:$0x3FAC]  }
0x2c: {  	s7 =	sld [smem:$0x3FAD]  }
0x2d: {  	s3 =	simm.s32 $0x108;
	s8 =	sld [smem:$0x3FAE]  }
0x2e: {  	s3 =	simm.s32 @!p0 $0x1082;
	s9 =	sld [smem:$0x3FAF]  }
0x2f: {  	lr =	sadd.s32 s0, s3;
	s0 =	sld [smem:$0x3FA6]  }
0x30: {  	s3 =	sld [smem:$0x3FA9]  }
0x31: {  	[smem:$0x3FB2] =	sst s10  }
0x32: {  	s10 =	sld [smem:$0x3FB0];
	_ =	sdelay $0x3  }
0x33: {  	p0 =	seq.s32 s10, $0x1;
	s10 =	sld [smem:$0x3FB2];
	_ =	sdelay $0x3  }
0x34: {  	[smem:$0x3FB2] =	sst s10  }
0x35: {  	s10 =	sld [smem:$0x3FB1];
	_ =	sdelay $0x3  }
0x36: {  	p1 =	seq.s32 s10, $0x1;
	s10 =	sld [smem:$0x3FB2];
	_ =	sdelay $0x3  }
0x37: {  	[smem:$0x3FB2] =	sst s10  }
0x38: {  	s10 =	sld [smem:$0x3FB3]  }
0x39: {  	_ = 	snop;
	(pc) =	sbr.ind lr, $3  }
0x3a: {  	_ = 	snop  }
0x3b: {  	_ = 	snop  }
0x3c: {  	p2 =	seq.s32 s10, $0x1;
	s10 =	sld [smem:$0x3FB2]  }
0x3d: {  	_ =	shalt  }
0x3e: {  	_ =	shalt  }
0x3f: {  	_ =	shalt  }
0x40: {  	_ =	shalt  }
0x41: {  	_ =	shalt  }
0x42: {  	_ =	shalt  }
0x43: {  	_ =	shalt  }
0x44: {  	_ =	shalt  }
0x45: {  	_ =	shalt  }
0x46: {  	_ =	shalt  }
0x47: {  	_ =	shalt  }
0x48: {  	_ =	shalt  }
0x49: {  	_ =	shalt  }
0x4a: {  	_ =	shalt  }
0x4b: {  	_ =	shalt  }
0x4c: {  	_ =	shalt  }
0x4d: {  	_ =	shalt  }
0x4e: {  	_ =	shalt  }
0x4f: {  	_ =	shalt  }
0x50: {  	_ =	shalt  }
0x51: {  	_ =	shalt  }
0x52: {  	_ =	shalt  }
0x53: {  	_ =	shalt  }
0x54: {  	_ =	shalt  }
0x55: {  	_ =	shalt  }
0x56: {  	_ =	shalt  }
0x57: {  	_ =	shalt  }
0x58: {  	_ =	shalt  }
0x59: {  	_ =	shalt  }
0x5a: {  	_ =	shalt  }
0x5b: {  	_ =	shalt  }
0x5c: {  	_ =	shalt  }
0x5d: {  	_ =	shalt  }
0x5e: {  	_ =	shalt  }
0x5f: {  	_ =	shalt  }
0x60: {  	_ =	shalt  }
0x61: {  	_ =	shalt  }
0x62: {  	_ =	shalt  }
0x63: {  	_ =	shalt  }
0x64: {  	_ =	shalt  }
0x65: {  	_ =	shalt  }
0x66: {  	_ =	shalt  }
0x67: {  	_ =	shalt  }
0x68: {  	_ =	shalt  }
0x69: {  	_ =	shalt  }
0x6a: {  	_ =	shalt  }
0x6b: {  	_ =	shalt  }
0x6c: {  	_ =	shalt  }
0x6d: {  	_ =	shalt  }
0x6e: {  	_ =	shalt  }
0x6f: {  	_ =	shalt  }
0x70: {  	_ =	shalt  }
0x71: {  	_ =	shalt  }
0x72: {  	_ =	shalt  }
0x73: {  	_ =	shalt  }
0x74: {  	_ =	shalt  }
0x75: {  	_ =	shalt  }
0x76: {  	_ =	shalt  }
0x77: {  	_ =	shalt  }
0x78: {  	_ =	shalt  }
0x79: {  	_ =	shalt  }
0x7a: {  	_ =	shalt  }
0x7b: {  	_ =	shalt  }
0x7c: {  	_ =	shalt  }
0x7d: {  	_ =	shalt  }
0x7e: {  	_ =	shalt  }
0x7f: {  	_ =	shalt  }
0x80: {  	_ =	shalt  }
0x81: {  	_ =	shalt  }
0x82: {  	_ =	shalt  }
0x83: {  	_ =	shalt  }
0x84: {  	_ =	shalt  }
0x85: {  	_ =	shalt  }
0x86: {  	_ =	shalt  }
0x87: {  	_ =	shalt  }
.Lfunc_end0:
.L_simem_size_0:
called_computation_lowered:
.L_overlay_start_0:
0x88: {  	s2 =	sld [smem:$0x3FD9]  }
0x89: {  	s3 =	sld [smem:$0x3FFE];
	_ =	sdelay $0x1  }
0x8a: {  	s1 =	srdreg.scid  }
0x8b: {  	s0 =	sand.u32 $0x1, s1  }
0x8c: {  	s17 =	sshll.u32 s0, $0xA;
	s2 =	sadd.s32 s3, s2  }
0x8d: {  	s2 =	sadd.s32 s2, s17  }
0x8e: {  	[smem:$0x3FBE] =	sst s2  }
0x8f: {  	_ = 	snop  }
0x90: {  	s2 =	sld [smem:$0x3FC9]  }
0x91: {  	s18 =	sld [smem:$0x3FD0];
	(tm) =	ssettm $0x1  }
0x92: {  	s4 =	sld [smem:$0x3FFB];
	_ =	sdelay $0x3  }
0x93: {  	_ =	strace s4  }
0x94: {  	s4 =	sld [smem:$0x3FFC];
	_ =	sdelay $0x3  }
0x95: {  	_ =	strace s4  }
0x96: {  	s4 =	sld [smem:$0x3FFD];
	_ =	sdelay $0x3  }
0x97: {  	_ =	strace s4  }
0x98: {  	_ =	strace $0x8FFFFFFF  }
0x99: {  	s19 =	sld [smem:$0x3FDB];
	_ =	sdelay $0x1  }
0x9a: {  	s5 =	simm.s32 $_scs_section_size  }
0x9b: {  	s6 =	simm.s32 $_size__tile_overlayer_lowered;
	s7 =	simm.s32 $_tile_overlayer_lowered  }
0x9c: {  	s22 =	simm.s32 $0x1BFF;
	s21 =	sshll.u32 s7, $0x1;
	s4 =	sadd.s32 s5, s19  }
0x9d: {  	s8 =	simm.s32 $0x0;
	s20 =	sshll.u32 s6, $0x1;
	s6 =	sadd.s32 s21, s4  }
0x9e: {  	[timem:s8], [sflag:s22] =	dma.local [hbm:s6], s20  }
0x9f: {  	_ =	swait.ge [sflag:s22], s20  }
0xa0: {  	s5 =	ssub.s32 $0x0, s20;
	[sflag:s22] =	ssyncset.done $0x0  }
0xa1: {  	[sflag:s22] =	ssyncadd.s32 s5;
	_ =	sdelay $0x1  }
0xa2: {  	s23 =	simm.s32 $0x1B8B  }
0xa3: {  	_ =	swait.ge [sflag:s23], $0x1  }
0xa4: {  	[sflag:s23] =	ssyncset.done $0x0  }
0xa5: {  	s25 =	simm.s32 $0x1B8E;
	s24 =	sld [smem:$0x3FFE];
	[sflag:s23] =	ssyncadd.s32 $0xFFFFFFFF  }
0xa6: {  	s26 =	simm.s32 $execute0_lowered;
	[smem:$0x3FD2] =	sst s25  }
0xa7: {  	s6 =	sshll.u32 s26, $0x1;
	_ =	strace $0x80000046;
	[dreg:$0x1] =	wrdreg $0xFFFFFFFF  }
0xa8: {  	s28 =	simm.s32 $_size_execute0_lowered;
	s4 =	sadd.s32 s4, s6;
	[dreg:$0x0] =	wrdreg $0x0  }
0xa9: {  	s6 =	sshll.u32 s28, $0x1;
	[dreg:$0x2] =	wrdreg s4  }
0xaa: {  	[dreg:$0x3] =	wrdreg s6  }
0xab: {  	[dreg:$0x4] =	wrdreg $0xC0  }
0xac: {  	_ =	task [dreg:s8], $0x5FFFF  }
0xad: {  	[dreg:$0x1] =	wrdreg $0xFFFFFFFF  }
0xae: {  	[dreg:$0x0] =	wrdreg $0x60  }
0xaf: {  	[dreg:$0x2] =	wrdreg s2  }
0xb0: {  	[dreg:$0x3] =	wrdreg s18  }
0xb1: {  	[dreg:$0x4] =	wrdreg s24  }
0xb2: {  	[dreg:$0x5] =	wrdreg $0x0  }
0xb3: {  	[dreg:$0x6] =	wrdreg $0x9  }
0xb4: {  	_ =	task.clear_ibuf [dreg:s8], $0x7FFFF;
	_ =	strace $0x90000046  }
0xb5: {  	s29 =	simm.s32 $0x9;
	_ =	strace $0x80000048  }
0xb6: {  	_ =	swait.ge [sflag:s29], $0x1  }
0xb7: {  	[sflag:s29] =	ssyncadd.s32 $0xFFFFFFFF  }
0xb8: {  	_ =	strace $0x90000048  }
0xb9: {  	_ =	sfence  }
0xba: {  	s30 =	sld [smem:$0x0];
	_ =	sdelay $0x2  }
0xbb: {  	s31 =	sshll.u32 s1, $0xD;
	s1 =	sshrl.u32 s1, $0x2  }
0xbc: {  	s3 =	sand.u32 $0x4000, s31;
	s1 =	sadd.s32 s1, s30  }
0xbd: {  	s0 =	sor.u32 s3, s0;
	s1 =	sshll.u32 s1, $0x11  }
0xbe: {  	s0 =	sor.u32 s1, s0  }
0xbf: {  	s0 =	sadd.s32 $0x8F2B, s0  }
0xc0: {  	[sflag:s0] =	ssyncadd.remote.s32 $0x1  }
0xc1: {  	_ =	sfence.sel $0xFFFF  }
0xc2: {  	[dreg:$0x0] =	wrdreg $0xFFFFFFFF;
	(pc) =	sbr.abs _section_cstart, $3  }
0xc3: {  	[dreg:$0x1] =	wrdreg $0xFFFFFFFF  }
0xc4: {  	_ =	task.clear_ibuf [dreg:s8], $0x2FFFF;
	_ =	strace $0x9FFFFFFF  }
0xc5: {  	(tm) =	ssettm $0x7FFFFFFF  }
tec
execute0_lowered:
.L_overlay_start_1:
0x0: {  	(tag) =	ssettag $0x1  }
0x1: {  	s1 =	rddreg [dreg:$0x0]  }
0x2: {  	s2 =	rddreg [dreg:$0x1]  }
0x3: {  	s0 =	rddreg [dreg:$0x2]  }
0x4: {  	s4 =	rddreg [dreg:$0x3]  }
0x5: {  	s3 =	srdreg.scid;
	s11 =	stileid.u32  }
0x6: {  	s5 =	simm.s32 $0x0;
	s28 =	simm.s32 $0x1EC00;
	s6 =	smul.u32 $0x4E400, s11  }
0x7: {  	s29 =	simm.s32 $0x58;
	s30 =	simm.s32 $0x1EA80;
	s17 =	smul.u32 $0x60, s11  }
0x8: {  	s31 =	simm.s32 $0x1EC80;
	s3 =	sand.u32 $0x1, s3;
	s20 =	smul.u32 $0x13800, s11  }
0x9: {  	[smem:$0x7FF] =	sst s5;
	s0 =	sadd.s32 $0x3800, s0;
	s21 =	smul.u32 $0x4E000, s11  }
0xa: {  	s7 =	ssub.s32 $0x2, s3;
	_ =	strace $0x80000047;
	s19 =	smul.u32 $0x138800, s3  }
0xb: {  	p0 =	seq.s32 s3, $0x0;
	s8 =	sshrl.u32 s7, $0x1;
	s6 =	sshrl.u32 s6, $0x2  }
0xc: {  	s3 =	sadd.s32 $0x840, s17;
	s24 =	sshrl.u32 s21, $0x2;
	s21 =	simm.s32 $0x1EB00  }
0xd: {  	s17 =	simm.s32 $0x8;
	s7 =	ssub.s32 s7, s8;
	s10 =	sadd.s32 s6, s4  }
0xe: {  	s8 =	sadd.s32 s20, s19;
	s23 =	sshrl.u32 s19, $0x3;
	s25 =	sadd.s32 s24, s4  }
0xf: {  	s19 =	simm.s32 $0x1;
	s6 =	sadd.s32 $0x2C00, s10;
	[dreg:$0x6] =	wrdreg s10  }
0x10: {  	s20 =	simm.s32 $0x1E900;
	s14 =	sadd.s32 $0x5800, s10;
	[dreg:$0x7] =	wrdreg s6  }
0x11: {  	s24 =	simm.s32 $0xC;
	s15 =	sadd.s32 $0x8400, s10;
	[dreg:$0x8] =	wrdreg s14  }
0x12: {  	s16 =	sadd.s32 $0xB000, s10;
	s9 =	sadd.s32 $0xDC00, s10;
	[dreg:$0x9] =	wrdreg s15  }
0x13: {  	s18 =	sadd.s32 $0x10800, s10;
	s10 =	sadd.s32 $0x13400, s10;
	[dreg:$0xa] =	wrdreg s16  }
0x14: {  	s22 =	sshrl.u32 s8, $0x3;
	s8 =	sadd.s32 s0, s23;
	[dreg:$0xb] =	wrdreg s9  }
0x15: {  	s7 =	smax.u32 s7, $0x1;
	s23 =	simm.s32 $0x1EB80;
	[dreg:$0xc] =	wrdreg s18  }
0x16: {  	s6 =	smul.u32 $0x84, s11;
	[dreg:$0xd] =	wrdreg s10;
	s0 =	sadd.s32 s0, s22  }
0x17: {  	s26 =	sadd.s32 $0x27000, s8;
	[dreg:$0x10] =	wrdreg s7;
	s18 =	simm.s32 $0x13900  }
0x18: {  	s22 =	simm.s32 $0x1E980;
	s7 =	simm.s32 $0x5;
	s8 =	simm.s32 $0x3  }
0x19: {  	s10 =	simm.s32 $0x4;
	s9 =	simm.s32 $0x0;
	[dreg:$0xe] =	wrdreg s0  }
0x1a: {  	[dreg:$0xf] =	wrdreg s26;
	s0 =	sshrl.u32 s25, $0x3;
	s3 =	smov.u32 @p0 s6  }
0x1b: {  	s26 =	simm.s32 $0x1EA00;
	s6 =	simm.s32 $0xFFFFFFDF;
	s3 =	smul.u32 $0x58, s3  }
0x1c: {  	[dreg:$0x12] =	wrdreg s0;
	s6 =	simm.s32 @!p0 $0xFFFFFFE8;
	p0 =	sne.s32 s11, $0xF  }
0x1d: {  	[dreg:$0x5] =	wrdreg s6;
	s6 =	sadd.s32 $0x138000, s4;
	s3 =	sadd.s32 $0x4E708, s3  }
0x1e: {  	s25 =	simm.s32 $0xD;
	s0 =	sshrl.u32 @!p0 s6, $0x3;
	[dreg:$0x11] =	wrdreg s3  }
0x1f: {  	v0 =	vimm.f32 $0.0e+00;
	[dreg:$0x13] =	wrdreg s0;
	s0 =	simm.s32 $0x2;
	s3 =	simm.s32 $0x16500  }
.LBB2_1:
0x20: {  	s6 =	simm.s32 $0x0;
	s11 =	simm.s32 $0x200  }
.LBB2_2:
0x21: {  	p1 =	sne.s32 s11, $0xAE00;
	[tilespmem:s6+$0x13970] =	vst v0  }
0x22: {  	[tilespmem:s6+$0x13900] =	vst v0  }
0x23: {  	[tilespmem:s6+$0x13910] =	vst v0  }
.Ltmp0:
0x24: {  	[tilespmem:s6+$0x13920] =	vst v0;
	(pc) =	sbr.rel @p1 .LBB2_2-.Ltmp0, $4  }
0x25: {  	[tilespmem:s6+$0x13930] =	vst v0  }
0x26: {  	[tilespmem:s6+$0x13940] =	vst v0  }
0x27: {  	[tilespmem:s6+$0x13950] =	vst v0  }
0x28: {  	[tilespmem:s6+$0x13960] =	vst v0;
	s6 =	sshra.s32 s11, $0x2;
	s11 =	sadd.s32 $0x200, s11  }
0x29: {  	[tilespmem:s6+$0x13970] =	vst v0  }
0x2a: {  	[tilespmem:s6+$0x13900] =	vst v0  }
0x2b: {  	[tilespmem:s6+$0x13910] =	vst v0  }
0x2c: {  	[tilespmem:s6+$0x13920] =	vst v0  }
0x2d: {  	[tilespmem:s6+$0x13930] =	vst v0  }
0x2e: {  	[tilespmem:s6+$0x13940] =	vst v0  }
0x2f: {  	[tilespmem:s6+$0x13950] =	vst v0  }
0x30: {  	[tilespmem:s6+$0x13960] =	vst v0;
	s15 =	rddreg [dreg:$0x6]  }
0x31: {  	[spmem:s15] =	stream.linear.scatter [tilespmem:s18], [sflag:$0x1], $0x2C00, $0x38;
	[tilespmem:$0x1ED00] =	vst v63  }
0x32: {  	s16 =	rddreg [dreg:$0x7]  }
0x33: {  	[spmem:s16] =	stream.linear.scatter [tilespmem:s18], [sflag:$0x1], $0x2C00, $0x38;
	[tilespmem:$0x1ED00] =	vst v63  }
0x34: {  	s11 =	rddreg [dreg:$0x8]  }
0x35: {  	[spmem:s11] =	stream.linear.scatter [tilespmem:s18], [sflag:$0x1], $0x2C00, $0x38;
	[tilespmem:$0x1ED00] =	vst v63  }
0x36: {  	s12 =	rddreg [dreg:$0x9]  }
0x37: {  	[spmem:s12] =	stream.linear.scatter [tilespmem:s18], [sflag:$0x1], $0x2C00, $0x38;
	[tilespmem:$0x1ED00] =	vst v63  }
0x38: {  	s13 =	rddreg [dreg:$0xa]  }
0x39: {  	[spmem:s13] =	stream.linear.scatter [tilespmem:s18], [sflag:$0x1], $0x2C00, $0x38;
	[tilespmem:$0x1ED00] =	vst v63  }
0x3a: {  	s14 =	rddreg [dreg:$0xb]  }
0x3b: {  	[spmem:s14] =	stream.linear.scatter [tilespmem:s18], [sflag:$0x1], $0x2C00, $0x38;
	[tilespmem:$0x1ED00] =	vst v63  }
0x3c: {  	s15 =	rddreg [dreg:$0xc]  }
0x3d: {  	[spmem:s15] =	stream.linear.scatter [tilespmem:s18], [sflag:$0x1], $0x2C00, $0x38;
	[tilespmem:$0x1ED00] =	vst v63  }
0x3e: {  	s16 =	rddreg [dreg:$0xd]  }
0x3f: {  	[spmem:s16] =	stream.linear.scatter [tilespmem:s18], [sflag:$0x1], $0x500, $0x38;
	[tilespmem:$0x1ED00] =	vst v63  }
0x40: {  	_ =	swait.ge [sflag:s19], $0x2C00  }
0x41: {  	[sflag:s19] =	ssyncset.done $0x0  }
0x42: {  	[sflag:s19] =	ssyncadd.s32 $0xFFFFD400  }
0x43: {  	_ =	swait.ge [sflag:s19], $0x2C00  }
0x44: {  	[sflag:s19] =	ssyncset.done $0x0  }
0x45: {  	[sflag:s19] =	ssyncadd.s32 $0xFFFFD400  }
0x46: {  	_ =	swait.ge [sflag:s19], $0x2C00  }
0x47: {  	[sflag:s19] =	ssyncset.done $0x0  }
0x48: {  	[sflag:s19] =	ssyncadd.s32 $0xFFFFD400  }
0x49: {  	_ =	swait.ge [sflag:s19], $0x2C00  }
0x4a: {  	[sflag:s19] =	ssyncset.done $0x0  }
0x4b: {  	[sflag:s19] =	ssyncadd.s32 $0xFFFFD400  }
0x4c: {  	_ =	swait.ge [sflag:s19], $0x2C00  }
0x4d: {  	[sflag:s19] =	ssyncset.done $0x0  }
0x4e: {  	[sflag:s19] =	ssyncadd.s32 $0xFFFFD400  }
0x4f: {  	_ =	swait.ge [sflag:s19], $0x2C00  }
0x50: {  	[sflag:s19] =	ssyncset.done $0x0  }
0x51: {  	[sflag:s19] =	ssyncadd.s32 $0xFFFFD400  }
0x52: {  	_ =	swait.ge [sflag:s19], $0x2C00  }
0x53: {  	[sflag:s19] =	ssyncset.done $0x0  }
0x54: {  	[sflag:s19] =	ssyncadd.s32 $0xFFFFD400  }
0x55: {  	_ =	swait.ge [sflag:s19], $0x500  }
0x56: {  	[sflag:s19] =	ssyncset.done $0x0  }
0x57: {  	[sflag:s19] =	ssyncadd.s32 $0xFFFFFB00  }
0x58: {  	[bflag:$0x0] =	sbarrier.arrive $0xFFFF  }
0x59: {  	s11 =	simm.s32 $0x0;
	s12 =	simm.s32 $0x0;
	s6 =	rddreg [dreg:$0x11]  }
.LBB2_4:
0x5a: {  	p1 =	seq.s32 s12, $0x0  }
0x5b: {  	s13 =	simm.s32 @!p1 $0x9  }
0x5c: {  	s14 =	sadd.s32 $0xFFFB18F8, s6;
	_ =	swait.ge @!p1 [sflag:s13], $0x2C00  }
0x5d: {  	s15 =	sadd.s32 $0xFFFFFEF8, s6;
	s14 =	sshrl.u32 s14, $0x3;
	[sflag:s13] =	ssyncset.done @!p1 $0x0  }
0x5e: {  	s14 =	sadd.s32 s2, s14;
	[sflag:s13] =	ssyncadd.s32 @!p1 $0xFFFFD400;
	s13 =	sshrl.u32 s15, $0x3  }
0x5f: {  	[tilespmem:s20], [sflag:$0x1] =	stream.linear.gather [hbm4b:s14+s5], $0x58, $0x38;
	[tilespmem:$0x1ED00] =	vst v63  }
0x60: {  	p2 =	seq.s32 s11, $0x0;
	s13 =	sadd.s32 s2, s13  }
0x61: {  	[tilespmem:s21], [sflag:$0x1] =	stream.linear.gather [hbm4b:s13+s5], $0x58, $0x38;
	[tilespmem:$0x1ED00] =	vst v63  }
0x62: {  	s13 =	simm.s32 @!p2 $0x3  }
0x63: {  	_ =	swait.ge @!p2 [sflag:s13], $0x58  }
0x64: {  	[sflag:s13] =	ssyncset.done @!p2 $0x0  }
0x65: {  	[sflag:s13] =	ssyncadd.s32 @!p2 $0xFFFFFFA8  }
0x66: {  	_ =	swait.ge @!p2 [sflag:s13], $0x58  }
0x67: {  	s15 =	simm.s32 @!p2 $0x19100;
	[sflag:s13] =	ssyncset.done @!p2 $0x0  }
0x68: {  	s14 =	simm.s32 @!p2 $0x1EA00;
	[sflag:s13] =	ssyncadd.s32 @!p2 $0xFFFFFFA8;
	s13 =	simm.s32 @!p2 $0x58  }
0x69: {  	[tilespmem:s15], [sflag:$0x7] =	stream.indirect.gather @!p2 [hbm4b:s1+s13], $0x80, s14, s13, $0xb8;
	[tilespmem:$0x1ED00] =	vst v63  }
0x6a: {  	s14 =	simm.s32 @!p2 $0x6  }
0x6b: {  	_ =	swait.ge @!p2 [sflag:s14], $0x2C00  }
0x6c: {  	[sflag:s14] =	ssyncset.done @!p2 $0x0  }
0x6d: {  	s16 =	simm.s32 @!p2 $0x16500;
	[sflag:s14] =	ssyncadd.s32 @!p2 $0xFFFFD400;
	s14 =	simm.s32 @!p2 $0x1EB80  }
0x6e: {  	[spmem:s4] =	stream.indirect.scatter.add.f32 @!p2 [tilespmem:s16], [sflag:$0xA], $0x80, s14, s13, $0xb8;
	[tilespmem:$0x1ED00] =	vst v63  }
0x6f: {  	s14 =	simm.s32 @!p1 $0xA  }
0x70: {  	s16 =	sadd.s32 $0xFFFB1950, s6;
	_ =	swait.ge @!p1 [sflag:s14], $0x2C00  }
0x71: {  	s16 =	sshrl.u32 s16, $0x3;
	[sflag:s14] =	ssyncset.done @!p1 $0x0  }
0x72: {  	s16 =	sadd.s32 s2, s16;
	[sflag:s14] =	ssyncadd.s32 @!p1 $0xFFFFD400  }
0x73: {  	[tilespmem:s22], [sflag:$0x2] =	stream.linear.gather [hbm4b:s16+s5], $0x58, $0x38;
	[tilespmem:$0x1ED00] =	vst v63  }
0x74: {  	s16 =	sadd.s32 $0xFFFFFF50, s6  }
0x75: {  	s14 =	sshrl.u32 s16, $0x3  }
0x76: {  	s14 =	sadd.s32 s2, s14  }
0x77: {  	[tilespmem:s23], [sflag:$0x2] =	stream.linear.gather [hbm4b:s14+s5], $0x58, $0x38;
	[tilespmem:$0x1ED00] =	vst v63  }
0x78: {  	s14 =	simm.s32 @!p2 $0x4  }
0x79: {  	_ =	swait.ge @!p2 [sflag:s14], $0x58  }
0x7a: {  	[sflag:s14] =	ssyncset.done @!p2 $0x0  }
0x7b: {  	[sflag:s14] =	ssyncadd.s32 @!p2 $0xFFFFFFA8  }
0x7c: {  	_ =	swait.ge @!p2 [sflag:s14], $0x58  }
0x7d: {  	[sflag:s14] =	ssyncset.done @!p2 $0x0  }
0x7e: {  	s16 =	simm.s32 @!p2 $0x1BD00;
	[sflag:s14] =	ssyncadd.s32 @!p2 $0xFFFFFFA8;
	s14 =	simm.s32 @!p2 $0x1EA80  }
0x7f: {  	[tilespmem:s16], [sflag:$0x8] =	stream.indirect.gather @!p2 [hbm4b:s1+s13], $0x80, s14, s13, $0xb8;
	[tilespmem:$0x1ED00] =	vst v63  }
0x80: {  	s14 =	simm.s32 @!p2 $0x7  }
0x81: {  	_ =	swait.ge @!p2 [sflag:s14], $0x2C00  }
0x82: {  	[sflag:s14] =	ssyncset.done @!p2 $0x0  }
0x83: {  	[sflag:s14] =	ssyncadd.s32 @!p2 $0xFFFFD400;
	s14 =	simm.s32 @!p2 $0x1EC00  }
0x84: {  	[spmem:s4] =	stream.indirect.scatter.add.f32 @!p2 [tilespmem:s15], [sflag:$0xB], $0x80, s14, s13, $0xb8;
	[tilespmem:$0x1ED00] =	vst v63  }
0x85: {  	s14 =	simm.s32 @!p1 $0xB  }
0x86: {  	s15 =	sadd.s32 $0xFFFB19A8, s6;
	_ =	swait.ge @!p1 [sflag:s14], $0x2C00  }
0x87: {  	s15 =	sshrl.u32 s15, $0x3;
	[sflag:s14] =	ssyncset.done @!p1 $0x0  }
0x88: {  	s15 =	sadd.s32 s2, s15;
	[sflag:s14] =	ssyncadd.s32 @!p1 $0xFFFFD400  }
0x89: {  	[tilespmem:s26], [sflag:$0x3] =	stream.linear.gather [hbm4b:s15+s5], $0x58, $0x38;
	[tilespmem:$0x1ED00] =	vst v63  }
0x8a: {  	s15 =	sadd.s32 $0xFFFFFFA8, s6  }
0x8b: {  	s14 =	sshrl.u32 s15, $0x3  }
0x8c: {  	s14 =	sadd.s32 s2, s14  }
0x8d: {  	[tilespmem:s28], [sflag:$0x3] =	stream.linear.gather [hbm4b:s14+s5], $0x58, $0x38;
	[tilespmem:$0x1ED00] =	vst v63  }
0x8e: {  	_ =	swait.ge [sflag:s19], $0x58  }
0x8f: {  	[sflag:s19] =	ssyncset.done $0x0  }
0x90: {  	[sflag:s19] =	ssyncadd.s32 $0xFFFFFFA8  }
0x91: {  	_ =	swait.ge [sflag:s19], $0x58  }
0x92: {  	[sflag:s19] =	ssyncset.done $0x0  }
0x93: {  	s14 =	simm.s32 @!p2 $0x8;
	[sflag:s19] =	ssyncadd.s32 $0xFFFFFFA8  }
0x94: {  	[tilespmem:s18], [sflag:$0x5] =	stream.indirect.gather [hbm4b:s1+s29], $0x80, s20, s29, $0xb8;
	[tilespmem:$0x1ED00] =	vst v63  }
0x95: {  	_ =	swait.ge @!p2 [sflag:s14], $0x2C00  }
0x96: {  	[sflag:s14] =	ssyncset.done @!p2 $0x0  }
0x97: {  	[sflag:s14] =	ssyncadd.s32 @!p2 $0xFFFFD400;
	s14 =	simm.s32 @!p2 $0x1EC80  }
0x98: {  	[spmem:s4] =	stream.indirect.scatter.add.f32 @!p2 [tilespmem:s16], [sflag:$0xC], $0x80, s14, s13, $0xb8;
	[tilespmem:$0x1ED00] =	vst v63  }
0x99: {  	s13 =	simm.s32 @!p1 $0xC  }
0x9a: {  	s16 =	sadd.s32 $0xFFFB1A00, s6;
	_ =	swait.ge @!p1 [sflag:s13], $0x2C00  }
0x9b: {  	s14 =	sshrl.u32 s16, $0x3;
	[sflag:s13] =	ssyncset.done @!p1 $0x0  }
0x9c: {  	s15 =	sshrl.u32 s6, $0x3;
	s14 =	sadd.s32 s2, s14;
	[sflag:s13] =	ssyncadd.s32 @!p1 $0xFFFFD400  }
0x9d: {  	[tilespmem:s30], [sflag:$0x4] =	stream.linear.gather [hbm4b:s14+s5], $0x58, $0x38;
	[tilespmem:$0x1ED00] =	vst v63  }
0x9e: {  	s13 =	sadd.s32 s2, s15  }
0x9f: {  	[tilespmem:s31], [sflag:$0x4] =	stream.linear.gather [hbm4b:s13+s5], $0x58, $0x38;
	[tilespmem:$0x1ED00] =	vst v63  }
0xa0: {  	_ =	swait.ge [sflag:s0], $0x58  }
0xa1: {  	[sflag:s0] =	ssyncset.done $0x0  }
0xa2: {  	[sflag:s0] =	ssyncadd.s32 $0xFFFFFFA8  }
0xa3: {  	_ =	swait.ge [sflag:s0], $0x58  }
0xa4: {  	[sflag:s0] =	ssyncset.done $0x0  }
0xa5: {  	[sflag:s0] =	ssyncadd.s32 $0xFFFFFFA8  }
0xa6: {  	[tilespmem:s3], [sflag:$0x6] =	stream.indirect.gather [hbm4b:s1+s29], $0x80, s22, s29, $0xb8;
	[tilespmem:$0x1ED00] =	vst v63  }
0xa7: {  	_ =	swait.ge [sflag:s7], $0x2C00  }
0xa8: {  	s12 =	sadd.s32 $0xFFFFFFFF, s12;
	s16 =	rddreg [dreg:$0x5]  }
0xa9: {  	p1 =	sne.s32 s16, s12  }
.Ltmp1:
0xaa: {  	_ = 	snop;
	(pc) =	sbr.rel @p1 .LBB2_4-.Ltmp1, $4  }
0xab: {  	_ = 	snop  }
0xac: {  	[sflag:s7] =	ssyncset.done $0x0  }
0xad: {  	s11 =	sadd.s32 $0xFFFFFFFC, s11;
	s6 =	sadd.s32 $0x160, s6;
	[sflag:s7] =	ssyncadd.s32 $0xFFFFD400  }
0xae: {  	[spmem:s4] =	stream.indirect.scatter.add.f32 [tilespmem:s18], [sflag:$0x9], $0x80, s21, s29, $0xb8;
	[tilespmem:$0x1ED00] =	vst v63  }
0xaf: {  	_ =	swait.ge [sflag:s8], $0x58  }
0xb0: {  	[sflag:s8] =	ssyncset.done $0x0  }
0xb1: {  	[sflag:s8] =	ssyncadd.s32 $0xFFFFFFA8  }
0xb2: {  	_ =	swait.ge [sflag:s8], $0x58  }
0xb3: {  	[sflag:s8] =	ssyncset.done $0x0  }
0xb4: {  	s6 =	simm.s32 $0x19100;
	[sflag:s8] =	ssyncadd.s32 $0xFFFFFFA8  }
0xb5: {  	[tilespmem:s6], [sflag:$0x7] =	stream.indirect.gather [hbm4b:s1+s29], $0x80, s26, s29, $0xb8;
	[tilespmem:$0x1ED00] =	vst v63  }
0xb6: {  	_ =	swait.ge [sflag:s10], $0x58  }
0xb7: {  	[sflag:s10] =	ssyncset.done $0x0  }
0xb8: {  	[sflag:s10] =	ssyncadd.s32 $0xFFFFFFA8  }
0xb9: {  	_ =	swait.ge [sflag:s10], $0x58  }
0xba: {  	[sflag:s10] =	ssyncset.done $0x0  }
0xbb: {  	s11 =	simm.s32 $0x1BD00;
	s12 =	simm.s32 $0x9;
	[sflag:s10] =	ssyncadd.s32 $0xFFFFFFA8  }
0xbc: {  	[tilespmem:s11], [sflag:$0x8] =	stream.indirect.gather [hbm4b:s1+s29], $0x80, s30, s29, $0xb8;
	[tilespmem:$0x1ED00] =	vst v63  }
0xbd: {  	_ =	swait.ge [sflag:s12], $0x2C00  }
0xbe: {  	[sflag:s12] =	ssyncset.done $0x0  }
0xbf: {  	s14 =	simm.s32 $0x6;
	[sflag:s12] =	ssyncadd.s32 $0xFFFFD400  }
0xc0: {  	_ =	swait.ge [sflag:s14], $0x2C00  }
0xc1: {  	[sflag:s14] =	ssyncset.done $0x0  }
0xc2: {  	s15 =	simm.s32 $0xA;
	[sflag:s14] =	ssyncadd.s32 $0xFFFFD400  }
0xc3: {  	[spmem:s4] =	stream.indirect.scatter.add.f32 [tilespmem:s3], [sflag:$0xA], $0x80, s23, s29, $0xb8;
	[tilespmem:$0x1ED00] =	vst v63  }
0xc4: {  	_ =	swait.ge [sflag:s15], $0x2C00  }
0xc5: {  	[sflag:s15] =	ssyncset.done $0x0  }
0xc6: {  	s16 =	simm.s32 $0x7;
	[sflag:s15] =	ssyncadd.s32 $0xFFFFD400  }
0xc7: {  	_ =	swait.ge [sflag:s16], $0x2C00  }
0xc8: {  	[sflag:s16] =	ssyncset.done $0x0  }
0xc9: {  	s12 =	simm.s32 $0xB;
	[sflag:s16] =	ssyncadd.s32 $0xFFFFD400  }
0xca: {  	[spmem:s4] =	stream.indirect.scatter.add.f32 [tilespmem:s6], [sflag:$0xB], $0x80, s28, s29, $0xb8;
	[tilespmem:$0x1ED00] =	vst v63  }
0xcb: {  	_ =	swait.ge [sflag:s12], $0x2C00  }
0xcc: {  	[sflag:s12] =	ssyncset.done $0x0  }
0xcd: {  	[sflag:s12] =	ssyncadd.s32 $0xFFFFD400  }
0xce: {  	_ =	swait.ge [sflag:s17], $0x2C00  }
0xcf: {  	[sflag:s17] =	ssyncset.done $0x0  }
0xd0: {  	[sflag:s17] =	ssyncadd.s32 $0xFFFFD400  }
0xd1: {  	[spmem:s4] =	stream.indirect.scatter.add.f32 [tilespmem:s11], [sflag:$0xC], $0x80, s31, s29, $0xb8;
	[tilespmem:$0x1ED00] =	vst v63  }
0xd2: {  	_ =	swait.ge [sflag:s24], $0x2C00  }
0xd3: {  	[sflag:s24] =	ssyncset.done $0x0  }
0xd4: {  	[sflag:s24] =	ssyncadd.s32 $0xFFFFD400  }
0xd5: {  	s13 =	stileid.u32;
	[bflag:$0x0] =	sbarrier.arrive $0xFFFF  }
0xd6: {  	s6 =	sshll.u32 s13, $0x6;
	s14 =	rddreg [dreg:$0xe]  }
0xd7: {  	s6 =	sor.u32 $0x1C0D, s6;
	s15 =	rddreg [dreg:$0x12]  }
0xd8: {  	[hbm:s14], [sflag:s6] =	dma.local [spmem:s15], $0x2700  }
0xd9: {  	_ =	swait.ge [sflag:s25], $0x2700  }
0xda: {  	[sflag:s25] =	ssyncset.done $0x0;
	s11 =	rddreg [dreg:$0xf]  }
0xdb: {  	s12 =	rddreg [dreg:$0x13];
	[sflag:s25] =	ssyncadd.s32 $0xFFFFD900  }
0xdc: {  	[hbm:s11], [sflag:s6] =	dma.local @!p0 [spmem:s12], $0x100  }
0xdd: {  	s6 =	simm.s32 @!p0 $0xD  }
0xde: {  	_ =	swait.ge @!p0 [sflag:s6], $0x100  }
0xdf: {  	s9 =	sadd.s32 $0x1, s9;
	s16 =	rddreg [dreg:$0x10]  }
0xe0: {  	p1 =	sne.s32 s9, s16  }
.Ltmp2:
0xe1: {  	_ = 	snop;
	(pc) =	sbr.rel @p1 .LBB2_1-.Ltmp2, $3  }
0xe2: {  	_ =	sdelay $0x1  }
0xe3: {  	[sflag:s6] =	ssyncset.done @!p0 $0x0  }
0xe4: {  	[sflag:s6] =	ssyncadd.s32 @!p0 $0xFFFFFF00  }
0xe5: {  	_ =	sfence.sel $0x180000  }
0xe6: {  	[bflag:$0x0] =	sbarrier.arrive $0xFFFF  }
0xe7: {  	_ =	strace $0x90000047  }
0xe8: {  	s0 =	stileid.u32;
	[bflag:$0x2] =	sbarrier.arrive $0xFFFF  }
0xe9: {  	p0 =	sne.s32 s0, $0x0;
	s0 =	rddreg [dreg:$0x4]  }
0xea: {  	s0 =	sadd.s32 @!p0 $0x100000, s0  }
0xeb: {  	[sflag:s0] =	ssyncadd.tile.s32 @!p0 $0x1;
	_ =	shalt  }
.Lfunc_end2:
_tile_overlayer_lowered:
.L_overlay_start_2:
0xec: {  	(tag) =	ssettag $0x2  }
0xed: {  	s0 =	rddreg [dreg:$0x0];
	s2 =	stileid.u32  }
0xee: {  	s1 =	rddreg [dreg:$0x1];
	p0 =	sne.s32 s2, $0x0  }
0xef: {  	s3 =	rddreg [dreg:$0x2];
	[bflag:$0x3] =	sbarrier.arrive $0xFFFF;
	s2 =	simm.s32 @!p0 $0x1C0D  }
0xf0: {  	[timem:s3], [sflag:s2] =	dma.local @!p0 [hbm:s0], s1  }
0xf1: {  	s0 =	simm.s32 @!p0 $0xD  }
0xf2: {  	_ =	swait.ge @!p0 [sflag:s0], s1  }
0xf3: {  	s1 =	ssub.s32 @!p0 $0x0, s1;
	[sflag:s0] =	ssyncset.done @!p0 $0x0  }
0xf4: {  	[sflag:s0] =	ssyncadd.s32 @!p0 s1  }
0xf5: {  	[bflag:$0x3] =	sbarrier.arrive $0xFFFF  }
0xf6: {  	_ =	shalt  }

</sc_bundles>
